<compile_context>
chip_gen: v7x
topology: tpu7x:2x2x1
jax: 0.10.2.dev20260603
libtpu: 0.0.44.dev20260713+nightly
codegen_flags: <defaults>
</compile_context>

<pallas_src>
import functools

import jax
import jax.numpy as jnp
from jax import lax
from jax.experimental import pallas as pl
from jax.experimental.pallas import tpu as pltpu
from jax.experimental.pallas import tpu_sc as plsc

N = 10000
F = 128
T = 4
NTILES = 16
CHUNK = 128
N_PAD = 10240


def _sc_body(nchunks, xflat, cols_h, rows_h, vals_h, out_h,
             cols_v, rows_v, vals_v, gbuf, acc, sem):
    c = lax.axis_index("c")
    s = lax.axis_index("s")
    stripe = N_PAD // NTILES

    pltpu.sync_copy(cols_h.at[s], cols_v)
    pltpu.sync_copy(rows_h.at[s], rows_v)
    pltpu.sync_copy(vals_h.at[s], vals_v)

    for phase in range(T // 2):
        t = phase * 2 + c

        delta = c * N if phase == 0 else 2 * N

        def _cj(j, _):
            for k in range(CHUNK // 16):
                cols_v[j, pl.ds(16 * k, 16)] = (
                    cols_v[j, pl.ds(16 * k, 16)] + delta)
            return 0
        lax.fori_loop(0, nchunks, _cj, 0)

        def _zr(r, _):
            for k in range(F // 16):
                gbuf[r, pl.ds(16 * k, 16)] = jnp.zeros((16,), jnp.float32)
            return 0
        lax.fori_loop(0, CHUNK, _zr, 0)
        for z in range(stripe // CHUNK):
            pltpu.sync_copy(gbuf, acc.at[pl.ds(s * stripe + z * CHUNK, CHUNK)])

        plsc.subcore_barrier()

        def _chunk(j, _):
            pltpu.async_copy(xflat.at[cols_v.at[j]], gbuf, sem).wait()

            def _egroup(g, _):
                vv = vals_v[pl.ds(j * CHUNK + g * 16, 16)]
                for l in range(16):
                    v = vv[l]
                    i = g * 16 + l
                    for k in range(F // 16):
                        gbuf[i, pl.ds(16 * k, 16)] = (
                            gbuf[i, pl.ds(16 * k, 16)] * v)
                return 0
            lax.fori_loop(0, CHUNK // 16, _egroup, 0)

            pltpu.sync_copy(gbuf, acc.at[rows_v.at[j]], add=True)
            return 0
        lax.fori_loop(0, nchunks, _chunk, 0)

        plsc.subcore_barrier()

        last = N - (NTILES - 1) * stripe

        @pl.when(s < NTILES - 1)
        def _():
            pltpu.sync_copy(acc.at[pl.ds(s * stripe, stripe)],
                            out_h.at[t, pl.ds(s * stripe, stripe)])

        @pl.when(s == NTILES - 1)
        def _():
            pltpu.sync_copy(acc.at[pl.ds((NTILES - 1) * stripe, last)],
                            out_h.at[t, pl.ds((NTILES - 1) * stripe, last)])


@jax.jit
def _spmm_sc(xflat, cols3, rows3, vals3):
    nchunks = cols3.shape[1]
    kfn = functools.partial(
        pl.kernel,
        mesh=plsc.VectorSubcoreMesh(core_axis_name="c", subcore_axis_name="s"),
        out_type=jax.ShapeDtypeStruct((T, N, F), jnp.float32),
        scratch_types=[
            pltpu.VMEM((nchunks, CHUNK), jnp.int32),
            pltpu.VMEM((nchunks, CHUNK), jnp.int32),
            pltpu.VMEM((nchunks * CHUNK,), jnp.float32),
            pltpu.VMEM((CHUNK, F), jnp.float32),
            pltpu.VMEM_SHARED((N_PAD, F), jnp.float32),
            pltpu.SemaphoreType.DMA,
        ],
    )(functools.partial(_sc_body, nchunks))
    return kfn(xflat, cols3, rows3, vals3)


def kernel(inputs, edge_index, edge_vals):
    B = inputs.shape[0]
    E = edge_vals.shape[0]
    xflat = jnp.reshape(inputs, (B * T * N, F))

    per_tile = -(-E // NTILES)
    nchunks = -(-per_tile // CHUNK)
    ep = NTILES * nchunks * CHUNK
    pad = ep - E
    rows = jnp.pad(edge_index[0], (0, pad))
    cols = jnp.pad(edge_index[1], (0, pad))
    vals = jnp.pad(edge_vals, (0, pad))

    cols3 = jnp.reshape(cols, (NTILES, nchunks, CHUNK))
    rows3 = jnp.reshape(rows, (NTILES, nchunks, CHUNK))
    vals3 = jnp.reshape(vals, (NTILES, nchunks * CHUNK))

    out = _spmm_sc(xflat, cols3, rows3, vals3)
    return out[None]

# --- scband reference (transcript-rebuilt; emitter-appended) ---
"""Pipeline reference for scband-graph-conv-op-33346126086621 (READ-ONLY COPY).

The authoritative reference and input builder live on the scoring server;
editing this copy changes nothing except your own understanding.
"""

import jax, jax.numpy as jnp
import numpy as np

N = 10000
F = 128
B = 1
T = 4
E = 160000

def setup_inputs(seed: int = 0) -> dict:
    key = jax.random.key(seed)
    k1, k2, k3 = jax.random.split(key, 3)
    inputs = jax.random.normal(k1, (B, T, N, F), dtype=jnp.float32)
    # Sparse Laplacian L_mx stored in COO form: edge_index[0]=row(dst), edge_index[1]=col(src)
    edge_index = jax.random.randint(k2, (2, E), 0, N, dtype=jnp.int32)
    edge_vals = jax.random.normal(k3, (E,), dtype=jnp.float32) * 0.1
    return {"inputs": inputs, "edge_index": edge_index, "edge_vals": edge_vals}

def reference(inputs, edge_index, edge_vals):
    # inputs: [B, T, N, F] -> transpose to [N, F, B, T] -> reshape [N, F*B*T]
    x = jnp.transpose(inputs, (2, 3, 0, 1))
    x = jnp.reshape(x, (N, -1))
    # sparse.sparse_dense_matmul(L, x): out[r] = sum_e vals[e] * x[col[e]] for row[e]==r
    row = edge_index[0]
    col = edge_index[1]
    gathered = jnp.take(x, col, axis=0) * edge_vals[:, None]
    out = jax.ops.segment_sum(gathered, row, num_segments=N)
    out = jnp.reshape(out, (N, F, B, T))
    return jnp.transpose(out, (2, 3, 0, 1))

if __name__ == "__main__":
    import jax
    _d = setup_inputs()
    print(jax.jit(kernel)(*tuple(_d.values())))

</pallas_src>

<mosaic_0001>
#map = affine_map<(d0, d1) -> (0, 0)>
#map1 = affine_map<(d0, d1) -> (0, 0, 0)>
module attributes {stable_mosaic.version = 14 : i64} {
  func.func @_sc_body(%arg0: i32, %arg1: i32, %arg2: memref<40000x128xf32, #tpu.memory_space<hbm>>, %arg3: memref<16x79x128xi32, #tpu.memory_space<hbm>>, %arg4: memref<16x79x128xi32, #tpu.memory_space<hbm>>, %arg5: memref<16x10112xf32, #tpu.memory_space<hbm>>, %arg6: memref<4x10000x128xf32, #tpu.memory_space<hbm>>, %arg7: memref<79x128xi32, #tpu.memory_space<vmem>>, %arg8: memref<79x128xi32, #tpu.memory_space<vmem>>, %arg9: memref<10112xf32, #tpu.memory_space<vmem>>, %arg10: memref<128x128xf32, #tpu.memory_space<vmem>>, %arg11: memref<10240x128xf32, #tpu.memory_space<vmem_shared>>, %arg12: memref<!tpu.dma_semaphore, #tpu.memory_space<semaphore_mem>>) attributes {dimension_semantics = [#tpu.dimension_semantics<core_parallel>, #tpu.dimension_semantics<subcore_parallel>], iteration_bounds = array<i64: 2, 16>, scalar_prefetch = 0 : i64, scratch_operands = 6 : i64, tpu.core_type = #tpu.core_type<sc_vector_subcore>, window_params = [{transform_indices = #map}, {transform_indices = #map1}, {transform_indices = #map1}, {transform_indices = #map}, {transform_indices = #map1}]} {
    "tpu.region"() ({
      %run_scoped3A = tpu.sem_alloc : memref<!tpu.dma_semaphore, #tpu.memory_space<semaphore_mem>>
      %dma_start3A = arith.constant 0 : i32
      %dma_start3A_104 = arith.constant 0 : i32
      %dma_start3A_105 = tpu.memref_slice %arg3[%arg1, %dma_start3A, %dma_start3A_104] : memref<16x79x128xi32, #tpu.memory_space<hbm>> -> memref<1x79x128xi32, #tpu.memory_space<hbm>>
      %dma_start3A_106 = tpu.memref_squeeze %dma_start3A_105 : memref<1x79x128xi32, #tpu.memory_space<hbm>> -> memref<79x128xi32, #tpu.memory_space<hbm>>
      %dma_start3A_107 = arith.constant 0 : i32
      %dma_start3A_108 = arith.constant 0 : i32
      %dma_start3A_109 = tpu.memref_slice %arg3[%arg1, %dma_start3A_107, %dma_start3A_108] : memref<16x79x128xi32, #tpu.memory_space<hbm>> -> memref<1x79x128xi32, #tpu.memory_space<hbm>>
      %dma_start3A_110 = tpu.memref_squeeze %dma_start3A_109 : memref<1x79x128xi32, #tpu.memory_space<hbm>> -> memref<79x128xi32, #tpu.memory_space<hbm>>
      tpu.enqueue_dma source(%dma_start3A_110 : memref<79x128xi32, #tpu.memory_space<hbm>>) target(%arg7 : memref<79x128xi32, #tpu.memory_space<vmem>>) target_semaphore(%run_scoped3A : memref<!tpu.dma_semaphore, #tpu.memory_space<semaphore_mem>>)
      %dma_wait3A = arith.constant 0 : i32
      %dma_wait3A_111 = arith.constant 0 : i32
      %dma_wait3A_112 = tpu.memref_slice %arg3[%arg1, %dma_wait3A, %dma_wait3A_111] : memref<16x79x128xi32, #tpu.memory_space<hbm>> -> memref<1x79x128xi32, #tpu.memory_space<hbm>>
      %dma_wait3A_113 = tpu.memref_squeeze %dma_wait3A_112 : memref<1x79x128xi32, #tpu.memory_space<hbm>> -> memref<79x128xi32, #tpu.memory_space<hbm>>
      %dma_wait3A_114 = arith.constant 0 : i32
      %dma_wait3A_115 = arith.constant 0 : i32
      %dma_wait3A_116 = tpu.memref_slice %arg3[%arg1, %dma_wait3A_114, %dma_wait3A_115] : memref<16x79x128xi32, #tpu.memory_space<hbm>> -> memref<1x79x128xi32, #tpu.memory_space<hbm>>
      %dma_wait3A_117 = tpu.memref_squeeze %dma_wait3A_116 : memref<1x79x128xi32, #tpu.memory_space<hbm>> -> memref<79x128xi32, #tpu.memory_space<hbm>>
      tpu.wait_dma2 semaphore(%run_scoped3A : memref<!tpu.dma_semaphore, #tpu.memory_space<semaphore_mem>>) src(%dma_wait3A_117 : memref<79x128xi32, #tpu.memory_space<hbm>>) dst(%arg7 : memref<79x128xi32, #tpu.memory_space<vmem>>)
      tpu.yield
    }) : () -> ()
    "tpu.region"() ({
      %run_scoped3A = tpu.sem_alloc : memref<!tpu.dma_semaphore, #tpu.memory_space<semaphore_mem>>
      %dma_start3A = arith.constant 0 : i32
      %dma_start3A_104 = arith.constant 0 : i32
      %dma_start3A_105 = tpu.memref_slice %arg4[%arg1, %dma_start3A, %dma_start3A_104] : memref<16x79x128xi32, #tpu.memory_space<hbm>> -> memref<1x79x128xi32, #tpu.memory_space<hbm>>
      %dma_start3A_106 = tpu.memref_squeeze %dma_start3A_105 : memref<1x79x128xi32, #tpu.memory_space<hbm>> -> memref<79x128xi32, #tpu.memory_space<hbm>>
      %dma_start3A_107 = arith.constant 0 : i32
      %dma_start3A_108 = arith.constant 0 : i32
      %dma_start3A_109 = tpu.memref_slice %arg4[%arg1, %dma_start3A_107, %dma_start3A_108] : memref<16x79x128xi32, #tpu.memory_space<hbm>> -> memref<1x79x128xi32, #tpu.memory_space<hbm>>
      %dma_start3A_110 = tpu.memref_squeeze %dma_start3A_109 : memref<1x79x128xi32, #tpu.memory_space<hbm>> -> memref<79x128xi32, #tpu.memory_space<hbm>>
      tpu.enqueue_dma source(%dma_start3A_110 : memref<79x128xi32, #tpu.memory_space<hbm>>) target(%arg8 : memref<79x128xi32, #tpu.memory_space<vmem>>) target_semaphore(%run_scoped3A : memref<!tpu.dma_semaphore, #tpu.memory_space<semaphore_mem>>)
      %dma_wait3A = arith.constant 0 : i32
      %dma_wait3A_111 = arith.constant 0 : i32
      %dma_wait3A_112 = tpu.memref_slice %arg4[%arg1, %dma_wait3A, %dma_wait3A_111] : memref<16x79x128xi32, #tpu.memory_space<hbm>> -> memref<1x79x128xi32, #tpu.memory_space<hbm>>
      %dma_wait3A_113 = tpu.memref_squeeze %dma_wait3A_112 : memref<1x79x128xi32, #tpu.memory_space<hbm>> -> memref<79x128xi32, #tpu.memory_space<hbm>>
      %dma_wait3A_114 = arith.constant 0 : i32
      %dma_wait3A_115 = arith.constant 0 : i32
      %dma_wait3A_116 = tpu.memref_slice %arg4[%arg1, %dma_wait3A_114, %dma_wait3A_115] : memref<16x79x128xi32, #tpu.memory_space<hbm>> -> memref<1x79x128xi32, #tpu.memory_space<hbm>>
      %dma_wait3A_117 = tpu.memref_squeeze %dma_wait3A_116 : memref<1x79x128xi32, #tpu.memory_space<hbm>> -> memref<79x128xi32, #tpu.memory_space<hbm>>
      tpu.wait_dma2 semaphore(%run_scoped3A : memref<!tpu.dma_semaphore, #tpu.memory_space<semaphore_mem>>) src(%dma_wait3A_117 : memref<79x128xi32, #tpu.memory_space<hbm>>) dst(%arg8 : memref<79x128xi32, #tpu.memory_space<vmem>>)
      tpu.yield
    }) : () -> ()
    "tpu.region"() ({
      %run_scoped3A = tpu.sem_alloc : memref<!tpu.dma_semaphore, #tpu.memory_space<semaphore_mem>>
      %dma_start3A = arith.constant 0 : i32
      %dma_start3A_104 = tpu.memref_slice %arg5[%arg1, %dma_start3A] : memref<16x10112xf32, #tpu.memory_space<hbm>> -> memref<1x10112xf32, #tpu.memory_space<hbm>>
      %dma_start3A_105 = tpu.memref_squeeze %dma_start3A_104 : memref<1x10112xf32, #tpu.memory_space<hbm>> -> memref<10112xf32, #tpu.memory_space<hbm>>
      %dma_start3A_106 = arith.constant 0 : i32
      %dma_start3A_107 = tpu.memref_slice %arg5[%arg1, %dma_start3A_106] : memref<16x10112xf32, #tpu.memory_space<hbm>> -> memref<1x10112xf32, #tpu.memory_space<hbm>>
      %dma_start3A_108 = tpu.memref_squeeze %dma_start3A_107 : memref<1x10112xf32, #tpu.memory_space<hbm>> -> memref<10112xf32, #tpu.memory_space<hbm>>
      tpu.enqueue_dma source(%dma_start3A_108 : memref<10112xf32, #tpu.memory_space<hbm>>) target(%arg9 : memref<10112xf32, #tpu.memory_space<vmem>>) target_semaphore(%run_scoped3A : memref<!tpu.dma_semaphore, #tpu.memory_space<semaphore_mem>>)
      %dma_wait3A = arith.constant 0 : i32
      %dma_wait3A_109 = tpu.memref_slice %arg5[%arg1, %dma_wait3A] : memref<16x10112xf32, #tpu.memory_space<hbm>> -> memref<1x10112xf32, #tpu.memory_space<hbm>>
      %dma_wait3A_110 = tpu.memref_squeeze %dma_wait3A_109 : memref<1x10112xf32, #tpu.memory_space<hbm>> -> memref<10112xf32, #tpu.memory_space<hbm>>
      %dma_wait3A_111 = arith.constant 0 : i32
      %dma_wait3A_112 = tpu.memref_slice %arg5[%arg1, %dma_wait3A_111] : memref<16x10112xf32, #tpu.memory_space<hbm>> -> memref<1x10112xf32, #tpu.memory_space<hbm>>
      %dma_wait3A_113 = tpu.memref_squeeze %dma_wait3A_112 : memref<1x10112xf32, #tpu.memory_space<hbm>> -> memref<10112xf32, #tpu.memory_space<hbm>>
      tpu.wait_dma2 semaphore(%run_scoped3A : memref<!tpu.dma_semaphore, #tpu.memory_space<semaphore_mem>>) src(%dma_wait3A_113 : memref<10112xf32, #tpu.memory_space<hbm>>) dst(%arg9 : memref<10112xf32, #tpu.memory_space<vmem>>)
      tpu.yield
    }) : () -> ()
    %add3A = arith.constant 0 : i32
    %add3A_0 = arith.addi %add3A, %arg0 : i32
    %mul3A = arith.constant 10000 : i32
    %mul3A_1 = arith.muli %arg0, %mul3A : i32
    %scan3A = arith.constant 0 : i32
    %scan3A_2 = arith.constant 0 : i32
    %scan3A_3 = arith.constant 79 : i32
    %scan3A_4 = arith.addi %scan3A_2, %scan3A_3 : i32
    %scan3A_5 = arith.constant 1 : i32
    %scan3A_6 = scf.for %scan3A_104 = %scan3A_2 to %scan3A_4 step %scan3A_5 iter_args(%scan3A_105 = %scan3A) -> (i32)  : i32 {
      %get3A = arith.index_cast %scan3A_104 : i32 to index
      %get3A_106 = arith.constant 0 : index
      %get3A_107 = tpu.vector_load %arg7[%get3A, %get3A_106] {strides = array<i32>} : memref<79x128xi32, #tpu.memory_space<vmem>>, vector<1x16xi32>,
      %get3A_108 = vector.shape_cast %get3A_107 : vector<1x16xi32> to vector<16xi32>
      %add3A_109 = vector.broadcast %mul3A_1 : i32 to vector<16xi32>
      %add3A_110 = arith.addi %get3A_108, %add3A_109 : vector<16xi32>
      %swap3A = arith.index_cast %scan3A_104 : i32 to index
      %swap3A_111 = arith.constant 0 : index
      %swap3A_112 = tpu.vector_load %arg7[%swap3A, %swap3A_111] {strides = array<i32>} : memref<79x128xi32, #tpu.memory_space<vmem>>, vector<1x16xi32>,
      %swap3A_113 = vector.shape_cast %swap3A_112 : vector<1x16xi32> to vector<16xi32>
      %swap3A_114 = vector.shape_cast %add3A_110 : vector<16xi32> to vector<1x16xi32>
      tpu.vector_store %arg7[%swap3A, %swap3A_111], %swap3A_114 {strides = array<i32>} : memref<79x128xi32, #tpu.memory_space<vmem>>, vector<1x16xi32>,
      %get3A_115 = arith.index_cast %scan3A_104 : i32 to index
      %get3A_116 = arith.constant 16 : index
      %get3A_117 = tpu.vector_load %arg7[%get3A_115, %get3A_116] {strides = array<i32>} : memref<79x128xi32, #tpu.memory_space<vmem>>, vector<1x16xi32>,
      %get3A_118 = vector.shape_cast %get3A_117 : vector<1x16xi32> to vector<16xi32>
      %add3A_119 = vector.broadcast %mul3A_1 : i32 to vector<16xi32>
      %add3A_120 = arith.addi %get3A_118, %add3A_119 : vector<16xi32>
      %swap3A_121 = arith.index_cast %scan3A_104 : i32 to index
      %swap3A_122 = arith.constant 16 : index
      %swap3A_123 = tpu.vector_load %arg7[%swap3A_121, %swap3A_122] {strides = array<i32>} : memref<79x128xi32, #tpu.memory_space<vmem>>, vector<1x16xi32>,
      %swap3A_124 = vector.shape_cast %swap3A_123 : vector<1x16xi32> to vector<16xi32>
      %swap3A_125 = vector.shape_cast %add3A_120 : vector<16xi32> to vector<1x16xi32>
      tpu.vector_store %arg7[%swap3A_121, %swap3A_122], %swap3A_125 {strides = array<i32>} : memref<79x128xi32, #tpu.memory_space<vmem>>, vector<1x16xi32>,
      %get3A_126 = arith.index_cast %scan3A_104 : i32 to index
      %get3A_127 = arith.constant 32 : index
      %get3A_128 = tpu.vector_load %arg7[%get3A_126, %get3A_127] {strides = array<i32>} : memref<79x128xi32, #tpu.memory_space<vmem>>, vector<1x16xi32>,
      %get3A_129 = vector.shape_cast %get3A_128 : vector<1x16xi32> to vector<16xi32>
      %add3A_130 = vector.broadcast %mul3A_1 : i32 to vector<16xi32>
      %add3A_131 = arith.addi %get3A_129, %add3A_130 : vector<16xi32>
      %swap3A_132 = arith.index_cast %scan3A_104 : i32 to index
      %swap3A_133 = arith.constant 32 : index
      %swap3A_134 = tpu.vector_load %arg7[%swap3A_132, %swap3A_133] {strides = array<i32>} : memref<79x128xi32, #tpu.memory_space<vmem>>, vector<1x16xi32>,
      %swap3A_135 = vector.shape_cast %swap3A_134 : vector<1x16xi32> to vector<16xi32>
      %swap3A_136 = vector.shape_cast %add3A_131 : vector<16xi32> to vector<1x16xi32>
      tpu.vector_store %arg7[%swap3A_132, %swap3A_133], %swap3A_136 {strides = array<i32>} : memref<79x128xi32, #tpu.memory_space<vmem>>, vector<1x16xi32>,
      %get3A_137 = arith.index_cast %scan3A_104 : i32 to index
      %get3A_138 = arith.constant 48 : index
      %get3A_139 = tpu.vector_load %arg7[%get3A_137, %get3A_138] {strides = array<i32>} : memref<79x128xi32, #tpu.memory_space<vmem>>, vector<1x16xi32>,
      %get3A_140 = vector.shape_cast %get3A_139 : vector<1x16xi32> to vector<16xi32>
      %add3A_141 = vector.broadcast %mul3A_1 : i32 to vector<16xi32>
      %add3A_142 = arith.addi %get3A_140, %add3A_141 : vector<16xi32>
      %swap3A_143 = arith.index_cast %scan3A_104 : i32 to index
      %swap3A_144 = arith.constant 48 : index
      %swap3A_145 = tpu.vector_load %arg7[%swap3A_143, %swap3A_144] {strides = array<i32>} : memref<79x128xi32, #tpu.memory_space<vmem>>, vector<1x16xi32>,
      %swap3A_146 = vector.shape_cast %swap3A_145 : vector<1x16xi32> to vector<16xi32>
      %swap3A_147 = vector.shape_cast %add3A_142 : vector<16xi32> to vector<1x16xi32>
      tpu.vector_store %arg7[%swap3A_143, %swap3A_144], %swap3A_147 {strides = array<i32>} : memref<79x128xi32, #tpu.memory_space<vmem>>, vector<1x16xi32>,
      %get3A_148 = arith.index_cast %scan3A_104 : i32 to index
      %get3A_149 = arith.constant 64 : index
      %get3A_150 = tpu.vector_load %arg7[%get3A_148, %get3A_149] {strides = array<i32>} : memref<79x128xi32, #tpu.memory_space<vmem>>, vector<1x16xi32>,
      %get3A_151 = vector.shape_cast %get3A_150 : vector<1x16xi32> to vector<16xi32>
      %add3A_152 = vector.broadcast %mul3A_1 : i32 to vector<16xi32>
      %add3A_153 = arith.addi %get3A_151, %add3A_152 : vector<16xi32>
      %swap3A_154 = arith.index_cast %scan3A_104 : i32 to index
      %swap3A_155 = arith.constant 64 : index
      %swap3A_156 = tpu.vector_load %arg7[%swap3A_154, %swap3A_155] {strides = array<i32>} : memref<79x128xi32, #tpu.memory_space<vmem>>, vector<1x16xi32>,
      %swap3A_157 = vector.shape_cast %swap3A_156 : vector<1x16xi32> to vector<16xi32>
      %swap3A_158 = vector.shape_cast %add3A_153 : vector<16xi32> to vector<1x16xi32>
      tpu.vector_store %arg7[%swap3A_154, %swap3A_155], %swap3A_158 {strides = array<i32>} : memref<79x128xi32, #tpu.memory_space<vmem>>, vector<1x16xi32>,
      %get3A_159 = arith.index_cast %scan3A_104 : i32 to index
      %get3A_160 = arith.constant 80 : index
      %get3A_161 = tpu.vector_load %arg7[%get3A_159, %get3A_160] {strides = array<i32>} : memref<79x128xi32, #tpu.memory_space<vmem>>, vector<1x16xi32>,
      %get3A_162 = vector.shape_cast %get3A_161 : vector<1x16xi32> to vector<16xi32>
      %add3A_163 = vector.broadcast %mul3A_1 : i32 to vector<16xi32>
      %add3A_164 = arith.addi %get3A_162, %add3A_163 : vector<16xi32>
      %swap3A_165 = arith.index_cast %scan3A_104 : i32 to index
      %swap3A_166 = arith.constant 80 : index
      %swap3A_167 = tpu.vector_load %arg7[%swap3A_165, %swap3A_166] {strides = array<i32>} : memref<79x128xi32, #tpu.memory_space<vmem>>, vector<1x16xi32>,
      %swap3A_168 = vector.shape_cast %swap3A_167 : vector<1x16xi32> to vector<16xi32>
      %swap3A_169 = vector.shape_cast %add3A_164 : vector<16xi32> to vector<1x16xi32>
      tpu.vector_store %arg7[%swap3A_165, %swap3A_166], %swap3A_169 {strides = array<i32>} : memref<79x128xi32, #tpu.memory_space<vmem>>, vector<1x16xi32>,
      %get3A_170 = arith.index_cast %scan3A_104 : i32 to index
      %get3A_171 = arith.constant 96 : index
      %get3A_172 = tpu.vector_load %arg7[%get3A_170, %get3A_171] {strides = array<i32>} : memref<79x128xi32, #tpu.memory_space<vmem>>, vector<1x16xi32>,
      %get3A_173 = vector.shape_cast %get3A_172 : vector<1x16xi32> to vector<16xi32>
      %add3A_174 = vector.broadcast %mul3A_1 : i32 to vector<16xi32>
      %add3A_175 = arith.addi %get3A_173, %add3A_174 : vector<16xi32>
      %swap3A_176 = arith.index_cast %scan3A_104 : i32 to index
      %swap3A_177 = arith.constant 96 : index
      %swap3A_178 = tpu.vector_load %arg7[%swap3A_176, %swap3A_177] {strides = array<i32>} : memref<79x128xi32, #tpu.memory_space<vmem>>, vector<1x16xi32>,
      %swap3A_179 = vector.shape_cast %swap3A_178 : vector<1x16xi32> to vector<16xi32>
      %swap3A_180 = vector.shape_cast %add3A_175 : vector<16xi32> to vector<1x16xi32>
      tpu.vector_store %arg7[%swap3A_176, %swap3A_177], %swap3A_180 {strides = array<i32>} : memref<79x128xi32, #tpu.memory_space<vmem>>, vector<1x16xi32>,
      %get3A_181 = arith.index_cast %scan3A_104 : i32 to index
      %get3A_182 = arith.constant 112 : index
      %get3A_183 = tpu.vector_load %arg7[%get3A_181, %get3A_182] {strides = array<i32>} : memref<79x128xi32, #tpu.memory_space<vmem>>, vector<1x16xi32>,
      %get3A_184 = vector.shape_cast %get3A_183 : vector<1x16xi32> to vector<16xi32>
      %add3A_185 = vector.broadcast %mul3A_1 : i32 to vector<16xi32>
      %add3A_186 = arith.addi %get3A_184, %add3A_185 : vector<16xi32>
      %swap3A_187 = arith.index_cast %scan3A_104 : i32 to index
      %swap3A_188 = arith.constant 112 : index
      %swap3A_189 = tpu.vector_load %arg7[%swap3A_187, %swap3A_188] {strides = array<i32>} : memref<79x128xi32, #tpu.memory_space<vmem>>, vector<1x16xi32>,
      %swap3A_190 = vector.shape_cast %swap3A_189 : vector<1x16xi32> to vector<16xi32>
      %swap3A_191 = vector.shape_cast %add3A_186 : vector<16xi32> to vector<1x16xi32>
      tpu.vector_store %arg7[%swap3A_187, %swap3A_188], %swap3A_191 {strides = array<i32>} : memref<79x128xi32, #tpu.memory_space<vmem>>, vector<1x16xi32>,
      %scan3A_192 = arith.constant 0 : i32
      scf.yield %scan3A_192 : i32
    }
    %scan3A_7 = arith.constant 79 : i32
    %scan3A_8 = arith.constant 0 : i32
    %scan3A_9 = arith.constant 0 : i32
    %scan3A_10 = arith.constant 128 : i32
    %scan3A_11 = arith.addi %scan3A_9, %scan3A_10 : i32
    %scan3A_12 = arith.constant 1 : i32
    %scan3A_13 = scf.for %scan3A_104 = %scan3A_9 to %scan3A_11 step %scan3A_12 iter_args(%scan3A_105 = %scan3A_8) -> (i32)  : i32 {
      %broadcast_in_dim3A = arith.constant 0.000000e+00 : f32
      %broadcast_in_dim3A_106 = vector.broadcast %broadcast_in_dim3A : f32 to vector<16xf32>
      %swap3A = arith.index_cast %scan3A_104 : i32 to index
      %swap3A_107 = arith.constant 0 : index
      %swap3A_108 = tpu.vector_load %arg10[%swap3A, %swap3A_107] {strides = array<i32>} : memref<128x128xf32, #tpu.memory_space<vmem>>, vector<1x16xf32>,
      %swap3A_109 = vector.shape_cast %swap3A_108 : vector<1x16xf32> to vector<16xf32>
      %swap3A_110 = vector.shape_cast %broadcast_in_dim3A_106 : vector<16xf32> to vector<1x16xf32>
      tpu.vector_store %arg10[%swap3A, %swap3A_107], %swap3A_110 {strides = array<i32>} : memref<128x128xf32, #tpu.memory_space<vmem>>, vector<1x16xf32>,
      %broadcast_in_dim3A_111 = arith.constant 0.000000e+00 : f32
      %broadcast_in_dim3A_112 = vector.broadcast %broadcast_in_dim3A_111 : f32 to vector<16xf32>
      %swap3A_113 = arith.index_cast %scan3A_104 : i32 to index
      %swap3A_114 = arith.constant 16 : index
      %swap3A_115 = tpu.vector_load %arg10[%swap3A_113, %swap3A_114] {strides = array<i32>} : memref<128x128xf32, #tpu.memory_space<vmem>>, vector<1x16xf32>,
      %swap3A_116 = vector.shape_cast %swap3A_115 : vector<1x16xf32> to vector<16xf32>
      %swap3A_117 = vector.shape_cast %broadcast_in_dim3A_112 : vector<16xf32> to vector<1x16xf32>
      tpu.vector_store %arg10[%swap3A_113, %swap3A_114], %swap3A_117 {strides = array<i32>} : memref<128x128xf32, #tpu.memory_space<vmem>>, vector<1x16xf32>,
      %broadcast_in_dim3A_118 = arith.constant 0.000000e+00 : f32
      %broadcast_in_dim3A_119 = vector.broadcast %broadcast_in_dim3A_118 : f32 to vector<16xf32>
      %swap3A_120 = arith.index_cast %scan3A_104 : i32 to index
      %swap3A_121 = arith.constant 32 : index
      %swap3A_122 = tpu.vector_load %arg10[%swap3A_120, %swap3A_121] {strides = array<i32>} : memref<128x128xf32, #tpu.memory_space<vmem>>, vector<1x16xf32>,
      %swap3A_123 = vector.shape_cast %swap3A_122 : vector<1x16xf32> to vector<16xf32>
      %swap3A_124 = vector.shape_cast %broadcast_in_dim3A_119 : vector<16xf32> to vector<1x16xf32>
      tpu.vector_store %arg10[%swap3A_120, %swap3A_121], %swap3A_124 {strides = array<i32>} : memref<128x128xf32, #tpu.memory_space<vmem>>, vector<1x16xf32>,
      %broadcast_in_dim3A_125 = arith.constant 0.000000e+00 : f32
      %broadcast_in_dim3A_126 = vector.broadcast %broadcast_in_dim3A_125 : f32 to vector<16xf32>
      %swap3A_127 = arith.index_cast %scan3A_104 : i32 to index
      %swap3A_128 = arith.constant 48 : index
      %swap3A_129 = tpu.vector_load %arg10[%swap3A_127, %swap3A_128] {strides = array<i32>} : memref<128x128xf32, #tpu.memory_space<vmem>>, vector<1x16xf32>,
      %swap3A_130 = vector.shape_cast %swap3A_129 : vector<1x16xf32> to vector<16xf32>
      %swap3A_131 = vector.shape_cast %broadcast_in_dim3A_126 : vector<16xf32> to vector<1x16xf32>
      tpu.vector_store %arg10[%swap3A_127, %swap3A_128], %swap3A_131 {strides = array<i32>} : memref<128x128xf32, #tpu.memory_space<vmem>>, vector<1x16xf32>,
      %broadcast_in_dim3A_132 = arith.constant 0.000000e+00 : f32
      %broadcast_in_dim3A_133 = vector.broadcast %broadcast_in_dim3A_132 : f32 to vector<16xf32>
      %swap3A_134 = arith.index_cast %scan3A_104 : i32 to index
      %swap3A_135 = arith.constant 64 : index
      %swap3A_136 = tpu.vector_load %arg10[%swap3A_134, %swap3A_135] {strides = array<i32>} : memref<128x128xf32, #tpu.memory_space<vmem>>, vector<1x16xf32>,
      %swap3A_137 = vector.shape_cast %swap3A_136 : vector<1x16xf32> to vector<16xf32>
      %swap3A_138 = vector.shape_cast %broadcast_in_dim3A_133 : vector<16xf32> to vector<1x16xf32>
      tpu.vector_store %arg10[%swap3A_134, %swap3A_135], %swap3A_138 {strides = array<i32>} : memref<128x128xf32, #tpu.memory_space<vmem>>, vector<1x16xf32>,
      %broadcast_in_dim3A_139 = arith.constant 0.000000e+00 : f32
      %broadcast_in_dim3A_140 = vector.broadcast %broadcast_in_dim3A_139 : f32 to vector<16xf32>
      %swap3A_141 = arith.index_cast %scan3A_104 : i32 to index
      %swap3A_142 = arith.constant 80 : index
      %swap3A_143 = tpu.vector_load %arg10[%swap3A_141, %swap3A_142] {strides = array<i32>} : memref<128x128xf32, #tpu.memory_space<vmem>>, vector<1x16xf32>,
      %swap3A_144 = vector.shape_cast %swap3A_143 : vector<1x16xf32> to vector<16xf32>
      %swap3A_145 = vector.shape_cast %broadcast_in_dim3A_140 : vector<16xf32> to vector<1x16xf32>
      tpu.vector_store %arg10[%swap3A_141, %swap3A_142], %swap3A_145 {strides = array<i32>} : memref<128x128xf32, #tpu.memory_space<vmem>>, vector<1x16xf32>,
      %broadcast_in_dim3A_146 = arith.constant 0.000000e+00 : f32
      %broadcast_in_dim3A_147 = vector.broadcast %broadcast_in_dim3A_146 : f32 to vector<16xf32>
      %swap3A_148 = arith.index_cast %scan3A_104 : i32 to index
      %swap3A_149 = arith.constant 96 : index
      %swap3A_150 = tpu.vector_load %arg10[%swap3A_148, %swap3A_149] {strides = array<i32>} : memref<128x128xf32, #tpu.memory_space<vmem>>, vector<1x16xf32>,
      %swap3A_151 = vector.shape_cast %swap3A_150 : vector<1x16xf32> to vector<16xf32>
      %swap3A_152 = vector.shape_cast %broadcast_in_dim3A_147 : vector<16xf32> to vector<1x16xf32>
      tpu.vector_store %arg10[%swap3A_148, %swap3A_149], %swap3A_152 {strides = array<i32>} : memref<128x128xf32, #tpu.memory_space<vmem>>, vector<1x16xf32>,
      %broadcast_in_dim3A_153 = arith.constant 0.000000e+00 : f32
      %broadcast_in_dim3A_154 = vector.broadcast %broadcast_in_dim3A_153 : f32 to vector<16xf32>
      %swap3A_155 = arith.index_cast %scan3A_104 : i32 to index
      %swap3A_156 = arith.constant 112 : index
      %swap3A_157 = tpu.vector_load %arg10[%swap3A_155, %swap3A_156] {strides = array<i32>} : memref<128x128xf32, #tpu.memory_space<vmem>>, vector<1x16xf32>,
      %swap3A_158 = vector.shape_cast %swap3A_157 : vector<1x16xf32> to vector<16xf32>
      %swap3A_159 = vector.shape_cast %broadcast_in_dim3A_154 : vector<16xf32> to vector<1x16xf32>
      tpu.vector_store %arg10[%swap3A_155, %swap3A_156], %swap3A_159 {strides = array<i32>} : memref<128x128xf32, #tpu.memory_space<vmem>>, vector<1x16xf32>,
      %scan3A_160 = arith.constant 0 : i32
      scf.yield %scan3A_160 : i32
    }
    %scan3A_14 = arith.constant 128 : i32
    %mul3A_15 = arith.constant 640 : i32
    %mul3A_16 = arith.muli %arg1, %mul3A_15 : i32
    %add3A_17 = arith.constant 0 : i32
    %add3A_18 = arith.addi %mul3A_16, %add3A_17 : i32
    "tpu.region"() ({
      %run_scoped3A = tpu.sem_alloc : memref<!tpu.dma_semaphore, #tpu.memory_space<semaphore_mem>>
      %dma_start3A = arith.constant 0 : i32
      %dma_start3A_104 = tpu.memref_slice %arg11[%add3A_18, %dma_start3A] : memref<10240x128xf32, #tpu.memory_space<vmem_shared>> -> memref<128x128xf32, #tpu.memory_space<vmem_shared>>
      %dma_start3A_105 = arith.constant 0 : i32
      %dma_start3A_106 = tpu.memref_slice %arg11[%add3A_18, %dma_start3A_105] : memref<10240x128xf32, #tpu.memory_space<vmem_shared>> -> memref<128x128xf32, #tpu.memory_space<vmem_shared>>
      tpu.enqueue_dma source(%arg10 : memref<128x128xf32, #tpu.memory_space<vmem>>) target(%dma_start3A_106 : memref<128x128xf32, #tpu.memory_space<vmem_shared>>) target_semaphore(%run_scoped3A : memref<!tpu.dma_semaphore, #tpu.memory_space<semaphore_mem>>)
      %dma_wait3A = arith.constant 0 : i32
      %dma_wait3A_107 = tpu.memref_slice %arg11[%add3A_18, %dma_wait3A] : memref<10240x128xf32, #tpu.memory_space<vmem_shared>> -> memref<128x128xf32, #tpu.memory_space<vmem_shared>>
      %dma_wait3A_108 = arith.constant 0 : i32
      %dma_wait3A_109 = tpu.memref_slice %arg11[%add3A_18, %dma_wait3A_108] : memref<10240x128xf32, #tpu.memory_space<vmem_shared>> -> memref<128x128xf32, #tpu.memory_space<vmem_shared>>
      tpu.wait_dma2 semaphore(%run_scoped3A : memref<!tpu.dma_semaphore, #tpu.memory_space<semaphore_mem>>) src(%arg10 : memref<128x128xf32, #tpu.memory_space<vmem>>) dst(%dma_wait3A_109 : memref<128x128xf32, #tpu.memory_space<vmem_shared>>)
      tpu.yield
    }) : () -> ()
    %mul3A_19 = arith.constant 640 : i32
    %mul3A_20 = arith.muli %arg1, %mul3A_19 : i32
    %add3A_21 = arith.constant 128 : i32
    %add3A_22 = arith.addi %mul3A_20, %add3A_21 : i32
    "tpu.region"() ({
      %run_scoped3A = tpu.sem_alloc : memref<!tpu.dma_semaphore, #tpu.memory_space<semaphore_mem>>
      %dma_start3A = arith.constant 0 : i32
      %dma_start3A_104 = tpu.memref_slice %arg11[%add3A_22, %dma_start3A] : memref<10240x128xf32, #tpu.memory_space<vmem_shared>> -> memref<128x128xf32, #tpu.memory_space<vmem_shared>>
      %dma_start3A_105 = arith.constant 0 : i32
      %dma_start3A_106 = tpu.memref_slice %arg11[%add3A_22, %dma_start3A_105] : memref<10240x128xf32, #tpu.memory_space<vmem_shared>> -> memref<128x128xf32, #tpu.memory_space<vmem_shared>>
      tpu.enqueue_dma source(%arg10 : memref<128x128xf32, #tpu.memory_space<vmem>>) target(%dma_start3A_106 : memref<128x128xf32, #tpu.memory_space<vmem_shared>>) target_semaphore(%run_scoped3A : memref<!tpu.dma_semaphore, #tpu.memory_space<semaphore_mem>>)
      %dma_wait3A = arith.constant 0 : i32
      %dma_wait3A_107 = tpu.memref_slice %arg11[%add3A_22, %dma_wait3A] : memref<10240x128xf32, #tpu.memory_space<vmem_shared>> -> memref<128x128xf32, #tpu.memory_space<vmem_shared>>
      %dma_wait3A_108 = arith.constant 0 : i32
      %dma_wait3A_109 = tpu.memref_slice %arg11[%add3A_22, %dma_wait3A_108] : memref<10240x128xf32, #tpu.memory_space<vmem_shared>> -> memref<128x128xf32, #tpu.memory_space<vmem_shared>>
      tpu.wait_dma2 semaphore(%run_scoped3A : memref<!tpu.dma_semaphore, #tpu.memory_space<semaphore_mem>>) src(%arg10 : memref<128x128xf32, #tpu.memory_space<vmem>>) dst(%dma_wait3A_109 : memref<128x128xf32, #tpu.memory_space<vmem_shared>>)
      tpu.yield
    }) : () -> ()
    %mul3A_23 = arith.constant 640 : i32
    %mul3A_24 = arith.muli %arg1, %mul3A_23 : i32
    %add3A_25 = arith.constant 256 : i32
    %add3A_26 = arith.addi %mul3A_24, %add3A_25 : i32
    "tpu.region"() ({
      %run_scoped3A = tpu.sem_alloc : memref<!tpu.dma_semaphore, #tpu.memory_space<semaphore_mem>>
      %dma_start3A = arith.constant 0 : i32
      %dma_start3A_104 = tpu.memref_slice %arg11[%add3A_26, %dma_start3A] : memref<10240x128xf32, #tpu.memory_space<vmem_shared>> -> memref<128x128xf32, #tpu.memory_space<vmem_shared>>
      %dma_start3A_105 = arith.constant 0 : i32
      %dma_start3A_106 = tpu.memref_slice %arg11[%add3A_26, %dma_start3A_105] : memref<10240x128xf32, #tpu.memory_space<vmem_shared>> -> memref<128x128xf32, #tpu.memory_space<vmem_shared>>
      tpu.enqueue_dma source(%arg10 : memref<128x128xf32, #tpu.memory_space<vmem>>) target(%dma_start3A_106 : memref<128x128xf32, #tpu.memory_space<vmem_shared>>) target_semaphore(%run_scoped3A : memref<!tpu.dma_semaphore, #tpu.memory_space<semaphore_mem>>)
      %dma_wait3A = arith.constant 0 : i32
      %dma_wait3A_107 = tpu.memref_slice %arg11[%add3A_26, %dma_wait3A] : memref<10240x128xf32, #tpu.memory_space<vmem_shared>> -> memref<128x128xf32, #tpu.memory_space<vmem_shared>>
      %dma_wait3A_108 = arith.constant 0 : i32
      %dma_wait3A_109 = tpu.memref_slice %arg11[%add3A_26, %dma_wait3A_108] : memref<10240x128xf32, #tpu.memory_space<vmem_shared>> -> memref<128x128xf32, #tpu.memory_space<vmem_shared>>
      tpu.wait_dma2 semaphore(%run_scoped3A : memref<!tpu.dma_semaphore, #tpu.memory_space<semaphore_mem>>) src(%arg10 : memref<128x128xf32, #tpu.memory_space<vmem>>) dst(%dma_wait3A_109 : memref<128x128xf32, #tpu.memory_space<vmem_shared>>)
      tpu.yield
    }) : () -> ()
    %mul3A_27 = arith.constant 640 : i32
    %mul3A_28 = arith.muli %arg1, %mul3A_27 : i32
    %add3A_29 = arith.constant 384 : i32
    %add3A_30 = arith.addi %mul3A_28, %add3A_29 : i32
    "tpu.region"() ({
      %run_scoped3A = tpu.sem_alloc : memref<!tpu.dma_semaphore, #tpu.memory_space<semaphore_mem>>
      %dma_start3A = arith.constant 0 : i32
      %dma_start3A_104 = tpu.memref_slice %arg11[%add3A_30, %dma_start3A] : memref<10240x128xf32, #tpu.memory_space<vmem_shared>> -> memref<128x128xf32, #tpu.memory_space<vmem_shared>>
      %dma_start3A_105 = arith.constant 0 : i32
      %dma_start3A_106 = tpu.memref_slice %arg11[%add3A_30, %dma_start3A_105] : memref<10240x128xf32, #tpu.memory_space<vmem_shared>> -> memref<128x128xf32, #tpu.memory_space<vmem_shared>>
      tpu.enqueue_dma source(%arg10 : memref<128x128xf32, #tpu.memory_space<vmem>>) target(%dma_start3A_106 : memref<128x128xf32, #tpu.memory_space<vmem_shared>>) target_semaphore(%run_scoped3A : memref<!tpu.dma_semaphore, #tpu.memory_space<semaphore_mem>>)
      %dma_wait3A = arith.constant 0 : i32
      %dma_wait3A_107 = tpu.memref_slice %arg11[%add3A_30, %dma_wait3A] : memref<10240x128xf32, #tpu.memory_space<vmem_shared>> -> memref<128x128xf32, #tpu.memory_space<vmem_shared>>
      %dma_wait3A_108 = arith.constant 0 : i32
      %dma_wait3A_109 = tpu.memref_slice %arg11[%add3A_30, %dma_wait3A_108] : memref<10240x128xf32, #tpu.memory_space<vmem_shared>> -> memref<128x128xf32, #tpu.memory_space<vmem_shared>>
      tpu.wait_dma2 semaphore(%run_scoped3A : memref<!tpu.dma_semaphore, #tpu.memory_space<semaphore_mem>>) src(%arg10 : memref<128x128xf32, #tpu.memory_space<vmem>>) dst(%dma_wait3A_109 : memref<128x128xf32, #tpu.memory_space<vmem_shared>>)
      tpu.yield
    }) : () -> ()
    %mul3A_31 = arith.constant 640 : i32
    %mul3A_32 = arith.muli %arg1, %mul3A_31 : i32
    %add3A_33 = arith.constant 512 : i32
    %add3A_34 = arith.addi %mul3A_32, %add3A_33 : i32
    "tpu.region"() ({
      %run_scoped3A = tpu.sem_alloc : memref<!tpu.dma_semaphore, #tpu.memory_space<semaphore_mem>>
      %dma_start3A = arith.constant 0 : i32
      %dma_start3A_104 = tpu.memref_slice %arg11[%add3A_34, %dma_start3A] : memref<10240x128xf32, #tpu.memory_space<vmem_shared>> -> memref<128x128xf32, #tpu.memory_space<vmem_shared>>
      %dma_start3A_105 = arith.constant 0 : i32
      %dma_start3A_106 = tpu.memref_slice %arg11[%add3A_34, %dma_start3A_105] : memref<10240x128xf32, #tpu.memory_space<vmem_shared>> -> memref<128x128xf32, #tpu.memory_space<vmem_shared>>
      tpu.enqueue_dma source(%arg10 : memref<128x128xf32, #tpu.memory_space<vmem>>) target(%dma_start3A_106 : memref<128x128xf32, #tpu.memory_space<vmem_shared>>) target_semaphore(%run_scoped3A : memref<!tpu.dma_semaphore, #tpu.memory_space<semaphore_mem>>)
      %dma_wait3A = arith.constant 0 : i32
      %dma_wait3A_107 = tpu.memref_slice %arg11[%add3A_34, %dma_wait3A] : memref<10240x128xf32, #tpu.memory_space<vmem_shared>> -> memref<128x128xf32, #tpu.memory_space<vmem_shared>>
      %dma_wait3A_108 = arith.constant 0 : i32
      %dma_wait3A_109 = tpu.memref_slice %arg11[%add3A_34, %dma_wait3A_108] : memref<10240x128xf32, #tpu.memory_space<vmem_shared>> -> memref<128x128xf32, #tpu.memory_space<vmem_shared>>
      tpu.wait_dma2 semaphore(%run_scoped3A : memref<!tpu.dma_semaphore, #tpu.memory_space<semaphore_mem>>) src(%arg10 : memref<128x128xf32, #tpu.memory_space<vmem>>) dst(%dma_wait3A_109 : memref<128x128xf32, #tpu.memory_space<vmem_shared>>)
      tpu.yield
    }) : () -> ()
    %barrier3A = arith.constant 0 : index
    tpu.barrier barrier_id(%barrier3A)
    %scan3A_35 = arith.constant 0 : i32
    %scan3A_36 = arith.constant 0 : i32
    %scan3A_37 = arith.constant 79 : i32
    %scan3A_38 = arith.addi %scan3A_36, %scan3A_37 : i32
    %scan3A_39 = arith.constant 1 : i32
    %scan3A_40 = scf.for %scan3A_104 = %scan3A_36 to %scan3A_38 step %scan3A_39 iter_args(%scan3A_105 = %scan3A_35) -> (i32)  : i32 {
      %dma_start3A = arith.constant 0 : i32
      %dma_start3A_106 = tpu.memref_slice %arg7[%scan3A_104, %dma_start3A] : memref<79x128xi32, #tpu.memory_space<vmem>> -> memref<1x128xi32, #tpu.memory_space<vmem>>
      %dma_start3A_107 = tpu.memref_squeeze %dma_start3A_106 : memref<1x128xi32, #tpu.memory_space<vmem>> -> memref<128xi32, #tpu.memory_space<vmem>>
      %dma_start3A_108 = arith.constant 0 : i32
      %dma_start3A_109 = arith.constant 0 : i32
      %dma_start3A_110 = tpu.memref_slice %arg2[%dma_start3A_108, %dma_start3A_109] : memref<40000x128xf32, #tpu.memory_space<hbm>> -> memref<40000x128xf32, #tpu.memory_space<hbm>>
      tpu.enqueue_indirect_dma source(%dma_start3A_110 : memref<40000x128xf32, #tpu.memory_space<hbm>>) target(%arg10 : memref<128x128xf32, #tpu.memory_space<vmem>>) offsets(%dma_start3A_107 : memref<128xi32, #tpu.memory_space<vmem>>) semaphore(%arg12 : memref<!tpu.dma_semaphore, #tpu.memory_space<semaphore_mem>>)
      %dma_wait3A = arith.constant 0 : i32
      %dma_wait3A_111 = tpu.memref_slice %arg7[%scan3A_104, %dma_wait3A] : memref<79x128xi32, #tpu.memory_space<vmem>> -> memref<1x128xi32, #tpu.memory_space<vmem>>
      %dma_wait3A_112 = tpu.memref_squeeze %dma_wait3A_111 : memref<1x128xi32, #tpu.memory_space<vmem>> -> memref<128xi32, #tpu.memory_space<vmem>>
      %dma_wait3A_113 = arith.constant 0 : i32
      %dma_wait3A_114 = arith.constant 0 : i32
      %dma_wait3A_115 = tpu.memref_slice %arg2[%dma_wait3A_113, %dma_wait3A_114] : memref<40000x128xf32, #tpu.memory_space<hbm>> -> memref<40000x128xf32, #tpu.memory_space<hbm>>
      tpu.wait_indirect_dma semaphore(%arg12 : memref<!tpu.dma_semaphore, #tpu.memory_space<semaphore_mem>>) src(%dma_wait3A_115 : memref<40000x128xf32, #tpu.memory_space<hbm>>) dst(%arg10 : memref<128x128xf32, #tpu.memory_space<vmem>>)
      %scan3A_116 = arith.constant 0 : i32
      %scan3A_117 = arith.constant 0 : i32
      %scan3A_118 = arith.constant 8 : i32
      %scan3A_119 = arith.addi %scan3A_117, %scan3A_118 : i32
      %scan3A_120 = arith.constant 1 : i32
      %scan3A_121 = scf.for %scan3A_124 = %scan3A_117 to %scan3A_119 step %scan3A_120 iter_args(%scan3A_125 = %scan3A_116) -> (i32)  : i32 {
        %mul3A_126 = arith.constant 128 : i32
        %mul3A_127 = arith.muli %scan3A_104, %mul3A_126 : i32
        %mul3A_128 = arith.constant 16 : i32
        %mul3A_129 = arith.muli %scan3A_124, %mul3A_128 : i32
        %add3A_130 = arith.addi %mul3A_127, %mul3A_129 : i32
        %get3A = arith.index_cast %add3A_130 : i32 to index
        %get3A_131 = tpu.vector_load %arg9[%get3A] {strides = array<i32>} : memref<10112xf32, #tpu.memory_space<vmem>>, vector<16xf32>,
        %get3A_132 = vector.shape_cast %get3A_131 : vector<16xf32> to vector<16xf32>
        %slice3A = vector.extract_strided_slice %get3A_132 {offsets = [0], sizes = [1], strides = [1]} : vector<16xf32> to vector<1xf32>
        %squeeze3A = vector.extract %slice3A[0] : f32 from vector<1xf32>
        %mul3A_133 = arith.constant 16 : i32
        %mul3A_134 = arith.muli %scan3A_124, %mul3A_133 : i32
        %add3A_135 = arith.constant 0 : i32
        %add3A_136 = arith.addi %mul3A_134, %add3A_135 : i32
        %get3A_137 = arith.index_cast %add3A_136 : i32 to index
        %get3A_138 = arith.constant 0 : index
        %get3A_139 = tpu.vector_load %arg10[%get3A_137, %get3A_138] {strides = array<i32>} : memref<128x128xf32, #tpu.memory_space<vmem>>, vector<1x16xf32>,
        %get3A_140 = vector.shape_cast %get3A_139 : vector<1x16xf32> to vector<16xf32>
        %mul3A_141 = vector.broadcast %squeeze3A : f32 to vector<16xf32>
        %mul3A_142 = arith.mulf %get3A_140, %mul3A_141 : vector<16xf32>
        %swap3A = arith.index_cast %add3A_136 : i32 to index
        %swap3A_143 = arith.constant 0 : index
        %swap3A_144 = tpu.vector_load %arg10[%swap3A, %swap3A_143] {strides = array<i32>} : memref<128x128xf32, #tpu.memory_space<vmem>>, vector<1x16xf32>,
        %swap3A_145 = vector.shape_cast %swap3A_144 : vector<1x16xf32> to vector<16xf32>
        %swap3A_146 = vector.shape_cast %mul3A_142 : vector<16xf32> to vector<1x16xf32>
        tpu.vector_store %arg10[%swap3A, %swap3A_143], %swap3A_146 {strides = array<i32>} : memref<128x128xf32, #tpu.memory_space<vmem>>, vector<1x16xf32>,
        %get3A_147 = arith.index_cast %add3A_136 : i32 to index
        %get3A_148 = arith.constant 16 : index
        %get3A_149 = tpu.vector_load %arg10[%get3A_147, %get3A_148] {strides = array<i32>} : memref<128x128xf32, #tpu.memory_space<vmem>>, vector<1x16xf32>,
        %get3A_150 = vector.shape_cast %get3A_149 : vector<1x16xf32> to vector<16xf32>
        %mul3A_151 = vector.broadcast %squeeze3A : f32 to vector<16xf32>
        %mul3A_152 = arith.mulf %get3A_150, %mul3A_151 : vector<16xf32>
        %swap3A_153 = arith.index_cast %add3A_136 : i32 to index
        %swap3A_154 = arith.constant 16 : index
        %swap3A_155 = tpu.vector_load %arg10[%swap3A_153, %swap3A_154] {strides = array<i32>} : memref<128x128xf32, #tpu.memory_space<vmem>>, vector<1x16xf32>,
        %swap3A_156 = vector.shape_cast %swap3A_155 : vector<1x16xf32> to vector<16xf32>
        %swap3A_157 = vector.shape_cast %mul3A_152 : vector<16xf32> to vector<1x16xf32>
        tpu.vector_store %arg10[%swap3A_153, %swap3A_154], %swap3A_157 {strides = array<i32>} : memref<128x128xf32, #tpu.memory_space<vmem>>, vector<1x16xf32>,
        %get3A_158 = arith.index_cast %add3A_136 : i32 to index
        %get3A_159 = arith.constant 32 : index
        %get3A_160 = tpu.vector_load %arg10[%get3A_158, %get3A_159] {strides = array<i32>} : memref<128x128xf32, #tpu.memory_space<vmem>>, vector<1x16xf32>,
        %get3A_161 = vector.shape_cast %get3A_160 : vector<1x16xf32> to vector<16xf32>
        %mul3A_162 = vector.broadcast %squeeze3A : f32 to vector<16xf32>
        %mul3A_163 = arith.mulf %get3A_161, %mul3A_162 : vector<16xf32>
        %swap3A_164 = arith.index_cast %add3A_136 : i32 to index
        %swap3A_165 = arith.constant 32 : index
        %swap3A_166 = tpu.vector_load %arg10[%swap3A_164, %swap3A_165] {strides = array<i32>} : memref<128x128xf32, #tpu.memory_space<vmem>>, vector<1x16xf32>,
        %swap3A_167 = vector.shape_cast %swap3A_166 : vector<1x16xf32> to vector<16xf32>
        %swap3A_168 = vector.shape_cast %mul3A_163 : vector<16xf32> to vector<1x16xf32>
        tpu.vector_store %arg10[%swap3A_164, %swap3A_165], %swap3A_168 {strides = array<i32>} : memref<128x128xf32, #tpu.memory_space<vmem>>, vector<1x16xf32>,
        %get3A_169 = arith.index_cast %add3A_136 : i32 to index
        %get3A_170 = arith.constant 48 : index
        %get3A_171 = tpu.vector_load %arg10[%get3A_169, %get3A_170] {strides = array<i32>} : memref<128x128xf32, #tpu.memory_space<vmem>>, vector<1x16xf32>,
        %get3A_172 = vector.shape_cast %get3A_171 : vector<1x16xf32> to vector<16xf32>
        %mul3A_173 = vector.broadcast %squeeze3A : f32 to vector<16xf32>
        %mul3A_174 = arith.mulf %get3A_172, %mul3A_173 : vector<16xf32>
        %swap3A_175 = arith.index_cast %add3A_136 : i32 to index
        %swap3A_176 = arith.constant 48 : index
        %swap3A_177 = tpu.vector_load %arg10[%swap3A_175, %swap3A_176] {strides = array<i32>} : memref<128x128xf32, #tpu.memory_space<vmem>>, vector<1x16xf32>,
        %swap3A_178 = vector.shape_cast %swap3A_177 : vector<1x16xf32> to vector<16xf32>
        %swap3A_179 = vector.shape_cast %mul3A_174 : vector<16xf32> to vector<1x16xf32>
        tpu.vector_store %arg10[%swap3A_175, %swap3A_176], %swap3A_179 {strides = array<i32>} : memref<128x128xf32, #tpu.memory_space<vmem>>, vector<1x16xf32>,
        %get3A_180 = arith.index_cast %add3A_136 : i32 to index
        %get3A_181 = arith.constant 64 : index
        %get3A_182 = tpu.vector_load %arg10[%get3A_180, %get3A_181] {strides = array<i32>} : memref<128x128xf32, #tpu.memory_space<vmem>>, vector<1x16xf32>,
        %get3A_183 = vector.shape_cast %get3A_182 : vector<1x16xf32> to vector<16xf32>
        %mul3A_184 = vector.broadcast %squeeze3A : f32 to vector<16xf32>
        %mul3A_185 = arith.mulf %get3A_183, %mul3A_184 : vector<16xf32>
        %swap3A_186 = arith.index_cast %add3A_136 : i32 to index
        %swap3A_187 = arith.constant 64 : index
        %swap3A_188 = tpu.vector_load %arg10[%swap3A_186, %swap3A_187] {strides = array<i32>} : memref<128x128xf32, #tpu.memory_space<vmem>>, vector<1x16xf32>,
        %swap3A_189 = vector.shape_cast %swap3A_188 : vector<1x16xf32> to vector<16xf32>
        %swap3A_190 = vector.shape_cast %mul3A_185 : vector<16xf32> to vector<1x16xf32>
        tpu.vector_store %arg10[%swap3A_186, %swap3A_187], %swap3A_190 {strides = array<i32>} : memref<128x128xf32, #tpu.memory_space<vmem>>, vector<1x16xf32>,
        %get3A_191 = arith.index_cast %add3A_136 : i32 to index
        %get3A_192 = arith.constant 80 : index
        %get3A_193 = tpu.vector_load %arg10[%get3A_191, %get3A_192] {strides = array<i32>} : memref<128x128xf32, #tpu.memory_space<vmem>>, vector<1x16xf32>,
        %get3A_194 = vector.shape_cast %get3A_193 : vector<1x16xf32> to vector<16xf32>
        %mul3A_195 = vector.broadcast %squeeze3A : f32 to vector<16xf32>
        %mul3A_196 = arith.mulf %get3A_194, %mul3A_195 : vector<16xf32>
        %swap3A_197 = arith.index_cast %add3A_136 : i32 to index
        %swap3A_198 = arith.constant 80 : index
        %swap3A_199 = tpu.vector_load %arg10[%swap3A_197, %swap3A_198] {strides = array<i32>} : memref<128x128xf32, #tpu.memory_space<vmem>>, vector<1x16xf32>,
        %swap3A_200 = vector.shape_cast %swap3A_199 : vector<1x16xf32> to vector<16xf32>
        %swap3A_201 = vector.shape_cast %mul3A_196 : vector<16xf32> to vector<1x16xf32>
        tpu.vector_store %arg10[%swap3A_197, %swap3A_198], %swap3A_201 {strides = array<i32>} : memref<128x128xf32, #tpu.memory_space<vmem>>, vector<1x16xf32>,
        %get3A_202 = arith.index_cast %add3A_136 : i32 to index
        %get3A_203 = arith.constant 96 : index
        %get3A_204 = tpu.vector_load %arg10[%get3A_202, %get3A_203] {strides = array<i32>} : memref<128x128xf32, #tpu.memory_space<vmem>>, vector<1x16xf32>,
        %get3A_205 = vector.shape_cast %get3A_204 : vector<1x16xf32> to vector<16xf32>
        %mul3A_206 = vector.broadcast %squeeze3A : f32 to vector<16xf32>
        %mul3A_207 = arith.mulf %get3A_205, %mul3A_206 : vector<16xf32>
        %swap3A_208 = arith.index_cast %add3A_136 : i32 to index
        %swap3A_209 = arith.constant 96 : index
        %swap3A_210 = tpu.vector_load %arg10[%swap3A_208, %swap3A_209] {strides = array<i32>} : memref<128x128xf32, #tpu.memory_space<vmem>>, vector<1x16xf32>,
        %swap3A_211 = vector.shape_cast %swap3A_210 : vector<1x16xf32> to vector<16xf32>
        %swap3A_212 = vector.shape_cast %mul3A_207 : vector<16xf32> to vector<1x16xf32>
        tpu.vector_store %arg10[%swap3A_208, %swap3A_209], %swap3A_212 {strides = array<i32>} : memref<128x128xf32, #tpu.memory_space<vmem>>, vector<1x16xf32>,
        %get3A_213 = arith.index_cast %add3A_136 : i32 to index
        %get3A_214 = arith.constant 112 : index
        %get3A_215 = tpu.vector_load %arg10[%get3A_213, %get3A_214] {strides = array<i32>} : memref<128x128xf32, #tpu.memory_space<vmem>>, vector<1x16xf32>,
        %get3A_216 = vector.shape_cast %get3A_215 : vector<1x16xf32> to vector<16xf32>
        %mul3A_217 = vector.broadcast %squeeze3A : f32 to vector<16xf32>
        %mul3A_218 = arith.mulf %get3A_216, %mul3A_217 : vector<16xf32>
        %swap3A_219 = arith.index_cast %add3A_136 : i32 to index
        %swap3A_220 = arith.constant 112 : index
        %swap3A_221 = tpu.vector_load %arg10[%swap3A_219, %swap3A_220] {strides = array<i32>} : memref<128x128xf32, #tpu.memory_space<vmem>>, vector<1x16xf32>,
        %swap3A_222 = vector.shape_cast %swap3A_221 : vector<1x16xf32> to vector<16xf32>
        %swap3A_223 = vector.shape_cast %mul3A_218 : vector<16xf32> to vector<1x16xf32>
        tpu.vector_store %arg10[%swap3A_219, %swap3A_220], %swap3A_223 {strides = array<i32>} : memref<128x128xf32, #tpu.memory_space<vmem>>, vector<1x16xf32>,
        %slice3A_224 = vector.extract_strided_slice %get3A_132 {offsets = [1], sizes = [1], strides = [1]} : vector<16xf32> to vector<1xf32>
        %squeeze3A_225 = vector.extract %slice3A_224[0] : f32 from vector<1xf32>
        %mul3A_226 = arith.constant 16 : i32
        %mul3A_227 = arith.muli %scan3A_124, %mul3A_226 : i32
        %add3A_228 = arith.constant 1 : i32
        %add3A_229 = arith.addi %mul3A_227, %add3A_228 : i32
        %get3A_230 = arith.index_cast %add3A_229 : i32 to index
        %get3A_231 = arith.constant 0 : index
        %get3A_232 = tpu.vector_load %arg10[%get3A_230, %get3A_231] {strides = array<i32>} : memref<128x128xf32, #tpu.memory_space<vmem>>, vector<1x16xf32>,
        %get3A_233 = vector.shape_cast %get3A_232 : vector<1x16xf32> to vector<16xf32>
        %mul3A_234 = vector.broadcast %squeeze3A_225 : f32 to vector<16xf32>
        %mul3A_235 = arith.mulf %get3A_233, %mul3A_234 : vector<16xf32>
        %swap3A_236 = arith.index_cast %add3A_229 : i32 to index
        %swap3A_237 = arith.constant 0 : index
        %swap3A_238 = tpu.vector_load %arg10[%swap3A_236, %swap3A_237] {strides = array<i32>} : memref<128x128xf32, #tpu.memory_space<vmem>>, vector<1x16xf32>,
        %swap3A_239 = vector.shape_cast %swap3A_238 : vector<1x16xf32> to vector<16xf32>
        %swap3A_240 = vector.shape_cast %mul3A_235 : vector<16xf32> to vector<1x16xf32>
        tpu.vector_store %arg10[%swap3A_236, %swap3A_237], %swap3A_240 {strides = array<i32>} : memref<128x128xf32, #tpu.memory_space<vmem>>, vector<1x16xf32>,
        %get3A_241 = arith.index_cast %add3A_229 : i32 to index
        %get3A_242 = arith.constant 16 : index
        %get3A_243 = tpu.vector_load %arg10[%get3A_241, %get3A_242] {strides = array<i32>} : memref<128x128xf32, #tpu.memory_space<vmem>>, vector<1x16xf32>,
        %get3A_244 = vector.shape_cast %get3A_243 : vector<1x16xf32> to vector<16xf32>
        %mul3A_245 = vector.broadcast %squeeze3A_225 : f32 to vector<16xf32>
        %mul3A_246 = arith.mulf %get3A_244, %mul3A_245 : vector<16xf32>
        %swap3A_247 = arith.index_cast %add3A_229 : i32 to index
        %swap3A_248 = arith.constant 16 : index
        %swap3A_249 = tpu.vector_load %arg10[%swap3A_247, %swap3A_248] {strides = array<i32>} : memref<128x128xf32, #tpu.memory_space<vmem>>, vector<1x16xf32>,
        %swap3A_250 = vector.shape_cast %swap3A_249 : vector<1x16xf32> to vector<16xf32>
        %swap3A_251 = vector.shape_cast %mul3A_246 : vector<16xf32> to vector<1x16xf32>
        tpu.vector_store %arg10[%swap3A_247, %swap3A_248], %swap3A_251 {strides = array<i32>} : memref<128x128xf32, #tpu.memory_space<vmem>>, vector<1x16xf32>,
        %get3A_252 = arith.index_cast %add3A_229 : i32 to index
        %get3A_253 = arith.constant 32 : index
        %get3A_254 = tpu.vector_load %arg10[%get3A_252, %get3A_253] {strides = array<i32>} : memref<128x128xf32, #tpu.memory_space<vmem>>, vector<1x16xf32>,
        %get3A_255 = vector.shape_cast %get3A_254 : vector<1x16xf32> to vector<16xf32>
        %mul3A_256 = vector.broadcast %squeeze3A_225 : f32 to vector<16xf32>
        %mul3A_257 = arith.mulf %get3A_255, %mul3A_256 : vector<16xf32>
        %swap3A_258 = arith.index_cast %add3A_229 : i32 to index
        %swap3A_259 = arith.constant 32 : index
        %swap3A_260 = tpu.vector_load %arg10[%swap3A_258, %swap3A_259] {strides = array<i32>} : memref<128x128xf32, #tpu.memory_space<vmem>>, vector<1x16xf32>,
        %swap3A_261 = vector.shape_cast %swap3A_260 : vector<1x16xf32> to vector<16xf32>
        %swap3A_262 = vector.shape_cast %mul3A_257 : vector<16xf32> to vector<1x16xf32>
        tpu.vector_store %arg10[%swap3A_258, %swap3A_259], %swap3A_262 {strides = array<i32>} : memref<128x128xf32, #tpu.memory_space<vmem>>, vector<1x16xf32>,
        %get3A_263 = arith.index_cast %add3A_229 : i32 to index
        %get3A_264 = arith.constant 48 : index
        %get3A_265 = tpu.vector_load %arg10[%get3A_263, %get3A_264] {strides = array<i32>} : memref<128x128xf32, #tpu.memory_space<vmem>>, vector<1x16xf32>,
        %get3A_266 = vector.shape_cast %get3A_265 : vector<1x16xf32> to vector<16xf32>
        %mul3A_267 = vector.broadcast %squeeze3A_225 : f32 to vector<16xf32>
        %mul3A_268 = arith.mulf %get3A_266, %mul3A_267 : vector<16xf32>
        %swap3A_269 = arith.index_cast %add3A_229 : i32 to index
        %swap3A_270 = arith.constant 48 : index
        %swap3A_271 = tpu.vector_load %arg10[%swap3A_269, %swap3A_270] {strides = array<i32>} : memref<128x128xf32, #tpu.memory_space<vmem>>, vector<1x16xf32>,
        %swap3A_272 = vector.shape_cast %swap3A_271 : vector<1x16xf32> to vector<16xf32>
        %swap3A_273 = vector.shape_cast %mul3A_268 : vector<16xf32> to vector<1x16xf32>
        tpu.vector_store %arg10[%swap3A_269, %swap3A_270], %swap3A_273 {strides = array<i32>} : memref<128x128xf32, #tpu.memory_space<vmem>>, vector<1x16xf32>,
        %get3A_274 = arith.index_cast %add3A_229 : i32 to index
        %get3A_275 = arith.constant 64 : index
        %get3A_276 = tpu.vector_load %arg10[%get3A_274, %get3A_275] {strides = array<i32>} : memref<128x128xf32, #tpu.memory_space<vmem>>, vector<1x16xf32>,
        %get3A_277 = vector.shape_cast %get3A_276 : vector<1x16xf32> to vector<16xf32>
        %mul3A_278 = vector.broadcast %squeeze3A_225 : f32 to vector<16xf32>
        %mul3A_279 = arith.mulf %get3A_277, %mul3A_278 : vector<16xf32>
        %swap3A_280 = arith.index_cast %add3A_229 : i32 to index
        %swap3A_281 = arith.constant 64 : index
        %swap3A_282 = tpu.vector_load %arg10[%swap3A_280, %swap3A_281] {strides = array<i32>} : memref<128x128xf32, #tpu.memory_space<vmem>>, vector<1x16xf32>,
        %swap3A_283 = vector.shape_cast %swap3A_282 : vector<1x16xf32> to vector<16xf32>
        %swap3A_284 = vector.shape_cast %mul3A_279 : vector<16xf32> to vector<1x16xf32>
        tpu.vector_store %arg10[%swap3A_280, %swap3A_281], %swap3A_284 {strides = array<i32>} : memref<128x128xf32, #tpu.memory_space<vmem>>, vector<1x16xf32>,
        %get3A_285 = arith.index_cast %add3A_229 : i32 to index
        %get3A_286 = arith.constant 80 : index
        %get3A_287 = tpu.vector_load %arg10[%get3A_285, %get3A_286] {strides = array<i32>} : memref<128x128xf32, #tpu.memory_space<vmem>>, vector<1x16xf32>,
        %get3A_288 = vector.shape_cast %get3A_287 : vector<1x16xf32> to vector<16xf32>
        %mul3A_289 = vector.broadcast %squeeze3A_225 : f32 to vector<16xf32>
        %mul3A_290 = arith.mulf %get3A_288, %mul3A_289 : vector<16xf32>
        %swap3A_291 = arith.index_cast %add3A_229 : i32 to index
        %swap3A_292 = arith.constant 80 : index
        %swap3A_293 = tpu.vector_load %arg10[%swap3A_291, %swap3A_292] {strides = array<i32>} : memref<128x128xf32, #tpu.memory_space<vmem>>, vector<1x16xf32>,
        %swap3A_294 = vector.shape_cast %swap3A_293 : vector<1x16xf32> to vector<16xf32>
        %swap3A_295 = vector.shape_cast %mul3A_290 : vector<16xf32> to vector<1x16xf32>
        tpu.vector_store %arg10[%swap3A_291, %swap3A_292], %swap3A_295 {strides = array<i32>} : memref<128x128xf32, #tpu.memory_space<vmem>>, vector<1x16xf32>,
        %get3A_296 = arith.index_cast %add3A_229 : i32 to index
        %get3A_297 = arith.constant 96 : index
        %get3A_298 = tpu.vector_load %arg10[%get3A_296, %get3A_297] {strides = array<i32>} : memref<128x128xf32, #tpu.memory_space<vmem>>, vector<1x16xf32>,
        %get3A_299 = vector.shape_cast %get3A_298 : vector<1x16xf32> to vector<16xf32>
        %mul3A_300 = vector.broadcast %squeeze3A_225 : f32 to vector<16xf32>
        %mul3A_301 = arith.mulf %get3A_299, %mul3A_300 : vector<16xf32>
        %swap3A_302 = arith.index_cast %add3A_229 : i32 to index
        %swap3A_303 = arith.constant 96 : index
        %swap3A_304 = tpu.vector_load %arg10[%swap3A_302, %swap3A_303] {strides = array<i32>} : memref<128x128xf32, #tpu.memory_space<vmem>>, vector<1x16xf32>,
        %swap3A_305 = vector.shape_cast %swap3A_304 : vector<1x16xf32> to vector<16xf32>
        %swap3A_306 = vector.shape_cast %mul3A_301 : vector<16xf32> to vector<1x16xf32>
        tpu.vector_store %arg10[%swap3A_302, %swap3A_303], %swap3A_306 {strides = array<i32>} : memref<128x128xf32, #tpu.memory_space<vmem>>, vector<1x16xf32>,
        %get3A_307 = arith.index_cast %add3A_229 : i32 to index
        %get3A_308 = arith.constant 112 : index
        %get3A_309 = tpu.vector_load %arg10[%get3A_307, %get3A_308] {strides = array<i32>} : memref<128x128xf32, #tpu.memory_space<vmem>>, vector<1x16xf32>,
        %get3A_310 = vector.shape_cast %get3A_309 : vector<1x16xf32> to vector<16xf32>
        %mul3A_311 = vector.broadcast %squeeze3A_225 : f32 to vector<16xf32>
        %mul3A_312 = arith.mulf %get3A_310, %mul3A_311 : vector<16xf32>
        %swap3A_313 = arith.index_cast %add3A_229 : i32 to index
        %swap3A_314 = arith.constant 112 : index
        %swap3A_315 = tpu.vector_load %arg10[%swap3A_313, %swap3A_314] {strides = array<i32>} : memref<128x128xf32, #tpu.memory_space<vmem>>, vector<1x16xf32>,
        %swap3A_316 = vector.shape_cast %swap3A_315 : vector<1x16xf32> to vector<16xf32>
        %swap3A_317 = vector.shape_cast %mul3A_312 : vector<16xf32> to vector<1x16xf32>
        tpu.vector_store %arg10[%swap3A_313, %swap3A_314], %swap3A_317 {strides = array<i32>} : memref<128x128xf32, #tpu.memory_space<vmem>>, vector<1x16xf32>,
        %slice3A_318 = vector.extract_strided_slice %get3A_132 {offsets = [2], sizes = [1], strides = [1]} : vector<16xf32> to vector<1xf32>
        %squeeze3A_319 = vector.extract %slice3A_318[0] : f32 from vector<1xf32>
        %mul3A_320 = arith.constant 16 : i32
        %mul3A_321 = arith.muli %scan3A_124, %mul3A_320 : i32
        %add3A_322 = arith.constant 2 : i32
        %add3A_323 = arith.addi %mul3A_321, %add3A_322 : i32
        %get3A_324 = arith.index_cast %add3A_323 : i32 to index
        %get3A_325 = arith.constant 0 : index
        %get3A_326 = tpu.vector_load %arg10[%get3A_324, %get3A_325] {strides = array<i32>} : memref<128x128xf32, #tpu.memory_space<vmem>>, vector<1x16xf32>,
        %get3A_327 = vector.shape_cast %get3A_326 : vector<1x16xf32> to vector<16xf32>
        %mul3A_328 = vector.broadcast %squeeze3A_319 : f32 to vector<16xf32>
        %mul3A_329 = arith.mulf %get3A_327, %mul3A_328 : vector<16xf32>
        %swap3A_330 = arith.index_cast %add3A_323 : i32 to index
        %swap3A_331 = arith.constant 0 : index
        %swap3A_332 = tpu.vector_load %arg10[%swap3A_330, %swap3A_331] {strides = array<i32>} : memref<128x128xf32, #tpu.memory_space<vmem>>, vector<1x16xf32>,
        %swap3A_333 = vector.shape_cast %swap3A_332 : vector<1x16xf32> to vector<16xf32>
        %swap3A_334 = vector.shape_cast %mul3A_329 : vector<16xf32> to vector<1x16xf32>
        tpu.vector_store %arg10[%swap3A_330, %swap3A_331], %swap3A_334 {strides = array<i32>} : memref<128x128xf32, #tpu.memory_space<vmem>>, vector<1x16xf32>,
        %get3A_335 = arith.index_cast %add3A_323 : i32 to index
        %get3A_336 = arith.constant 16 : index
        %get3A_337 = tpu.vector_load %arg10[%get3A_335, %get3A_336] {strides = array<i32>} : memref<128x128xf32, #tpu.memory_space<vmem>>, vector<1x16xf32>,
        %get3A_338 = vector.shape_cast %get3A_337 : vector<1x16xf32> to vector<16xf32>
        %mul3A_339 = vector.broadcast %squeeze3A_319 : f32 to vector<16xf32>
        %mul3A_340 = arith.mulf %get3A_338, %mul3A_339 : vector<16xf32>
        %swap3A_341 = arith.index_cast %add3A_323 : i32 to index
        %swap3A_342 = arith.constant 16 : index
        %swap3A_343 = tpu.vector_load %arg10[%swap3A_341, %swap3A_342] {strides = array<i32>} : memref<128x128xf32, #tpu.memory_space<vmem>>, vector<1x16xf32>,
        %swap3A_344 = vector.shape_cast %swap3A_343 : vector<1x16xf32> to vector<16xf32>
        %swap3A_345 = vector.shape_cast %mul3A_340 : vector<16xf32> to vector<1x16xf32>
        tpu.vector_store %arg10[%swap3A_341, %swap3A_342], %swap3A_345 {strides = array<i32>} : memref<128x128xf32, #tpu.memory_space<vmem>>, vector<1x16xf32>,
        %get3A_346 = arith.index_cast %add3A_323 : i32 to index
        %get3A_347 = arith.constant 32 : index
        %get3A_348 = tpu.vector_load %arg10[%get3A_346, %get3A_347] {strides = array<i32>} : memref<128x128xf32, #tpu.memory_space<vmem>>, vector<1x16xf32>,
        %get3A_349 = vector.shape_cast %get3A_348 : vector<1x16xf32> to vector<16xf32>
        %mul3A_350 = vector.broadcast %squeeze3A_319 : f32 to vector<16xf32>
        %mul3A_351 = arith.mulf %get3A_349, %mul3A_350 : vector<16xf32>
        %swap3A_352 = arith.index_cast %add3A_323 : i32 to index
        %swap3A_353 = arith.constant 32 : index
        %swap3A_354 = tpu.vector_load %arg10[%swap3A_352, %swap3A_353] {strides = array<i32>} : memref<128x128xf32, #tpu.memory_space<vmem>>, vector<1x16xf32>,
        %swap3A_355 = vector.shape_cast %swap3A_354 : vector<1x16xf32> to vector<16xf32>
        %swap3A_356 = vector.shape_cast %mul3A_351 : vector<16xf32> to vector<1x16xf32>
        tpu.vector_store %arg10[%swap3A_352, %swap3A_353], %swap3A_356 {strides = array<i32>} : memref<128x128xf32, #tpu.memory_space<vmem>>, vector<1x16xf32>,
        %get3A_357 = arith.index_cast %add3A_323 : i32 to index
        %get3A_358 = arith.constant 48 : index
        %get3A_359 = tpu.vector_load %arg10[%get3A_357, %get3A_358] {strides = array<i32>} : memref<128x128xf32, #tpu.memory_space<vmem>>, vector<1x16xf32>,
        %get3A_360 = vector.shape_cast %get3A_359 : vector<1x16xf32> to vector<16xf32>
        %mul3A_361 = vector.broadcast %squeeze3A_319 : f32 to vector<16xf32>
        %mul3A_362 = arith.mulf %get3A_360, %mul3A_361 : vector<16xf32>
        %swap3A_363 = arith.index_cast %add3A_323 : i32 to index
        %swap3A_364 = arith.constant 48 : index
        %swap3A_365 = tpu.vector_load %arg10[%swap3A_363, %swap3A_364] {strides = array<i32>} : memref<128x128xf32, #tpu.memory_space<vmem>>, vector<1x16xf32>,
        %swap3A_366 = vector.shape_cast %swap3A_365 : vector<1x16xf32> to vector<16xf32>
        %swap3A_367 = vector.shape_cast %mul3A_362 : vector<16xf32> to vector<1x16xf32>
        tpu.vector_store %arg10[%swap3A_363, %swap3A_364], %swap3A_367 {strides = array<i32>} : memref<128x128xf32, #tpu.memory_space<vmem>>, vector<1x16xf32>,
        %get3A_368 = arith.index_cast %add3A_323 : i32 to index
        %get3A_369 = arith.constant 64 : index
        %get3A_370 = tpu.vector_load %arg10[%get3A_368, %get3A_369] {strides = array<i32>} : memref<128x128xf32, #tpu.memory_space<vmem>>, vector<1x16xf32>,
        %get3A_371 = vector.shape_cast %get3A_370 : vector<1x16xf32> to vector<16xf32>
        %mul3A_372 = vector.broadcast %squeeze3A_319 : f32 to vector<16xf32>
        %mul3A_373 = arith.mulf %get3A_371, %mul3A_372 : vector<16xf32>
        %swap3A_374 = arith.index_cast %add3A_323 : i32 to index
        %swap3A_375 = arith.constant 64 : index
        %swap3A_376 = tpu.vector_load %arg10[%swap3A_374, %swap3A_375] {strides = array<i32>} : memref<128x128xf32, #tpu.memory_space<vmem>>, vector<1x16xf32>,
        %swap3A_377 = vector.shape_cast %swap3A_376 : vector<1x16xf32> to vector<16xf32>
        %swap3A_378 = vector.shape_cast %mul3A_373 : vector<16xf32> to vector<1x16xf32>
        tpu.vector_store %arg10[%swap3A_374, %swap3A_375], %swap3A_378 {strides = array<i32>} : memref<128x128xf32, #tpu.memory_space<vmem>>, vector<1x16xf32>,
        %get3A_379 = arith.index_cast %add3A_323 : i32 to index
        %get3A_380 = arith.constant 80 : index
        %get3A_381 = tpu.vector_load %arg10[%get3A_379, %get3A_380] {strides = array<i32>} : memref<128x128xf32, #tpu.memory_space<vmem>>, vector<1x16xf32>,
        %get3A_382 = vector.shape_cast %get3A_381 : vector<1x16xf32> to vector<16xf32>
        %mul3A_383 = vector.broadcast %squeeze3A_319 : f32 to vector<16xf32>
        %mul3A_384 = arith.mulf %get3A_382, %mul3A_383 : vector<16xf32>
        %swap3A_385 = arith.index_cast %add3A_323 : i32 to index
        %swap3A_386 = arith.constant 80 : index
        %swap3A_387 = tpu.vector_load %arg10[%swap3A_385, %swap3A_386] {strides = array<i32>} : memref<128x128xf32, #tpu.memory_space<vmem>>, vector<1x16xf32>,
        %swap3A_388 = vector.shape_cast %swap3A_387 : vector<1x16xf32> to vector<16xf32>
        %swap3A_389 = vector.shape_cast %mul3A_384 : vector<16xf32> to vector<1x16xf32>
        tpu.vector_store %arg10[%swap3A_385, %swap3A_386], %swap3A_389 {strides = array<i32>} : memref<128x128xf32, #tpu.memory_space<vmem>>, vector<1x16xf32>,
        %get3A_390 = arith.index_cast %add3A_323 : i32 to index
        %get3A_391 = arith.constant 96 : index
        %get3A_392 = tpu.vector_load %arg10[%get3A_390, %get3A_391] {strides = array<i32>} : memref<128x128xf32, #tpu.memory_space<vmem>>, vector<1x16xf32>,
        %get3A_393 = vector.shape_cast %get3A_392 : vector<1x16xf32> to vector<16xf32>
        %mul3A_394 = vector.broadcast %squeeze3A_319 : f32 to vector<16xf32>
        %mul3A_395 = arith.mulf %get3A_393, %mul3A_394 : vector<16xf32>
        %swap3A_396 = arith.index_cast %add3A_323 : i32 to index
        %swap3A_397 = arith.constant 96 : index
        %swap3A_398 = tpu.vector_load %arg10[%swap3A_396, %swap3A_397] {strides = array<i32>} : memref<128x128xf32, #tpu.memory_space<vmem>>, vector<1x16xf32>,
        %swap3A_399 = vector.shape_cast %swap3A_398 : vector<1x16xf32> to vector<16xf32>
        %swap3A_400 = vector.shape_cast %mul3A_395 : vector<16xf32> to vector<1x16xf32>
        tpu.vector_store %arg10[%swap3A_396, %swap3A_397], %swap3A_400 {strides = array<i32>} : memref<128x128xf32, #tpu.memory_space<vmem>>, vector<1x16xf32>,
        %get3A_401 = arith.index_cast %add3A_323 : i32 to index
        %get3A_402 = arith.constant 112 : index
        %get3A_403 = tpu.vector_load %arg10[%get3A_401, %get3A_402] {strides = array<i32>} : memref<128x128xf32, #tpu.memory_space<vmem>>, vector<1x16xf32>,
        %get3A_404 = vector.shape_cast %get3A_403 : vector<1x16xf32> to vector<16xf32>
        %mul3A_405 = vector.broadcast %squeeze3A_319 : f32 to vector<16xf32>
        %mul3A_406 = arith.mulf %get3A_404, %mul3A_405 : vector<16xf32>
        %swap3A_407 = arith.index_cast %add3A_323 : i32 to index
        %swap3A_408 = arith.constant 112 : index
        %swap3A_409 = tpu.vector_load %arg10[%swap3A_407, %swap3A_408] {strides = array<i32>} : memref<128x128xf32, #tpu.memory_space<vmem>>, vector<1x16xf32>,
        %swap3A_410 = vector.shape_cast %swap3A_409 : vector<1x16xf32> to vector<16xf32>
        %swap3A_411 = vector.shape_cast %mul3A_406 : vector<16xf32> to vector<1x16xf32>
        tpu.vector_store %arg10[%swap3A_407, %swap3A_408], %swap3A_411 {strides = array<i32>} : memref<128x128xf32, #tpu.memory_space<vmem>>, vector<1x16xf32>,
        %slice3A_412 = vector.extract_strided_slice %get3A_132 {offsets = [3], sizes = [1], strides = [1]} : vector<16xf32> to vector<1xf32>
        %squeeze3A_413 = vector.extract %slice3A_412[0] : f32 from vector<1xf32>
        %mul3A_414 = arith.constant 16 : i32
        %mul3A_415 = arith.muli %scan3A_124, %mul3A_414 : i32
        %add3A_416 = arith.constant 3 : i32
        %add3A_417 = arith.addi %mul3A_415, %add3A_416 : i32
        %get3A_418 = arith.index_cast %add3A_417 : i32 to index
        %get3A_419 = arith.constant 0 : index
        %get3A_420 = tpu.vector_load %arg10[%get3A_418, %get3A_419] {strides = array<i32>} : memref<128x128xf32, #tpu.memory_space<vmem>>, vector<1x16xf32>,
        %get3A_421 = vector.shape_cast %get3A_420 : vector<1x16xf32> to vector<16xf32>
        %mul3A_422 = vector.broadcast %squeeze3A_413 : f32 to vector<16xf32>
        %mul3A_423 = arith.mulf %get3A_421, %mul3A_422 : vector<16xf32>
        %swap3A_424 = arith.index_cast %add3A_417 : i32 to index
        %swap3A_425 = arith.constant 0 : index
        %swap3A_426 = tpu.vector_load %arg10[%swap3A_424, %swap3A_425] {strides = array<i32>} : memref<128x128xf32, #tpu.memory_space<vmem>>, vector<1x16xf32>,
        %swap3A_427 = vector.shape_cast %swap3A_426 : vector<1x16xf32> to vector<16xf32>
        %swap3A_428 = vector.shape_cast %mul3A_423 : vector<16xf32> to vector<1x16xf32>
        tpu.vector_store %arg10[%swap3A_424, %swap3A_425], %swap3A_428 {strides = array<i32>} : memref<128x128xf32, #tpu.memory_space<vmem>>, vector<1x16xf32>,
        %get3A_429 = arith.index_cast %add3A_417 : i32 to index
        %get3A_430 = arith.constant 16 : index
        %get3A_431 = tpu.vector_load %arg10[%get3A_429, %get3A_430] {strides = array<i32>} : memref<128x128xf32, #tpu.memory_space<vmem>>, vector<1x16xf32>,
        %get3A_432 = vector.shape_cast %get3A_431 : vector<1x16xf32> to vector<16xf32>
        %mul3A_433 = vector.broadcast %squeeze3A_413 : f32 to vector<16xf32>
        %mul3A_434 = arith.mulf %get3A_432, %mul3A_433 : vector<16xf32>
        %swap3A_435 = arith.index_cast %add3A_417 : i32 to index
        %swap3A_436 = arith.constant 16 : index
        %swap3A_437 = tpu.vector_load %arg10[%swap3A_435, %swap3A_436] {strides = array<i32>} : memref<128x128xf32, #tpu.memory_space<vmem>>, vector<1x16xf32>,
        %swap3A_438 = vector.shape_cast %swap3A_437 : vector<1x16xf32> to vector<16xf32>
        %swap3A_439 = vector.shape_cast %mul3A_434 : vector<16xf32> to vector<1x16xf32>
        tpu.vector_store %arg10[%swap3A_435, %swap3A_436], %swap3A_439 {strides = array<i32>} : memref<128x128xf32, #tpu.memory_space<vmem>>, vector<1x16xf32>,
        %get3A_440 = arith.index_cast %add3A_417 : i32 to index
        %get3A_441 = arith.constant 32 : index
        %get3A_442 = tpu.vector_load %arg10[%get3A_440, %get3A_441] {strides = array<i32>} : memref<128x128xf32, #tpu.memory_space<vmem>>, vector<1x16xf32>,
        %get3A_443 = vector.shape_cast %get3A_442 : vector<1x16xf32> to vector<16xf32>
        %mul3A_444 = vector.broadcast %squeeze3A_413 : f32 to vector<16xf32>
        %mul3A_445 = arith.mulf %get3A_443, %mul3A_444 : vector<16xf32>
        %swap3A_446 = arith.index_cast %add3A_417 : i32 to index
        %swap3A_447 = arith.constant 32 : index
        %swap3A_448 = tpu.vector_load %arg10[%swap3A_446, %swap3A_447] {strides = array<i32>} : memref<128x128xf32, #tpu.memory_space<vmem>>, vector<1x16xf32>,
        %swap3A_449 = vector.shape_cast %swap3A_448 : vector<1x16xf32> to vector<16xf32>
        %swap3A_450 = vector.shape_cast %mul3A_445 : vector<16xf32> to vector<1x16xf32>
        tpu.vector_store %arg10[%swap3A_446, %swap3A_447], %swap3A_450 {strides = array<i32>} : memref<128x128xf32, #tpu.memory_space<vmem>>, vector<1x16xf32>,
        %get3A_451 = arith.index_cast %add3A_417 : i32 to index
        %get3A_452 = arith.constant 48 : index
        %get3A_453 = tpu.vector_load %arg10[%get3A_451, %get3A_452] {strides = array<i32>} : memref<128x128xf32, #tpu.memory_space<vmem>>, vector<1x16xf32>,
        %get3A_454 = vector.shape_cast %get3A_453 : vector<1x16xf32> to vector<16xf32>
        %mul3A_455 = vector.broadcast %squeeze3A_413 : f32 to vector<16xf32>
        %mul3A_456 = arith.mulf %get3A_454, %mul3A_455 : vector<16xf32>
        %swap3A_457 = arith.index_cast %add3A_417 : i32 to index
        %swap3A_458 = arith.constant 48 : index
        %swap3A_459 = tpu.vector_load %arg10[%swap3A_457, %swap3A_458] {strides = array<i32>} : memref<128x128xf32, #tpu.memory_space<vmem>>, vector<1x16xf32>,
        %swap3A_460 = vector.shape_cast %swap3A_459 : vector<1x16xf32> to vector<16xf32>
        %swap3A_461 = vector.shape_cast %mul3A_456 : vector<16xf32> to vector<1x16xf32>
        tpu.vector_store %arg10[%swap3A_457, %swap3A_458], %swap3A_461 {strides = array<i32>} : memref<128x128xf32, #tpu.memory_space<vmem>>, vector<1x16xf32>,
        %get3A_462 = arith.index_cast %add3A_417 : i32 to index
        %get3A_463 = arith.constant 64 : index
        %get3A_464 = tpu.vector_load %arg10[%get3A_462, %get3A_463] {strides = array<i32>} : memref<128x128xf32, #tpu.memory_space<vmem>>, vector<1x16xf32>,
        %get3A_465 = vector.shape_cast %get3A_464 : vector<1x16xf32> to vector<16xf32>
        %mul3A_466 = vector.broadcast %squeeze3A_413 : f32 to vector<16xf32>
        %mul3A_467 = arith.mulf %get3A_465, %mul3A_466 : vector<16xf32>
        %swap3A_468 = arith.index_cast %add3A_417 : i32 to index
        %swap3A_469 = arith.constant 64 : index
        %swap3A_470 = tpu.vector_load %arg10[%swap3A_468, %swap3A_469] {strides = array<i32>} : memref<128x128xf32, #tpu.memory_space<vmem>>, vector<1x16xf32>,
        %swap3A_471 = vector.shape_cast %swap3A_470 : vector<1x16xf32> to vector<16xf32>
        %swap3A_472 = vector.shape_cast %mul3A_467 : vector<16xf32> to vector<1x16xf32>
        tpu.vector_store %arg10[%swap3A_468, %swap3A_469], %swap3A_472 {strides = array<i32>} : memref<128x128xf32, #tpu.memory_space<vmem>>, vector<1x16xf32>,
        %get3A_473 = arith.index_cast %add3A_417 : i32 to index
        %get3A_474 = arith.constant 80 : index
        %get3A_475 = tpu.vector_load %arg10[%get3A_473, %get3A_474] {strides = array<i32>} : memref<128x128xf32, #tpu.memory_space<vmem>>, vector<1x16xf32>,
        %get3A_476 = vector.shape_cast %get3A_475 : vector<1x16xf32> to vector<16xf32>
        %mul3A_477 = vector.broadcast %squeeze3A_413 : f32 to vector<16xf32>
        %mul3A_478 = arith.mulf %get3A_476, %mul3A_477 : vector<16xf32>
        %swap3A_479 = arith.index_cast %add3A_417 : i32 to index
        %swap3A_480 = arith.constant 80 : index
        %swap3A_481 = tpu.vector_load %arg10[%swap3A_479, %swap3A_480] {strides = array<i32>} : memref<128x128xf32, #tpu.memory_space<vmem>>, vector<1x16xf32>,
        %swap3A_482 = vector.shape_cast %swap3A_481 : vector<1x16xf32> to vector<16xf32>
        %swap3A_483 = vector.shape_cast %mul3A_478 : vector<16xf32> to vector<1x16xf32>
        tpu.vector_store %arg10[%swap3A_479, %swap3A_480], %swap3A_483 {strides = array<i32>} : memref<128x128xf32, #tpu.memory_space<vmem>>, vector<1x16xf32>,
        %get3A_484 = arith.index_cast %add3A_417 : i32 to index
        %get3A_485 = arith.constant 96 : index
        %get3A_486 = tpu.vector_load %arg10[%get3A_484, %get3A_485] {strides = array<i32>} : memref<128x128xf32, #tpu.memory_space<vmem>>, vector<1x16xf32>,
        %get3A_487 = vector.shape_cast %get3A_486 : vector<1x16xf32> to vector<16xf32>
        %mul3A_488 = vector.broadcast %squeeze3A_413 : f32 to vector<16xf32>
        %mul3A_489 = arith.mulf %get3A_487, %mul3A_488 : vector<16xf32>
        %swap3A_490 = arith.index_cast %add3A_417 : i32 to index
        %swap3A_491 = arith.constant 96 : index
        %swap3A_492 = tpu.vector_load %arg10[%swap3A_490, %swap3A_491] {strides = array<i32>} : memref<128x128xf32, #tpu.memory_space<vmem>>, vector<1x16xf32>,
        %swap3A_493 = vector.shape_cast %swap3A_492 : vector<1x16xf32> to vector<16xf32>
        %swap3A_494 = vector.shape_cast %mul3A_489 : vector<16xf32> to vector<1x16xf32>
        tpu.vector_store %arg10[%swap3A_490, %swap3A_491], %swap3A_494 {strides = array<i32>} : memref<128x128xf32, #tpu.memory_space<vmem>>, vector<1x16xf32>,
        %get3A_495 = arith.index_cast %add3A_417 : i32 to index
        %get3A_496 = arith.constant 112 : index
        %get3A_497 = tpu.vector_load %arg10[%get3A_495, %get3A_496] {strides = array<i32>} : memref<128x128xf32, #tpu.memory_space<vmem>>, vector<1x16xf32>,
        %get3A_498 = vector.shape_cast %get3A_497 : vector<1x16xf32> to vector<16xf32>
        %mul3A_499 = vector.broadcast %squeeze3A_413 : f32 to vector<16xf32>
        %mul3A_500 = arith.mulf %get3A_498, %mul3A_499 : vector<16xf32>
        %swap3A_501 = arith.index_cast %add3A_417 : i32 to index
        %swap3A_502 = arith.constant 112 : index
        %swap3A_503 = tpu.vector_load %arg10[%swap3A_501, %swap3A_502] {strides = array<i32>} : memref<128x128xf32, #tpu.memory_space<vmem>>, vector<1x16xf32>,
        %swap3A_504 = vector.shape_cast %swap3A_503 : vector<1x16xf32> to vector<16xf32>
        %swap3A_505 = vector.shape_cast %mul3A_500 : vector<16xf32> to vector<1x16xf32>
        tpu.vector_store %arg10[%swap3A_501, %swap3A_502], %swap3A_505 {strides = array<i32>} : memref<128x128xf32, #tpu.memory_space<vmem>>, vector<1x16xf32>,
        %slice3A_506 = vector.extract_strided_slice %get3A_132 {offsets = [4], sizes = [1], strides = [1]} : vector<16xf32> to vector<1xf32>
        %squeeze3A_507 = vector.extract %slice3A_506[0] : f32 from vector<1xf32>
        %mul3A_508 = arith.constant 16 : i32
        %mul3A_509 = arith.muli %scan3A_124, %mul3A_508 : i32
        %add3A_510 = arith.constant 4 : i32
        %add3A_511 = arith.addi %mul3A_509, %add3A_510 : i32
        %get3A_512 = arith.index_cast %add3A_511 : i32 to index
        %get3A_513 = arith.constant 0 : index
        %get3A_514 = tpu.vector_load %arg10[%get3A_512, %get3A_513] {strides = array<i32>} : memref<128x128xf32, #tpu.memory_space<vmem>>, vector<1x16xf32>,
        %get3A_515 = vector.shape_cast %get3A_514 : vector<1x16xf32> to vector<16xf32>
        %mul3A_516 = vector.broadcast %squeeze3A_507 : f32 to vector<16xf32>
        %mul3A_517 = arith.mulf %get3A_515, %mul3A_516 : vector<16xf32>
        %swap3A_518 = arith.index_cast %add3A_511 : i32 to index
        %swap3A_519 = arith.constant 0 : index
        %swap3A_520 = tpu.vector_load %arg10[%swap3A_518, %swap3A_519] {strides = array<i32>} : memref<128x128xf32, #tpu.memory_space<vmem>>, vector<1x16xf32>,
        %swap3A_521 = vector.shape_cast %swap3A_520 : vector<1x16xf32> to vector<16xf32>
        %swap3A_522 = vector.shape_cast %mul3A_517 : vector<16xf32> to vector<1x16xf32>
        tpu.vector_store %arg10[%swap3A_518, %swap3A_519], %swap3A_522 {strides = array<i32>} : memref<128x128xf32, #tpu.memory_space<vmem>>, vector<1x16xf32>,
        %get3A_523 = arith.index_cast %add3A_511 : i32 to index
        %get3A_524 = arith.constant 16 : index
        %get3A_525 = tpu.vector_load %arg10[%get3A_523, %get3A_524] {strides = array<i32>} : memref<128x128xf32, #tpu.memory_space<vmem>>, vector<1x16xf32>,
        %get3A_526 = vector.shape_cast %get3A_525 : vector<1x16xf32> to vector<16xf32>
        %mul3A_527 = vector.broadcast %squeeze3A_507 : f32 to vector<16xf32>
        %mul3A_528 = arith.mulf %get3A_526, %mul3A_527 : vector<16xf32>
        %swap3A_529 = arith.index_cast %add3A_511 : i32 to index
        %swap3A_530 = arith.constant 16 : index
        %swap3A_531 = tpu.vector_load %arg10[%swap3A_529, %swap3A_530] {strides = array<i32>} : memref<128x128xf32, #tpu.memory_space<vmem>>, vector<1x16xf32>,
        %swap3A_532 = vector.shape_cast %swap3A_531 : vector<1x16xf32> to vector<16xf32>
        %swap3A_533 = vector.shape_cast %mul3A_528 : vector<16xf32> to vector<1x16xf32>
        tpu.vector_store %arg10[%swap3A_529, %swap3A_530], %swap3A_533 {strides = array<i32>} : memref<128x128xf32, #tpu.memory_space<vmem>>, vector<1x16xf32>,
        %get3A_534 = arith.index_cast %add3A_511 : i32 to index
        %get3A_535 = arith.constant 32 : index
        %get3A_536 = tpu.vector_load %arg10[%get3A_534, %get3A_535] {strides = array<i32>} : memref<128x128xf32, #tpu.memory_space<vmem>>, vector<1x16xf32>,
        %get3A_537 = vector.shape_cast %get3A_536 : vector<1x16xf32> to vector<16xf32>
        %mul3A_538 = vector.broadcast %squeeze3A_507 : f32 to vector<16xf32>
        %mul3A_539 = arith.mulf %get3A_537, %mul3A_538 : vector<16xf32>
        %swap3A_540 = arith.index_cast %add3A_511 : i32 to index
        %swap3A_541 = arith.constant 32 : index
        %swap3A_542 = tpu.vector_load %arg10[%swap3A_540, %swap3A_541] {strides = array<i32>} : memref<128x128xf32, #tpu.memory_space<vmem>>, vector<1x16xf32>,
        %swap3A_543 = vector.shape_cast %swap3A_542 : vector<1x16xf32> to vector<16xf32>
        %swap3A_544 = vector.shape_cast %mul3A_539 : vector<16xf32> to vector<1x16xf32>
        tpu.vector_store %arg10[%swap3A_540, %swap3A_541], %swap3A_544 {strides = array<i32>} : memref<128x128xf32, #tpu.memory_space<vmem>>, vector<1x16xf32>,
        %get3A_545 = arith.index_cast %add3A_511 : i32 to index
        %get3A_546 = arith.constant 48 : index
        %get3A_547 = tpu.vector_load %arg10[%get3A_545, %get3A_546] {strides = array<i32>} : memref<128x128xf32, #tpu.memory_space<vmem>>, vector<1x16xf32>,
        %get3A_548 = vector.shape_cast %get3A_547 : vector<1x16xf32> to vector<16xf32>
        %mul3A_549 = vector.broadcast %squeeze3A_507 : f32 to vector<16xf32>
        %mul3A_550 = arith.mulf %get3A_548, %mul3A_549 : vector<16xf32>
        %swap3A_551 = arith.index_cast %add3A_511 : i32 to index
        %swap3A_552 = arith.constant 48 : index
        %swap3A_553 = tpu.vector_load %arg10[%swap3A_551, %swap3A_552] {strides = array<i32>} : memref<128x128xf32, #tpu.memory_space<vmem>>, vector<1x16xf32>,
        %swap3A_554 = vector.shape_cast %swap3A_553 : vector<1x16xf32> to vector<16xf32>
        %swap3A_555 = vector.shape_cast %mul3A_550 : vector<16xf32> to vector<1x16xf32>
        tpu.vector_store %arg10[%swap3A_551, %swap3A_552], %swap3A_555 {strides = array<i32>} : memref<128x128xf32, #tpu.memory_space<vmem>>, vector<1x16xf32>,
        %get3A_556 = arith.index_cast %add3A_511 : i32 to index
        %get3A_557 = arith.constant 64 : index
        %get3A_558 = tpu.vector_load %arg10[%get3A_556, %get3A_557] {strides = array<i32>} : memref<128x128xf32, #tpu.memory_space<vmem>>, vector<1x16xf32>,
        %get3A_559 = vector.shape_cast %get3A_558 : vector<1x16xf32> to vector<16xf32>
        %mul3A_560 = vector.broadcast %squeeze3A_507 : f32 to vector<16xf32>
        %mul3A_561 = arith.mulf %get3A_559, %mul3A_560 : vector<16xf32>
        %swap3A_562 = arith.index_cast %add3A_511 : i32 to index
        %swap3A_563 = arith.constant 64 : index
        %swap3A_564 = tpu.vector_load %arg10[%swap3A_562, %swap3A_563] {strides = array<i32>} : memref<128x128xf32, #tpu.memory_space<vmem>>, vector<1x16xf32>,
        %swap3A_565 = vector.shape_cast %swap3A_564 : vector<1x16xf32> to vector<16xf32>
        %swap3A_566 = vector.shape_cast %mul3A_561 : vector<16xf32> to vector<1x16xf32>
        tpu.vector_store %arg10[%swap3A_562, %swap3A_563], %swap3A_566 {strides = array<i32>} : memref<128x128xf32, #tpu.memory_space<vmem>>, vector<1x16xf32>,
        %get3A_567 = arith.index_cast %add3A_511 : i32 to index
        %get3A_568 = arith.constant 80 : index
        %get3A_569 = tpu.vector_load %arg10[%get3A_567, %get3A_568] {strides = array<i32>} : memref<128x128xf32, #tpu.memory_space<vmem>>, vector<1x16xf32>,
        %get3A_570 = vector.shape_cast %get3A_569 : vector<1x16xf32> to vector<16xf32>
        %mul3A_571 = vector.broadcast %squeeze3A_507 : f32 to vector<16xf32>
        %mul3A_572 = arith.mulf %get3A_570, %mul3A_571 : vector<16xf32>
        %swap3A_573 = arith.index_cast %add3A_511 : i32 to index
        %swap3A_574 = arith.constant 80 : index
        %swap3A_575 = tpu.vector_load %arg10[%swap3A_573, %swap3A_574] {strides = array<i32>} : memref<128x128xf32, #tpu.memory_space<vmem>>, vector<1x16xf32>,
        %swap3A_576 = vector.shape_cast %swap3A_575 : vector<1x16xf32> to vector<16xf32>
        %swap3A_577 = vector.shape_cast %mul3A_572 : vector<16xf32> to vector<1x16xf32>
        tpu.vector_store %arg10[%swap3A_573, %swap3A_574], %swap3A_577 {strides = array<i32>} : memref<128x128xf32, #tpu.memory_space<vmem>>, vector<1x16xf32>,
        %get3A_578 = arith.index_cast %add3A_511 : i32 to index
        %get3A_579 = arith.constant 96 : index
        %get3A_580 = tpu.vector_load %arg10[%get3A_578, %get3A_579] {strides = array<i32>} : memref<128x128xf32, #tpu.memory_space<vmem>>, vector<1x16xf32>,
        %get3A_581 = vector.shape_cast %get3A_580 : vector<1x16xf32> to vector<16xf32>
        %mul3A_582 = vector.broadcast %squeeze3A_507 : f32 to vector<16xf32>
        %mul3A_583 = arith.mulf %get3A_581, %mul3A_582 : vector<16xf32>
        %swap3A_584 = arith.index_cast %add3A_511 : i32 to index
        %swap3A_585 = arith.constant 96 : index
        %swap3A_586 = tpu.vector_load %arg10[%swap3A_584, %swap3A_585] {strides = array<i32>} : memref<128x128xf32, #tpu.memory_space<vmem>>, vector<1x16xf32>,
        %swap3A_587 = vector.shape_cast %swap3A_586 : vector<1x16xf32> to vector<16xf32>
        %swap3A_588 = vector.shape_cast %mul3A_583 : vector<16xf32> to vector<1x16xf32>
        tpu.vector_store %arg10[%swap3A_584, %swap3A_585], %swap3A_588 {strides = array<i32>} : memref<128x128xf32, #tpu.memory_space<vmem>>, vector<1x16xf32>,
        %get3A_589 = arith.index_cast %add3A_511 : i32 to index
        %get3A_590 = arith.constant 112 : index
        %get3A_591 = tpu.vector_load %arg10[%get3A_589, %get3A_590] {strides = array<i32>} : memref<128x128xf32, #tpu.memory_space<vmem>>, vector<1x16xf32>,
        %get3A_592 = vector.shape_cast %get3A_591 : vector<1x16xf32> to vector<16xf32>
        %mul3A_593 = vector.broadcast %squeeze3A_507 : f32 to vector<16xf32>
        %mul3A_594 = arith.mulf %get3A_592, %mul3A_593 : vector<16xf32>
        %swap3A_595 = arith.index_cast %add3A_511 : i32 to index
        %swap3A_596 = arith.constant 112 : index
        %swap3A_597 = tpu.vector_load %arg10[%swap3A_595, %swap3A_596] {strides = array<i32>} : memref<128x128xf32, #tpu.memory_space<vmem>>, vector<1x16xf32>,
        %swap3A_598 = vector.shape_cast %swap3A_597 : vector<1x16xf32> to vector<16xf32>
        %swap3A_599 = vector.shape_cast %mul3A_594 : vector<16xf32> to vector<1x16xf32>
        tpu.vector_store %arg10[%swap3A_595, %swap3A_596], %swap3A_599 {strides = array<i32>} : memref<128x128xf32, #tpu.memory_space<vmem>>, vector<1x16xf32>,
        %slice3A_600 = vector.extract_strided_slice %get3A_132 {offsets = [5], sizes = [1], strides = [1]} : vector<16xf32> to vector<1xf32>
        %squeeze3A_601 = vector.extract %slice3A_600[0] : f32 from vector<1xf32>
        %mul3A_602 = arith.constant 16 : i32
        %mul3A_603 = arith.muli %scan3A_124, %mul3A_602 : i32
        %add3A_604 = arith.constant 5 : i32
        %add3A_605 = arith.addi %mul3A_603, %add3A_604 : i32
        %get3A_606 = arith.index_cast %add3A_605 : i32 to index
        %get3A_607 = arith.constant 0 : index
        %get3A_608 = tpu.vector_load %arg10[%get3A_606, %get3A_607] {strides = array<i32>} : memref<128x128xf32, #tpu.memory_space<vmem>>, vector<1x16xf32>,
        %get3A_609 = vector.shape_cast %get3A_608 : vector<1x16xf32> to vector<16xf32>
        %mul3A_610 = vector.broadcast %squeeze3A_601 : f32 to vector<16xf32>
        %mul3A_611 = arith.mulf %get3A_609, %mul3A_610 : vector<16xf32>
        %swap3A_612 = arith.index_cast %add3A_605 : i32 to index
        %swap3A_613 = arith.constant 0 : index
        %swap3A_614 = tpu.vector_load %arg10[%swap3A_612, %swap3A_613] {strides = array<i32>} : memref<128x128xf32, #tpu.memory_space<vmem>>, vector<1x16xf32>,
        %swap3A_615 = vector.shape_cast %swap3A_614 : vector<1x16xf32> to vector<16xf32>
        %swap3A_616 = vector.shape_cast %mul3A_611 : vector<16xf32> to vector<1x16xf32>
        tpu.vector_store %arg10[%swap3A_612, %swap3A_613], %swap3A_616 {strides = array<i32>} : memref<128x128xf32, #tpu.memory_space<vmem>>, vector<1x16xf32>,
        %get3A_617 = arith.index_cast %add3A_605 : i32 to index
        %get3A_618 = arith.constant 16 : index
        %get3A_619 = tpu.vector_load %arg10[%get3A_617, %get3A_618] {strides = array<i32>} : memref<128x128xf32, #tpu.memory_space<vmem>>, vector<1x16xf32>,
        %get3A_620 = vector.shape_cast %get3A_619 : vector<1x16xf32> to vector<16xf32>
        %mul3A_621 = vector.broadcast %squeeze3A_601 : f32 to vector<16xf32>
        %mul3A_622 = arith.mulf %get3A_620, %mul3A_621 : vector<16xf32>
        %swap3A_623 = arith.index_cast %add3A_605 : i32 to index
        %swap3A_624 = arith.constant 16 : index
        %swap3A_625 = tpu.vector_load %arg10[%swap3A_623, %swap3A_624] {strides = array<i32>} : memref<128x128xf32, #tpu.memory_space<vmem>>, vector<1x16xf32>,
        %swap3A_626 = vector.shape_cast %swap3A_625 : vector<1x16xf32> to vector<16xf32>
        %swap3A_627 = vector.shape_cast %mul3A_622 : vector<16xf32> to vector<1x16xf32>
        tpu.vector_store %arg10[%swap3A_623, %swap3A_624], %swap3A_627 {strides = array<i32>} : memref<128x128xf32, #tpu.memory_space<vmem>>, vector<1x16xf32>,
        %get3A_628 = arith.index_cast %add3A_605 : i32 to index
        %get3A_629 = arith.constant 32 : index
        %get3A_630 = tpu.vector_load %arg10[%get3A_628, %get3A_629] {strides = array<i32>} : memref<128x128xf32, #tpu.memory_space<vmem>>, vector<1x16xf32>,
        %get3A_631 = vector.shape_cast %get3A_630 : vector<1x16xf32> to vector<16xf32>
        %mul3A_632 = vector.broadcast %squeeze3A_601 : f32 to vector<16xf32>
        %mul3A_633 = arith.mulf %get3A_631, %mul3A_632 : vector<16xf32>
        %swap3A_634 = arith.index_cast %add3A_605 : i32 to index
        %swap3A_635 = arith.constant 32 : index
        %swap3A_636 = tpu.vector_load %arg10[%swap3A_634, %swap3A_635] {strides = array<i32>} : memref<128x128xf32, #tpu.memory_space<vmem>>, vector<1x16xf32>,
        %swap3A_637 = vector.shape_cast %swap3A_636 : vector<1x16xf32> to vector<16xf32>
        %swap3A_638 = vector.shape_cast %mul3A_633 : vector<16xf32> to vector<1x16xf32>
        tpu.vector_store %arg10[%swap3A_634, %swap3A_635], %swap3A_638 {strides = array<i32>} : memref<128x128xf32, #tpu.memory_space<vmem>>, vector<1x16xf32>,
        %get3A_639 = arith.index_cast %add3A_605 : i32 to index
        %get3A_640 = arith.constant 48 : index
        %get3A_641 = tpu.vector_load %arg10[%get3A_639, %get3A_640] {strides = array<i32>} : memref<128x128xf32, #tpu.memory_space<vmem>>, vector<1x16xf32>,
        %get3A_642 = vector.shape_cast %get3A_641 : vector<1x16xf32> to vector<16xf32>
        %mul3A_643 = vector.broadcast %squeeze3A_601 : f32 to vector<16xf32>
        %mul3A_644 = arith.mulf %get3A_642, %mul3A_643 : vector<16xf32>
        %swap3A_645 = arith.index_cast %add3A_605 : i32 to index
        %swap3A_646 = arith.constant 48 : index
        %swap3A_647 = tpu.vector_load %arg10[%swap3A_645, %swap3A_646] {strides = array<i32>} : memref<128x128xf32, #tpu.memory_space<vmem>>, vector<1x16xf32>,
        %swap3A_648 = vector.shape_cast %swap3A_647 : vector<1x16xf32> to vector<16xf32>
        %swap3A_649 = vector.shape_cast %mul3A_644 : vector<16xf32> to vector<1x16xf32>
        tpu.vector_store %arg10[%swap3A_645, %swap3A_646], %swap3A_649 {strides = array<i32>} : memref<128x128xf32, #tpu.memory_space<vmem>>, vector<1x16xf32>,
        %get3A_650 = arith.index_cast %add3A_605 : i32 to index
        %get3A_651 = arith.constant 64 : index
        %get3A_652 = tpu.vector_load %arg10[%get3A_650, %get3A_651] {strides = array<i32>} : memref<128x128xf32, #tpu.memory_space<vmem>>, vector<1x16xf32>,
        %get3A_653 = vector.shape_cast %get3A_652 : vector<1x16xf32> to vector<16xf32>
        %mul3A_654 = vector.broadcast %squeeze3A_601 : f32 to vector<16xf32>
        %mul3A_655 = arith.mulf %get3A_653, %mul3A_654 : vector<16xf32>
        %swap3A_656 = arith.index_cast %add3A_605 : i32 to index
        %swap3A_657 = arith.constant 64 : index
        %swap3A_658 = tpu.vector_load %arg10[%swap3A_656, %swap3A_657] {strides = array<i32>} : memref<128x128xf32, #tpu.memory_space<vmem>>, vector<1x16xf32>,
        %swap3A_659 = vector.shape_cast %swap3A_658 : vector<1x16xf32> to vector<16xf32>
        %swap3A_660 = vector.shape_cast %mul3A_655 : vector<16xf32> to vector<1x16xf32>
        tpu.vector_store %arg10[%swap3A_656, %swap3A_657], %swap3A_660 {strides = array<i32>} : memref<128x128xf32, #tpu.memory_space<vmem>>, vector<1x16xf32>,
        %get3A_661 = arith.index_cast %add3A_605 : i32 to index
        %get3A_662 = arith.constant 80 : index
        %get3A_663 = tpu.vector_load %arg10[%get3A_661, %get3A_662] {strides = array<i32>} : memref<128x128xf32, #tpu.memory_space<vmem>>, vector<1x16xf32>,
        %get3A_664 = vector.shape_cast %get3A_663 : vector<1x16xf32> to vector<16xf32>
        %mul3A_665 = vector.broadcast %squeeze3A_601 : f32 to vector<16xf32>
        %mul3A_666 = arith.mulf %get3A_664, %mul3A_665 : vector<16xf32>
        %swap3A_667 = arith.index_cast %add3A_605 : i32 to index
        %swap3A_668 = arith.constant 80 : index
        %swap3A_669 = tpu.vector_load %arg10[%swap3A_667, %swap3A_668] {strides = array<i32>} : memref<128x128xf32, #tpu.memory_space<vmem>>, vector<1x16xf32>,
        %swap3A_670 = vector.shape_cast %swap3A_669 : vector<1x16xf32> to vector<16xf32>
        %swap3A_671 = vector.shape_cast %mul3A_666 : vector<16xf32> to vector<1x16xf32>
        tpu.vector_store %arg10[%swap3A_667, %swap3A_668], %swap3A_671 {strides = array<i32>} : memref<128x128xf32, #tpu.memory_space<vmem>>, vector<1x16xf32>,
        %get3A_672 = arith.index_cast %add3A_605 : i32 to index
        %get3A_673 = arith.constant 96 : index
        %get3A_674 = tpu.vector_load %arg10[%get3A_672, %get3A_673] {strides = array<i32>} : memref<128x128xf32, #tpu.memory_space<vmem>>, vector<1x16xf32>,
        %get3A_675 = vector.shape_cast %get3A_674 : vector<1x16xf32> to vector<16xf32>
        %mul3A_676 = vector.broadcast %squeeze3A_601 : f32 to vector<16xf32>
        %mul3A_677 = arith.mulf %get3A_675, %mul3A_676 : vector<16xf32>
        %swap3A_678 = arith.index_cast %add3A_605 : i32 to index
        %swap3A_679 = arith.constant 96 : index
        %swap3A_680 = tpu.vector_load %arg10[%swap3A_678, %swap3A_679] {strides = array<i32>} : memref<128x128xf32, #tpu.memory_space<vmem>>, vector<1x16xf32>,
        %swap3A_681 = vector.shape_cast %swap3A_680 : vector<1x16xf32> to vector<16xf32>
        %swap3A_682 = vector.shape_cast %mul3A_677 : vector<16xf32> to vector<1x16xf32>
        tpu.vector_store %arg10[%swap3A_678, %swap3A_679], %swap3A_682 {strides = array<i32>} : memref<128x128xf32, #tpu.memory_space<vmem>>, vector<1x16xf32>,
        %get3A_683 = arith.index_cast %add3A_605 : i32 to index
        %get3A_684 = arith.constant 112 : index
        %get3A_685 = tpu.vector_load %arg10[%get3A_683, %get3A_684] {strides = array<i32>} : memref<128x128xf32, #tpu.memory_space<vmem>>, vector<1x16xf32>,
        %get3A_686 = vector.shape_cast %get3A_685 : vector<1x16xf32> to vector<16xf32>
        %mul3A_687 = vector.broadcast %squeeze3A_601 : f32 to vector<16xf32>
        %mul3A_688 = arith.mulf %get3A_686, %mul3A_687 : vector<16xf32>
        %swap3A_689 = arith.index_cast %add3A_605 : i32 to index
        %swap3A_690 = arith.constant 112 : index
        %swap3A_691 = tpu.vector_load %arg10[%swap3A_689, %swap3A_690] {strides = array<i32>} : memref<128x128xf32, #tpu.memory_space<vmem>>, vector<1x16xf32>,
        %swap3A_692 = vector.shape_cast %swap3A_691 : vector<1x16xf32> to vector<16xf32>
        %swap3A_693 = vector.shape_cast %mul3A_688 : vector<16xf32> to vector<1x16xf32>
        tpu.vector_store %arg10[%swap3A_689, %swap3A_690], %swap3A_693 {strides = array<i32>} : memref<128x128xf32, #tpu.memory_space<vmem>>, vector<1x16xf32>,
        %slice3A_694 = vector.extract_strided_slice %get3A_132 {offsets = [6], sizes = [1], strides = [1]} : vector<16xf32> to vector<1xf32>
        %squeeze3A_695 = vector.extract %slice3A_694[0] : f32 from vector<1xf32>
        %mul3A_696 = arith.constant 16 : i32
        %mul3A_697 = arith.muli %scan3A_124, %mul3A_696 : i32
        %add3A_698 = arith.constant 6 : i32
        %add3A_699 = arith.addi %mul3A_697, %add3A_698 : i32
        %get3A_700 = arith.index_cast %add3A_699 : i32 to index
        %get3A_701 = arith.constant 0 : index
        %get3A_702 = tpu.vector_load %arg10[%get3A_700, %get3A_701] {strides = array<i32>} : memref<128x128xf32, #tpu.memory_space<vmem>>, vector<1x16xf32>,
        %get3A_703 = vector.shape_cast %get3A_702 : vector<1x16xf32> to vector<16xf32>
        %mul3A_704 = vector.broadcast %squeeze3A_695 : f32 to vector<16xf32>
        %mul3A_705 = arith.mulf %get3A_703, %mul3A_704 : vector<16xf32>
        %swap3A_706 = arith.index_cast %add3A_699 : i32 to index
        %swap3A_707 = arith.constant 0 : index
        %swap3A_708 = tpu.vector_load %arg10[%swap3A_706, %swap3A_707] {strides = array<i32>} : memref<128x128xf32, #tpu.memory_space<vmem>>, vector<1x16xf32>,
        %swap3A_709 = vector.shape_cast %swap3A_708 : vector<1x16xf32> to vector<16xf32>
        %swap3A_710 = vector.shape_cast %mul3A_705 : vector<16xf32> to vector<1x16xf32>
        tpu.vector_store %arg10[%swap3A_706, %swap3A_707], %swap3A_710 {strides = array<i32>} : memref<128x128xf32, #tpu.memory_space<vmem>>, vector<1x16xf32>,
        %get3A_711 = arith.index_cast %add3A_699 : i32 to index
        %get3A_712 = arith.constant 16 : index
        %get3A_713 = tpu.vector_load %arg10[%get3A_711, %get3A_712] {strides = array<i32>} : memref<128x128xf32, #tpu.memory_space<vmem>>, vector<1x16xf32>,
        %get3A_714 = vector.shape_cast %get3A_713 : vector<1x16xf32> to vector<16xf32>
        %mul3A_715 = vector.broadcast %squeeze3A_695 : f32 to vector<16xf32>
        %mul3A_716 = arith.mulf %get3A_714, %mul3A_715 : vector<16xf32>
        %swap3A_717 = arith.index_cast %add3A_699 : i32 to index
        %swap3A_718 = arith.constant 16 : index
        %swap3A_719 = tpu.vector_load %arg10[%swap3A_717, %swap3A_718] {strides = array<i32>} : memref<128x128xf32, #tpu.memory_space<vmem>>, vector<1x16xf32>,
        %swap3A_720 = vector.shape_cast %swap3A_719 : vector<1x16xf32> to vector<16xf32>
        %swap3A_721 = vector.shape_cast %mul3A_716 : vector<16xf32> to vector<1x16xf32>
        tpu.vector_store %arg10[%swap3A_717, %swap3A_718], %swap3A_721 {strides = array<i32>} : memref<128x128xf32, #tpu.memory_space<vmem>>, vector<1x16xf32>,
        %get3A_722 = arith.index_cast %add3A_699 : i32 to index
        %get3A_723 = arith.constant 32 : index
        %get3A_724 = tpu.vector_load %arg10[%get3A_722, %get3A_723] {strides = array<i32>} : memref<128x128xf32, #tpu.memory_space<vmem>>, vector<1x16xf32>,
        %get3A_725 = vector.shape_cast %get3A_724 : vector<1x16xf32> to vector<16xf32>
        %mul3A_726 = vector.broadcast %squeeze3A_695 : f32 to vector<16xf32>
        %mul3A_727 = arith.mulf %get3A_725, %mul3A_726 : vector<16xf32>
        %swap3A_728 = arith.index_cast %add3A_699 : i32 to index
        %swap3A_729 = arith.constant 32 : index
        %swap3A_730 = tpu.vector_load %arg10[%swap3A_728, %swap3A_729] {strides = array<i32>} : memref<128x128xf32, #tpu.memory_space<vmem>>, vector<1x16xf32>,
        %swap3A_731 = vector.shape_cast %swap3A_730 : vector<1x16xf32> to vector<16xf32>
        %swap3A_732 = vector.shape_cast %mul3A_727 : vector<16xf32> to vector<1x16xf32>
        tpu.vector_store %arg10[%swap3A_728, %swap3A_729], %swap3A_732 {strides = array<i32>} : memref<128x128xf32, #tpu.memory_space<vmem>>, vector<1x16xf32>,
        %get3A_733 = arith.index_cast %add3A_699 : i32 to index
        %get3A_734 = arith.constant 48 : index
        %get3A_735 = tpu.vector_load %arg10[%get3A_733, %get3A_734] {strides = array<i32>} : memref<128x128xf32, #tpu.memory_space<vmem>>, vector<1x16xf32>,
        %get3A_736 = vector.shape_cast %get3A_735 : vector<1x16xf32> to vector<16xf32>
        %mul3A_737 = vector.broadcast %squeeze3A_695 : f32 to vector<16xf32>
        %mul3A_738 = arith.mulf %get3A_736, %mul3A_737 : vector<16xf32>
        %swap3A_739 = arith.index_cast %add3A_699 : i32 to index
        %swap3A_740 = arith.constant 48 : index
        %swap3A_741 = tpu.vector_load %arg10[%swap3A_739, %swap3A_740] {strides = array<i32>} : memref<128x128xf32, #tpu.memory_space<vmem>>, vector<1x16xf32>,
        %swap3A_742 = vector.shape_cast %swap3A_741 : vector<1x16xf32> to vector<16xf32>
        %swap3A_743 = vector.shape_cast %mul3A_738 : vector<16xf32> to vector<1x16xf32>
        tpu.vector_store %arg10[%swap3A_739, %swap3A_740], %swap3A_743 {strides = array<i32>} : memref<128x128xf32, #tpu.memory_space<vmem>>, vector<1x16xf32>,
        %get3A_744 = arith.index_cast %add3A_699 : i32 to index
        %get3A_745 = arith.constant 64 : index
        %get3A_746 = tpu.vector_load %arg10[%get3A_744, %get3A_745] {strides = array<i32>} : memref<128x128xf32, #tpu.memory_space<vmem>>, vector<1x16xf32>,
        %get3A_747 = vector.shape_cast %get3A_746 : vector<1x16xf32> to vector<16xf32>
        %mul3A_748 = vector.broadcast %squeeze3A_695 : f32 to vector<16xf32>
        %mul3A_749 = arith.mulf %get3A_747, %mul3A_748 : vector<16xf32>
        %swap3A_750 = arith.index_cast %add3A_699 : i32 to index
        %swap3A_751 = arith.constant 64 : index
        %swap3A_752 = tpu.vector_load %arg10[%swap3A_750, %swap3A_751] {strides = array<i32>} : memref<128x128xf32, #tpu.memory_space<vmem>>, vector<1x16xf32>,
        %swap3A_753 = vector.shape_cast %swap3A_752 : vector<1x16xf32> to vector<16xf32>
        %swap3A_754 = vector.shape_cast %mul3A_749 : vector<16xf32> to vector<1x16xf32>
        tpu.vector_store %arg10[%swap3A_750, %swap3A_751], %swap3A_754 {strides = array<i32>} : memref<128x128xf32, #tpu.memory_space<vmem>>, vector<1x16xf32>,
        %get3A_755 = arith.index_cast %add3A_699 : i32 to index
        %get3A_756 = arith.constant 80 : index
        %get3A_757 = tpu.vector_load %arg10[%get3A_755, %get3A_756] {strides = array<i32>} : memref<128x128xf32, #tpu.memory_space<vmem>>, vector<1x16xf32>,
        %get3A_758 = vector.shape_cast %get3A_757 : vector<1x16xf32> to vector<16xf32>
        %mul3A_759 = vector.broadcast %squeeze3A_695 : f32 to vector<16xf32>
        %mul3A_760 = arith.mulf %get3A_758, %mul3A_759 : vector<16xf32>
        %swap3A_761 = arith.index_cast %add3A_699 : i32 to index
        %swap3A_762 = arith.constant 80 : index
        %swap3A_763 = tpu.vector_load %arg10[%swap3A_761, %swap3A_762] {strides = array<i32>} : memref<128x128xf32, #tpu.memory_space<vmem>>, vector<1x16xf32>,
        %swap3A_764 = vector.shape_cast %swap3A_763 : vector<1x16xf32> to vector<16xf32>
        %swap3A_765 = vector.shape_cast %mul3A_760 : vector<16xf32> to vector<1x16xf32>
        tpu.vector_store %arg10[%swap3A_761, %swap3A_762], %swap3A_765 {strides = array<i32>} : memref<128x128xf32, #tpu.memory_space<vmem>>, vector<1x16xf32>,
        %get3A_766 = arith.index_cast %add3A_699 : i32 to index
        %get3A_767 = arith.constant 96 : index
        %get3A_768 = tpu.vector_load %arg10[%get3A_766, %get3A_767] {strides = array<i32>} : memref<128x128xf32, #tpu.memory_space<vmem>>, vector<1x16xf32>,
        %get3A_769 = vector.shape_cast %get3A_768 : vector<1x16xf32> to vector<16xf32>
        %mul3A_770 = vector.broadcast %squeeze3A_695 : f32 to vector<16xf32>
        %mul3A_771 = arith.mulf %get3A_769, %mul3A_770 : vector<16xf32>
        %swap3A_772 = arith.index_cast %add3A_699 : i32 to index
        %swap3A_773 = arith.constant 96 : index
        %swap3A_774 = tpu.vector_load %arg10[%swap3A_772, %swap3A_773] {strides = array<i32>} : memref<128x128xf32, #tpu.memory_space<vmem>>, vector<1x16xf32>,
        %swap3A_775 = vector.shape_cast %swap3A_774 : vector<1x16xf32> to vector<16xf32>
        %swap3A_776 = vector.shape_cast %mul3A_771 : vector<16xf32> to vector<1x16xf32>
        tpu.vector_store %arg10[%swap3A_772, %swap3A_773], %swap3A_776 {strides = array<i32>} : memref<128x128xf32, #tpu.memory_space<vmem>>, vector<1x16xf32>,
        %get3A_777 = arith.index_cast %add3A_699 : i32 to index
        %get3A_778 = arith.constant 112 : index
        %get3A_779 = tpu.vector_load %arg10[%get3A_777, %get3A_778] {strides = array<i32>} : memref<128x128xf32, #tpu.memory_space<vmem>>, vector<1x16xf32>,
        %get3A_780 = vector.shape_cast %get3A_779 : vector<1x16xf32> to vector<16xf32>
        %mul3A_781 = vector.broadcast %squeeze3A_695 : f32 to vector<16xf32>
        %mul3A_782 = arith.mulf %get3A_780, %mul3A_781 : vector<16xf32>
        %swap3A_783 = arith.index_cast %add3A_699 : i32 to index
        %swap3A_784 = arith.constant 112 : index
        %swap3A_785 = tpu.vector_load %arg10[%swap3A_783, %swap3A_784] {strides = array<i32>} : memref<128x128xf32, #tpu.memory_space<vmem>>, vector<1x16xf32>,
        %swap3A_786 = vector.shape_cast %swap3A_785 : vector<1x16xf32> to vector<16xf32>
        %swap3A_787 = vector.shape_cast %mul3A_782 : vector<16xf32> to vector<1x16xf32>
        tpu.vector_store %arg10[%swap3A_783, %swap3A_784], %swap3A_787 {strides = array<i32>} : memref<128x128xf32, #tpu.memory_space<vmem>>, vector<1x16xf32>,
        %slice3A_788 = vector.extract_strided_slice %get3A_132 {offsets = [7], sizes = [1], strides = [1]} : vector<16xf32> to vector<1xf32>
        %squeeze3A_789 = vector.extract %slice3A_788[0] : f32 from vector<1xf32>
        %mul3A_790 = arith.constant 16 : i32
        %mul3A_791 = arith.muli %scan3A_124, %mul3A_790 : i32
        %add3A_792 = arith.constant 7 : i32
        %add3A_793 = arith.addi %mul3A_791, %add3A_792 : i32
        %get3A_794 = arith.index_cast %add3A_793 : i32 to index
        %get3A_795 = arith.constant 0 : index
        %get3A_796 = tpu.vector_load %arg10[%get3A_794, %get3A_795] {strides = array<i32>} : memref<128x128xf32, #tpu.memory_space<vmem>>, vector<1x16xf32>,
        %get3A_797 = vector.shape_cast %get3A_796 : vector<1x16xf32> to vector<16xf32>
        %mul3A_798 = vector.broadcast %squeeze3A_789 : f32 to vector<16xf32>
        %mul3A_799 = arith.mulf %get3A_797, %mul3A_798 : vector<16xf32>
        %swap3A_800 = arith.index_cast %add3A_793 : i32 to index
        %swap3A_801 = arith.constant 0 : index
        %swap3A_802 = tpu.vector_load %arg10[%swap3A_800, %swap3A_801] {strides = array<i32>} : memref<128x128xf32, #tpu.memory_space<vmem>>, vector<1x16xf32>,
        %swap3A_803 = vector.shape_cast %swap3A_802 : vector<1x16xf32> to vector<16xf32>
        %swap3A_804 = vector.shape_cast %mul3A_799 : vector<16xf32> to vector<1x16xf32>
        tpu.vector_store %arg10[%swap3A_800, %swap3A_801], %swap3A_804 {strides = array<i32>} : memref<128x128xf32, #tpu.memory_space<vmem>>, vector<1x16xf32>,
        %get3A_805 = arith.index_cast %add3A_793 : i32 to index
        %get3A_806 = arith.constant 16 : index
        %get3A_807 = tpu.vector_load %arg10[%get3A_805, %get3A_806] {strides = array<i32>} : memref<128x128xf32, #tpu.memory_space<vmem>>, vector<1x16xf32>,
        %get3A_808 = vector.shape_cast %get3A_807 : vector<1x16xf32> to vector<16xf32>
        %mul3A_809 = vector.broadcast %squeeze3A_789 : f32 to vector<16xf32>
        %mul3A_810 = arith.mulf %get3A_808, %mul3A_809 : vector<16xf32>
        %swap3A_811 = arith.index_cast %add3A_793 : i32 to index
        %swap3A_812 = arith.constant 16 : index
        %swap3A_813 = tpu.vector_load %arg10[%swap3A_811, %swap3A_812] {strides = array<i32>} : memref<128x128xf32, #tpu.memory_space<vmem>>, vector<1x16xf32>,
        %swap3A_814 = vector.shape_cast %swap3A_813 : vector<1x16xf32> to vector<16xf32>
        %swap3A_815 = vector.shape_cast %mul3A_810 : vector<16xf32> to vector<1x16xf32>
        tpu.vector_store %arg10[%swap3A_811, %swap3A_812], %swap3A_815 {strides = array<i32>} : memref<128x128xf32, #tpu.memory_space<vmem>>, vector<1x16xf32>,
        %get3A_816 = arith.index_cast %add3A_793 : i32 to index
        %get3A_817 = arith.constant 32 : index
        %get3A_818 = tpu.vector_load %arg10[%get3A_816, %get3A_817] {strides = array<i32>} : memref<128x128xf32, #tpu.memory_space<vmem>>, vector<1x16xf32>,
        %get3A_819 = vector.shape_cast %get3A_818 : vector<1x16xf32> to vector<16xf32>
        %mul3A_820 = vector.broadcast %squeeze3A_789 : f32 to vector<16xf32>
        %mul3A_821 = arith.mulf %get3A_819, %mul3A_820 : vector<16xf32>
        %swap3A_822 = arith.index_cast %add3A_793 : i32 to index
        %swap3A_823 = arith.constant 32 : index
        %swap3A_824 = tpu.vector_load %arg10[%swap3A_822, %swap3A_823] {strides = array<i32>} : memref<128x128xf32, #tpu.memory_space<vmem>>, vector<1x16xf32>,
        %swap3A_825 = vector.shape_cast %swap3A_824 : vector<1x16xf32> to vector<16xf32>
        %swap3A_826 = vector.shape_cast %mul3A_821 : vector<16xf32> to vector<1x16xf32>
        tpu.vector_store %arg10[%swap3A_822, %swap3A_823], %swap3A_826 {strides = array<i32>} : memref<128x128xf32, #tpu.memory_space<vmem>>, vector<1x16xf32>,
        %get3A_827 = arith.index_cast %add3A_793 : i32 to index
        %get3A_828 = arith.constant 48 : index
        %get3A_829 = tpu.vector_load %arg10[%get3A_827, %get3A_828] {strides = array<i32>} : memref<128x128xf32, #tpu.memory_space<vmem>>, vector<1x16xf32>,
        %get3A_830 = vector.shape_cast %get3A_829 : vector<1x16xf32> to vector<16xf32>
        %mul3A_831 = vector.broadcast %squeeze3A_789 : f32 to vector<16xf32>
        %mul3A_832 = arith.mulf %get3A_830, %mul3A_831 : vector<16xf32>
        %swap3A_833 = arith.index_cast %add3A_793 : i32 to index
        %swap3A_834 = arith.constant 48 : index
        %swap3A_835 = tpu.vector_load %arg10[%swap3A_833, %swap3A_834] {strides = array<i32>} : memref<128x128xf32, #tpu.memory_space<vmem>>, vector<1x16xf32>,
        %swap3A_836 = vector.shape_cast %swap3A_835 : vector<1x16xf32> to vector<16xf32>
        %swap3A_837 = vector.shape_cast %mul3A_832 : vector<16xf32> to vector<1x16xf32>
        tpu.vector_store %arg10[%swap3A_833, %swap3A_834], %swap3A_837 {strides = array<i32>} : memref<128x128xf32, #tpu.memory_space<vmem>>, vector<1x16xf32>,
        %get3A_838 = arith.index_cast %add3A_793 : i32 to index
        %get3A_839 = arith.constant 64 : index
        %get3A_840 = tpu.vector_load %arg10[%get3A_838, %get3A_839] {strides = array<i32>} : memref<128x128xf32, #tpu.memory_space<vmem>>, vector<1x16xf32>,
        %get3A_841 = vector.shape_cast %get3A_840 : vector<1x16xf32> to vector<16xf32>
        %mul3A_842 = vector.broadcast %squeeze3A_789 : f32 to vector<16xf32>
        %mul3A_843 = arith.mulf %get3A_841, %mul3A_842 : vector<16xf32>
        %swap3A_844 = arith.index_cast %add3A_793 : i32 to index
        %swap3A_845 = arith.constant 64 : index
        %swap3A_846 = tpu.vector_load %arg10[%swap3A_844, %swap3A_845] {strides = array<i32>} : memref<128x128xf32, #tpu.memory_space<vmem>>, vector<1x16xf32>,
        %swap3A_847 = vector.shape_cast %swap3A_846 : vector<1x16xf32> to vector<16xf32>
        %swap3A_848 = vector.shape_cast %mul3A_843 : vector<16xf32> to vector<1x16xf32>
        tpu.vector_store %arg10[%swap3A_844, %swap3A_845], %swap3A_848 {strides = array<i32>} : memref<128x128xf32, #tpu.memory_space<vmem>>, vector<1x16xf32>,
        %get3A_849 = arith.index_cast %add3A_793 : i32 to index
        %get3A_850 = arith.constant 80 : index
        %get3A_851 = tpu.vector_load %arg10[%get3A_849, %get3A_850] {strides = array<i32>} : memref<128x128xf32, #tpu.memory_space<vmem>>, vector<1x16xf32>,
        %get3A_852 = vector.shape_cast %get3A_851 : vector<1x16xf32> to vector<16xf32>
        %mul3A_853 = vector.broadcast %squeeze3A_789 : f32 to vector<16xf32>
        %mul3A_854 = arith.mulf %get3A_852, %mul3A_853 : vector<16xf32>
        %swap3A_855 = arith.index_cast %add3A_793 : i32 to index
        %swap3A_856 = arith.constant 80 : index
        %swap3A_857 = tpu.vector_load %arg10[%swap3A_855, %swap3A_856] {strides = array<i32>} : memref<128x128xf32, #tpu.memory_space<vmem>>, vector<1x16xf32>,
        %swap3A_858 = vector.shape_cast %swap3A_857 : vector<1x16xf32> to vector<16xf32>
        %swap3A_859 = vector.shape_cast %mul3A_854 : vector<16xf32> to vector<1x16xf32>
        tpu.vector_store %arg10[%swap3A_855, %swap3A_856], %swap3A_859 {strides = array<i32>} : memref<128x128xf32, #tpu.memory_space<vmem>>, vector<1x16xf32>,
        %get3A_860 = arith.index_cast %add3A_793 : i32 to index
        %get3A_861 = arith.constant 96 : index
        %get3A_862 = tpu.vector_load %arg10[%get3A_860, %get3A_861] {strides = array<i32>} : memref<128x128xf32, #tpu.memory_space<vmem>>, vector<1x16xf32>,
        %get3A_863 = vector.shape_cast %get3A_862 : vector<1x16xf32> to vector<16xf32>
        %mul3A_864 = vector.broadcast %squeeze3A_789 : f32 to vector<16xf32>
        %mul3A_865 = arith.mulf %get3A_863, %mul3A_864 : vector<16xf32>
        %swap3A_866 = arith.index_cast %add3A_793 : i32 to index
        %swap3A_867 = arith.constant 96 : index
        %swap3A_868 = tpu.vector_load %arg10[%swap3A_866, %swap3A_867] {strides = array<i32>} : memref<128x128xf32, #tpu.memory_space<vmem>>, vector<1x16xf32>,
        %swap3A_869 = vector.shape_cast %swap3A_868 : vector<1x16xf32> to vector<16xf32>
        %swap3A_870 = vector.shape_cast %mul3A_865 : vector<16xf32> to vector<1x16xf32>
        tpu.vector_store %arg10[%swap3A_866, %swap3A_867], %swap3A_870 {strides = array<i32>} : memref<128x128xf32, #tpu.memory_space<vmem>>, vector<1x16xf32>,
        %get3A_871 = arith.index_cast %add3A_793 : i32 to index
        %get3A_872 = arith.constant 112 : index
        %get3A_873 = tpu.vector_load %arg10[%get3A_871, %get3A_872] {strides = array<i32>} : memref<128x128xf32, #tpu.memory_space<vmem>>, vector<1x16xf32>,
        %get3A_874 = vector.shape_cast %get3A_873 : vector<1x16xf32> to vector<16xf32>
        %mul3A_875 = vector.broadcast %squeeze3A_789 : f32 to vector<16xf32>
        %mul3A_876 = arith.mulf %get3A_874, %mul3A_875 : vector<16xf32>
        %swap3A_877 = arith.index_cast %add3A_793 : i32 to index
        %swap3A_878 = arith.constant 112 : index
        %swap3A_879 = tpu.vector_load %arg10[%swap3A_877, %swap3A_878] {strides = array<i32>} : memref<128x128xf32, #tpu.memory_space<vmem>>, vector<1x16xf32>,
        %swap3A_880 = vector.shape_cast %swap3A_879 : vector<1x16xf32> to vector<16xf32>
        %swap3A_881 = vector.shape_cast %mul3A_876 : vector<16xf32> to vector<1x16xf32>
        tpu.vector_store %arg10[%swap3A_877, %swap3A_878], %swap3A_881 {strides = array<i32>} : memref<128x128xf32, #tpu.memory_space<vmem>>, vector<1x16xf32>,
        %slice3A_882 = vector.extract_strided_slice %get3A_132 {offsets = [8], sizes = [1], strides = [1]} : vector<16xf32> to vector<1xf32>
        %squeeze3A_883 = vector.extract %slice3A_882[0] : f32 from vector<1xf32>
        %mul3A_884 = arith.constant 16 : i32
        %mul3A_885 = arith.muli %scan3A_124, %mul3A_884 : i32
        %add3A_886 = arith.constant 8 : i32
        %add3A_887 = arith.addi %mul3A_885, %add3A_886 : i32
        %get3A_888 = arith.index_cast %add3A_887 : i32 to index
        %get3A_889 = arith.constant 0 : index
        %get3A_890 = tpu.vector_load %arg10[%get3A_888, %get3A_889] {strides = array<i32>} : memref<128x128xf32, #tpu.memory_space<vmem>>, vector<1x16xf32>,
        %get3A_891 = vector.shape_cast %get3A_890 : vector<1x16xf32> to vector<16xf32>
        %mul3A_892 = vector.broadcast %squeeze3A_883 : f32 to vector<16xf32>
        %mul3A_893 = arith.mulf %get3A_891, %mul3A_892 : vector<16xf32>
        %swap3A_894 = arith.index_cast %add3A_887 : i32 to index
        %swap3A_895 = arith.constant 0 : index
        %swap3A_896 = tpu.vector_load %arg10[%swap3A_894, %swap3A_895] {strides = array<i32>} : memref<128x128xf32, #tpu.memory_space<vmem>>, vector<1x16xf32>,
        %swap3A_897 = vector.shape_cast %swap3A_896 : vector<1x16xf32> to vector<16xf32>
        %swap3A_898 = vector.shape_cast %mul3A_893 : vector<16xf32> to vector<1x16xf32>
        tpu.vector_store %arg10[%swap3A_894, %swap3A_895], %swap3A_898 {strides = array<i32>} : memref<128x128xf32, #tpu.memory_space<vmem>>, vector<1x16xf32>,
        %get3A_899 = arith.index_cast %add3A_887 : i32 to index
        %get3A_900 = arith.constant 16 : index
        %get3A_901 = tpu.vector_load %arg10[%get3A_899, %get3A_900] {strides = array<i32>} : memref<128x128xf32, #tpu.memory_space<vmem>>, vector<1x16xf32>,
        %get3A_902 = vector.shape_cast %get3A_901 : vector<1x16xf32> to vector<16xf32>
        %mul3A_903 = vector.broadcast %squeeze3A_883 : f32 to vector<16xf32>
        %mul3A_904 = arith.mulf %get3A_902, %mul3A_903 : vector<16xf32>
        %swap3A_905 = arith.index_cast %add3A_887 : i32 to index
        %swap3A_906 = arith.constant 16 : index
        %swap3A_907 = tpu.vector_load %arg10[%swap3A_905, %swap3A_906] {strides = array<i32>} : memref<128x128xf32, #tpu.memory_space<vmem>>, vector<1x16xf32>,
        %swap3A_908 = vector.shape_cast %swap3A_907 : vector<1x16xf32> to vector<16xf32>
        %swap3A_909 = vector.shape_cast %mul3A_904 : vector<16xf32> to vector<1x16xf32>
        tpu.vector_store %arg10[%swap3A_905, %swap3A_906], %swap3A_909 {strides = array<i32>} : memref<128x128xf32, #tpu.memory_space<vmem>>, vector<1x16xf32>,
        %get3A_910 = arith.index_cast %add3A_887 : i32 to index
        %get3A_911 = arith.constant 32 : index
        %get3A_912 = tpu.vector_load %arg10[%get3A_910, %get3A_911] {strides = array<i32>} : memref<128x128xf32, #tpu.memory_space<vmem>>, vector<1x16xf32>,
        %get3A_913 = vector.shape_cast %get3A_912 : vector<1x16xf32> to vector<16xf32>
        %mul3A_914 = vector.broadcast %squeeze3A_883 : f32 to vector<16xf32>
        %mul3A_915 = arith.mulf %get3A_913, %mul3A_914 : vector<16xf32>
        %swap3A_916 = arith.index_cast %add3A_887 : i32 to index
        %swap3A_917 = arith.constant 32 : index
        %swap3A_918 = tpu.vector_load %arg10[%swap3A_916, %swap3A_917] {strides = array<i32>} : memref<128x128xf32, #tpu.memory_space<vmem>>, vector<1x16xf32>,
        %swap3A_919 = vector.shape_cast %swap3A_918 : vector<1x16xf32> to vector<16xf32>
        %swap3A_920 = vector.shape_cast %mul3A_915 : vector<16xf32> to vector<1x16xf32>
        tpu.vector_store %arg10[%swap3A_916, %swap3A_917], %swap3A_920 {strides = array<i32>} : memref<128x128xf32, #tpu.memory_space<vmem>>, vector<1x16xf32>,
        %get3A_921 = arith.index_cast %add3A_887 : i32 to index
        %get3A_922 = arith.constant 48 : index
        %get3A_923 = tpu.vector_load %arg10[%get3A_921, %get3A_922] {strides = array<i32>} : memref<128x128xf32, #tpu.memory_space<vmem>>, vector<1x16xf32>,
        %get3A_924 = vector.shape_cast %get3A_923 : vector<1x16xf32> to vector<16xf32>
        %mul3A_925 = vector.broadcast %squeeze3A_883 : f32 to vector<16xf32>
        %mul3A_926 = arith.mulf %get3A_924, %mul3A_925 : vector<16xf32>
        %swap3A_927 = arith.index_cast %add3A_887 : i32 to index
        %swap3A_928 = arith.constant 48 : index
        %swap3A_929 = tpu.vector_load %arg10[%swap3A_927, %swap3A_928] {strides = array<i32>} : memref<128x128xf32, #tpu.memory_space<vmem>>, vector<1x16xf32>,
        %swap3A_930 = vector.shape_cast %swap3A_929 : vector<1x16xf32> to vector<16xf32>
        %swap3A_931 = vector.shape_cast %mul3A_926 : vector<16xf32> to vector<1x16xf32>
        tpu.vector_store %arg10[%swap3A_927, %swap3A_928], %swap3A_931 {strides = array<i32>} : memref<128x128xf32, #tpu.memory_space<vmem>>, vector<1x16xf32>,
        %get3A_932 = arith.index_cast %add3A_887 : i32 to index
        %get3A_933 = arith.constant 64 : index
        %get3A_934 = tpu.vector_load %arg10[%get3A_932, %get3A_933] {strides = array<i32>} : memref<128x128xf32, #tpu.memory_space<vmem>>, vector<1x16xf32>,
        %get3A_935 = vector.shape_cast %get3A_934 : vector<1x16xf32> to vector<16xf32>
        %mul3A_936 = vector.broadcast %squeeze3A_883 : f32 to vector<16xf32>
        %mul3A_937 = arith.mulf %get3A_935, %mul3A_936 : vector<16xf32>
        %swap3A_938 = arith.index_cast %add3A_887 : i32 to index
        %swap3A_939 = arith.constant 64 : index
        %swap3A_940 = tpu.vector_load %arg10[%swap3A_938, %swap3A_939] {strides = array<i32>} : memref<128x128xf32, #tpu.memory_space<vmem>>, vector<1x16xf32>,
        %swap3A_941 = vector.shape_cast %swap3A_940 : vector<1x16xf32> to vector<16xf32>
        %swap3A_942 = vector.shape_cast %mul3A_937 : vector<16xf32> to vector<1x16xf32>
        tpu.vector_store %arg10[%swap3A_938, %swap3A_939], %swap3A_942 {strides = array<i32>} : memref<128x128xf32, #tpu.memory_space<vmem>>, vector<1x16xf32>,
        %get3A_943 = arith.index_cast %add3A_887 : i32 to index
        %get3A_944 = arith.constant 80 : index
        %get3A_945 = tpu.vector_load %arg10[%get3A_943, %get3A_944] {strides = array<i32>} : memref<128x128xf32, #tpu.memory_space<vmem>>, vector<1x16xf32>,
        %get3A_946 = vector.shape_cast %get3A_945 : vector<1x16xf32> to vector<16xf32>
        %mul3A_947 = vector.broadcast %squeeze3A_883 : f32 to vector<16xf32>
        %mul3A_948 = arith.mulf %get3A_946, %mul3A_947 : vector<16xf32>
        %swap3A_949 = arith.index_cast %add3A_887 : i32 to index
        %swap3A_950 = arith.constant 80 : index
        %swap3A_951 = tpu.vector_load %arg10[%swap3A_949, %swap3A_950] {strides = array<i32>} : memref<128x128xf32, #tpu.memory_space<vmem>>, vector<1x16xf32>,
        %swap3A_952 = vector.shape_cast %swap3A_951 : vector<1x16xf32> to vector<16xf32>
        %swap3A_953 = vector.shape_cast %mul3A_948 : vector<16xf32> to vector<1x16xf32>
        tpu.vector_store %arg10[%swap3A_949, %swap3A_950], %swap3A_953 {strides = array<i32>} : memref<128x128xf32, #tpu.memory_space<vmem>>, vector<1x16xf32>,
        %get3A_954 = arith.index_cast %add3A_887 : i32 to index
        %get3A_955 = arith.constant 96 : index
        %get3A_956 = tpu.vector_load %arg10[%get3A_954, %get3A_955] {strides = array<i32>} : memref<128x128xf32, #tpu.memory_space<vmem>>, vector<1x16xf32>,
        %get3A_957 = vector.shape_cast %get3A_956 : vector<1x16xf32> to vector<16xf32>
        %mul3A_958 = vector.broadcast %squeeze3A_883 : f32 to vector<16xf32>
        %mul3A_959 = arith.mulf %get3A_957, %mul3A_958 : vector<16xf32>
        %swap3A_960 = arith.index_cast %add3A_887 : i32 to index
        %swap3A_961 = arith.constant 96 : index
        %swap3A_962 = tpu.vector_load %arg10[%swap3A_960, %swap3A_961] {strides = array<i32>} : memref<128x128xf32, #tpu.memory_space<vmem>>, vector<1x16xf32>,
        %swap3A_963 = vector.shape_cast %swap3A_962 : vector<1x16xf32> to vector<16xf32>
        %swap3A_964 = vector.shape_cast %mul3A_959 : vector<16xf32> to vector<1x16xf32>
        tpu.vector_store %arg10[%swap3A_960, %swap3A_961], %swap3A_964 {strides = array<i32>} : memref<128x128xf32, #tpu.memory_space<vmem>>, vector<1x16xf32>,
        %get3A_965 = arith.index_cast %add3A_887 : i32 to index
        %get3A_966 = arith.constant 112 : index
        %get3A_967 = tpu.vector_load %arg10[%get3A_965, %get3A_966] {strides = array<i32>} : memref<128x128xf32, #tpu.memory_space<vmem>>, vector<1x16xf32>,
        %get3A_968 = vector.shape_cast %get3A_967 : vector<1x16xf32> to vector<16xf32>
        %mul3A_969 = vector.broadcast %squeeze3A_883 : f32 to vector<16xf32>
        %mul3A_970 = arith.mulf %get3A_968, %mul3A_969 : vector<16xf32>
        %swap3A_971 = arith.index_cast %add3A_887 : i32 to index
        %swap3A_972 = arith.constant 112 : index
        %swap3A_973 = tpu.vector_load %arg10[%swap3A_971, %swap3A_972] {strides = array<i32>} : memref<128x128xf32, #tpu.memory_space<vmem>>, vector<1x16xf32>,
        %swap3A_974 = vector.shape_cast %swap3A_973 : vector<1x16xf32> to vector<16xf32>
        %swap3A_975 = vector.shape_cast %mul3A_970 : vector<16xf32> to vector<1x16xf32>
        tpu.vector_store %arg10[%swap3A_971, %swap3A_972], %swap3A_975 {strides = array<i32>} : memref<128x128xf32, #tpu.memory_space<vmem>>, vector<1x16xf32>,
        %slice3A_976 = vector.extract_strided_slice %get3A_132 {offsets = [9], sizes = [1], strides = [1]} : vector<16xf32> to vector<1xf32>
        %squeeze3A_977 = vector.extract %slice3A_976[0] : f32 from vector<1xf32>
        %mul3A_978 = arith.constant 16 : i32
        %mul3A_979 = arith.muli %scan3A_124, %mul3A_978 : i32
        %add3A_980 = arith.constant 9 : i32
        %add3A_981 = arith.addi %mul3A_979, %add3A_980 : i32
        %get3A_982 = arith.index_cast %add3A_981 : i32 to index
        %get3A_983 = arith.constant 0 : index
        %get3A_984 = tpu.vector_load %arg10[%get3A_982, %get3A_983] {strides = array<i32>} : memref<128x128xf32, #tpu.memory_space<vmem>>, vector<1x16xf32>,
        %get3A_985 = vector.shape_cast %get3A_984 : vector<1x16xf32> to vector<16xf32>
        %mul3A_986 = vector.broadcast %squeeze3A_977 : f32 to vector<16xf32>
        %mul3A_987 = arith.mulf %get3A_985, %mul3A_986 : vector<16xf32>
        %swap3A_988 = arith.index_cast %add3A_981 : i32 to index
        %swap3A_989 = arith.constant 0 : index
        %swap3A_990 = tpu.vector_load %arg10[%swap3A_988, %swap3A_989] {strides = array<i32>} : memref<128x128xf32, #tpu.memory_space<vmem>>, vector<1x16xf32>,
        %swap3A_991 = vector.shape_cast %swap3A_990 : vector<1x16xf32> to vector<16xf32>
        %swap3A_992 = vector.shape_cast %mul3A_987 : vector<16xf32> to vector<1x16xf32>
        tpu.vector_store %arg10[%swap3A_988, %swap3A_989], %swap3A_992 {strides = array<i32>} : memref<128x128xf32, #tpu.memory_space<vmem>>, vector<1x16xf32>,
        %get3A_993 = arith.index_cast %add3A_981 : i32 to index
        %get3A_994 = arith.constant 16 : index
        %get3A_995 = tpu.vector_load %arg10[%get3A_993, %get3A_994] {strides = array<i32>} : memref<128x128xf32, #tpu.memory_space<vmem>>, vector<1x16xf32>,
        %get3A_996 = vector.shape_cast %get3A_995 : vector<1x16xf32> to vector<16xf32>
        %mul3A_997 = vector.broadcast %squeeze3A_977 : f32 to vector<16xf32>
        %mul3A_998 = arith.mulf %get3A_996, %mul3A_997 : vector<16xf32>
        %swap3A_999 = arith.index_cast %add3A_981 : i32 to index
        %swap3A_1000 = arith.constant 16 : index
        %swap3A_1001 = tpu.vector_load %arg10[%swap3A_999, %swap3A_1000] {strides = array<i32>} : memref<128x128xf32, #tpu.memory_space<vmem>>, vector<1x16xf32>,
        %swap3A_1002 = vector.shape_cast %swap3A_1001 : vector<1x16xf32> to vector<16xf32>
        %swap3A_1003 = vector.shape_cast %mul3A_998 : vector<16xf32> to vector<1x16xf32>
        tpu.vector_store %arg10[%swap3A_999, %swap3A_1000], %swap3A_1003 {strides = array<i32>} : memref<128x128xf32, #tpu.memory_space<vmem>>, vector<1x16xf32>,
        %get3A_1004 = arith.index_cast %add3A_981 : i32 to index
        %get3A_1005 = arith.constant 32 : index
        %get3A_1006 = tpu.vector_load %arg10[%get3A_1004, %get3A_1005] {strides = array<i32>} : memref<128x128xf32, #tpu.memory_space<vmem>>, vector<1x16xf32>,
        %get3A_1007 = vector.shape_cast %get3A_1006 : vector<1x16xf32> to vector<16xf32>
        %mul3A_1008 = vector.broadcast %squeeze3A_977 : f32 to vector<16xf32>
        %mul3A_1009 = arith.mulf %get3A_1007, %mul3A_1008 : vector<16xf32>
        %swap3A_1010 = arith.index_cast %add3A_981 : i32 to index
        %swap3A_1011 = arith.constant 32 : index
        %swap3A_1012 = tpu.vector_load %arg10[%swap3A_1010, %swap3A_1011] {strides = array<i32>} : memref<128x128xf32, #tpu.memory_space<vmem>>, vector<1x16xf32>,
        %swap3A_1013 = vector.shape_cast %swap3A_1012 : vector<1x16xf32> to vector<16xf32>
        %swap3A_1014 = vector.shape_cast %mul3A_1009 : vector<16xf32> to vector<1x16xf32>
        tpu.vector_store %arg10[%swap3A_1010, %swap3A_1011], %swap3A_1014 {strides = array<i32>} : memref<128x128xf32, #tpu.memory_space<vmem>>, vector<1x16xf32>,
        %get3A_1015 = arith.index_cast %add3A_981 : i32 to index
        %get3A_1016 = arith.constant 48 : index
        %get3A_1017 = tpu.vector_load %arg10[%get3A_1015, %get3A_1016] {strides = array<i32>} : memref<128x128xf32, #tpu.memory_space<vmem>>, vector<1x16xf32>,
        %get3A_1018 = vector.shape_cast %get3A_1017 : vector<1x16xf32> to vector<16xf32>
        %mul3A_1019 = vector.broadcast %squeeze3A_977 : f32 to vector<16xf32>
        %mul3A_1020 = arith.mulf %get3A_1018, %mul3A_1019 : vector<16xf32>
        %swap3A_1021 = arith.index_cast %add3A_981 : i32 to index
        %swap3A_1022 = arith.constant 48 : index
        %swap3A_1023 = tpu.vector_load %arg10[%swap3A_1021, %swap3A_1022] {strides = array<i32>} : memref<128x128xf32, #tpu.memory_space<vmem>>, vector<1x16xf32>,
        %swap3A_1024 = vector.shape_cast %swap3A_1023 : vector<1x16xf32> to vector<16xf32>
        %swap3A_1025 = vector.shape_cast %mul3A_1020 : vector<16xf32> to vector<1x16xf32>
        tpu.vector_store %arg10[%swap3A_1021, %swap3A_1022], %swap3A_1025 {strides = array<i32>} : memref<128x128xf32, #tpu.memory_space<vmem>>, vector<1x16xf32>,
        %get3A_1026 = arith.index_cast %add3A_981 : i32 to index
        %get3A_1027 = arith.constant 64 : index
        %get3A_1028 = tpu.vector_load %arg10[%get3A_1026, %get3A_1027] {strides = array<i32>} : memref<128x128xf32, #tpu.memory_space<vmem>>, vector<1x16xf32>,
        %get3A_1029 = vector.shape_cast %get3A_1028 : vector<1x16xf32> to vector<16xf32>
        %mul3A_1030 = vector.broadcast %squeeze3A_977 : f32 to vector<16xf32>
        %mul3A_1031 = arith.mulf %get3A_1029, %mul3A_1030 : vector<16xf32>
        %swap3A_1032 = arith.index_cast %add3A_981 : i32 to index
        %swap3A_1033 = arith.constant 64 : index
        %swap3A_1034 = tpu.vector_load %arg10[%swap3A_1032, %swap3A_1033] {strides = array<i32>} : memref<128x128xf32, #tpu.memory_space<vmem>>, vector<1x16xf32>,
        %swap3A_1035 = vector.shape_cast %swap3A_1034 : vector<1x16xf32> to vector<16xf32>
        %swap3A_1036 = vector.shape_cast %mul3A_1031 : vector<16xf32> to vector<1x16xf32>
        tpu.vector_store %arg10[%swap3A_1032, %swap3A_1033], %swap3A_1036 {strides = array<i32>} : memref<128x128xf32, #tpu.memory_space<vmem>>, vector<1x16xf32>,
        %get3A_1037 = arith.index_cast %add3A_981 : i32 to index
        %get3A_1038 = arith.constant 80 : index
        %get3A_1039 = tpu.vector_load %arg10[%get3A_1037, %get3A_1038] {strides = array<i32>} : memref<128x128xf32, #tpu.memory_space<vmem>>, vector<1x16xf32>,
        %get3A_1040 = vector.shape_cast %get3A_1039 : vector<1x16xf32> to vector<16xf32>
        %mul3A_1041 = vector.broadcast %squeeze3A_977 : f32 to vector<16xf32>
        %mul3A_1042 = arith.mulf %get3A_1040, %mul3A_1041 : vector<16xf32>
        %swap3A_1043 = arith.index_cast %add3A_981 : i32 to index
        %swap3A_1044 = arith.constant 80 : index
        %swap3A_1045 = tpu.vector_load %arg10[%swap3A_1043, %swap3A_1044] {strides = array<i32>} : memref<128x128xf32, #tpu.memory_space<vmem>>, vector<1x16xf32>,
        %swap3A_1046 = vector.shape_cast %swap3A_1045 : vector<1x16xf32> to vector<16xf32>
        %swap3A_1047 = vector.shape_cast %mul3A_1042 : vector<16xf32> to vector<1x16xf32>
        tpu.vector_store %arg10[%swap3A_1043, %swap3A_1044], %swap3A_1047 {strides = array<i32>} : memref<128x128xf32, #tpu.memory_space<vmem>>, vector<1x16xf32>,
        %get3A_1048 = arith.index_cast %add3A_981 : i32 to index
        %get3A_1049 = arith.constant 96 : index
        %get3A_1050 = tpu.vector_load %arg10[%get3A_1048, %get3A_1049] {strides = array<i32>} : memref<128x128xf32, #tpu.memory_space<vmem>>, vector<1x16xf32>,
        %get3A_1051 = vector.shape_cast %get3A_1050 : vector<1x16xf32> to vector<16xf32>
        %mul3A_1052 = vector.broadcast %squeeze3A_977 : f32 to vector<16xf32>
        %mul3A_1053 = arith.mulf %get3A_1051, %mul3A_1052 : vector<16xf32>
        %swap3A_1054 = arith.index_cast %add3A_981 : i32 to index
        %swap3A_1055 = arith.constant 96 : index
        %swap3A_1056 = tpu.vector_load %arg10[%swap3A_1054, %swap3A_1055] {strides = array<i32>} : memref<128x128xf32, #tpu.memory_space<vmem>>, vector<1x16xf32>,
        %swap3A_1057 = vector.shape_cast %swap3A_1056 : vector<1x16xf32> to vector<16xf32>
        %swap3A_1058 = vector.shape_cast %mul3A_1053 : vector<16xf32> to vector<1x16xf32>
        tpu.vector_store %arg10[%swap3A_1054, %swap3A_1055], %swap3A_1058 {strides = array<i32>} : memref<128x128xf32, #tpu.memory_space<vmem>>, vector<1x16xf32>,
        %get3A_1059 = arith.index_cast %add3A_981 : i32 to index
        %get3A_1060 = arith.constant 112 : index
        %get3A_1061 = tpu.vector_load %arg10[%get3A_1059, %get3A_1060] {strides = array<i32>} : memref<128x128xf32, #tpu.memory_space<vmem>>, vector<1x16xf32>,
        %get3A_1062 = vector.shape_cast %get3A_1061 : vector<1x16xf32> to vector<16xf32>
        %mul3A_1063 = vector.broadcast %squeeze3A_977 : f32 to vector<16xf32>
        %mul3A_1064 = arith.mulf %get3A_1062, %mul3A_1063 : vector<16xf32>
        %swap3A_1065 = arith.index_cast %add3A_981 : i32 to index
        %swap3A_1066 = arith.constant 112 : index
        %swap3A_1067 = tpu.vector_load %arg10[%swap3A_1065, %swap3A_1066] {strides = array<i32>} : memref<128x128xf32, #tpu.memory_space<vmem>>, vector<1x16xf32>,
        %swap3A_1068 = vector.shape_cast %swap3A_1067 : vector<1x16xf32> to vector<16xf32>
        %swap3A_1069 = vector.shape_cast %mul3A_1064 : vector<16xf32> to vector<1x16xf32>
        tpu.vector_store %arg10[%swap3A_1065, %swap3A_1066], %swap3A_1069 {strides = array<i32>} : memref<128x128xf32, #tpu.memory_space<vmem>>, vector<1x16xf32>,
        %slice3A_1070 = vector.extract_strided_slice %get3A_132 {offsets = [10], sizes = [1], strides = [1]} : vector<16xf32> to vector<1xf32>
        %squeeze3A_1071 = vector.extract %slice3A_1070[0] : f32 from vector<1xf32>
        %mul3A_1072 = arith.constant 16 : i32
        %mul3A_1073 = arith.muli %scan3A_124, %mul3A_1072 : i32
        %add3A_1074 = arith.constant 10 : i32
        %add3A_1075 = arith.addi %mul3A_1073, %add3A_1074 : i32
        %get3A_1076 = arith.index_cast %add3A_1075 : i32 to index
        %get3A_1077 = arith.constant 0 : index
        %get3A_1078 = tpu.vector_load %arg10[%get3A_1076, %get3A_1077] {strides = array<i32>} : memref<128x128xf32, #tpu.memory_space<vmem>>, vector<1x16xf32>,
        %get3A_1079 = vector.shape_cast %get3A_1078 : vector<1x16xf32> to vector<16xf32>
        %mul3A_1080 = vector.broadcast %squeeze3A_1071 : f32 to vector<16xf32>
        %mul3A_1081 = arith.mulf %get3A_1079, %mul3A_1080 : vector<16xf32>
        %swap3A_1082 = arith.index_cast %add3A_1075 : i32 to index
        %swap3A_1083 = arith.constant 0 : index
        %swap3A_1084 = tpu.vector_load %arg10[%swap3A_1082, %swap3A_1083] {strides = array<i32>} : memref<128x128xf32, #tpu.memory_space<vmem>>, vector<1x16xf32>,
        %swap3A_1085 = vector.shape_cast %swap3A_1084 : vector<1x16xf32> to vector<16xf32>
        %swap3A_1086 = vector.shape_cast %mul3A_1081 : vector<16xf32> to vector<1x16xf32>
        tpu.vector_store %arg10[%swap3A_1082, %swap3A_1083], %swap3A_1086 {strides = array<i32>} : memref<128x128xf32, #tpu.memory_space<vmem>>, vector<1x16xf32>,
        %get3A_1087 = arith.index_cast %add3A_1075 : i32 to index
        %get3A_1088 = arith.constant 16 : index
        %get3A_1089 = tpu.vector_load %arg10[%get3A_1087, %get3A_1088] {strides = array<i32>} : memref<128x128xf32, #tpu.memory_space<vmem>>, vector<1x16xf32>,
        %get3A_1090 = vector.shape_cast %get3A_1089 : vector<1x16xf32> to vector<16xf32>
        %mul3A_1091 = vector.broadcast %squeeze3A_1071 : f32 to vector<16xf32>
        %mul3A_1092 = arith.mulf %get3A_1090, %mul3A_1091 : vector<16xf32>
        %swap3A_1093 = arith.index_cast %add3A_1075 : i32 to index
        %swap3A_1094 = arith.constant 16 : index
        %swap3A_1095 = tpu.vector_load %arg10[%swap3A_1093, %swap3A_1094] {strides = array<i32>} : memref<128x128xf32, #tpu.memory_space<vmem>>, vector<1x16xf32>,
        %swap3A_1096 = vector.shape_cast %swap3A_1095 : vector<1x16xf32> to vector<16xf32>
        %swap3A_1097 = vector.shape_cast %mul3A_1092 : vector<16xf32> to vector<1x16xf32>
        tpu.vector_store %arg10[%swap3A_1093, %swap3A_1094], %swap3A_1097 {strides = array<i32>} : memref<128x128xf32, #tpu.memory_space<vmem>>, vector<1x16xf32>,
        %get3A_1098 = arith.index_cast %add3A_1075 : i32 to index
        %get3A_1099 = arith.constant 32 : index
        %get3A_1100 = tpu.vector_load %arg10[%get3A_1098, %get3A_1099] {strides = array<i32>} : memref<128x128xf32, #tpu.memory_space<vmem>>, vector<1x16xf32>,
        %get3A_1101 = vector.shape_cast %get3A_1100 : vector<1x16xf32> to vector<16xf32>
        %mul3A_1102 = vector.broadcast %squeeze3A_1071 : f32 to vector<16xf32>
        %mul3A_1103 = arith.mulf %get3A_1101, %mul3A_1102 : vector<16xf32>
        %swap3A_1104 = arith.index_cast %add3A_1075 : i32 to index
        %swap3A_1105 = arith.constant 32 : index
        %swap3A_1106 = tpu.vector_load %arg10[%swap3A_1104, %swap3A_1105] {strides = array<i32>} : memref<128x128xf32, #tpu.memory_space<vmem>>, vector<1x16xf32>,
        %swap3A_1107 = vector.shape_cast %swap3A_1106 : vector<1x16xf32> to vector<16xf32>
        %swap3A_1108 = vector.shape_cast %mul3A_1103 : vector<16xf32> to vector<1x16xf32>
        tpu.vector_store %arg10[%swap3A_1104, %swap3A_1105], %swap3A_1108 {strides = array<i32>} : memref<128x128xf32, #tpu.memory_space<vmem>>, vector<1x16xf32>,
        %get3A_1109 = arith.index_cast %add3A_1075 : i32 to index
        %get3A_1110 = arith.constant 48 : index
        %get3A_1111 = tpu.vector_load %arg10[%get3A_1109, %get3A_1110] {strides = array<i32>} : memref<128x128xf32, #tpu.memory_space<vmem>>, vector<1x16xf32>,
        %get3A_1112 = vector.shape_cast %get3A_1111 : vector<1x16xf32> to vector<16xf32>
        %mul3A_1113 = vector.broadcast %squeeze3A_1071 : f32 to vector<16xf32>
        %mul3A_1114 = arith.mulf %get3A_1112, %mul3A_1113 : vector<16xf32>
        %swap3A_1115 = arith.index_cast %add3A_1075 : i32 to index
        %swap3A_1116 = arith.constant 48 : index
        %swap3A_1117 = tpu.vector_load %arg10[%swap3A_1115, %swap3A_1116] {strides = array<i32>} : memref<128x128xf32, #tpu.memory_space<vmem>>, vector<1x16xf32>,
        %swap3A_1118 = vector.shape_cast %swap3A_1117 : vector<1x16xf32> to vector<16xf32>
        %swap3A_1119 = vector.shape_cast %mul3A_1114 : vector<16xf32> to vector<1x16xf32>
        tpu.vector_store %arg10[%swap3A_1115, %swap3A_1116], %swap3A_1119 {strides = array<i32>} : memref<128x128xf32, #tpu.memory_space<vmem>>, vector<1x16xf32>,
        %get3A_1120 = arith.index_cast %add3A_1075 : i32 to index
        %get3A_1121 = arith.constant 64 : index
        %get3A_1122 = tpu.vector_load %arg10[%get3A_1120, %get3A_1121] {strides = array<i32>} : memref<128x128xf32, #tpu.memory_space<vmem>>, vector<1x16xf32>,
        %get3A_1123 = vector.shape_cast %get3A_1122 : vector<1x16xf32> to vector<16xf32>
        %mul3A_1124 = vector.broadcast %squeeze3A_1071 : f32 to vector<16xf32>
        %mul3A_1125 = arith.mulf %get3A_1123, %mul3A_1124 : vector<16xf32>
        %swap3A_1126 = arith.index_cast %add3A_1075 : i32 to index
        %swap3A_1127 = arith.constant 64 : index
        %swap3A_1128 = tpu.vector_load %arg10[%swap3A_1126, %swap3A_1127] {strides = array<i32>} : memref<128x128xf32, #tpu.memory_space<vmem>>, vector<1x16xf32>,
        %swap3A_1129 = vector.shape_cast %swap3A_1128 : vector<1x16xf32> to vector<16xf32>
        %swap3A_1130 = vector.shape_cast %mul3A_1125 : vector<16xf32> to vector<1x16xf32>
        tpu.vector_store %arg10[%swap3A_1126, %swap3A_1127], %swap3A_1130 {strides = array<i32>} : memref<128x128xf32, #tpu.memory_space<vmem>>, vector<1x16xf32>,
        %get3A_1131 = arith.index_cast %add3A_1075 : i32 to index
        %get3A_1132 = arith.constant 80 : index
        %get3A_1133 = tpu.vector_load %arg10[%get3A_1131, %get3A_1132] {strides = array<i32>} : memref<128x128xf32, #tpu.memory_space<vmem>>, vector<1x16xf32>,
        %get3A_1134 = vector.shape_cast %get3A_1133 : vector<1x16xf32> to vector<16xf32>
        %mul3A_1135 = vector.broadcast %squeeze3A_1071 : f32 to vector<16xf32>
        %mul3A_1136 = arith.mulf %get3A_1134, %mul3A_1135 : vector<16xf32>
        %swap3A_1137 = arith.index_cast %add3A_1075 : i32 to index
        %swap3A_1138 = arith.constant 80 : index
        %swap3A_1139 = tpu.vector_load %arg10[%swap3A_1137, %swap3A_1138] {strides = array<i32>} : memref<128x128xf32, #tpu.memory_space<vmem>>, vector<1x16xf32>,
        %swap3A_1140 = vector.shape_cast %swap3A_1139 : vector<1x16xf32> to vector<16xf32>
        %swap3A_1141 = vector.shape_cast %mul3A_1136 : vector<16xf32> to vector<1x16xf32>
        tpu.vector_store %arg10[%swap3A_1137, %swap3A_1138], %swap3A_1141 {strides = array<i32>} : memref<128x128xf32, #tpu.memory_space<vmem>>, vector<1x16xf32>,
        %get3A_1142 = arith.index_cast %add3A_1075 : i32 to index
        %get3A_1143 = arith.constant 96 : index
        %get3A_1144 = tpu.vector_load %arg10[%get3A_1142, %get3A_1143] {strides = array<i32>} : memref<128x128xf32, #tpu.memory_space<vmem>>, vector<1x16xf32>,
        %get3A_1145 = vector.shape_cast %get3A_1144 : vector<1x16xf32> to vector<16xf32>
        %mul3A_1146 = vector.broadcast %squeeze3A_1071 : f32 to vector<16xf32>
        %mul3A_1147 = arith.mulf %get3A_1145, %mul3A_1146 : vector<16xf32>
        %swap3A_1148 = arith.index_cast %add3A_1075 : i32 to index
        %swap3A_1149 = arith.constant 96 : index
        %swap3A_1150 = tpu.vector_load %arg10[%swap3A_1148, %swap3A_1149] {strides = array<i32>} : memref<128x128xf32, #tpu.memory_space<vmem>>, vector<1x16xf32>,
        %swap3A_1151 = vector.shape_cast %swap3A_1150 : vector<1x16xf32> to vector<16xf32>
        %swap3A_1152 = vector.shape_cast %mul3A_1147 : vector<16xf32> to vector<1x16xf32>
        tpu.vector_store %arg10[%swap3A_1148, %swap3A_1149], %swap3A_1152 {strides = array<i32>} : memref<128x128xf32, #tpu.memory_space<vmem>>, vector<1x16xf32>,
        %get3A_1153 = arith.index_cast %add3A_1075 : i32 to index
        %get3A_1154 = arith.constant 112 : index
        %get3A_1155 = tpu.vector_load %arg10[%get3A_1153, %get3A_1154] {strides = array<i32>} : memref<128x128xf32, #tpu.memory_space<vmem>>, vector<1x16xf32>,
        %get3A_1156 = vector.shape_cast %get3A_1155 : vector<1x16xf32> to vector<16xf32>
        %mul3A_1157 = vector.broadcast %squeeze3A_1071 : f32 to vector<16xf32>
        %mul3A_1158 = arith.mulf %get3A_1156, %mul3A_1157 : vector<16xf32>
        %swap3A_1159 = arith.index_cast %add3A_1075 : i32 to index
        %swap3A_1160 = arith.constant 112 : index
        %swap3A_1161 = tpu.vector_load %arg10[%swap3A_1159, %swap3A_1160] {strides = array<i32>} : memref<128x128xf32, #tpu.memory_space<vmem>>, vector<1x16xf32>,
        %swap3A_1162 = vector.shape_cast %swap3A_1161 : vector<1x16xf32> to vector<16xf32>
        %swap3A_1163 = vector.shape_cast %mul3A_1158 : vector<16xf32> to vector<1x16xf32>
        tpu.vector_store %arg10[%swap3A_1159, %swap3A_1160], %swap3A_1163 {strides = array<i32>} : memref<128x128xf32, #tpu.memory_space<vmem>>, vector<1x16xf32>,
        %slice3A_1164 = vector.extract_strided_slice %get3A_132 {offsets = [11], sizes = [1], strides = [1]} : vector<16xf32> to vector<1xf32>
        %squeeze3A_1165 = vector.extract %slice3A_1164[0] : f32 from vector<1xf32>
        %mul3A_1166 = arith.constant 16 : i32
        %mul3A_1167 = arith.muli %scan3A_124, %mul3A_1166 : i32
        %add3A_1168 = arith.constant 11 : i32
        %add3A_1169 = arith.addi %mul3A_1167, %add3A_1168 : i32
        %get3A_1170 = arith.index_cast %add3A_1169 : i32 to index
        %get3A_1171 = arith.constant 0 : index
        %get3A_1172 = tpu.vector_load %arg10[%get3A_1170, %get3A_1171] {strides = array<i32>} : memref<128x128xf32, #tpu.memory_space<vmem>>, vector<1x16xf32>,
        %get3A_1173 = vector.shape_cast %get3A_1172 : vector<1x16xf32> to vector<16xf32>
        %mul3A_1174 = vector.broadcast %squeeze3A_1165 : f32 to vector<16xf32>
        %mul3A_1175 = arith.mulf %get3A_1173, %mul3A_1174 : vector<16xf32>
        %swap3A_1176 = arith.index_cast %add3A_1169 : i32 to index
        %swap3A_1177 = arith.constant 0 : index
        %swap3A_1178 = tpu.vector_load %arg10[%swap3A_1176, %swap3A_1177] {strides = array<i32>} : memref<128x128xf32, #tpu.memory_space<vmem>>, vector<1x16xf32>,
        %swap3A_1179 = vector.shape_cast %swap3A_1178 : vector<1x16xf32> to vector<16xf32>
        %swap3A_1180 = vector.shape_cast %mul3A_1175 : vector<16xf32> to vector<1x16xf32>
        tpu.vector_store %arg10[%swap3A_1176, %swap3A_1177], %swap3A_1180 {strides = array<i32>} : memref<128x128xf32, #tpu.memory_space<vmem>>, vector<1x16xf32>,
        %get3A_1181 = arith.index_cast %add3A_1169 : i32 to index
        %get3A_1182 = arith.constant 16 : index
        %get3A_1183 = tpu.vector_load %arg10[%get3A_1181, %get3A_1182] {strides = array<i32>} : memref<128x128xf32, #tpu.memory_space<vmem>>, vector<1x16xf32>,
        %get3A_1184 = vector.shape_cast %get3A_1183 : vector<1x16xf32> to vector<16xf32>
        %mul3A_1185 = vector.broadcast %squeeze3A_1165 : f32 to vector<16xf32>
        %mul3A_1186 = arith.mulf %get3A_1184, %mul3A_1185 : vector<16xf32>
        %swap3A_1187 = arith.index_cast %add3A_1169 : i32 to index
        %swap3A_1188 = arith.constant 16 : index
        %swap3A_1189 = tpu.vector_load %arg10[%swap3A_1187, %swap3A_1188] {strides = array<i32>} : memref<128x128xf32, #tpu.memory_space<vmem>>, vector<1x16xf32>,
        %swap3A_1190 = vector.shape_cast %swap3A_1189 : vector<1x16xf32> to vector<16xf32>
        %swap3A_1191 = vector.shape_cast %mul3A_1186 : vector<16xf32> to vector<1x16xf32>
        tpu.vector_store %arg10[%swap3A_1187, %swap3A_1188], %swap3A_1191 {strides = array<i32>} : memref<128x128xf32, #tpu.memory_space<vmem>>, vector<1x16xf32>,
        %get3A_1192 = arith.index_cast %add3A_1169 : i32 to index
        %get3A_1193 = arith.constant 32 : index
        %get3A_1194 = tpu.vector_load %arg10[%get3A_1192, %get3A_1193] {strides = array<i32>} : memref<128x128xf32, #tpu.memory_space<vmem>>, vector<1x16xf32>,
        %get3A_1195 = vector.shape_cast %get3A_1194 : vector<1x16xf32> to vector<16xf32>
        %mul3A_1196 = vector.broadcast %squeeze3A_1165 : f32 to vector<16xf32>
        %mul3A_1197 = arith.mulf %get3A_1195, %mul3A_1196 : vector<16xf32>
        %swap3A_1198 = arith.index_cast %add3A_1169 : i32 to index
        %swap3A_1199 = arith.constant 32 : index
        %swap3A_1200 = tpu.vector_load %arg10[%swap3A_1198, %swap3A_1199] {strides = array<i32>} : memref<128x128xf32, #tpu.memory_space<vmem>>, vector<1x16xf32>,
        %swap3A_1201 = vector.shape_cast %swap3A_1200 : vector<1x16xf32> to vector<16xf32>
        %swap3A_1202 = vector.shape_cast %mul3A_1197 : vector<16xf32> to vector<1x16xf32>
        tpu.vector_store %arg10[%swap3A_1198, %swap3A_1199], %swap3A_1202 {strides = array<i32>} : memref<128x128xf32, #tpu.memory_space<vmem>>, vector<1x16xf32>,
        %get3A_1203 = arith.index_cast %add3A_1169 : i32 to index
        %get3A_1204 = arith.constant 48 : index
        %get3A_1205 = tpu.vector_load %arg10[%get3A_1203, %get3A_1204] {strides = array<i32>} : memref<128x128xf32, #tpu.memory_space<vmem>>, vector<1x16xf32>,
        %get3A_1206 = vector.shape_cast %get3A_1205 : vector<1x16xf32> to vector<16xf32>
        %mul3A_1207 = vector.broadcast %squeeze3A_1165 : f32 to vector<16xf32>
        %mul3A_1208 = arith.mulf %get3A_1206, %mul3A_1207 : vector<16xf32>
        %swap3A_1209 = arith.index_cast %add3A_1169 : i32 to index
        %swap3A_1210 = arith.constant 48 : index
        %swap3A_1211 = tpu.vector_load %arg10[%swap3A_1209, %swap3A_1210] {strides = array<i32>} : memref<128x128xf32, #tpu.memory_space<vmem>>, vector<1x16xf32>,
        %swap3A_1212 = vector.shape_cast %swap3A_1211 : vector<1x16xf32> to vector<16xf32>
        %swap3A_1213 = vector.shape_cast %mul3A_1208 : vector<16xf32> to vector<1x16xf32>
        tpu.vector_store %arg10[%swap3A_1209, %swap3A_1210], %swap3A_1213 {strides = array<i32>} : memref<128x128xf32, #tpu.memory_space<vmem>>, vector<1x16xf32>,
        %get3A_1214 = arith.index_cast %add3A_1169 : i32 to index
        %get3A_1215 = arith.constant 64 : index
        %get3A_1216 = tpu.vector_load %arg10[%get3A_1214, %get3A_1215] {strides = array<i32>} : memref<128x128xf32, #tpu.memory_space<vmem>>, vector<1x16xf32>,
        %get3A_1217 = vector.shape_cast %get3A_1216 : vector<1x16xf32> to vector<16xf32>
        %mul3A_1218 = vector.broadcast %squeeze3A_1165 : f32 to vector<16xf32>
        %mul3A_1219 = arith.mulf %get3A_1217, %mul3A_1218 : vector<16xf32>
        %swap3A_1220 = arith.index_cast %add3A_1169 : i32 to index
        %swap3A_1221 = arith.constant 64 : index
        %swap3A_1222 = tpu.vector_load %arg10[%swap3A_1220, %swap3A_1221] {strides = array<i32>} : memref<128x128xf32, #tpu.memory_space<vmem>>, vector<1x16xf32>,
        %swap3A_1223 = vector.shape_cast %swap3A_1222 : vector<1x16xf32> to vector<16xf32>
        %swap3A_1224 = vector.shape_cast %mul3A_1219 : vector<16xf32> to vector<1x16xf32>
        tpu.vector_store %arg10[%swap3A_1220, %swap3A_1221], %swap3A_1224 {strides = array<i32>} : memref<128x128xf32, #tpu.memory_space<vmem>>, vector<1x16xf32>,
        %get3A_1225 = arith.index_cast %add3A_1169 : i32 to index
        %get3A_1226 = arith.constant 80 : index
        %get3A_1227 = tpu.vector_load %arg10[%get3A_1225, %get3A_1226] {strides = array<i32>} : memref<128x128xf32, #tpu.memory_space<vmem>>, vector<1x16xf32>,
        %get3A_1228 = vector.shape_cast %get3A_1227 : vector<1x16xf32> to vector<16xf32>
        %mul3A_1229 = vector.broadcast %squeeze3A_1165 : f32 to vector<16xf32>
        %mul3A_1230 = arith.mulf %get3A_1228, %mul3A_1229 : vector<16xf32>
        %swap3A_1231 = arith.index_cast %add3A_1169 : i32 to index
        %swap3A_1232 = arith.constant 80 : index
        %swap3A_1233 = tpu.vector_load %arg10[%swap3A_1231, %swap3A_1232] {strides = array<i32>} : memref<128x128xf32, #tpu.memory_space<vmem>>, vector<1x16xf32>,
        %swap3A_1234 = vector.shape_cast %swap3A_1233 : vector<1x16xf32> to vector<16xf32>
        %swap3A_1235 = vector.shape_cast %mul3A_1230 : vector<16xf32> to vector<1x16xf32>
        tpu.vector_store %arg10[%swap3A_1231, %swap3A_1232], %swap3A_1235 {strides = array<i32>} : memref<128x128xf32, #tpu.memory_space<vmem>>, vector<1x16xf32>,
        %get3A_1236 = arith.index_cast %add3A_1169 : i32 to index
        %get3A_1237 = arith.constant 96 : index
        %get3A_1238 = tpu.vector_load %arg10[%get3A_1236, %get3A_1237] {strides = array<i32>} : memref<128x128xf32, #tpu.memory_space<vmem>>, vector<1x16xf32>,
        %get3A_1239 = vector.shape_cast %get3A_1238 : vector<1x16xf32> to vector<16xf32>
        %mul3A_1240 = vector.broadcast %squeeze3A_1165 : f32 to vector<16xf32>
        %mul3A_1241 = arith.mulf %get3A_1239, %mul3A_1240 : vector<16xf32>
        %swap3A_1242 = arith.index_cast %add3A_1169 : i32 to index
        %swap3A_1243 = arith.constant 96 : index
        %swap3A_1244 = tpu.vector_load %arg10[%swap3A_1242, %swap3A_1243] {strides = array<i32>} : memref<128x128xf32, #tpu.memory_space<vmem>>, vector<1x16xf32>,
        %swap3A_1245 = vector.shape_cast %swap3A_1244 : vector<1x16xf32> to vector<16xf32>
        %swap3A_1246 = vector.shape_cast %mul3A_1241 : vector<16xf32> to vector<1x16xf32>
        tpu.vector_store %arg10[%swap3A_1242, %swap3A_1243], %swap3A_1246 {strides = array<i32>} : memref<128x128xf32, #tpu.memory_space<vmem>>, vector<1x16xf32>,
        %get3A_1247 = arith.index_cast %add3A_1169 : i32 to index
        %get3A_1248 = arith.constant 112 : index
        %get3A_1249 = tpu.vector_load %arg10[%get3A_1247, %get3A_1248] {strides = array<i32>} : memref<128x128xf32, #tpu.memory_space<vmem>>, vector<1x16xf32>,
        %get3A_1250 = vector.shape_cast %get3A_1249 : vector<1x16xf32> to vector<16xf32>
        %mul3A_1251 = vector.broadcast %squeeze3A_1165 : f32 to vector<16xf32>
        %mul3A_1252 = arith.mulf %get3A_1250, %mul3A_1251 : vector<16xf32>
        %swap3A_1253 = arith.index_cast %add3A_1169 : i32 to index
        %swap3A_1254 = arith.constant 112 : index
        %swap3A_1255 = tpu.vector_load %arg10[%swap3A_1253, %swap3A_1254] {strides = array<i32>} : memref<128x128xf32, #tpu.memory_space<vmem>>, vector<1x16xf32>,
        %swap3A_1256 = vector.shape_cast %swap3A_1255 : vector<1x16xf32> to vector<16xf32>
        %swap3A_1257 = vector.shape_cast %mul3A_1252 : vector<16xf32> to vector<1x16xf32>
        tpu.vector_store %arg10[%swap3A_1253, %swap3A_1254], %swap3A_1257 {strides = array<i32>} : memref<128x128xf32, #tpu.memory_space<vmem>>, vector<1x16xf32>,
        %slice3A_1258 = vector.extract_strided_slice %get3A_132 {offsets = [12], sizes = [1], strides = [1]} : vector<16xf32> to vector<1xf32>
        %squeeze3A_1259 = vector.extract %slice3A_1258[0] : f32 from vector<1xf32>
        %mul3A_1260 = arith.constant 16 : i32
        %mul3A_1261 = arith.muli %scan3A_124, %mul3A_1260 : i32
        %add3A_1262 = arith.constant 12 : i32
        %add3A_1263 = arith.addi %mul3A_1261, %add3A_1262 : i32
        %get3A_1264 = arith.index_cast %add3A_1263 : i32 to index
        %get3A_1265 = arith.constant 0 : index
        %get3A_1266 = tpu.vector_load %arg10[%get3A_1264, %get3A_1265] {strides = array<i32>} : memref<128x128xf32, #tpu.memory_space<vmem>>, vector<1x16xf32>,
        %get3A_1267 = vector.shape_cast %get3A_1266 : vector<1x16xf32> to vector<16xf32>
        %mul3A_1268 = vector.broadcast %squeeze3A_1259 : f32 to vector<16xf32>
        %mul3A_1269 = arith.mulf %get3A_1267, %mul3A_1268 : vector<16xf32>
        %swap3A_1270 = arith.index_cast %add3A_1263 : i32 to index
        %swap3A_1271 = arith.constant 0 : index
        %swap3A_1272 = tpu.vector_load %arg10[%swap3A_1270, %swap3A_1271] {strides = array<i32>} : memref<128x128xf32, #tpu.memory_space<vmem>>, vector<1x16xf32>,
        %swap3A_1273 = vector.shape_cast %swap3A_1272 : vector<1x16xf32> to vector<16xf32>
        %swap3A_1274 = vector.shape_cast %mul3A_1269 : vector<16xf32> to vector<1x16xf32>
        tpu.vector_store %arg10[%swap3A_1270, %swap3A_1271], %swap3A_1274 {strides = array<i32>} : memref<128x128xf32, #tpu.memory_space<vmem>>, vector<1x16xf32>,
        %get3A_1275 = arith.index_cast %add3A_1263 : i32 to index
        %get3A_1276 = arith.constant 16 : index
        %get3A_1277 = tpu.vector_load %arg10[%get3A_1275, %get3A_1276] {strides = array<i32>} : memref<128x128xf32, #tpu.memory_space<vmem>>, vector<1x16xf32>,
        %get3A_1278 = vector.shape_cast %get3A_1277 : vector<1x16xf32> to vector<16xf32>
        %mul3A_1279 = vector.broadcast %squeeze3A_1259 : f32 to vector<16xf32>
        %mul3A_1280 = arith.mulf %get3A_1278, %mul3A_1279 : vector<16xf32>
        %swap3A_1281 = arith.index_cast %add3A_1263 : i32 to index
        %swap3A_1282 = arith.constant 16 : index
        %swap3A_1283 = tpu.vector_load %arg10[%swap3A_1281, %swap3A_1282] {strides = array<i32>} : memref<128x128xf32, #tpu.memory_space<vmem>>, vector<1x16xf32>,
        %swap3A_1284 = vector.shape_cast %swap3A_1283 : vector<1x16xf32> to vector<16xf32>
        %swap3A_1285 = vector.shape_cast %mul3A_1280 : vector<16xf32> to vector<1x16xf32>
        tpu.vector_store %arg10[%swap3A_1281, %swap3A_1282], %swap3A_1285 {strides = array<i32>} : memref<128x128xf32, #tpu.memory_space<vmem>>, vector<1x16xf32>,
        %get3A_1286 = arith.index_cast %add3A_1263 : i32 to index
        %get3A_1287 = arith.constant 32 : index
        %get3A_1288 = tpu.vector_load %arg10[%get3A_1286, %get3A_1287] {strides = array<i32>} : memref<128x128xf32, #tpu.memory_space<vmem>>, vector<1x16xf32>,
        %get3A_1289 = vector.shape_cast %get3A_1288 : vector<1x16xf32> to vector<16xf32>
        %mul3A_1290 = vector.broadcast %squeeze3A_1259 : f32 to vector<16xf32>
        %mul3A_1291 = arith.mulf %get3A_1289, %mul3A_1290 : vector<16xf32>
        %swap3A_1292 = arith.index_cast %add3A_1263 : i32 to index
        %swap3A_1293 = arith.constant 32 : index
        %swap3A_1294 = tpu.vector_load %arg10[%swap3A_1292, %swap3A_1293] {strides = array<i32>} : memref<128x128xf32, #tpu.memory_space<vmem>>, vector<1x16xf32>,
        %swap3A_1295 = vector.shape_cast %swap3A_1294 : vector<1x16xf32> to vector<16xf32>
        %swap3A_1296 = vector.shape_cast %mul3A_1291 : vector<16xf32> to vector<1x16xf32>
        tpu.vector_store %arg10[%swap3A_1292, %swap3A_1293], %swap3A_1296 {strides = array<i32>} : memref<128x128xf32, #tpu.memory_space<vmem>>, vector<1x16xf32>,
        %get3A_1297 = arith.index_cast %add3A_1263 : i32 to index
        %get3A_1298 = arith.constant 48 : index
        %get3A_1299 = tpu.vector_load %arg10[%get3A_1297, %get3A_1298] {strides = array<i32>} : memref<128x128xf32, #tpu.memory_space<vmem>>, vector<1x16xf32>,
        %get3A_1300 = vector.shape_cast %get3A_1299 : vector<1x16xf32> to vector<16xf32>
        %mul3A_1301 = vector.broadcast %squeeze3A_1259 : f32 to vector<16xf32>
        %mul3A_1302 = arith.mulf %get3A_1300, %mul3A_1301 : vector<16xf32>
        %swap3A_1303 = arith.index_cast %add3A_1263 : i32 to index
        %swap3A_1304 = arith.constant 48 : index
        %swap3A_1305 = tpu.vector_load %arg10[%swap3A_1303, %swap3A_1304] {strides = array<i32>} : memref<128x128xf32, #tpu.memory_space<vmem>>, vector<1x16xf32>,
        %swap3A_1306 = vector.shape_cast %swap3A_1305 : vector<1x16xf32> to vector<16xf32>
        %swap3A_1307 = vector.shape_cast %mul3A_1302 : vector<16xf32> to vector<1x16xf32>
        tpu.vector_store %arg10[%swap3A_1303, %swap3A_1304], %swap3A_1307 {strides = array<i32>} : memref<128x128xf32, #tpu.memory_space<vmem>>, vector<1x16xf32>,
        %get3A_1308 = arith.index_cast %add3A_1263 : i32 to index
        %get3A_1309 = arith.constant 64 : index
        %get3A_1310 = tpu.vector_load %arg10[%get3A_1308, %get3A_1309] {strides = array<i32>} : memref<128x128xf32, #tpu.memory_space<vmem>>, vector<1x16xf32>,
        %get3A_1311 = vector.shape_cast %get3A_1310 : vector<1x16xf32> to vector<16xf32>
        %mul3A_1312 = vector.broadcast %squeeze3A_1259 : f32 to vector<16xf32>
        %mul3A_1313 = arith.mulf %get3A_1311, %mul3A_1312 : vector<16xf32>
        %swap3A_1314 = arith.index_cast %add3A_1263 : i32 to index
        %swap3A_1315 = arith.constant 64 : index
        %swap3A_1316 = tpu.vector_load %arg10[%swap3A_1314, %swap3A_1315] {strides = array<i32>} : memref<128x128xf32, #tpu.memory_space<vmem>>, vector<1x16xf32>,
        %swap3A_1317 = vector.shape_cast %swap3A_1316 : vector<1x16xf32> to vector<16xf32>
        %swap3A_1318 = vector.shape_cast %mul3A_1313 : vector<16xf32> to vector<1x16xf32>
        tpu.vector_store %arg10[%swap3A_1314, %swap3A_1315], %swap3A_1318 {strides = array<i32>} : memref<128x128xf32, #tpu.memory_space<vmem>>, vector<1x16xf32>,
        %get3A_1319 = arith.index_cast %add3A_1263 : i32 to index
        %get3A_1320 = arith.constant 80 : index
        %get3A_1321 = tpu.vector_load %arg10[%get3A_1319, %get3A_1320] {strides = array<i32>} : memref<128x128xf32, #tpu.memory_space<vmem>>, vector<1x16xf32>,
        %get3A_1322 = vector.shape_cast %get3A_1321 : vector<1x16xf32> to vector<16xf32>
        %mul3A_1323 = vector.broadcast %squeeze3A_1259 : f32 to vector<16xf32>
        %mul3A_1324 = arith.mulf %get3A_1322, %mul3A_1323 : vector<16xf32>
        %swap3A_1325 = arith.index_cast %add3A_1263 : i32 to index
        %swap3A_1326 = arith.constant 80 : index
        %swap3A_1327 = tpu.vector_load %arg10[%swap3A_1325, %swap3A_1326] {strides = array<i32>} : memref<128x128xf32, #tpu.memory_space<vmem>>, vector<1x16xf32>,
        %swap3A_1328 = vector.shape_cast %swap3A_1327 : vector<1x16xf32> to vector<16xf32>
        %swap3A_1329 = vector.shape_cast %mul3A_1324 : vector<16xf32> to vector<1x16xf32>
        tpu.vector_store %arg10[%swap3A_1325, %swap3A_1326], %swap3A_1329 {strides = array<i32>} : memref<128x128xf32, #tpu.memory_space<vmem>>, vector<1x16xf32>,
        %get3A_1330 = arith.index_cast %add3A_1263 : i32 to index
        %get3A_1331 = arith.constant 96 : index
        %get3A_1332 = tpu.vector_load %arg10[%get3A_1330, %get3A_1331] {strides = array<i32>} : memref<128x128xf32, #tpu.memory_space<vmem>>, vector<1x16xf32>,
        %get3A_1333 = vector.shape_cast %get3A_1332 : vector<1x16xf32> to vector<16xf32>
        %mul3A_1334 = vector.broadcast %squeeze3A_1259 : f32 to vector<16xf32>
        %mul3A_1335 = arith.mulf %get3A_1333, %mul3A_1334 : vector<16xf32>
        %swap3A_1336 = arith.index_cast %add3A_1263 : i32 to index
        %swap3A_1337 = arith.constant 96 : index
        %swap3A_1338 = tpu.vector_load %arg10[%swap3A_1336, %swap3A_1337] {strides = array<i32>} : memref<128x128xf32, #tpu.memory_space<vmem>>, vector<1x16xf32>,
        %swap3A_1339 = vector.shape_cast %swap3A_1338 : vector<1x16xf32> to vector<16xf32>
        %swap3A_1340 = vector.shape_cast %mul3A_1335 : vector<16xf32> to vector<1x16xf32>
        tpu.vector_store %arg10[%swap3A_1336, %swap3A_1337], %swap3A_1340 {strides = array<i32>} : memref<128x128xf32, #tpu.memory_space<vmem>>, vector<1x16xf32>,
        %get3A_1341 = arith.index_cast %add3A_1263 : i32 to index
        %get3A_1342 = arith.constant 112 : index
        %get3A_1343 = tpu.vector_load %arg10[%get3A_1341, %get3A_1342] {strides = array<i32>} : memref<128x128xf32, #tpu.memory_space<vmem>>, vector<1x16xf32>,
        %get3A_1344 = vector.shape_cast %get3A_1343 : vector<1x16xf32> to vector<16xf32>
        %mul3A_1345 = vector.broadcast %squeeze3A_1259 : f32 to vector<16xf32>
        %mul3A_1346 = arith.mulf %get3A_1344, %mul3A_1345 : vector<16xf32>
        %swap3A_1347 = arith.index_cast %add3A_1263 : i32 to index
        %swap3A_1348 = arith.constant 112 : index
        %swap3A_1349 = tpu.vector_load %arg10[%swap3A_1347, %swap3A_1348] {strides = array<i32>} : memref<128x128xf32, #tpu.memory_space<vmem>>, vector<1x16xf32>,
        %swap3A_1350 = vector.shape_cast %swap3A_1349 : vector<1x16xf32> to vector<16xf32>
        %swap3A_1351 = vector.shape_cast %mul3A_1346 : vector<16xf32> to vector<1x16xf32>
        tpu.vector_store %arg10[%swap3A_1347, %swap3A_1348], %swap3A_1351 {strides = array<i32>} : memref<128x128xf32, #tpu.memory_space<vmem>>, vector<1x16xf32>,
        %slice3A_1352 = vector.extract_strided_slice %get3A_132 {offsets = [13], sizes = [1], strides = [1]} : vector<16xf32> to vector<1xf32>
        %squeeze3A_1353 = vector.extract %slice3A_1352[0] : f32 from vector<1xf32>
        %mul3A_1354 = arith.constant 16 : i32
        %mul3A_1355 = arith.muli %scan3A_124, %mul3A_1354 : i32
        %add3A_1356 = arith.constant 13 : i32
        %add3A_1357 = arith.addi %mul3A_1355, %add3A_1356 : i32
        %get3A_1358 = arith.index_cast %add3A_1357 : i32 to index
        %get3A_1359 = arith.constant 0 : index
        %get3A_1360 = tpu.vector_load %arg10[%get3A_1358, %get3A_1359] {strides = array<i32>} : memref<128x128xf32, #tpu.memory_space<vmem>>, vector<1x16xf32>,
        %get3A_1361 = vector.shape_cast %get3A_1360 : vector<1x16xf32> to vector<16xf32>
        %mul3A_1362 = vector.broadcast %squeeze3A_1353 : f32 to vector<16xf32>
        %mul3A_1363 = arith.mulf %get3A_1361, %mul3A_1362 : vector<16xf32>
        %swap3A_1364 = arith.index_cast %add3A_1357 : i32 to index
        %swap3A_1365 = arith.constant 0 : index
        %swap3A_1366 = tpu.vector_load %arg10[%swap3A_1364, %swap3A_1365] {strides = array<i32>} : memref<128x128xf32, #tpu.memory_space<vmem>>, vector<1x16xf32>,
        %swap3A_1367 = vector.shape_cast %swap3A_1366 : vector<1x16xf32> to vector<16xf32>
        %swap3A_1368 = vector.shape_cast %mul3A_1363 : vector<16xf32> to vector<1x16xf32>
        tpu.vector_store %arg10[%swap3A_1364, %swap3A_1365], %swap3A_1368 {strides = array<i32>} : memref<128x128xf32, #tpu.memory_space<vmem>>, vector<1x16xf32>,
        %get3A_1369 = arith.index_cast %add3A_1357 : i32 to index
        %get3A_1370 = arith.constant 16 : index
        %get3A_1371 = tpu.vector_load %arg10[%get3A_1369, %get3A_1370] {strides = array<i32>} : memref<128x128xf32, #tpu.memory_space<vmem>>, vector<1x16xf32>,
        %get3A_1372 = vector.shape_cast %get3A_1371 : vector<1x16xf32> to vector<16xf32>
        %mul3A_1373 = vector.broadcast %squeeze3A_1353 : f32 to vector<16xf32>
        %mul3A_1374 = arith.mulf %get3A_1372, %mul3A_1373 : vector<16xf32>
        %swap3A_1375 = arith.index_cast %add3A_1357 : i32 to index
        %swap3A_1376 = arith.constant 16 : index
        %swap3A_1377 = tpu.vector_load %arg10[%swap3A_1375, %swap3A_1376] {strides = array<i32>} : memref<128x128xf32, #tpu.memory_space<vmem>>, vector<1x16xf32>,
        %swap3A_1378 = vector.shape_cast %swap3A_1377 : vector<1x16xf32> to vector<16xf32>
        %swap3A_1379 = vector.shape_cast %mul3A_1374 : vector<16xf32> to vector<1x16xf32>
        tpu.vector_store %arg10[%swap3A_1375, %swap3A_1376], %swap3A_1379 {strides = array<i32>} : memref<128x128xf32, #tpu.memory_space<vmem>>, vector<1x16xf32>,
        %get3A_1380 = arith.index_cast %add3A_1357 : i32 to index
        %get3A_1381 = arith.constant 32 : index
        %get3A_1382 = tpu.vector_load %arg10[%get3A_1380, %get3A_1381] {strides = array<i32>} : memref<128x128xf32, #tpu.memory_space<vmem>>, vector<1x16xf32>,
        %get3A_1383 = vector.shape_cast %get3A_1382 : vector<1x16xf32> to vector<16xf32>
        %mul3A_1384 = vector.broadcast %squeeze3A_1353 : f32 to vector<16xf32>
        %mul3A_1385 = arith.mulf %get3A_1383, %mul3A_1384 : vector<16xf32>
        %swap3A_1386 = arith.index_cast %add3A_1357 : i32 to index
        %swap3A_1387 = arith.constant 32 : index
        %swap3A_1388 = tpu.vector_load %arg10[%swap3A_1386, %swap3A_1387] {strides = array<i32>} : memref<128x128xf32, #tpu.memory_space<vmem>>, vector<1x16xf32>,
        %swap3A_1389 = vector.shape_cast %swap3A_1388 : vector<1x16xf32> to vector<16xf32>
        %swap3A_1390 = vector.shape_cast %mul3A_1385 : vector<16xf32> to vector<1x16xf32>
        tpu.vector_store %arg10[%swap3A_1386, %swap3A_1387], %swap3A_1390 {strides = array<i32>} : memref<128x128xf32, #tpu.memory_space<vmem>>, vector<1x16xf32>,
        %get3A_1391 = arith.index_cast %add3A_1357 : i32 to index
        %get3A_1392 = arith.constant 48 : index
        %get3A_1393 = tpu.vector_load %arg10[%get3A_1391, %get3A_1392] {strides = array<i32>} : memref<128x128xf32, #tpu.memory_space<vmem>>, vector<1x16xf32>,
        %get3A_1394 = vector.shape_cast %get3A_1393 : vector<1x16xf32> to vector<16xf32>
        %mul3A_1395 = vector.broadcast %squeeze3A_1353 : f32 to vector<16xf32>
        %mul3A_1396 = arith.mulf %get3A_1394, %mul3A_1395 : vector<16xf32>
        %swap3A_1397 = arith.index_cast %add3A_1357 : i32 to index
        %swap3A_1398 = arith.constant 48 : index
        %swap3A_1399 = tpu.vector_load %arg10[%swap3A_1397, %swap3A_1398] {strides = array<i32>} : memref<128x128xf32, #tpu.memory_space<vmem>>, vector<1x16xf32>,
        %swap3A_1400 = vector.shape_cast %swap3A_1399 : vector<1x16xf32> to vector<16xf32>
        %swap3A_1401 = vector.shape_cast %mul3A_1396 : vector<16xf32> to vector<1x16xf32>
        tpu.vector_store %arg10[%swap3A_1397, %swap3A_1398], %swap3A_1401 {strides = array<i32>} : memref<128x128xf32, #tpu.memory_space<vmem>>, vector<1x16xf32>,
        %get3A_1402 = arith.index_cast %add3A_1357 : i32 to index
        %get3A_1403 = arith.constant 64 : index
        %get3A_1404 = tpu.vector_load %arg10[%get3A_1402, %get3A_1403] {strides = array<i32>} : memref<128x128xf32, #tpu.memory_space<vmem>>, vector<1x16xf32>,
        %get3A_1405 = vector.shape_cast %get3A_1404 : vector<1x16xf32> to vector<16xf32>
        %mul3A_1406 = vector.broadcast %squeeze3A_1353 : f32 to vector<16xf32>
        %mul3A_1407 = arith.mulf %get3A_1405, %mul3A_1406 : vector<16xf32>
        %swap3A_1408 = arith.index_cast %add3A_1357 : i32 to index
        %swap3A_1409 = arith.constant 64 : index
        %swap3A_1410 = tpu.vector_load %arg10[%swap3A_1408, %swap3A_1409] {strides = array<i32>} : memref<128x128xf32, #tpu.memory_space<vmem>>, vector<1x16xf32>,
        %swap3A_1411 = vector.shape_cast %swap3A_1410 : vector<1x16xf32> to vector<16xf32>
        %swap3A_1412 = vector.shape_cast %mul3A_1407 : vector<16xf32> to vector<1x16xf32>
        tpu.vector_store %arg10[%swap3A_1408, %swap3A_1409], %swap3A_1412 {strides = array<i32>} : memref<128x128xf32, #tpu.memory_space<vmem>>, vector<1x16xf32>,
        %get3A_1413 = arith.index_cast %add3A_1357 : i32 to index
        %get3A_1414 = arith.constant 80 : index
        %get3A_1415 = tpu.vector_load %arg10[%get3A_1413, %get3A_1414] {strides = array<i32>} : memref<128x128xf32, #tpu.memory_space<vmem>>, vector<1x16xf32>,
        %get3A_1416 = vector.shape_cast %get3A_1415 : vector<1x16xf32> to vector<16xf32>
        %mul3A_1417 = vector.broadcast %squeeze3A_1353 : f32 to vector<16xf32>
        %mul3A_1418 = arith.mulf %get3A_1416, %mul3A_1417 : vector<16xf32>
        %swap3A_1419 = arith.index_cast %add3A_1357 : i32 to index
        %swap3A_1420 = arith.constant 80 : index
        %swap3A_1421 = tpu.vector_load %arg10[%swap3A_1419, %swap3A_1420] {strides = array<i32>} : memref<128x128xf32, #tpu.memory_space<vmem>>, vector<1x16xf32>,
        %swap3A_1422 = vector.shape_cast %swap3A_1421 : vector<1x16xf32> to vector<16xf32>
        %swap3A_1423 = vector.shape_cast %mul3A_1418 : vector<16xf32> to vector<1x16xf32>
        tpu.vector_store %arg10[%swap3A_1419, %swap3A_1420], %swap3A_1423 {strides = array<i32>} : memref<128x128xf32, #tpu.memory_space<vmem>>, vector<1x16xf32>,
        %get3A_1424 = arith.index_cast %add3A_1357 : i32 to index
        %get3A_1425 = arith.constant 96 : index
        %get3A_1426 = tpu.vector_load %arg10[%get3A_1424, %get3A_1425] {strides = array<i32>} : memref<128x128xf32, #tpu.memory_space<vmem>>, vector<1x16xf32>,
        %get3A_1427 = vector.shape_cast %get3A_1426 : vector<1x16xf32> to vector<16xf32>
        %mul3A_1428 = vector.broadcast %squeeze3A_1353 : f32 to vector<16xf32>
        %mul3A_1429 = arith.mulf %get3A_1427, %mul3A_1428 : vector<16xf32>
        %swap3A_1430 = arith.index_cast %add3A_1357 : i32 to index
        %swap3A_1431 = arith.constant 96 : index
        %swap3A_1432 = tpu.vector_load %arg10[%swap3A_1430, %swap3A_1431] {strides = array<i32>} : memref<128x128xf32, #tpu.memory_space<vmem>>, vector<1x16xf32>,
        %swap3A_1433 = vector.shape_cast %swap3A_1432 : vector<1x16xf32> to vector<16xf32>
        %swap3A_1434 = vector.shape_cast %mul3A_1429 : vector<16xf32> to vector<1x16xf32>
        tpu.vector_store %arg10[%swap3A_1430, %swap3A_1431], %swap3A_1434 {strides = array<i32>} : memref<128x128xf32, #tpu.memory_space<vmem>>, vector<1x16xf32>,
        %get3A_1435 = arith.index_cast %add3A_1357 : i32 to index
        %get3A_1436 = arith.constant 112 : index
        %get3A_1437 = tpu.vector_load %arg10[%get3A_1435, %get3A_1436] {strides = array<i32>} : memref<128x128xf32, #tpu.memory_space<vmem>>, vector<1x16xf32>,
        %get3A_1438 = vector.shape_cast %get3A_1437 : vector<1x16xf32> to vector<16xf32>
        %mul3A_1439 = vector.broadcast %squeeze3A_1353 : f32 to vector<16xf32>
        %mul3A_1440 = arith.mulf %get3A_1438, %mul3A_1439 : vector<16xf32>
        %swap3A_1441 = arith.index_cast %add3A_1357 : i32 to index
        %swap3A_1442 = arith.constant 112 : index
        %swap3A_1443 = tpu.vector_load %arg10[%swap3A_1441, %swap3A_1442] {strides = array<i32>} : memref<128x128xf32, #tpu.memory_space<vmem>>, vector<1x16xf32>,
        %swap3A_1444 = vector.shape_cast %swap3A_1443 : vector<1x16xf32> to vector<16xf32>
        %swap3A_1445 = vector.shape_cast %mul3A_1440 : vector<16xf32> to vector<1x16xf32>
        tpu.vector_store %arg10[%swap3A_1441, %swap3A_1442], %swap3A_1445 {strides = array<i32>} : memref<128x128xf32, #tpu.memory_space<vmem>>, vector<1x16xf32>,
        %slice3A_1446 = vector.extract_strided_slice %get3A_132 {offsets = [14], sizes = [1], strides = [1]} : vector<16xf32> to vector<1xf32>
        %squeeze3A_1447 = vector.extract %slice3A_1446[0] : f32 from vector<1xf32>
        %mul3A_1448 = arith.constant 16 : i32
        %mul3A_1449 = arith.muli %scan3A_124, %mul3A_1448 : i32
        %add3A_1450 = arith.constant 14 : i32
        %add3A_1451 = arith.addi %mul3A_1449, %add3A_1450 : i32
        %get3A_1452 = arith.index_cast %add3A_1451 : i32 to index
        %get3A_1453 = arith.constant 0 : index
        %get3A_1454 = tpu.vector_load %arg10[%get3A_1452, %get3A_1453] {strides = array<i32>} : memref<128x128xf32, #tpu.memory_space<vmem>>, vector<1x16xf32>,
        %get3A_1455 = vector.shape_cast %get3A_1454 : vector<1x16xf32> to vector<16xf32>
        %mul3A_1456 = vector.broadcast %squeeze3A_1447 : f32 to vector<16xf32>
        %mul3A_1457 = arith.mulf %get3A_1455, %mul3A_1456 : vector<16xf32>
        %swap3A_1458 = arith.index_cast %add3A_1451 : i32 to index
        %swap3A_1459 = arith.constant 0 : index
        %swap3A_1460 = tpu.vector_load %arg10[%swap3A_1458, %swap3A_1459] {strides = array<i32>} : memref<128x128xf32, #tpu.memory_space<vmem>>, vector<1x16xf32>,
        %swap3A_1461 = vector.shape_cast %swap3A_1460 : vector<1x16xf32> to vector<16xf32>
        %swap3A_1462 = vector.shape_cast %mul3A_1457 : vector<16xf32> to vector<1x16xf32>
        tpu.vector_store %arg10[%swap3A_1458, %swap3A_1459], %swap3A_1462 {strides = array<i32>} : memref<128x128xf32, #tpu.memory_space<vmem>>, vector<1x16xf32>,
        %get3A_1463 = arith.index_cast %add3A_1451 : i32 to index
        %get3A_1464 = arith.constant 16 : index
        %get3A_1465 = tpu.vector_load %arg10[%get3A_1463, %get3A_1464] {strides = array<i32>} : memref<128x128xf32, #tpu.memory_space<vmem>>, vector<1x16xf32>,
        %get3A_1466 = vector.shape_cast %get3A_1465 : vector<1x16xf32> to vector<16xf32>
        %mul3A_1467 = vector.broadcast %squeeze3A_1447 : f32 to vector<16xf32>
        %mul3A_1468 = arith.mulf %get3A_1466, %mul3A_1467 : vector<16xf32>
        %swap3A_1469 = arith.index_cast %add3A_1451 : i32 to index
        %swap3A_1470 = arith.constant 16 : index
        %swap3A_1471 = tpu.vector_load %arg10[%swap3A_1469, %swap3A_1470] {strides = array<i32>} : memref<128x128xf32, #tpu.memory_space<vmem>>, vector<1x16xf32>,
        %swap3A_1472 = vector.shape_cast %swap3A_1471 : vector<1x16xf32> to vector<16xf32>
        %swap3A_1473 = vector.shape_cast %mul3A_1468 : vector<16xf32> to vector<1x16xf32>
        tpu.vector_store %arg10[%swap3A_1469, %swap3A_1470], %swap3A_1473 {strides = array<i32>} : memref<128x128xf32, #tpu.memory_space<vmem>>, vector<1x16xf32>,
        %get3A_1474 = arith.index_cast %add3A_1451 : i32 to index
        %get3A_1475 = arith.constant 32 : index
        %get3A_1476 = tpu.vector_load %arg10[%get3A_1474, %get3A_1475] {strides = array<i32>} : memref<128x128xf32, #tpu.memory_space<vmem>>, vector<1x16xf32>,
        %get3A_1477 = vector.shape_cast %get3A_1476 : vector<1x16xf32> to vector<16xf32>
        %mul3A_1478 = vector.broadcast %squeeze3A_1447 : f32 to vector<16xf32>
        %mul3A_1479 = arith.mulf %get3A_1477, %mul3A_1478 : vector<16xf32>
        %swap3A_1480 = arith.index_cast %add3A_1451 : i32 to index
        %swap3A_1481 = arith.constant 32 : index
        %swap3A_1482 = tpu.vector_load %arg10[%swap3A_1480, %swap3A_1481] {strides = array<i32>} : memref<128x128xf32, #tpu.memory_space<vmem>>, vector<1x16xf32>,
        %swap3A_1483 = vector.shape_cast %swap3A_1482 : vector<1x16xf32> to vector<16xf32>
        %swap3A_1484 = vector.shape_cast %mul3A_1479 : vector<16xf32> to vector<1x16xf32>
        tpu.vector_store %arg10[%swap3A_1480, %swap3A_1481], %swap3A_1484 {strides = array<i32>} : memref<128x128xf32, #tpu.memory_space<vmem>>, vector<1x16xf32>,
        %get3A_1485 = arith.index_cast %add3A_1451 : i32 to index
        %get3A_1486 = arith.constant 48 : index
        %get3A_1487 = tpu.vector_load %arg10[%get3A_1485, %get3A_1486] {strides = array<i32>} : memref<128x128xf32, #tpu.memory_space<vmem>>, vector<1x16xf32>,
        %get3A_1488 = vector.shape_cast %get3A_1487 : vector<1x16xf32> to vector<16xf32>
        %mul3A_1489 = vector.broadcast %squeeze3A_1447 : f32 to vector<16xf32>
        %mul3A_1490 = arith.mulf %get3A_1488, %mul3A_1489 : vector<16xf32>
        %swap3A_1491 = arith.index_cast %add3A_1451 : i32 to index
        %swap3A_1492 = arith.constant 48 : index
        %swap3A_1493 = tpu.vector_load %arg10[%swap3A_1491, %swap3A_1492] {strides = array<i32>} : memref<128x128xf32, #tpu.memory_space<vmem>>, vector<1x16xf32>,
        %swap3A_1494 = vector.shape_cast %swap3A_1493 : vector<1x16xf32> to vector<16xf32>
        %swap3A_1495 = vector.shape_cast %mul3A_1490 : vector<16xf32> to vector<1x16xf32>
        tpu.vector_store %arg10[%swap3A_1491, %swap3A_1492], %swap3A_1495 {strides = array<i32>} : memref<128x128xf32, #tpu.memory_space<vmem>>, vector<1x16xf32>,
        %get3A_1496 = arith.index_cast %add3A_1451 : i32 to index
        %get3A_1497 = arith.constant 64 : index
        %get3A_1498 = tpu.vector_load %arg10[%get3A_1496, %get3A_1497] {strides = array<i32>} : memref<128x128xf32, #tpu.memory_space<vmem>>, vector<1x16xf32>,
        %get3A_1499 = vector.shape_cast %get3A_1498 : vector<1x16xf32> to vector<16xf32>
        %mul3A_1500 = vector.broadcast %squeeze3A_1447 : f32 to vector<16xf32>
        %mul3A_1501 = arith.mulf %get3A_1499, %mul3A_1500 : vector<16xf32>
        %swap3A_1502 = arith.index_cast %add3A_1451 : i32 to index
        %swap3A_1503 = arith.constant 64 : index
        %swap3A_1504 = tpu.vector_load %arg10[%swap3A_1502, %swap3A_1503] {strides = array<i32>} : memref<128x128xf32, #tpu.memory_space<vmem>>, vector<1x16xf32>,
        %swap3A_1505 = vector.shape_cast %swap3A_1504 : vector<1x16xf32> to vector<16xf32>
        %swap3A_1506 = vector.shape_cast %mul3A_1501 : vector<16xf32> to vector<1x16xf32>
        tpu.vector_store %arg10[%swap3A_1502, %swap3A_1503], %swap3A_1506 {strides = array<i32>} : memref<128x128xf32, #tpu.memory_space<vmem>>, vector<1x16xf32>,
        %get3A_1507 = arith.index_cast %add3A_1451 : i32 to index
        %get3A_1508 = arith.constant 80 : index
        %get3A_1509 = tpu.vector_load %arg10[%get3A_1507, %get3A_1508] {strides = array<i32>} : memref<128x128xf32, #tpu.memory_space<vmem>>, vector<1x16xf32>,
        %get3A_1510 = vector.shape_cast %get3A_1509 : vector<1x16xf32> to vector<16xf32>
        %mul3A_1511 = vector.broadcast %squeeze3A_1447 : f32 to vector<16xf32>
        %mul3A_1512 = arith.mulf %get3A_1510, %mul3A_1511 : vector<16xf32>
        %swap3A_1513 = arith.index_cast %add3A_1451 : i32 to index
        %swap3A_1514 = arith.constant 80 : index
        %swap3A_1515 = tpu.vector_load %arg10[%swap3A_1513, %swap3A_1514] {strides = array<i32>} : memref<128x128xf32, #tpu.memory_space<vmem>>, vector<1x16xf32>,
        %swap3A_1516 = vector.shape_cast %swap3A_1515 : vector<1x16xf32> to vector<16xf32>
        %swap3A_1517 = vector.shape_cast %mul3A_1512 : vector<16xf32> to vector<1x16xf32>
        tpu.vector_store %arg10[%swap3A_1513, %swap3A_1514], %swap3A_1517 {strides = array<i32>} : memref<128x128xf32, #tpu.memory_space<vmem>>, vector<1x16xf32>,
        %get3A_1518 = arith.index_cast %add3A_1451 : i32 to index
        %get3A_1519 = arith.constant 96 : index
        %get3A_1520 = tpu.vector_load %arg10[%get3A_1518, %get3A_1519] {strides = array<i32>} : memref<128x128xf32, #tpu.memory_space<vmem>>, vector<1x16xf32>,
        %get3A_1521 = vector.shape_cast %get3A_1520 : vector<1x16xf32> to vector<16xf32>
        %mul3A_1522 = vector.broadcast %squeeze3A_1447 : f32 to vector<16xf32>
        %mul3A_1523 = arith.mulf %get3A_1521, %mul3A_1522 : vector<16xf32>
        %swap3A_1524 = arith.index_cast %add3A_1451 : i32 to index
        %swap3A_1525 = arith.constant 96 : index
        %swap3A_1526 = tpu.vector_load %arg10[%swap3A_1524, %swap3A_1525] {strides = array<i32>} : memref<128x128xf32, #tpu.memory_space<vmem>>, vector<1x16xf32>,
        %swap3A_1527 = vector.shape_cast %swap3A_1526 : vector<1x16xf32> to vector<16xf32>
        %swap3A_1528 = vector.shape_cast %mul3A_1523 : vector<16xf32> to vector<1x16xf32>
        tpu.vector_store %arg10[%swap3A_1524, %swap3A_1525], %swap3A_1528 {strides = array<i32>} : memref<128x128xf32, #tpu.memory_space<vmem>>, vector<1x16xf32>,
        %get3A_1529 = arith.index_cast %add3A_1451 : i32 to index
        %get3A_1530 = arith.constant 112 : index
        %get3A_1531 = tpu.vector_load %arg10[%get3A_1529, %get3A_1530] {strides = array<i32>} : memref<128x128xf32, #tpu.memory_space<vmem>>, vector<1x16xf32>,
        %get3A_1532 = vector.shape_cast %get3A_1531 : vector<1x16xf32> to vector<16xf32>
        %mul3A_1533 = vector.broadcast %squeeze3A_1447 : f32 to vector<16xf32>
        %mul3A_1534 = arith.mulf %get3A_1532, %mul3A_1533 : vector<16xf32>
        %swap3A_1535 = arith.index_cast %add3A_1451 : i32 to index
        %swap3A_1536 = arith.constant 112 : index
        %swap3A_1537 = tpu.vector_load %arg10[%swap3A_1535, %swap3A_1536] {strides = array<i32>} : memref<128x128xf32, #tpu.memory_space<vmem>>, vector<1x16xf32>,
        %swap3A_1538 = vector.shape_cast %swap3A_1537 : vector<1x16xf32> to vector<16xf32>
        %swap3A_1539 = vector.shape_cast %mul3A_1534 : vector<16xf32> to vector<1x16xf32>
        tpu.vector_store %arg10[%swap3A_1535, %swap3A_1536], %swap3A_1539 {strides = array<i32>} : memref<128x128xf32, #tpu.memory_space<vmem>>, vector<1x16xf32>,
        %slice3A_1540 = vector.extract_strided_slice %get3A_132 {offsets = [15], sizes = [1], strides = [1]} : vector<16xf32> to vector<1xf32>
        %squeeze3A_1541 = vector.extract %slice3A_1540[0] : f32 from vector<1xf32>
        %mul3A_1542 = arith.constant 16 : i32
        %mul3A_1543 = arith.muli %scan3A_124, %mul3A_1542 : i32
        %add3A_1544 = arith.constant 15 : i32
        %add3A_1545 = arith.addi %mul3A_1543, %add3A_1544 : i32
        %get3A_1546 = arith.index_cast %add3A_1545 : i32 to index
        %get3A_1547 = arith.constant 0 : index
        %get3A_1548 = tpu.vector_load %arg10[%get3A_1546, %get3A_1547] {strides = array<i32>} : memref<128x128xf32, #tpu.memory_space<vmem>>, vector<1x16xf32>,
        %get3A_1549 = vector.shape_cast %get3A_1548 : vector<1x16xf32> to vector<16xf32>
        %mul3A_1550 = vector.broadcast %squeeze3A_1541 : f32 to vector<16xf32>
        %mul3A_1551 = arith.mulf %get3A_1549, %mul3A_1550 : vector<16xf32>
        %swap3A_1552 = arith.index_cast %add3A_1545 : i32 to index
        %swap3A_1553 = arith.constant 0 : index
        %swap3A_1554 = tpu.vector_load %arg10[%swap3A_1552, %swap3A_1553] {strides = array<i32>} : memref<128x128xf32, #tpu.memory_space<vmem>>, vector<1x16xf32>,
        %swap3A_1555 = vector.shape_cast %swap3A_1554 : vector<1x16xf32> to vector<16xf32>
        %swap3A_1556 = vector.shape_cast %mul3A_1551 : vector<16xf32> to vector<1x16xf32>
        tpu.vector_store %arg10[%swap3A_1552, %swap3A_1553], %swap3A_1556 {strides = array<i32>} : memref<128x128xf32, #tpu.memory_space<vmem>>, vector<1x16xf32>,
        %get3A_1557 = arith.index_cast %add3A_1545 : i32 to index
        %get3A_1558 = arith.constant 16 : index
        %get3A_1559 = tpu.vector_load %arg10[%get3A_1557, %get3A_1558] {strides = array<i32>} : memref<128x128xf32, #tpu.memory_space<vmem>>, vector<1x16xf32>,
        %get3A_1560 = vector.shape_cast %get3A_1559 : vector<1x16xf32> to vector<16xf32>
        %mul3A_1561 = vector.broadcast %squeeze3A_1541 : f32 to vector<16xf32>
        %mul3A_1562 = arith.mulf %get3A_1560, %mul3A_1561 : vector<16xf32>
        %swap3A_1563 = arith.index_cast %add3A_1545 : i32 to index
        %swap3A_1564 = arith.constant 16 : index
        %swap3A_1565 = tpu.vector_load %arg10[%swap3A_1563, %swap3A_1564] {strides = array<i32>} : memref<128x128xf32, #tpu.memory_space<vmem>>, vector<1x16xf32>,
        %swap3A_1566 = vector.shape_cast %swap3A_1565 : vector<1x16xf32> to vector<16xf32>
        %swap3A_1567 = vector.shape_cast %mul3A_1562 : vector<16xf32> to vector<1x16xf32>
        tpu.vector_store %arg10[%swap3A_1563, %swap3A_1564], %swap3A_1567 {strides = array<i32>} : memref<128x128xf32, #tpu.memory_space<vmem>>, vector<1x16xf32>,
        %get3A_1568 = arith.index_cast %add3A_1545 : i32 to index
        %get3A_1569 = arith.constant 32 : index
        %get3A_1570 = tpu.vector_load %arg10[%get3A_1568, %get3A_1569] {strides = array<i32>} : memref<128x128xf32, #tpu.memory_space<vmem>>, vector<1x16xf32>,
        %get3A_1571 = vector.shape_cast %get3A_1570 : vector<1x16xf32> to vector<16xf32>
        %mul3A_1572 = vector.broadcast %squeeze3A_1541 : f32 to vector<16xf32>
        %mul3A_1573 = arith.mulf %get3A_1571, %mul3A_1572 : vector<16xf32>
        %swap3A_1574 = arith.index_cast %add3A_1545 : i32 to index
        %swap3A_1575 = arith.constant 32 : index
        %swap3A_1576 = tpu.vector_load %arg10[%swap3A_1574, %swap3A_1575] {strides = array<i32>} : memref<128x128xf32, #tpu.memory_space<vmem>>, vector<1x16xf32>,
        %swap3A_1577 = vector.shape_cast %swap3A_1576 : vector<1x16xf32> to vector<16xf32>
        %swap3A_1578 = vector.shape_cast %mul3A_1573 : vector<16xf32> to vector<1x16xf32>
        tpu.vector_store %arg10[%swap3A_1574, %swap3A_1575], %swap3A_1578 {strides = array<i32>} : memref<128x128xf32, #tpu.memory_space<vmem>>, vector<1x16xf32>,
        %get3A_1579 = arith.index_cast %add3A_1545 : i32 to index
        %get3A_1580 = arith.constant 48 : index
        %get3A_1581 = tpu.vector_load %arg10[%get3A_1579, %get3A_1580] {strides = array<i32>} : memref<128x128xf32, #tpu.memory_space<vmem>>, vector<1x16xf32>,
        %get3A_1582 = vector.shape_cast %get3A_1581 : vector<1x16xf32> to vector<16xf32>
        %mul3A_1583 = vector.broadcast %squeeze3A_1541 : f32 to vector<16xf32>
        %mul3A_1584 = arith.mulf %get3A_1582, %mul3A_1583 : vector<16xf32>
        %swap3A_1585 = arith.index_cast %add3A_1545 : i32 to index
        %swap3A_1586 = arith.constant 48 : index
        %swap3A_1587 = tpu.vector_load %arg10[%swap3A_1585, %swap3A_1586] {strides = array<i32>} : memref<128x128xf32, #tpu.memory_space<vmem>>, vector<1x16xf32>,
        %swap3A_1588 = vector.shape_cast %swap3A_1587 : vector<1x16xf32> to vector<16xf32>
        %swap3A_1589 = vector.shape_cast %mul3A_1584 : vector<16xf32> to vector<1x16xf32>
        tpu.vector_store %arg10[%swap3A_1585, %swap3A_1586], %swap3A_1589 {strides = array<i32>} : memref<128x128xf32, #tpu.memory_space<vmem>>, vector<1x16xf32>,
        %get3A_1590 = arith.index_cast %add3A_1545 : i32 to index
        %get3A_1591 = arith.constant 64 : index
        %get3A_1592 = tpu.vector_load %arg10[%get3A_1590, %get3A_1591] {strides = array<i32>} : memref<128x128xf32, #tpu.memory_space<vmem>>, vector<1x16xf32>,
        %get3A_1593 = vector.shape_cast %get3A_1592 : vector<1x16xf32> to vector<16xf32>
        %mul3A_1594 = vector.broadcast %squeeze3A_1541 : f32 to vector<16xf32>
        %mul3A_1595 = arith.mulf %get3A_1593, %mul3A_1594 : vector<16xf32>
        %swap3A_1596 = arith.index_cast %add3A_1545 : i32 to index
        %swap3A_1597 = arith.constant 64 : index
        %swap3A_1598 = tpu.vector_load %arg10[%swap3A_1596, %swap3A_1597] {strides = array<i32>} : memref<128x128xf32, #tpu.memory_space<vmem>>, vector<1x16xf32>,
        %swap3A_1599 = vector.shape_cast %swap3A_1598 : vector<1x16xf32> to vector<16xf32>
        %swap3A_1600 = vector.shape_cast %mul3A_1595 : vector<16xf32> to vector<1x16xf32>
        tpu.vector_store %arg10[%swap3A_1596, %swap3A_1597], %swap3A_1600 {strides = array<i32>} : memref<128x128xf32, #tpu.memory_space<vmem>>, vector<1x16xf32>,
        %get3A_1601 = arith.index_cast %add3A_1545 : i32 to index
        %get3A_1602 = arith.constant 80 : index
        %get3A_1603 = tpu.vector_load %arg10[%get3A_1601, %get3A_1602] {strides = array<i32>} : memref<128x128xf32, #tpu.memory_space<vmem>>, vector<1x16xf32>,
        %get3A_1604 = vector.shape_cast %get3A_1603 : vector<1x16xf32> to vector<16xf32>
        %mul3A_1605 = vector.broadcast %squeeze3A_1541 : f32 to vector<16xf32>
        %mul3A_1606 = arith.mulf %get3A_1604, %mul3A_1605 : vector<16xf32>
        %swap3A_1607 = arith.index_cast %add3A_1545 : i32 to index
        %swap3A_1608 = arith.constant 80 : index
        %swap3A_1609 = tpu.vector_load %arg10[%swap3A_1607, %swap3A_1608] {strides = array<i32>} : memref<128x128xf32, #tpu.memory_space<vmem>>, vector<1x16xf32>,
        %swap3A_1610 = vector.shape_cast %swap3A_1609 : vector<1x16xf32> to vector<16xf32>
        %swap3A_1611 = vector.shape_cast %mul3A_1606 : vector<16xf32> to vector<1x16xf32>
        tpu.vector_store %arg10[%swap3A_1607, %swap3A_1608], %swap3A_1611 {strides = array<i32>} : memref<128x128xf32, #tpu.memory_space<vmem>>, vector<1x16xf32>,
        %get3A_1612 = arith.index_cast %add3A_1545 : i32 to index
        %get3A_1613 = arith.constant 96 : index
        %get3A_1614 = tpu.vector_load %arg10[%get3A_1612, %get3A_1613] {strides = array<i32>} : memref<128x128xf32, #tpu.memory_space<vmem>>, vector<1x16xf32>,
        %get3A_1615 = vector.shape_cast %get3A_1614 : vector<1x16xf32> to vector<16xf32>
        %mul3A_1616 = vector.broadcast %squeeze3A_1541 : f32 to vector<16xf32>
        %mul3A_1617 = arith.mulf %get3A_1615, %mul3A_1616 : vector<16xf32>
        %swap3A_1618 = arith.index_cast %add3A_1545 : i32 to index
        %swap3A_1619 = arith.constant 96 : index
        %swap3A_1620 = tpu.vector_load %arg10[%swap3A_1618, %swap3A_1619] {strides = array<i32>} : memref<128x128xf32, #tpu.memory_space<vmem>>, vector<1x16xf32>,
        %swap3A_1621 = vector.shape_cast %swap3A_1620 : vector<1x16xf32> to vector<16xf32>
        %swap3A_1622 = vector.shape_cast %mul3A_1617 : vector<16xf32> to vector<1x16xf32>
        tpu.vector_store %arg10[%swap3A_1618, %swap3A_1619], %swap3A_1622 {strides = array<i32>} : memref<128x128xf32, #tpu.memory_space<vmem>>, vector<1x16xf32>,
        %get3A_1623 = arith.index_cast %add3A_1545 : i32 to index
        %get3A_1624 = arith.constant 112 : index
        %get3A_1625 = tpu.vector_load %arg10[%get3A_1623, %get3A_1624] {strides = array<i32>} : memref<128x128xf32, #tpu.memory_space<vmem>>, vector<1x16xf32>,
        %get3A_1626 = vector.shape_cast %get3A_1625 : vector<1x16xf32> to vector<16xf32>
        %mul3A_1627 = vector.broadcast %squeeze3A_1541 : f32 to vector<16xf32>
        %mul3A_1628 = arith.mulf %get3A_1626, %mul3A_1627 : vector<16xf32>
        %swap3A_1629 = arith.index_cast %add3A_1545 : i32 to index
        %swap3A_1630 = arith.constant 112 : index
        %swap3A_1631 = tpu.vector_load %arg10[%swap3A_1629, %swap3A_1630] {strides = array<i32>} : memref<128x128xf32, #tpu.memory_space<vmem>>, vector<1x16xf32>,
        %swap3A_1632 = vector.shape_cast %swap3A_1631 : vector<1x16xf32> to vector<16xf32>
        %swap3A_1633 = vector.shape_cast %mul3A_1628 : vector<16xf32> to vector<1x16xf32>
        tpu.vector_store %arg10[%swap3A_1629, %swap3A_1630], %swap3A_1633 {strides = array<i32>} : memref<128x128xf32, #tpu.memory_space<vmem>>, vector<1x16xf32>,
        %scan3A_1634 = arith.constant 0 : i32
        scf.yield %scan3A_1634 : i32
      }
      %scan3A_122 = arith.constant 8 : i32
      "tpu.region"() ({
        %run_scoped3A = tpu.sem_alloc : memref<!tpu.dma_semaphore, #tpu.memory_space<semaphore_mem>>
        %dma_start3A_124 = arith.constant 0 : i32
        %dma_start3A_125 = tpu.memref_slice %arg8[%scan3A_104, %dma_start3A_124] : memref<79x128xi32, #tpu.memory_space<vmem>> -> memref<1x128xi32, #tpu.memory_space<vmem>>
        %dma_start3A_126 = tpu.memref_squeeze %dma_start3A_125 : memref<1x128xi32, #tpu.memory_space<vmem>> -> memref<128xi32, #tpu.memory_space<vmem>>
        %dma_start3A_127 = arith.constant 0 : i32
        %dma_start3A_128 = arith.constant 0 : i32
        %dma_start3A_129 = tpu.memref_slice %arg11[%dma_start3A_127, %dma_start3A_128] : memref<10240x128xf32, #tpu.memory_space<vmem_shared>> -> memref<10240x128xf32, #tpu.memory_space<vmem_shared>>
        tpu.enqueue_indirect_dma source(%arg10 : memref<128x128xf32, #tpu.memory_space<vmem>>) target(%dma_start3A_129 : memref<10240x128xf32, #tpu.memory_space<vmem_shared>>) offsets(%dma_start3A_126 : memref<128xi32, #tpu.memory_space<vmem>>) semaphore(%run_scoped3A : memref<!tpu.dma_semaphore, #tpu.memory_space<semaphore_mem>>) {add = true}
        %dma_wait3A_130 = arith.constant 0 : i32
        %dma_wait3A_131 = tpu.memref_slice %arg8[%scan3A_104, %dma_wait3A_130] : memref<79x128xi32, #tpu.memory_space<vmem>> -> memref<1x128xi32, #tpu.memory_space<vmem>>
        %dma_wait3A_132 = tpu.memref_squeeze %dma_wait3A_131 : memref<1x128xi32, #tpu.memory_space<vmem>> -> memref<128xi32, #tpu.memory_space<vmem>>
        %dma_wait3A_133 = arith.constant 0 : i32
        %dma_wait3A_134 = arith.constant 0 : i32
        %dma_wait3A_135 = tpu.memref_slice %arg11[%dma_wait3A_133, %dma_wait3A_134] : memref<10240x128xf32, #tpu.memory_space<vmem_shared>> -> memref<10240x128xf32, #tpu.memory_space<vmem_shared>>
        tpu.wait_indirect_dma semaphore(%run_scoped3A : memref<!tpu.dma_semaphore, #tpu.memory_space<semaphore_mem>>) src(%arg10 : memref<128x128xf32, #tpu.memory_space<vmem>>) dst(%dma_wait3A_135 : memref<10240x128xf32, #tpu.memory_space<vmem_shared>>)
        tpu.yield
      }) : () -> ()
      %scan3A_123 = arith.constant 0 : i32
      scf.yield %scan3A_123 : i32
    }
    %scan3A_41 = arith.constant 79 : i32
    %barrier3A_42 = arith.constant 0 : index
    tpu.barrier barrier_id(%barrier3A_42)
    %lt3A = arith.constant 15 : i32
    %lt3A_43 = arith.cmpi slt, %arg1, %lt3A : i32
    %convert_element_type3A = arith.extui %lt3A_43 : i1 to i32
    %cond3A = arith.constant 0 : i32
    %cond3A_44 = arith.cmpi ne, %convert_element_type3A, %cond3A : i32
    scf.if %cond3A_44 {
      %mul3A_104 = arith.constant 640 : i32
      %mul3A_105 = arith.muli %arg1, %mul3A_104 : i32
      %mul3A_106 = arith.constant 640 : i32
      %mul3A_107 = arith.muli %arg1, %mul3A_106 : i32
      "tpu.region"() ({
        %run_scoped3A = tpu.sem_alloc : memref<!tpu.dma_semaphore, #tpu.memory_space<semaphore_mem>>
        %dma_start3A = arith.constant 0 : i32
        %dma_start3A_108 = tpu.memref_slice %arg6[%add3A_0, %mul3A_107, %dma_start3A] : memref<4x10000x128xf32, #tpu.memory_space<hbm>> -> memref<1x640x128xf32, #tpu.memory_space<hbm>>
        %dma_start3A_109 = tpu.memref_squeeze %dma_start3A_108 : memref<1x640x128xf32, #tpu.memory_space<hbm>> -> memref<640x128xf32, #tpu.memory_space<hbm>>
        %dma_start3A_110 = arith.constant 0 : i32
        %dma_start3A_111 = tpu.memref_slice %arg11[%mul3A_105, %dma_start3A_110] : memref<10240x128xf32, #tpu.memory_space<vmem_shared>> -> memref<640x128xf32, #tpu.memory_space<vmem_shared>>
        tpu.enqueue_dma source(%dma_start3A_111 : memref<640x128xf32, #tpu.memory_space<vmem_shared>>) target(%dma_start3A_109 : memref<640x128xf32, #tpu.memory_space<hbm>>) target_semaphore(%run_scoped3A : memref<!tpu.dma_semaphore, #tpu.memory_space<semaphore_mem>>)
        %dma_wait3A = arith.constant 0 : i32
        %dma_wait3A_112 = tpu.memref_slice %arg6[%add3A_0, %mul3A_107, %dma_wait3A] : memref<4x10000x128xf32, #tpu.memory_space<hbm>> -> memref<1x640x128xf32, #tpu.memory_space<hbm>>
        %dma_wait3A_113 = tpu.memref_squeeze %dma_wait3A_112 : memref<1x640x128xf32, #tpu.memory_space<hbm>> -> memref<640x128xf32, #tpu.memory_space<hbm>>
        %dma_wait3A_114 = arith.constant 0 : i32
        %dma_wait3A_115 = tpu.memref_slice %arg11[%mul3A_105, %dma_wait3A_114] : memref<10240x128xf32, #tpu.memory_space<vmem_shared>> -> memref<640x128xf32, #tpu.memory_space<vmem_shared>>
        tpu.wait_dma2 semaphore(%run_scoped3A : memref<!tpu.dma_semaphore, #tpu.memory_space<semaphore_mem>>) src(%dma_wait3A_115 : memref<640x128xf32, #tpu.memory_space<vmem_shared>>) dst(%dma_wait3A_113 : memref<640x128xf32, #tpu.memory_space<hbm>>)
        tpu.yield
      }) : () -> ()
    } else {
    }
    %eq3A = arith.constant 15 : i32
    %eq3A_45 = arith.cmpi eq, %arg1, %eq3A : i32
    %convert_element_type3A_46 = arith.extui %eq3A_45 : i1 to i32
    %cond3A_47 = arith.constant 0 : i32
    %cond3A_48 = arith.cmpi ne, %convert_element_type3A_46, %cond3A_47 : i32
    scf.if %cond3A_48 {
      "tpu.region"() ({
        %run_scoped3A = tpu.sem_alloc : memref<!tpu.dma_semaphore, #tpu.memory_space<semaphore_mem>>
        %dma_start3A = arith.constant 9600 : i32
        %dma_start3A_104 = arith.constant 0 : i32
        %dma_start3A_105 = tpu.memref_slice %arg6[%add3A_0, %dma_start3A, %dma_start3A_104] : memref<4x10000x128xf32, #tpu.memory_space<hbm>> -> memref<1x400x128xf32, #tpu.memory_space<hbm>>
        %dma_start3A_106 = tpu.memref_squeeze %dma_start3A_105 : memref<1x400x128xf32, #tpu.memory_space<hbm>> -> memref<400x128xf32, #tpu.memory_space<hbm>>
        %dma_start3A_107 = arith.constant 9600 : i32
        %dma_start3A_108 = arith.constant 0 : i32
        %dma_start3A_109 = tpu.memref_slice %arg11[%dma_start3A_107, %dma_start3A_108] : memref<10240x128xf32, #tpu.memory_space<vmem_shared>> -> memref<400x128xf32, #tpu.memory_space<vmem_shared>>
        tpu.enqueue_dma source(%dma_start3A_109 : memref<400x128xf32, #tpu.memory_space<vmem_shared>>) target(%dma_start3A_106 : memref<400x128xf32, #tpu.memory_space<hbm>>) target_semaphore(%run_scoped3A : memref<!tpu.dma_semaphore, #tpu.memory_space<semaphore_mem>>)
        %dma_wait3A = arith.constant 9600 : i32
        %dma_wait3A_110 = arith.constant 0 : i32
        %dma_wait3A_111 = tpu.memref_slice %arg6[%add3A_0, %dma_wait3A, %dma_wait3A_110] : memref<4x10000x128xf32, #tpu.memory_space<hbm>> -> memref<1x400x128xf32, #tpu.memory_space<hbm>>
        %dma_wait3A_112 = tpu.memref_squeeze %dma_wait3A_111 : memref<1x400x128xf32, #tpu.memory_space<hbm>> -> memref<400x128xf32, #tpu.memory_space<hbm>>
        %dma_wait3A_113 = arith.constant 9600 : i32
        %dma_wait3A_114 = arith.constant 0 : i32
        %dma_wait3A_115 = tpu.memref_slice %arg11[%dma_wait3A_113, %dma_wait3A_114] : memref<10240x128xf32, #tpu.memory_space<vmem_shared>> -> memref<400x128xf32, #tpu.memory_space<vmem_shared>>
        tpu.wait_dma2 semaphore(%run_scoped3A : memref<!tpu.dma_semaphore, #tpu.memory_space<semaphore_mem>>) src(%dma_wait3A_115 : memref<400x128xf32, #tpu.memory_space<vmem_shared>>) dst(%dma_wait3A_112 : memref<400x128xf32, #tpu.memory_space<hbm>>)
        tpu.yield
      }) : () -> ()
    } else {
    }
    %add3A_49 = arith.constant 2 : i32
    %add3A_50 = arith.addi %add3A_49, %arg0 : i32
    %scan3A_51 = arith.constant 0 : i32
    %scan3A_52 = arith.constant 0 : i32
    %scan3A_53 = arith.constant 79 : i32
    %scan3A_54 = arith.addi %scan3A_52, %scan3A_53 : i32
    %scan3A_55 = arith.constant 1 : i32
    %scan3A_56 = scf.for %scan3A_104 = %scan3A_52 to %scan3A_54 step %scan3A_55 iter_args(%scan3A_105 = %scan3A_51) -> (i32)  : i32 {
      %get3A = arith.index_cast %scan3A_104 : i32 to index
      %get3A_106 = arith.constant 0 : index
      %get3A_107 = tpu.vector_load %arg7[%get3A, %get3A_106] {strides = array<i32>} : memref<79x128xi32, #tpu.memory_space<vmem>>, vector<1x16xi32>,
      %get3A_108 = vector.shape_cast %get3A_107 : vector<1x16xi32> to vector<16xi32>
      %add3A_109 = arith.constant 20000 : i32
      %add3A_110 = vector.broadcast %add3A_109 : i32 to vector<16xi32>
      %add3A_111 = arith.addi %get3A_108, %add3A_110 : vector<16xi32>
      %swap3A = arith.index_cast %scan3A_104 : i32 to index
      %swap3A_112 = arith.constant 0 : index
      %swap3A_113 = tpu.vector_load %arg7[%swap3A, %swap3A_112] {strides = array<i32>} : memref<79x128xi32, #tpu.memory_space<vmem>>, vector<1x16xi32>,
      %swap3A_114 = vector.shape_cast %swap3A_113 : vector<1x16xi32> to vector<16xi32>
      %swap3A_115 = vector.shape_cast %add3A_111 : vector<16xi32> to vector<1x16xi32>
      tpu.vector_store %arg7[%swap3A, %swap3A_112], %swap3A_115 {strides = array<i32>} : memref<79x128xi32, #tpu.memory_space<vmem>>, vector<1x16xi32>,
      %get3A_116 = arith.index_cast %scan3A_104 : i32 to index
      %get3A_117 = arith.constant 16 : index
      %get3A_118 = tpu.vector_load %arg7[%get3A_116, %get3A_117] {strides = array<i32>} : memref<79x128xi32, #tpu.memory_space<vmem>>, vector<1x16xi32>,
      %get3A_119 = vector.shape_cast %get3A_118 : vector<1x16xi32> to vector<16xi32>
      %add3A_120 = arith.constant 20000 : i32
      %add3A_121 = vector.broadcast %add3A_120 : i32 to vector<16xi32>
      %add3A_122 = arith.addi %get3A_119, %add3A_121 : vector<16xi32>
      %swap3A_123 = arith.index_cast %scan3A_104 : i32 to index
      %swap3A_124 = arith.constant 16 : index
      %swap3A_125 = tpu.vector_load %arg7[%swap3A_123, %swap3A_124] {strides = array<i32>} : memref<79x128xi32, #tpu.memory_space<vmem>>, vector<1x16xi32>,
      %swap3A_126 = vector.shape_cast %swap3A_125 : vector<1x16xi32> to vector<16xi32>
      %swap3A_127 = vector.shape_cast %add3A_122 : vector<16xi32> to vector<1x16xi32>
      tpu.vector_store %arg7[%swap3A_123, %swap3A_124], %swap3A_127 {strides = array<i32>} : memref<79x128xi32, #tpu.memory_space<vmem>>, vector<1x16xi32>,
      %get3A_128 = arith.index_cast %scan3A_104 : i32 to index
      %get3A_129 = arith.constant 32 : index
      %get3A_130 = tpu.vector_load %arg7[%get3A_128, %get3A_129] {strides = array<i32>} : memref<79x128xi32, #tpu.memory_space<vmem>>, vector<1x16xi32>,
      %get3A_131 = vector.shape_cast %get3A_130 : vector<1x16xi32> to vector<16xi32>
      %add3A_132 = arith.constant 20000 : i32
      %add3A_133 = vector.broadcast %add3A_132 : i32 to vector<16xi32>
      %add3A_134 = arith.addi %get3A_131, %add3A_133 : vector<16xi32>
      %swap3A_135 = arith.index_cast %scan3A_104 : i32 to index
      %swap3A_136 = arith.constant 32 : index
      %swap3A_137 = tpu.vector_load %arg7[%swap3A_135, %swap3A_136] {strides = array<i32>} : memref<79x128xi32, #tpu.memory_space<vmem>>, vector<1x16xi32>,
      %swap3A_138 = vector.shape_cast %swap3A_137 : vector<1x16xi32> to vector<16xi32>
      %swap3A_139 = vector.shape_cast %add3A_134 : vector<16xi32> to vector<1x16xi32>
      tpu.vector_store %arg7[%swap3A_135, %swap3A_136], %swap3A_139 {strides = array<i32>} : memref<79x128xi32, #tpu.memory_space<vmem>>, vector<1x16xi32>,
      %get3A_140 = arith.index_cast %scan3A_104 : i32 to index
      %get3A_141 = arith.constant 48 : index
      %get3A_142 = tpu.vector_load %arg7[%get3A_140, %get3A_141] {strides = array<i32>} : memref<79x128xi32, #tpu.memory_space<vmem>>, vector<1x16xi32>,
      %get3A_143 = vector.shape_cast %get3A_142 : vector<1x16xi32> to vector<16xi32>
      %add3A_144 = arith.constant 20000 : i32
      %add3A_145 = vector.broadcast %add3A_144 : i32 to vector<16xi32>
      %add3A_146 = arith.addi %get3A_143, %add3A_145 : vector<16xi32>
      %swap3A_147 = arith.index_cast %scan3A_104 : i32 to index
      %swap3A_148 = arith.constant 48 : index
      %swap3A_149 = tpu.vector_load %arg7[%swap3A_147, %swap3A_148] {strides = array<i32>} : memref<79x128xi32, #tpu.memory_space<vmem>>, vector<1x16xi32>,
      %swap3A_150 = vector.shape_cast %swap3A_149 : vector<1x16xi32> to vector<16xi32>
      %swap3A_151 = vector.shape_cast %add3A_146 : vector<16xi32> to vector<1x16xi32>
      tpu.vector_store %arg7[%swap3A_147, %swap3A_148], %swap3A_151 {strides = array<i32>} : memref<79x128xi32, #tpu.memory_space<vmem>>, vector<1x16xi32>,
      %get3A_152 = arith.index_cast %scan3A_104 : i32 to index
      %get3A_153 = arith.constant 64 : index
      %get3A_154 = tpu.vector_load %arg7[%get3A_152, %get3A_153] {strides = array<i32>} : memref<79x128xi32, #tpu.memory_space<vmem>>, vector<1x16xi32>,
      %get3A_155 = vector.shape_cast %get3A_154 : vector<1x16xi32> to vector<16xi32>
      %add3A_156 = arith.constant 20000 : i32
      %add3A_157 = vector.broadcast %add3A_156 : i32 to vector<16xi32>
      %add3A_158 = arith.addi %get3A_155, %add3A_157 : vector<16xi32>
      %swap3A_159 = arith.index_cast %scan3A_104 : i32 to index
      %swap3A_160 = arith.constant 64 : index
      %swap3A_161 = tpu.vector_load %arg7[%swap3A_159, %swap3A_160] {strides = array<i32>} : memref<79x128xi32, #tpu.memory_space<vmem>>, vector<1x16xi32>,
      %swap3A_162 = vector.shape_cast %swap3A_161 : vector<1x16xi32> to vector<16xi32>
      %swap3A_163 = vector.shape_cast %add3A_158 : vector<16xi32> to vector<1x16xi32>
      tpu.vector_store %arg7[%swap3A_159, %swap3A_160], %swap3A_163 {strides = array<i32>} : memref<79x128xi32, #tpu.memory_space<vmem>>, vector<1x16xi32>,
      %get3A_164 = arith.index_cast %scan3A_104 : i32 to index
      %get3A_165 = arith.constant 80 : index
      %get3A_166 = tpu.vector_load %arg7[%get3A_164, %get3A_165] {strides = array<i32>} : memref<79x128xi32, #tpu.memory_space<vmem>>, vector<1x16xi32>,
      %get3A_167 = vector.shape_cast %get3A_166 : vector<1x16xi32> to vector<16xi32>
      %add3A_168 = arith.constant 20000 : i32
      %add3A_169 = vector.broadcast %add3A_168 : i32 to vector<16xi32>
      %add3A_170 = arith.addi %get3A_167, %add3A_169 : vector<16xi32>
      %swap3A_171 = arith.index_cast %scan3A_104 : i32 to index
      %swap3A_172 = arith.constant 80 : index
      %swap3A_173 = tpu.vector_load %arg7[%swap3A_171, %swap3A_172] {strides = array<i32>} : memref<79x128xi32, #tpu.memory_space<vmem>>, vector<1x16xi32>,
      %swap3A_174 = vector.shape_cast %swap3A_173 : vector<1x16xi32> to vector<16xi32>
      %swap3A_175 = vector.shape_cast %add3A_170 : vector<16xi32> to vector<1x16xi32>
      tpu.vector_store %arg7[%swap3A_171, %swap3A_172], %swap3A_175 {strides = array<i32>} : memref<79x128xi32, #tpu.memory_space<vmem>>, vector<1x16xi32>,
      %get3A_176 = arith.index_cast %scan3A_104 : i32 to index
      %get3A_177 = arith.constant 96 : index
      %get3A_178 = tpu.vector_load %arg7[%get3A_176, %get3A_177] {strides = array<i32>} : memref<79x128xi32, #tpu.memory_space<vmem>>, vector<1x16xi32>,
      %get3A_179 = vector.shape_cast %get3A_178 : vector<1x16xi32> to vector<16xi32>
      %add3A_180 = arith.constant 20000 : i32
      %add3A_181 = vector.broadcast %add3A_180 : i32 to vector<16xi32>
      %add3A_182 = arith.addi %get3A_179, %add3A_181 : vector<16xi32>
      %swap3A_183 = arith.index_cast %scan3A_104 : i32 to index
      %swap3A_184 = arith.constant 96 : index
      %swap3A_185 = tpu.vector_load %arg7[%swap3A_183, %swap3A_184] {strides = array<i32>} : memref<79x128xi32, #tpu.memory_space<vmem>>, vector<1x16xi32>,
      %swap3A_186 = vector.shape_cast %swap3A_185 : vector<1x16xi32> to vector<16xi32>
      %swap3A_187 = vector.shape_cast %add3A_182 : vector<16xi32> to vector<1x16xi32>
      tpu.vector_store %arg7[%swap3A_183, %swap3A_184], %swap3A_187 {strides = array<i32>} : memref<79x128xi32, #tpu.memory_space<vmem>>, vector<1x16xi32>,
      %get3A_188 = arith.index_cast %scan3A_104 : i32 to index
      %get3A_189 = arith.constant 112 : index
      %get3A_190 = tpu.vector_load %arg7[%get3A_188, %get3A_189] {strides = array<i32>} : memref<79x128xi32, #tpu.memory_space<vmem>>, vector<1x16xi32>,
      %get3A_191 = vector.shape_cast %get3A_190 : vector<1x16xi32> to vector<16xi32>
      %add3A_192 = arith.constant 20000 : i32
      %add3A_193 = vector.broadcast %add3A_192 : i32 to vector<16xi32>
      %add3A_194 = arith.addi %get3A_191, %add3A_193 : vector<16xi32>
      %swap3A_195 = arith.index_cast %scan3A_104 : i32 to index
      %swap3A_196 = arith.constant 112 : index
      %swap3A_197 = tpu.vector_load %arg7[%swap3A_195, %swap3A_196] {strides = array<i32>} : memref<79x128xi32, #tpu.memory_space<vmem>>, vector<1x16xi32>,
      %swap3A_198 = vector.shape_cast %swap3A_197 : vector<1x16xi32> to vector<16xi32>
      %swap3A_199 = vector.shape_cast %add3A_194 : vector<16xi32> to vector<1x16xi32>
      tpu.vector_store %arg7[%swap3A_195, %swap3A_196], %swap3A_199 {strides = array<i32>} : memref<79x128xi32, #tpu.memory_space<vmem>>, vector<1x16xi32>,
      %scan3A_200 = arith.constant 0 : i32
      scf.yield %scan3A_200 : i32
    }
    %scan3A_57 = arith.constant 79 : i32
    %scan3A_58 = arith.constant 0 : i32
    %scan3A_59 = arith.constant 0 : i32
    %scan3A_60 = arith.constant 128 : i32
    %scan3A_61 = arith.addi %scan3A_59, %scan3A_60 : i32
    %scan3A_62 = arith.constant 1 : i32
    %scan3A_63 = scf.for %scan3A_104 = %scan3A_59 to %scan3A_61 step %scan3A_62 iter_args(%scan3A_105 = %scan3A_58) -> (i32)  : i32 {
      %broadcast_in_dim3A = arith.constant 0.000000e+00 : f32
      %broadcast_in_dim3A_106 = vector.broadcast %broadcast_in_dim3A : f32 to vector<16xf32>
      %swap3A = arith.index_cast %scan3A_104 : i32 to index
      %swap3A_107 = arith.constant 0 : index
      %swap3A_108 = tpu.vector_load %arg10[%swap3A, %swap3A_107] {strides = array<i32>} : memref<128x128xf32, #tpu.memory_space<vmem>>, vector<1x16xf32>,
      %swap3A_109 = vector.shape_cast %swap3A_108 : vector<1x16xf32> to vector<16xf32>
      %swap3A_110 = vector.shape_cast %broadcast_in_dim3A_106 : vector<16xf32> to vector<1x16xf32>
      tpu.vector_store %arg10[%swap3A, %swap3A_107], %swap3A_110 {strides = array<i32>} : memref<128x128xf32, #tpu.memory_space<vmem>>, vector<1x16xf32>,
      %broadcast_in_dim3A_111 = arith.constant 0.000000e+00 : f32
      %broadcast_in_dim3A_112 = vector.broadcast %broadcast_in_dim3A_111 : f32 to vector<16xf32>
      %swap3A_113 = arith.index_cast %scan3A_104 : i32 to index
      %swap3A_114 = arith.constant 16 : index
      %swap3A_115 = tpu.vector_load %arg10[%swap3A_113, %swap3A_114] {strides = array<i32>} : memref<128x128xf32, #tpu.memory_space<vmem>>, vector<1x16xf32>,
      %swap3A_116 = vector.shape_cast %swap3A_115 : vector<1x16xf32> to vector<16xf32>
      %swap3A_117 = vector.shape_cast %broadcast_in_dim3A_112 : vector<16xf32> to vector<1x16xf32>
      tpu.vector_store %arg10[%swap3A_113, %swap3A_114], %swap3A_117 {strides = array<i32>} : memref<128x128xf32, #tpu.memory_space<vmem>>, vector<1x16xf32>,
      %broadcast_in_dim3A_118 = arith.constant 0.000000e+00 : f32
      %broadcast_in_dim3A_119 = vector.broadcast %broadcast_in_dim3A_118 : f32 to vector<16xf32>
      %swap3A_120 = arith.index_cast %scan3A_104 : i32 to index
      %swap3A_121 = arith.constant 32 : index
      %swap3A_122 = tpu.vector_load %arg10[%swap3A_120, %swap3A_121] {strides = array<i32>} : memref<128x128xf32, #tpu.memory_space<vmem>>, vector<1x16xf32>,
      %swap3A_123 = vector.shape_cast %swap3A_122 : vector<1x16xf32> to vector<16xf32>
      %swap3A_124 = vector.shape_cast %broadcast_in_dim3A_119 : vector<16xf32> to vector<1x16xf32>
      tpu.vector_store %arg10[%swap3A_120, %swap3A_121], %swap3A_124 {strides = array<i32>} : memref<128x128xf32, #tpu.memory_space<vmem>>, vector<1x16xf32>,
      %broadcast_in_dim3A_125 = arith.constant 0.000000e+00 : f32
      %broadcast_in_dim3A_126 = vector.broadcast %broadcast_in_dim3A_125 : f32 to vector<16xf32>
      %swap3A_127 = arith.index_cast %scan3A_104 : i32 to index
      %swap3A_128 = arith.constant 48 : index
      %swap3A_129 = tpu.vector_load %arg10[%swap3A_127, %swap3A_128] {strides = array<i32>} : memref<128x128xf32, #tpu.memory_space<vmem>>, vector<1x16xf32>,
      %swap3A_130 = vector.shape_cast %swap3A_129 : vector<1x16xf32> to vector<16xf32>
      %swap3A_131 = vector.shape_cast %broadcast_in_dim3A_126 : vector<16xf32> to vector<1x16xf32>
      tpu.vector_store %arg10[%swap3A_127, %swap3A_128], %swap3A_131 {strides = array<i32>} : memref<128x128xf32, #tpu.memory_space<vmem>>, vector<1x16xf32>,
      %broadcast_in_dim3A_132 = arith.constant 0.000000e+00 : f32
      %broadcast_in_dim3A_133 = vector.broadcast %broadcast_in_dim3A_132 : f32 to vector<16xf32>
      %swap3A_134 = arith.index_cast %scan3A_104 : i32 to index
      %swap3A_135 = arith.constant 64 : index
      %swap3A_136 = tpu.vector_load %arg10[%swap3A_134, %swap3A_135] {strides = array<i32>} : memref<128x128xf32, #tpu.memory_space<vmem>>, vector<1x16xf32>,
      %swap3A_137 = vector.shape_cast %swap3A_136 : vector<1x16xf32> to vector<16xf32>
      %swap3A_138 = vector.shape_cast %broadcast_in_dim3A_133 : vector<16xf32> to vector<1x16xf32>
      tpu.vector_store %arg10[%swap3A_134, %swap3A_135], %swap3A_138 {strides = array<i32>} : memref<128x128xf32, #tpu.memory_space<vmem>>, vector<1x16xf32>,
      %broadcast_in_dim3A_139 = arith.constant 0.000000e+00 : f32
      %broadcast_in_dim3A_140 = vector.broadcast %broadcast_in_dim3A_139 : f32 to vector<16xf32>
      %swap3A_141 = arith.index_cast %scan3A_104 : i32 to index
      %swap3A_142 = arith.constant 80 : index
      %swap3A_143 = tpu.vector_load %arg10[%swap3A_141, %swap3A_142] {strides = array<i32>} : memref<128x128xf32, #tpu.memory_space<vmem>>, vector<1x16xf32>,
      %swap3A_144 = vector.shape_cast %swap3A_143 : vector<1x16xf32> to vector<16xf32>
      %swap3A_145 = vector.shape_cast %broadcast_in_dim3A_140 : vector<16xf32> to vector<1x16xf32>
      tpu.vector_store %arg10[%swap3A_141, %swap3A_142], %swap3A_145 {strides = array<i32>} : memref<128x128xf32, #tpu.memory_space<vmem>>, vector<1x16xf32>,
      %broadcast_in_dim3A_146 = arith.constant 0.000000e+00 : f32
      %broadcast_in_dim3A_147 = vector.broadcast %broadcast_in_dim3A_146 : f32 to vector<16xf32>
      %swap3A_148 = arith.index_cast %scan3A_104 : i32 to index
      %swap3A_149 = arith.constant 96 : index
      %swap3A_150 = tpu.vector_load %arg10[%swap3A_148, %swap3A_149] {strides = array<i32>} : memref<128x128xf32, #tpu.memory_space<vmem>>, vector<1x16xf32>,
      %swap3A_151 = vector.shape_cast %swap3A_150 : vector<1x16xf32> to vector<16xf32>
      %swap3A_152 = vector.shape_cast %broadcast_in_dim3A_147 : vector<16xf32> to vector<1x16xf32>
      tpu.vector_store %arg10[%swap3A_148, %swap3A_149], %swap3A_152 {strides = array<i32>} : memref<128x128xf32, #tpu.memory_space<vmem>>, vector<1x16xf32>,
      %broadcast_in_dim3A_153 = arith.constant 0.000000e+00 : f32
      %broadcast_in_dim3A_154 = vector.broadcast %broadcast_in_dim3A_153 : f32 to vector<16xf32>
      %swap3A_155 = arith.index_cast %scan3A_104 : i32 to index
      %swap3A_156 = arith.constant 112 : index
      %swap3A_157 = tpu.vector_load %arg10[%swap3A_155, %swap3A_156] {strides = array<i32>} : memref<128x128xf32, #tpu.memory_space<vmem>>, vector<1x16xf32>,
      %swap3A_158 = vector.shape_cast %swap3A_157 : vector<1x16xf32> to vector<16xf32>
      %swap3A_159 = vector.shape_cast %broadcast_in_dim3A_154 : vector<16xf32> to vector<1x16xf32>
      tpu.vector_store %arg10[%swap3A_155, %swap3A_156], %swap3A_159 {strides = array<i32>} : memref<128x128xf32, #tpu.memory_space<vmem>>, vector<1x16xf32>,
      %scan3A_160 = arith.constant 0 : i32
      scf.yield %scan3A_160 : i32
    }
    %scan3A_64 = arith.constant 128 : i32
    %mul3A_65 = arith.constant 640 : i32
    %mul3A_66 = arith.muli %arg1, %mul3A_65 : i32
    %add3A_67 = arith.constant 0 : i32
    %add3A_68 = arith.addi %mul3A_66, %add3A_67 : i32
    "tpu.region"() ({
      %run_scoped3A = tpu.sem_alloc : memref<!tpu.dma_semaphore, #tpu.memory_space<semaphore_mem>>
      %dma_start3A = arith.constant 0 : i32
      %dma_start3A_104 = tpu.memref_slice %arg11[%add3A_68, %dma_start3A] : memref<10240x128xf32, #tpu.memory_space<vmem_shared>> -> memref<128x128xf32, #tpu.memory_space<vmem_shared>>
      %dma_start3A_105 = arith.constant 0 : i32
      %dma_start3A_106 = tpu.memref_slice %arg11[%add3A_68, %dma_start3A_105] : memref<10240x128xf32, #tpu.memory_space<vmem_shared>> -> memref<128x128xf32, #tpu.memory_space<vmem_shared>>
      tpu.enqueue_dma source(%arg10 : memref<128x128xf32, #tpu.memory_space<vmem>>) target(%dma_start3A_106 : memref<128x128xf32, #tpu.memory_space<vmem_shared>>) target_semaphore(%run_scoped3A : memref<!tpu.dma_semaphore, #tpu.memory_space<semaphore_mem>>)
      %dma_wait3A = arith.constant 0 : i32
      %dma_wait3A_107 = tpu.memref_slice %arg11[%add3A_68, %dma_wait3A] : memref<10240x128xf32, #tpu.memory_space<vmem_shared>> -> memref<128x128xf32, #tpu.memory_space<vmem_shared>>
      %dma_wait3A_108 = arith.constant 0 : i32
      %dma_wait3A_109 = tpu.memref_slice %arg11[%add3A_68, %dma_wait3A_108] : memref<10240x128xf32, #tpu.memory_space<vmem_shared>> -> memref<128x128xf32, #tpu.memory_space<vmem_shared>>
      tpu.wait_dma2 semaphore(%run_scoped3A : memref<!tpu.dma_semaphore, #tpu.memory_space<semaphore_mem>>) src(%arg10 : memref<128x128xf32, #tpu.memory_space<vmem>>) dst(%dma_wait3A_109 : memref<128x128xf32, #tpu.memory_space<vmem_shared>>)
      tpu.yield
    }) : () -> ()
    %mul3A_69 = arith.constant 640 : i32
    %mul3A_70 = arith.muli %arg1, %mul3A_69 : i32
    %add3A_71 = arith.constant 128 : i32
    %add3A_72 = arith.addi %mul3A_70, %add3A_71 : i32
    "tpu.region"() ({
      %run_scoped3A = tpu.sem_alloc : memref<!tpu.dma_semaphore, #tpu.memory_space<semaphore_mem>>
      %dma_start3A = arith.constant 0 : i32
      %dma_start3A_104 = tpu.memref_slice %arg11[%add3A_72, %dma_start3A] : memref<10240x128xf32, #tpu.memory_space<vmem_shared>> -> memref<128x128xf32, #tpu.memory_space<vmem_shared>>
      %dma_start3A_105 = arith.constant 0 : i32
      %dma_start3A_106 = tpu.memref_slice %arg11[%add3A_72, %dma_start3A_105] : memref<10240x128xf32, #tpu.memory_space<vmem_shared>> -> memref<128x128xf32, #tpu.memory_space<vmem_shared>>
      tpu.enqueue_dma source(%arg10 : memref<128x128xf32, #tpu.memory_space<vmem>>) target(%dma_start3A_106 : memref<128x128xf32, #tpu.memory_space<vmem_shared>>) target_semaphore(%run_scoped3A : memref<!tpu.dma_semaphore, #tpu.memory_space<semaphore_mem>>)
      %dma_wait3A = arith.constant 0 : i32
      %dma_wait3A_107 = tpu.memref_slice %arg11[%add3A_72, %dma_wait3A] : memref<10240x128xf32, #tpu.memory_space<vmem_shared>> -> memref<128x128xf32, #tpu.memory_space<vmem_shared>>
      %dma_wait3A_108 = arith.constant 0 : i32
      %dma_wait3A_109 = tpu.memref_slice %arg11[%add3A_72, %dma_wait3A_108] : memref<10240x128xf32, #tpu.memory_space<vmem_shared>> -> memref<128x128xf32, #tpu.memory_space<vmem_shared>>
      tpu.wait_dma2 semaphore(%run_scoped3A : memref<!tpu.dma_semaphore, #tpu.memory_space<semaphore_mem>>) src(%arg10 : memref<128x128xf32, #tpu.memory_space<vmem>>) dst(%dma_wait3A_109 : memref<128x128xf32, #tpu.memory_space<vmem_shared>>)
      tpu.yield
    }) : () -> ()
    %mul3A_73 = arith.constant 640 : i32
    %mul3A_74 = arith.muli %arg1, %mul3A_73 : i32
    %add3A_75 = arith.constant 256 : i32
    %add3A_76 = arith.addi %mul3A_74, %add3A_75 : i32
    "tpu.region"() ({
      %run_scoped3A = tpu.sem_alloc : memref<!tpu.dma_semaphore, #tpu.memory_space<semaphore_mem>>
      %dma_start3A = arith.constant 0 : i32
      %dma_start3A_104 = tpu.memref_slice %arg11[%add3A_76, %dma_start3A] : memref<10240x128xf32, #tpu.memory_space<vmem_shared>> -> memref<128x128xf32, #tpu.memory_space<vmem_shared>>
      %dma_start3A_105 = arith.constant 0 : i32
      %dma_start3A_106 = tpu.memref_slice %arg11[%add3A_76, %dma_start3A_105] : memref<10240x128xf32, #tpu.memory_space<vmem_shared>> -> memref<128x128xf32, #tpu.memory_space<vmem_shared>>
      tpu.enqueue_dma source(%arg10 : memref<128x128xf32, #tpu.memory_space<vmem>>) target(%dma_start3A_106 : memref<128x128xf32, #tpu.memory_space<vmem_shared>>) target_semaphore(%run_scoped3A : memref<!tpu.dma_semaphore, #tpu.memory_space<semaphore_mem>>)
      %dma_wait3A = arith.constant 0 : i32
      %dma_wait3A_107 = tpu.memref_slice %arg11[%add3A_76, %dma_wait3A] : memref<10240x128xf32, #tpu.memory_space<vmem_shared>> -> memref<128x128xf32, #tpu.memory_space<vmem_shared>>
      %dma_wait3A_108 = arith.constant 0 : i32
      %dma_wait3A_109 = tpu.memref_slice %arg11[%add3A_76, %dma_wait3A_108] : memref<10240x128xf32, #tpu.memory_space<vmem_shared>> -> memref<128x128xf32, #tpu.memory_space<vmem_shared>>
      tpu.wait_dma2 semaphore(%run_scoped3A : memref<!tpu.dma_semaphore, #tpu.memory_space<semaphore_mem>>) src(%arg10 : memref<128x128xf32, #tpu.memory_space<vmem>>) dst(%dma_wait3A_109 : memref<128x128xf32, #tpu.memory_space<vmem_shared>>)
      tpu.yield
    }) : () -> ()
    %mul3A_77 = arith.constant 640 : i32
    %mul3A_78 = arith.muli %arg1, %mul3A_77 : i32
    %add3A_79 = arith.constant 384 : i32
    %add3A_80 = arith.addi %mul3A_78, %add3A_79 : i32
    "tpu.region"() ({
      %run_scoped3A = tpu.sem_alloc : memref<!tpu.dma_semaphore, #tpu.memory_space<semaphore_mem>>
      %dma_start3A = arith.constant 0 : i32
      %dma_start3A_104 = tpu.memref_slice %arg11[%add3A_80, %dma_start3A] : memref<10240x128xf32, #tpu.memory_space<vmem_shared>> -> memref<128x128xf32, #tpu.memory_space<vmem_shared>>
      %dma_start3A_105 = arith.constant 0 : i32
      %dma_start3A_106 = tpu.memref_slice %arg11[%add3A_80, %dma_start3A_105] : memref<10240x128xf32, #tpu.memory_space<vmem_shared>> -> memref<128x128xf32, #tpu.memory_space<vmem_shared>>
      tpu.enqueue_dma source(%arg10 : memref<128x128xf32, #tpu.memory_space<vmem>>) target(%dma_start3A_106 : memref<128x128xf32, #tpu.memory_space<vmem_shared>>) target_semaphore(%run_scoped3A : memref<!tpu.dma_semaphore, #tpu.memory_space<semaphore_mem>>)
      %dma_wait3A = arith.constant 0 : i32
      %dma_wait3A_107 = tpu.memref_slice %arg11[%add3A_80, %dma_wait3A] : memref<10240x128xf32, #tpu.memory_space<vmem_shared>> -> memref<128x128xf32, #tpu.memory_space<vmem_shared>>
      %dma_wait3A_108 = arith.constant 0 : i32
      %dma_wait3A_109 = tpu.memref_slice %arg11[%add3A_80, %dma_wait3A_108] : memref<10240x128xf32, #tpu.memory_space<vmem_shared>> -> memref<128x128xf32, #tpu.memory_space<vmem_shared>>
      tpu.wait_dma2 semaphore(%run_scoped3A : memref<!tpu.dma_semaphore, #tpu.memory_space<semaphore_mem>>) src(%arg10 : memref<128x128xf32, #tpu.memory_space<vmem>>) dst(%dma_wait3A_109 : memref<128x128xf32, #tpu.memory_space<vmem_shared>>)
      tpu.yield
    }) : () -> ()
    %mul3A_81 = arith.constant 640 : i32
    %mul3A_82 = arith.muli %arg1, %mul3A_81 : i32
    %add3A_83 = arith.constant 512 : i32
    %add3A_84 = arith.addi %mul3A_82, %add3A_83 : i32
    "tpu.region"() ({
      %run_scoped3A = tpu.sem_alloc : memref<!tpu.dma_semaphore, #tpu.memory_space<semaphore_mem>>
      %dma_start3A = arith.constant 0 : i32
      %dma_start3A_104 = tpu.memref_slice %arg11[%add3A_84, %dma_start3A] : memref<10240x128xf32, #tpu.memory_space<vmem_shared>> -> memref<128x128xf32, #tpu.memory_space<vmem_shared>>
      %dma_start3A_105 = arith.constant 0 : i32
      %dma_start3A_106 = tpu.memref_slice %arg11[%add3A_84, %dma_start3A_105] : memref<10240x128xf32, #tpu.memory_space<vmem_shared>> -> memref<128x128xf32, #tpu.memory_space<vmem_shared>>
      tpu.enqueue_dma source(%arg10 : memref<128x128xf32, #tpu.memory_space<vmem>>) target(%dma_start3A_106 : memref<128x128xf32, #tpu.memory_space<vmem_shared>>) target_semaphore(%run_scoped3A : memref<!tpu.dma_semaphore, #tpu.memory_space<semaphore_mem>>)
      %dma_wait3A = arith.constant 0 : i32
      %dma_wait3A_107 = tpu.memref_slice %arg11[%add3A_84, %dma_wait3A] : memref<10240x128xf32, #tpu.memory_space<vmem_shared>> -> memref<128x128xf32, #tpu.memory_space<vmem_shared>>
      %dma_wait3A_108 = arith.constant 0 : i32
      %dma_wait3A_109 = tpu.memref_slice %arg11[%add3A_84, %dma_wait3A_108] : memref<10240x128xf32, #tpu.memory_space<vmem_shared>> -> memref<128x128xf32, #tpu.memory_space<vmem_shared>>
      tpu.wait_dma2 semaphore(%run_scoped3A : memref<!tpu.dma_semaphore, #tpu.memory_space<semaphore_mem>>) src(%arg10 : memref<128x128xf32, #tpu.memory_space<vmem>>) dst(%dma_wait3A_109 : memref<128x128xf32, #tpu.memory_space<vmem_shared>>)
      tpu.yield
    }) : () -> ()
    %barrier3A_85 = arith.constant 0 : index
    tpu.barrier barrier_id(%barrier3A_85)
    %scan3A_86 = arith.constant 0 : i32
    %scan3A_87 = arith.constant 0 : i32
    %scan3A_88 = arith.constant 79 : i32
    %scan3A_89 = arith.addi %scan3A_87, %scan3A_88 : i32
    %scan3A_90 = arith.constant 1 : i32
    %scan3A_91 = scf.for %scan3A_104 = %scan3A_87 to %scan3A_89 step %scan3A_90 iter_args(%scan3A_105 = %scan3A_86) -> (i32)  : i32 {
      %dma_start3A = arith.constant 0 : i32
      %dma_start3A_106 = tpu.memref_slice %arg7[%scan3A_104, %dma_start3A] : memref<79x128xi32, #tpu.memory_space<vmem>> -> memref<1x128xi32, #tpu.memory_space<vmem>>
      %dma_start3A_107 = tpu.memref_squeeze %dma_start3A_106 : memref<1x128xi32, #tpu.memory_space<vmem>> -> memref<128xi32, #tpu.memory_space<vmem>>
      %dma_start3A_108 = arith.constant 0 : i32
      %dma_start3A_109 = arith.constant 0 : i32
      %dma_start3A_110 = tpu.memref_slice %arg2[%dma_start3A_108, %dma_start3A_109] : memref<40000x128xf32, #tpu.memory_space<hbm>> -> memref<40000x128xf32, #tpu.memory_space<hbm>>
      tpu.enqueue_indirect_dma source(%dma_start3A_110 : memref<40000x128xf32, #tpu.memory_space<hbm>>) target(%arg10 : memref<128x128xf32, #tpu.memory_space<vmem>>) offsets(%dma_start3A_107 : memref<128xi32, #tpu.memory_space<vmem>>) semaphore(%arg12 : memref<!tpu.dma_semaphore, #tpu.memory_space<semaphore_mem>>)
      %dma_wait3A = arith.constant 0 : i32
      %dma_wait3A_111 = tpu.memref_slice %arg7[%scan3A_104, %dma_wait3A] : memref<79x128xi32, #tpu.memory_space<vmem>> -> memref<1x128xi32, #tpu.memory_space<vmem>>
      %dma_wait3A_112 = tpu.memref_squeeze %dma_wait3A_111 : memref<1x128xi32, #tpu.memory_space<vmem>> -> memref<128xi32, #tpu.memory_space<vmem>>
      %dma_wait3A_113 = arith.constant 0 : i32
      %dma_wait3A_114 = arith.constant 0 : i32
      %dma_wait3A_115 = tpu.memref_slice %arg2[%dma_wait3A_113, %dma_wait3A_114] : memref<40000x128xf32, #tpu.memory_space<hbm>> -> memref<40000x128xf32, #tpu.memory_space<hbm>>
      tpu.wait_indirect_dma semaphore(%arg12 : memref<!tpu.dma_semaphore, #tpu.memory_space<semaphore_mem>>) src(%dma_wait3A_115 : memref<40000x128xf32, #tpu.memory_space<hbm>>) dst(%arg10 : memref<128x128xf32, #tpu.memory_space<vmem>>)
      %scan3A_116 = arith.constant 0 : i32
      %scan3A_117 = arith.constant 0 : i32
      %scan3A_118 = arith.constant 8 : i32
      %scan3A_119 = arith.addi %scan3A_117, %scan3A_118 : i32
      %scan3A_120 = arith.constant 1 : i32
      %scan3A_121 = scf.for %scan3A_124 = %scan3A_117 to %scan3A_119 step %scan3A_120 iter_args(%scan3A_125 = %scan3A_116) -> (i32)  : i32 {
        %mul3A_126 = arith.constant 128 : i32
        %mul3A_127 = arith.muli %scan3A_104, %mul3A_126 : i32
        %mul3A_128 = arith.constant 16 : i32
        %mul3A_129 = arith.muli %scan3A_124, %mul3A_128 : i32
        %add3A_130 = arith.addi %mul3A_127, %mul3A_129 : i32
        %get3A = arith.index_cast %add3A_130 : i32 to index
        %get3A_131 = tpu.vector_load %arg9[%get3A] {strides = array<i32>} : memref<10112xf32, #tpu.memory_space<vmem>>, vector<16xf32>,
        %get3A_132 = vector.shape_cast %get3A_131 : vector<16xf32> to vector<16xf32>
        %slice3A = vector.extract_strided_slice %get3A_132 {offsets = [0], sizes = [1], strides = [1]} : vector<16xf32> to vector<1xf32>
        %squeeze3A = vector.extract %slice3A[0] : f32 from vector<1xf32>
        %mul3A_133 = arith.constant 16 : i32
        %mul3A_134 = arith.muli %scan3A_124, %mul3A_133 : i32
        %add3A_135 = arith.constant 0 : i32
        %add3A_136 = arith.addi %mul3A_134, %add3A_135 : i32
        %get3A_137 = arith.index_cast %add3A_136 : i32 to index
        %get3A_138 = arith.constant 0 : index
        %get3A_139 = tpu.vector_load %arg10[%get3A_137, %get3A_138] {strides = array<i32>} : memref<128x128xf32, #tpu.memory_space<vmem>>, vector<1x16xf32>,
        %get3A_140 = vector.shape_cast %get3A_139 : vector<1x16xf32> to vector<16xf32>
        %mul3A_141 = vector.broadcast %squeeze3A : f32 to vector<16xf32>
        %mul3A_142 = arith.mulf %get3A_140, %mul3A_141 : vector<16xf32>
        %swap3A = arith.index_cast %add3A_136 : i32 to index
        %swap3A_143 = arith.constant 0 : index
        %swap3A_144 = tpu.vector_load %arg10[%swap3A, %swap3A_143] {strides = array<i32>} : memref<128x128xf32, #tpu.memory_space<vmem>>, vector<1x16xf32>,
        %swap3A_145 = vector.shape_cast %swap3A_144 : vector<1x16xf32> to vector<16xf32>
        %swap3A_146 = vector.shape_cast %mul3A_142 : vector<16xf32> to vector<1x16xf32>
        tpu.vector_store %arg10[%swap3A, %swap3A_143], %swap3A_146 {strides = array<i32>} : memref<128x128xf32, #tpu.memory_space<vmem>>, vector<1x16xf32>,
        %get3A_147 = arith.index_cast %add3A_136 : i32 to index
        %get3A_148 = arith.constant 16 : index
        %get3A_149 = tpu.vector_load %arg10[%get3A_147, %get3A_148] {strides = array<i32>} : memref<128x128xf32, #tpu.memory_space<vmem>>, vector<1x16xf32>,
        %get3A_150 = vector.shape_cast %get3A_149 : vector<1x16xf32> to vector<16xf32>
        %mul3A_151 = vector.broadcast %squeeze3A : f32 to vector<16xf32>
        %mul3A_152 = arith.mulf %get3A_150, %mul3A_151 : vector<16xf32>
        %swap3A_153 = arith.index_cast %add3A_136 : i32 to index
        %swap3A_154 = arith.constant 16 : index
        %swap3A_155 = tpu.vector_load %arg10[%swap3A_153, %swap3A_154] {strides = array<i32>} : memref<128x128xf32, #tpu.memory_space<vmem>>, vector<1x16xf32>,
        %swap3A_156 = vector.shape_cast %swap3A_155 : vector<1x16xf32> to vector<16xf32>
        %swap3A_157 = vector.shape_cast %mul3A_152 : vector<16xf32> to vector<1x16xf32>
        tpu.vector_store %arg10[%swap3A_153, %swap3A_154], %swap3A_157 {strides = array<i32>} : memref<128x128xf32, #tpu.memory_space<vmem>>, vector<1x16xf32>,
        %get3A_158 = arith.index_cast %add3A_136 : i32 to index
        %get3A_159 = arith.constant 32 : index
        %get3A_160 = tpu.vector_load %arg10[%get3A_158, %get3A_159] {strides = array<i32>} : memref<128x128xf32, #tpu.memory_space<vmem>>, vector<1x16xf32>,
        %get3A_161 = vector.shape_cast %get3A_160 : vector<1x16xf32> to vector<16xf32>
        %mul3A_162 = vector.broadcast %squeeze3A : f32 to vector<16xf32>
        %mul3A_163 = arith.mulf %get3A_161, %mul3A_162 : vector<16xf32>
        %swap3A_164 = arith.index_cast %add3A_136 : i32 to index
        %swap3A_165 = arith.constant 32 : index
        %swap3A_166 = tpu.vector_load %arg10[%swap3A_164, %swap3A_165] {strides = array<i32>} : memref<128x128xf32, #tpu.memory_space<vmem>>, vector<1x16xf32>,
        %swap3A_167 = vector.shape_cast %swap3A_166 : vector<1x16xf32> to vector<16xf32>
        %swap3A_168 = vector.shape_cast %mul3A_163 : vector<16xf32> to vector<1x16xf32>
        tpu.vector_store %arg10[%swap3A_164, %swap3A_165], %swap3A_168 {strides = array<i32>} : memref<128x128xf32, #tpu.memory_space<vmem>>, vector<1x16xf32>,
        %get3A_169 = arith.index_cast %add3A_136 : i32 to index
        %get3A_170 = arith.constant 48 : index
        %get3A_171 = tpu.vector_load %arg10[%get3A_169, %get3A_170] {strides = array<i32>} : memref<128x128xf32, #tpu.memory_space<vmem>>, vector<1x16xf32>,
        %get3A_172 = vector.shape_cast %get3A_171 : vector<1x16xf32> to vector<16xf32>
        %mul3A_173 = vector.broadcast %squeeze3A : f32 to vector<16xf32>
        %mul3A_174 = arith.mulf %get3A_172, %mul3A_173 : vector<16xf32>
        %swap3A_175 = arith.index_cast %add3A_136 : i32 to index
        %swap3A_176 = arith.constant 48 : index
        %swap3A_177 = tpu.vector_load %arg10[%swap3A_175, %swap3A_176] {strides = array<i32>} : memref<128x128xf32, #tpu.memory_space<vmem>>, vector<1x16xf32>,
        %swap3A_178 = vector.shape_cast %swap3A_177 : vector<1x16xf32> to vector<16xf32>
        %swap3A_179 = vector.shape_cast %mul3A_174 : vector<16xf32> to vector<1x16xf32>
        tpu.vector_store %arg10[%swap3A_175, %swap3A_176], %swap3A_179 {strides = array<i32>} : memref<128x128xf32, #tpu.memory_space<vmem>>, vector<1x16xf32>,
        %get3A_180 = arith.index_cast %add3A_136 : i32 to index
        %get3A_181 = arith.constant 64 : index
        %get3A_182 = tpu.vector_load %arg10[%get3A_180, %get3A_181] {strides = array<i32>} : memref<128x128xf32, #tpu.memory_space<vmem>>, vector<1x16xf32>,
        %get3A_183 = vector.shape_cast %get3A_182 : vector<1x16xf32> to vector<16xf32>
        %mul3A_184 = vector.broadcast %squeeze3A : f32 to vector<16xf32>
        %mul3A_185 = arith.mulf %get3A_183, %mul3A_184 : vector<16xf32>
        %swap3A_186 = arith.index_cast %add3A_136 : i32 to index
        %swap3A_187 = arith.constant 64 : index
        %swap3A_188 = tpu.vector_load %arg10[%swap3A_186, %swap3A_187] {strides = array<i32>} : memref<128x128xf32, #tpu.memory_space<vmem>>, vector<1x16xf32>,
        %swap3A_189 = vector.shape_cast %swap3A_188 : vector<1x16xf32> to vector<16xf32>
        %swap3A_190 = vector.shape_cast %mul3A_185 : vector<16xf32> to vector<1x16xf32>
        tpu.vector_store %arg10[%swap3A_186, %swap3A_187], %swap3A_190 {strides = array<i32>} : memref<128x128xf32, #tpu.memory_space<vmem>>, vector<1x16xf32>,
        %get3A_191 = arith.index_cast %add3A_136 : i32 to index
        %get3A_192 = arith.constant 80 : index
        %get3A_193 = tpu.vector_load %arg10[%get3A_191, %get3A_192] {strides = array<i32>} : memref<128x128xf32, #tpu.memory_space<vmem>>, vector<1x16xf32>,
        %get3A_194 = vector.shape_cast %get3A_193 : vector<1x16xf32> to vector<16xf32>
        %mul3A_195 = vector.broadcast %squeeze3A : f32 to vector<16xf32>
        %mul3A_196 = arith.mulf %get3A_194, %mul3A_195 : vector<16xf32>
        %swap3A_197 = arith.index_cast %add3A_136 : i32 to index
        %swap3A_198 = arith.constant 80 : index
        %swap3A_199 = tpu.vector_load %arg10[%swap3A_197, %swap3A_198] {strides = array<i32>} : memref<128x128xf32, #tpu.memory_space<vmem>>, vector<1x16xf32>,
        %swap3A_200 = vector.shape_cast %swap3A_199 : vector<1x16xf32> to vector<16xf32>
        %swap3A_201 = vector.shape_cast %mul3A_196 : vector<16xf32> to vector<1x16xf32>
        tpu.vector_store %arg10[%swap3A_197, %swap3A_198], %swap3A_201 {strides = array<i32>} : memref<128x128xf32, #tpu.memory_space<vmem>>, vector<1x16xf32>,
        %get3A_202 = arith.index_cast %add3A_136 : i32 to index
        %get3A_203 = arith.constant 96 : index
        %get3A_204 = tpu.vector_load %arg10[%get3A_202, %get3A_203] {strides = array<i32>} : memref<128x128xf32, #tpu.memory_space<vmem>>, vector<1x16xf32>,
        %get3A_205 = vector.shape_cast %get3A_204 : vector<1x16xf32> to vector<16xf32>
        %mul3A_206 = vector.broadcast %squeeze3A : f32 to vector<16xf32>
        %mul3A_207 = arith.mulf %get3A_205, %mul3A_206 : vector<16xf32>
        %swap3A_208 = arith.index_cast %add3A_136 : i32 to index
        %swap3A_209 = arith.constant 96 : index
        %swap3A_210 = tpu.vector_load %arg10[%swap3A_208, %swap3A_209] {strides = array<i32>} : memref<128x128xf32, #tpu.memory_space<vmem>>, vector<1x16xf32>,
        %swap3A_211 = vector.shape_cast %swap3A_210 : vector<1x16xf32> to vector<16xf32>
        %swap3A_212 = vector.shape_cast %mul3A_207 : vector<16xf32> to vector<1x16xf32>
        tpu.vector_store %arg10[%swap3A_208, %swap3A_209], %swap3A_212 {strides = array<i32>} : memref<128x128xf32, #tpu.memory_space<vmem>>, vector<1x16xf32>,
        %get3A_213 = arith.index_cast %add3A_136 : i32 to index
        %get3A_214 = arith.constant 112 : index
        %get3A_215 = tpu.vector_load %arg10[%get3A_213, %get3A_214] {strides = array<i32>} : memref<128x128xf32, #tpu.memory_space<vmem>>, vector<1x16xf32>,
        %get3A_216 = vector.shape_cast %get3A_215 : vector<1x16xf32> to vector<16xf32>
        %mul3A_217 = vector.broadcast %squeeze3A : f32 to vector<16xf32>
        %mul3A_218 = arith.mulf %get3A_216, %mul3A_217 : vector<16xf32>
        %swap3A_219 = arith.index_cast %add3A_136 : i32 to index
        %swap3A_220 = arith.constant 112 : index
        %swap3A_221 = tpu.vector_load %arg10[%swap3A_219, %swap3A_220] {strides = array<i32>} : memref<128x128xf32, #tpu.memory_space<vmem>>, vector<1x16xf32>,
        %swap3A_222 = vector.shape_cast %swap3A_221 : vector<1x16xf32> to vector<16xf32>
        %swap3A_223 = vector.shape_cast %mul3A_218 : vector<16xf32> to vector<1x16xf32>
        tpu.vector_store %arg10[%swap3A_219, %swap3A_220], %swap3A_223 {strides = array<i32>} : memref<128x128xf32, #tpu.memory_space<vmem>>, vector<1x16xf32>,
        %slice3A_224 = vector.extract_strided_slice %get3A_132 {offsets = [1], sizes = [1], strides = [1]} : vector<16xf32> to vector<1xf32>
        %squeeze3A_225 = vector.extract %slice3A_224[0] : f32 from vector<1xf32>
        %mul3A_226 = arith.constant 16 : i32
        %mul3A_227 = arith.muli %scan3A_124, %mul3A_226 : i32
        %add3A_228 = arith.constant 1 : i32
        %add3A_229 = arith.addi %mul3A_227, %add3A_228 : i32
        %get3A_230 = arith.index_cast %add3A_229 : i32 to index
        %get3A_231 = arith.constant 0 : index
        %get3A_232 = tpu.vector_load %arg10[%get3A_230, %get3A_231] {strides = array<i32>} : memref<128x128xf32, #tpu.memory_space<vmem>>, vector<1x16xf32>,
        %get3A_233 = vector.shape_cast %get3A_232 : vector<1x16xf32> to vector<16xf32>
        %mul3A_234 = vector.broadcast %squeeze3A_225 : f32 to vector<16xf32>
        %mul3A_235 = arith.mulf %get3A_233, %mul3A_234 : vector<16xf32>
        %swap3A_236 = arith.index_cast %add3A_229 : i32 to index
        %swap3A_237 = arith.constant 0 : index
        %swap3A_238 = tpu.vector_load %arg10[%swap3A_236, %swap3A_237] {strides = array<i32>} : memref<128x128xf32, #tpu.memory_space<vmem>>, vector<1x16xf32>,
        %swap3A_239 = vector.shape_cast %swap3A_238 : vector<1x16xf32> to vector<16xf32>
        %swap3A_240 = vector.shape_cast %mul3A_235 : vector<16xf32> to vector<1x16xf32>
        tpu.vector_store %arg10[%swap3A_236, %swap3A_237], %swap3A_240 {strides = array<i32>} : memref<128x128xf32, #tpu.memory_space<vmem>>, vector<1x16xf32>,
        %get3A_241 = arith.index_cast %add3A_229 : i32 to index
        %get3A_242 = arith.constant 16 : index
        %get3A_243 = tpu.vector_load %arg10[%get3A_241, %get3A_242] {strides = array<i32>} : memref<128x128xf32, #tpu.memory_space<vmem>>, vector<1x16xf32>,
        %get3A_244 = vector.shape_cast %get3A_243 : vector<1x16xf32> to vector<16xf32>
        %mul3A_245 = vector.broadcast %squeeze3A_225 : f32 to vector<16xf32>
        %mul3A_246 = arith.mulf %get3A_244, %mul3A_245 : vector<16xf32>
        %swap3A_247 = arith.index_cast %add3A_229 : i32 to index
        %swap3A_248 = arith.constant 16 : index
        %swap3A_249 = tpu.vector_load %arg10[%swap3A_247, %swap3A_248] {strides = array<i32>} : memref<128x128xf32, #tpu.memory_space<vmem>>, vector<1x16xf32>,
        %swap3A_250 = vector.shape_cast %swap3A_249 : vector<1x16xf32> to vector<16xf32>
        %swap3A_251 = vector.shape_cast %mul3A_246 : vector<16xf32> to vector<1x16xf32>
        tpu.vector_store %arg10[%swap3A_247, %swap3A_248], %swap3A_251 {strides = array<i32>} : memref<128x128xf32, #tpu.memory_space<vmem>>, vector<1x16xf32>,
        %get3A_252 = arith.index_cast %add3A_229 : i32 to index
        %get3A_253 = arith.constant 32 : index
        %get3A_254 = tpu.vector_load %arg10[%get3A_252, %get3A_253] {strides = array<i32>} : memref<128x128xf32, #tpu.memory_space<vmem>>, vector<1x16xf32>,
        %get3A_255 = vector.shape_cast %get3A_254 : vector<1x16xf32> to vector<16xf32>
        %mul3A_256 = vector.broadcast %squeeze3A_225 : f32 to vector<16xf32>
        %mul3A_257 = arith.mulf %get3A_255, %mul3A_256 : vector<16xf32>
        %swap3A_258 = arith.index_cast %add3A_229 : i32 to index
        %swap3A_259 = arith.constant 32 : index
        %swap3A_260 = tpu.vector_load %arg10[%swap3A_258, %swap3A_259] {strides = array<i32>} : memref<128x128xf32, #tpu.memory_space<vmem>>, vector<1x16xf32>,
        %swap3A_261 = vector.shape_cast %swap3A_260 : vector<1x16xf32> to vector<16xf32>
        %swap3A_262 = vector.shape_cast %mul3A_257 : vector<16xf32> to vector<1x16xf32>
        tpu.vector_store %arg10[%swap3A_258, %swap3A_259], %swap3A_262 {strides = array<i32>} : memref<128x128xf32, #tpu.memory_space<vmem>>, vector<1x16xf32>,
        %get3A_263 = arith.index_cast %add3A_229 : i32 to index
        %get3A_264 = arith.constant 48 : index
        %get3A_265 = tpu.vector_load %arg10[%get3A_263, %get3A_264] {strides = array<i32>} : memref<128x128xf32, #tpu.memory_space<vmem>>, vector<1x16xf32>,
        %get3A_266 = vector.shape_cast %get3A_265 : vector<1x16xf32> to vector<16xf32>
        %mul3A_267 = vector.broadcast %squeeze3A_225 : f32 to vector<16xf32>
        %mul3A_268 = arith.mulf %get3A_266, %mul3A_267 : vector<16xf32>
        %swap3A_269 = arith.index_cast %add3A_229 : i32 to index
        %swap3A_270 = arith.constant 48 : index
        %swap3A_271 = tpu.vector_load %arg10[%swap3A_269, %swap3A_270] {strides = array<i32>} : memref<128x128xf32, #tpu.memory_space<vmem>>, vector<1x16xf32>,
        %swap3A_272 = vector.shape_cast %swap3A_271 : vector<1x16xf32> to vector<16xf32>
        %swap3A_273 = vector.shape_cast %mul3A_268 : vector<16xf32> to vector<1x16xf32>
        tpu.vector_store %arg10[%swap3A_269, %swap3A_270], %swap3A_273 {strides = array<i32>} : memref<128x128xf32, #tpu.memory_space<vmem>>, vector<1x16xf32>,
        %get3A_274 = arith.index_cast %add3A_229 : i32 to index
        %get3A_275 = arith.constant 64 : index
        %get3A_276 = tpu.vector_load %arg10[%get3A_274, %get3A_275] {strides = array<i32>} : memref<128x128xf32, #tpu.memory_space<vmem>>, vector<1x16xf32>,
        %get3A_277 = vector.shape_cast %get3A_276 : vector<1x16xf32> to vector<16xf32>
        %mul3A_278 = vector.broadcast %squeeze3A_225 : f32 to vector<16xf32>
        %mul3A_279 = arith.mulf %get3A_277, %mul3A_278 : vector<16xf32>
        %swap3A_280 = arith.index_cast %add3A_229 : i32 to index
        %swap3A_281 = arith.constant 64 : index
        %swap3A_282 = tpu.vector_load %arg10[%swap3A_280, %swap3A_281] {strides = array<i32>} : memref<128x128xf32, #tpu.memory_space<vmem>>, vector<1x16xf32>,
        %swap3A_283 = vector.shape_cast %swap3A_282 : vector<1x16xf32> to vector<16xf32>
        %swap3A_284 = vector.shape_cast %mul3A_279 : vector<16xf32> to vector<1x16xf32>
        tpu.vector_store %arg10[%swap3A_280, %swap3A_281], %swap3A_284 {strides = array<i32>} : memref<128x128xf32, #tpu.memory_space<vmem>>, vector<1x16xf32>,
        %get3A_285 = arith.index_cast %add3A_229 : i32 to index
        %get3A_286 = arith.constant 80 : index
        %get3A_287 = tpu.vector_load %arg10[%get3A_285, %get3A_286] {strides = array<i32>} : memref<128x128xf32, #tpu.memory_space<vmem>>, vector<1x16xf32>,
        %get3A_288 = vector.shape_cast %get3A_287 : vector<1x16xf32> to vector<16xf32>
        %mul3A_289 = vector.broadcast %squeeze3A_225 : f32 to vector<16xf32>
        %mul3A_290 = arith.mulf %get3A_288, %mul3A_289 : vector<16xf32>
        %swap3A_291 = arith.index_cast %add3A_229 : i32 to index
        %swap3A_292 = arith.constant 80 : index
        %swap3A_293 = tpu.vector_load %arg10[%swap3A_291, %swap3A_292] {strides = array<i32>} : memref<128x128xf32, #tpu.memory_space<vmem>>, vector<1x16xf32>,
        %swap3A_294 = vector.shape_cast %swap3A_293 : vector<1x16xf32> to vector<16xf32>
        %swap3A_295 = vector.shape_cast %mul3A_290 : vector<16xf32> to vector<1x16xf32>
        tpu.vector_store %arg10[%swap3A_291, %swap3A_292], %swap3A_295 {strides = array<i32>} : memref<128x128xf32, #tpu.memory_space<vmem>>, vector<1x16xf32>,
        %get3A_296 = arith.index_cast %add3A_229 : i32 to index
        %get3A_297 = arith.constant 96 : index
        %get3A_298 = tpu.vector_load %arg10[%get3A_296, %get3A_297] {strides = array<i32>} : memref<128x128xf32, #tpu.memory_space<vmem>>, vector<1x16xf32>,
        %get3A_299 = vector.shape_cast %get3A_298 : vector<1x16xf32> to vector<16xf32>
        %mul3A_300 = vector.broadcast %squeeze3A_225 : f32 to vector<16xf32>
        %mul3A_301 = arith.mulf %get3A_299, %mul3A_300 : vector<16xf32>
        %swap3A_302 = arith.index_cast %add3A_229 : i32 to index
        %swap3A_303 = arith.constant 96 : index
        %swap3A_304 = tpu.vector_load %arg10[%swap3A_302, %swap3A_303] {strides = array<i32>} : memref<128x128xf32, #tpu.memory_space<vmem>>, vector<1x16xf32>,
        %swap3A_305 = vector.shape_cast %swap3A_304 : vector<1x16xf32> to vector<16xf32>
        %swap3A_306 = vector.shape_cast %mul3A_301 : vector<16xf32> to vector<1x16xf32>
        tpu.vector_store %arg10[%swap3A_302, %swap3A_303], %swap3A_306 {strides = array<i32>} : memref<128x128xf32, #tpu.memory_space<vmem>>, vector<1x16xf32>,
        %get3A_307 = arith.index_cast %add3A_229 : i32 to index
        %get3A_308 = arith.constant 112 : index
        %get3A_309 = tpu.vector_load %arg10[%get3A_307, %get3A_308] {strides = array<i32>} : memref<128x128xf32, #tpu.memory_space<vmem>>, vector<1x16xf32>,
        %get3A_310 = vector.shape_cast %get3A_309 : vector<1x16xf32> to vector<16xf32>
        %mul3A_311 = vector.broadcast %squeeze3A_225 : f32 to vector<16xf32>
        %mul3A_312 = arith.mulf %get3A_310, %mul3A_311 : vector<16xf32>
        %swap3A_313 = arith.index_cast %add3A_229 : i32 to index
        %swap3A_314 = arith.constant 112 : index
        %swap3A_315 = tpu.vector_load %arg10[%swap3A_313, %swap3A_314] {strides = array<i32>} : memref<128x128xf32, #tpu.memory_space<vmem>>, vector<1x16xf32>,
        %swap3A_316 = vector.shape_cast %swap3A_315 : vector<1x16xf32> to vector<16xf32>
        %swap3A_317 = vector.shape_cast %mul3A_312 : vector<16xf32> to vector<1x16xf32>
        tpu.vector_store %arg10[%swap3A_313, %swap3A_314], %swap3A_317 {strides = array<i32>} : memref<128x128xf32, #tpu.memory_space<vmem>>, vector<1x16xf32>,
        %slice3A_318 = vector.extract_strided_slice %get3A_132 {offsets = [2], sizes = [1], strides = [1]} : vector<16xf32> to vector<1xf32>
        %squeeze3A_319 = vector.extract %slice3A_318[0] : f32 from vector<1xf32>
        %mul3A_320 = arith.constant 16 : i32
        %mul3A_321 = arith.muli %scan3A_124, %mul3A_320 : i32
        %add3A_322 = arith.constant 2 : i32
        %add3A_323 = arith.addi %mul3A_321, %add3A_322 : i32
        %get3A_324 = arith.index_cast %add3A_323 : i32 to index
        %get3A_325 = arith.constant 0 : index
        %get3A_326 = tpu.vector_load %arg10[%get3A_324, %get3A_325] {strides = array<i32>} : memref<128x128xf32, #tpu.memory_space<vmem>>, vector<1x16xf32>,
        %get3A_327 = vector.shape_cast %get3A_326 : vector<1x16xf32> to vector<16xf32>
        %mul3A_328 = vector.broadcast %squeeze3A_319 : f32 to vector<16xf32>
        %mul3A_329 = arith.mulf %get3A_327, %mul3A_328 : vector<16xf32>
        %swap3A_330 = arith.index_cast %add3A_323 : i32 to index
        %swap3A_331 = arith.constant 0 : index
        %swap3A_332 = tpu.vector_load %arg10[%swap3A_330, %swap3A_331] {strides = array<i32>} : memref<128x128xf32, #tpu.memory_space<vmem>>, vector<1x16xf32>,
        %swap3A_333 = vector.shape_cast %swap3A_332 : vector<1x16xf32> to vector<16xf32>
        %swap3A_334 = vector.shape_cast %mul3A_329 : vector<16xf32> to vector<1x16xf32>
        tpu.vector_store %arg10[%swap3A_330, %swap3A_331], %swap3A_334 {strides = array<i32>} : memref<128x128xf32, #tpu.memory_space<vmem>>, vector<1x16xf32>,
        %get3A_335 = arith.index_cast %add3A_323 : i32 to index
        %get3A_336 = arith.constant 16 : index
        %get3A_337 = tpu.vector_load %arg10[%get3A_335, %get3A_336] {strides = array<i32>} : memref<128x128xf32, #tpu.memory_space<vmem>>, vector<1x16xf32>,
        %get3A_338 = vector.shape_cast %get3A_337 : vector<1x16xf32> to vector<16xf32>
        %mul3A_339 = vector.broadcast %squeeze3A_319 : f32 to vector<16xf32>
        %mul3A_340 = arith.mulf %get3A_338, %mul3A_339 : vector<16xf32>
        %swap3A_341 = arith.index_cast %add3A_323 : i32 to index
        %swap3A_342 = arith.constant 16 : index
        %swap3A_343 = tpu.vector_load %arg10[%swap3A_341, %swap3A_342] {strides = array<i32>} : memref<128x128xf32, #tpu.memory_space<vmem>>, vector<1x16xf32>,
        %swap3A_344 = vector.shape_cast %swap3A_343 : vector<1x16xf32> to vector<16xf32>
        %swap3A_345 = vector.shape_cast %mul3A_340 : vector<16xf32> to vector<1x16xf32>
        tpu.vector_store %arg10[%swap3A_341, %swap3A_342], %swap3A_345 {strides = array<i32>} : memref<128x128xf32, #tpu.memory_space<vmem>>, vector<1x16xf32>,
        %get3A_346 = arith.index_cast %add3A_323 : i32 to index
        %get3A_347 = arith.constant 32 : index
        %get3A_348 = tpu.vector_load %arg10[%get3A_346, %get3A_347] {strides = array<i32>} : memref<128x128xf32, #tpu.memory_space<vmem>>, vector<1x16xf32>,
        %get3A_349 = vector.shape_cast %get3A_348 : vector<1x16xf32> to vector<16xf32>
        %mul3A_350 = vector.broadcast %squeeze3A_319 : f32 to vector<16xf32>
        %mul3A_351 = arith.mulf %get3A_349, %mul3A_350 : vector<16xf32>
        %swap3A_352 = arith.index_cast %add3A_323 : i32 to index
        %swap3A_353 = arith.constant 32 : index
        %swap3A_354 = tpu.vector_load %arg10[%swap3A_352, %swap3A_353] {strides = array<i32>} : memref<128x128xf32, #tpu.memory_space<vmem>>, vector<1x16xf32>,
        %swap3A_355 = vector.shape_cast %swap3A_354 : vector<1x16xf32> to vector<16xf32>
        %swap3A_356 = vector.shape_cast %mul3A_351 : vector<16xf32> to vector<1x16xf32>
        tpu.vector_store %arg10[%swap3A_352, %swap3A_353], %swap3A_356 {strides = array<i32>} : memref<128x128xf32, #tpu.memory_space<vmem>>, vector<1x16xf32>,
        %get3A_357 = arith.index_cast %add3A_323 : i32 to index
        %get3A_358 = arith.constant 48 : index
        %get3A_359 = tpu.vector_load %arg10[%get3A_357, %get3A_358] {strides = array<i32>} : memref<128x128xf32, #tpu.memory_space<vmem>>, vector<1x16xf32>,
        %get3A_360 = vector.shape_cast %get3A_359 : vector<1x16xf32> to vector<16xf32>
        %mul3A_361 = vector.broadcast %squeeze3A_319 : f32 to vector<16xf32>
        %mul3A_362 = arith.mulf %get3A_360, %mul3A_361 : vector<16xf32>
        %swap3A_363 = arith.index_cast %add3A_323 : i32 to index
        %swap3A_364 = arith.constant 48 : index
        %swap3A_365 = tpu.vector_load %arg10[%swap3A_363, %swap3A_364] {strides = array<i32>} : memref<128x128xf32, #tpu.memory_space<vmem>>, vector<1x16xf32>,
        %swap3A_366 = vector.shape_cast %swap3A_365 : vector<1x16xf32> to vector<16xf32>
        %swap3A_367 = vector.shape_cast %mul3A_362 : vector<16xf32> to vector<1x16xf32>
        tpu.vector_store %arg10[%swap3A_363, %swap3A_364], %swap3A_367 {strides = array<i32>} : memref<128x128xf32, #tpu.memory_space<vmem>>, vector<1x16xf32>,
        %get3A_368 = arith.index_cast %add3A_323 : i32 to index
        %get3A_369 = arith.constant 64 : index
        %get3A_370 = tpu.vector_load %arg10[%get3A_368, %get3A_369] {strides = array<i32>} : memref<128x128xf32, #tpu.memory_space<vmem>>, vector<1x16xf32>,
        %get3A_371 = vector.shape_cast %get3A_370 : vector<1x16xf32> to vector<16xf32>
        %mul3A_372 = vector.broadcast %squeeze3A_319 : f32 to vector<16xf32>
        %mul3A_373 = arith.mulf %get3A_371, %mul3A_372 : vector<16xf32>
        %swap3A_374 = arith.index_cast %add3A_323 : i32 to index
        %swap3A_375 = arith.constant 64 : index
        %swap3A_376 = tpu.vector_load %arg10[%swap3A_374, %swap3A_375] {strides = array<i32>} : memref<128x128xf32, #tpu.memory_space<vmem>>, vector<1x16xf32>,
        %swap3A_377 = vector.shape_cast %swap3A_376 : vector<1x16xf32> to vector<16xf32>
        %swap3A_378 = vector.shape_cast %mul3A_373 : vector<16xf32> to vector<1x16xf32>
        tpu.vector_store %arg10[%swap3A_374, %swap3A_375], %swap3A_378 {strides = array<i32>} : memref<128x128xf32, #tpu.memory_space<vmem>>, vector<1x16xf32>,
        %get3A_379 = arith.index_cast %add3A_323 : i32 to index
        %get3A_380 = arith.constant 80 : index
        %get3A_381 = tpu.vector_load %arg10[%get3A_379, %get3A_380] {strides = array<i32>} : memref<128x128xf32, #tpu.memory_space<vmem>>, vector<1x16xf32>,
        %get3A_382 = vector.shape_cast %get3A_381 : vector<1x16xf32> to vector<16xf32>
        %mul3A_383 = vector.broadcast %squeeze3A_319 : f32 to vector<16xf32>
        %mul3A_384 = arith.mulf %get3A_382, %mul3A_383 : vector<16xf32>
        %swap3A_385 = arith.index_cast %add3A_323 : i32 to index
        %swap3A_386 = arith.constant 80 : index
        %swap3A_387 = tpu.vector_load %arg10[%swap3A_385, %swap3A_386] {strides = array<i32>} : memref<128x128xf32, #tpu.memory_space<vmem>>, vector<1x16xf32>,
        %swap3A_388 = vector.shape_cast %swap3A_387 : vector<1x16xf32> to vector<16xf32>
        %swap3A_389 = vector.shape_cast %mul3A_384 : vector<16xf32> to vector<1x16xf32>
        tpu.vector_store %arg10[%swap3A_385, %swap3A_386], %swap3A_389 {strides = array<i32>} : memref<128x128xf32, #tpu.memory_space<vmem>>, vector<1x16xf32>,
        %get3A_390 = arith.index_cast %add3A_323 : i32 to index
        %get3A_391 = arith.constant 96 : index
        %get3A_392 = tpu.vector_load %arg10[%get3A_390, %get3A_391] {strides = array<i32>} : memref<128x128xf32, #tpu.memory_space<vmem>>, vector<1x16xf32>,
        %get3A_393 = vector.shape_cast %get3A_392 : vector<1x16xf32> to vector<16xf32>
        %mul3A_394 = vector.broadcast %squeeze3A_319 : f32 to vector<16xf32>
        %mul3A_395 = arith.mulf %get3A_393, %mul3A_394 : vector<16xf32>
        %swap3A_396 = arith.index_cast %add3A_323 : i32 to index
        %swap3A_397 = arith.constant 96 : index
        %swap3A_398 = tpu.vector_load %arg10[%swap3A_396, %swap3A_397] {strides = array<i32>} : memref<128x128xf32, #tpu.memory_space<vmem>>, vector<1x16xf32>,
        %swap3A_399 = vector.shape_cast %swap3A_398 : vector<1x16xf32> to vector<16xf32>
        %swap3A_400 = vector.shape_cast %mul3A_395 : vector<16xf32> to vector<1x16xf32>
        tpu.vector_store %arg10[%swap3A_396, %swap3A_397], %swap3A_400 {strides = array<i32>} : memref<128x128xf32, #tpu.memory_space<vmem>>, vector<1x16xf32>,
        %get3A_401 = arith.index_cast %add3A_323 : i32 to index
        %get3A_402 = arith.constant 112 : index
        %get3A_403 = tpu.vector_load %arg10[%get3A_401, %get3A_402] {strides = array<i32>} : memref<128x128xf32, #tpu.memory_space<vmem>>, vector<1x16xf32>,
        %get3A_404 = vector.shape_cast %get3A_403 : vector<1x16xf32> to vector<16xf32>
        %mul3A_405 = vector.broadcast %squeeze3A_319 : f32 to vector<16xf32>
        %mul3A_406 = arith.mulf %get3A_404, %mul3A_405 : vector<16xf32>
        %swap3A_407 = arith.index_cast %add3A_323 : i32 to index
        %swap3A_408 = arith.constant 112 : index
        %swap3A_409 = tpu.vector_load %arg10[%swap3A_407, %swap3A_408] {strides = array<i32>} : memref<128x128xf32, #tpu.memory_space<vmem>>, vector<1x16xf32>,
        %swap3A_410 = vector.shape_cast %swap3A_409 : vector<1x16xf32> to vector<16xf32>
        %swap3A_411 = vector.shape_cast %mul3A_406 : vector<16xf32> to vector<1x16xf32>
        tpu.vector_store %arg10[%swap3A_407, %swap3A_408], %swap3A_411 {strides = array<i32>} : memref<128x128xf32, #tpu.memory_space<vmem>>, vector<1x16xf32>,
        %slice3A_412 = vector.extract_strided_slice %get3A_132 {offsets = [3], sizes = [1], strides = [1]} : vector<16xf32> to vector<1xf32>
        %squeeze3A_413 = vector.extract %slice3A_412[0] : f32 from vector<1xf32>
        %mul3A_414 = arith.constant 16 : i32
        %mul3A_415 = arith.muli %scan3A_124, %mul3A_414 : i32
        %add3A_416 = arith.constant 3 : i32
        %add3A_417 = arith.addi %mul3A_415, %add3A_416 : i32
        %get3A_418 = arith.index_cast %add3A_417 : i32 to index
        %get3A_419 = arith.constant 0 : index
        %get3A_420 = tpu.vector_load %arg10[%get3A_418, %get3A_419] {strides = array<i32>} : memref<128x128xf32, #tpu.memory_space<vmem>>, vector<1x16xf32>,
        %get3A_421 = vector.shape_cast %get3A_420 : vector<1x16xf32> to vector<16xf32>
        %mul3A_422 = vector.broadcast %squeeze3A_413 : f32 to vector<16xf32>
        %mul3A_423 = arith.mulf %get3A_421, %mul3A_422 : vector<16xf32>
        %swap3A_424 = arith.index_cast %add3A_417 : i32 to index
        %swap3A_425 = arith.constant 0 : index
        %swap3A_426 = tpu.vector_load %arg10[%swap3A_424, %swap3A_425] {strides = array<i32>} : memref<128x128xf32, #tpu.memory_space<vmem>>, vector<1x16xf32>,
        %swap3A_427 = vector.shape_cast %swap3A_426 : vector<1x16xf32> to vector<16xf32>
        %swap3A_428 = vector.shape_cast %mul3A_423 : vector<16xf32> to vector<1x16xf32>
        tpu.vector_store %arg10[%swap3A_424, %swap3A_425], %swap3A_428 {strides = array<i32>} : memref<128x128xf32, #tpu.memory_space<vmem>>, vector<1x16xf32>,
        %get3A_429 = arith.index_cast %add3A_417 : i32 to index
        %get3A_430 = arith.constant 16 : index
        %get3A_431 = tpu.vector_load %arg10[%get3A_429, %get3A_430] {strides = array<i32>} : memref<128x128xf32, #tpu.memory_space<vmem>>, vector<1x16xf32>,
        %get3A_432 = vector.shape_cast %get3A_431 : vector<1x16xf32> to vector<16xf32>
        %mul3A_433 = vector.broadcast %squeeze3A_413 : f32 to vector<16xf32>
        %mul3A_434 = arith.mulf %get3A_432, %mul3A_433 : vector<16xf32>
        %swap3A_435 = arith.index_cast %add3A_417 : i32 to index
        %swap3A_436 = arith.constant 16 : index
        %swap3A_437 = tpu.vector_load %arg10[%swap3A_435, %swap3A_436] {strides = array<i32>} : memref<128x128xf32, #tpu.memory_space<vmem>>, vector<1x16xf32>,
        %swap3A_438 = vector.shape_cast %swap3A_437 : vector<1x16xf32> to vector<16xf32>
        %swap3A_439 = vector.shape_cast %mul3A_434 : vector<16xf32> to vector<1x16xf32>
        tpu.vector_store %arg10[%swap3A_435, %swap3A_436], %swap3A_439 {strides = array<i32>} : memref<128x128xf32, #tpu.memory_space<vmem>>, vector<1x16xf32>,
        %get3A_440 = arith.index_cast %add3A_417 : i32 to index
        %get3A_441 = arith.constant 32 : index
        %get3A_442 = tpu.vector_load %arg10[%get3A_440, %get3A_441] {strides = array<i32>} : memref<128x128xf32, #tpu.memory_space<vmem>>, vector<1x16xf32>,
        %get3A_443 = vector.shape_cast %get3A_442 : vector<1x16xf32> to vector<16xf32>
        %mul3A_444 = vector.broadcast %squeeze3A_413 : f32 to vector<16xf32>
        %mul3A_445 = arith.mulf %get3A_443, %mul3A_444 : vector<16xf32>
        %swap3A_446 = arith.index_cast %add3A_417 : i32 to index
        %swap3A_447 = arith.constant 32 : index
        %swap3A_448 = tpu.vector_load %arg10[%swap3A_446, %swap3A_447] {strides = array<i32>} : memref<128x128xf32, #tpu.memory_space<vmem>>, vector<1x16xf32>,
        %swap3A_449 = vector.shape_cast %swap3A_448 : vector<1x16xf32> to vector<16xf32>
        %swap3A_450 = vector.shape_cast %mul3A_445 : vector<16xf32> to vector<1x16xf32>
        tpu.vector_store %arg10[%swap3A_446, %swap3A_447], %swap3A_450 {strides = array<i32>} : memref<128x128xf32, #tpu.memory_space<vmem>>, vector<1x16xf32>,
        %get3A_451 = arith.index_cast %add3A_417 : i32 to index
        %get3A_452 = arith.constant 48 : index
        %get3A_453 = tpu.vector_load %arg10[%get3A_451, %get3A_452] {strides = array<i32>} : memref<128x128xf32, #tpu.memory_space<vmem>>, vector<1x16xf32>,
        %get3A_454 = vector.shape_cast %get3A_453 : vector<1x16xf32> to vector<16xf32>
        %mul3A_455 = vector.broadcast %squeeze3A_413 : f32 to vector<16xf32>
        %mul3A_456 = arith.mulf %get3A_454, %mul3A_455 : vector<16xf32>
        %swap3A_457 = arith.index_cast %add3A_417 : i32 to index
        %swap3A_458 = arith.constant 48 : index
        %swap3A_459 = tpu.vector_load %arg10[%swap3A_457, %swap3A_458] {strides = array<i32>} : memref<128x128xf32, #tpu.memory_space<vmem>>, vector<1x16xf32>,
        %swap3A_460 = vector.shape_cast %swap3A_459 : vector<1x16xf32> to vector<16xf32>
        %swap3A_461 = vector.shape_cast %mul3A_456 : vector<16xf32> to vector<1x16xf32>
        tpu.vector_store %arg10[%swap3A_457, %swap3A_458], %swap3A_461 {strides = array<i32>} : memref<128x128xf32, #tpu.memory_space<vmem>>, vector<1x16xf32>,
        %get3A_462 = arith.index_cast %add3A_417 : i32 to index
        %get3A_463 = arith.constant 64 : index
        %get3A_464 = tpu.vector_load %arg10[%get3A_462, %get3A_463] {strides = array<i32>} : memref<128x128xf32, #tpu.memory_space<vmem>>, vector<1x16xf32>,
        %get3A_465 = vector.shape_cast %get3A_464 : vector<1x16xf32> to vector<16xf32>
        %mul3A_466 = vector.broadcast %squeeze3A_413 : f32 to vector<16xf32>
        %mul3A_467 = arith.mulf %get3A_465, %mul3A_466 : vector<16xf32>
        %swap3A_468 = arith.index_cast %add3A_417 : i32 to index
        %swap3A_469 = arith.constant 64 : index
        %swap3A_470 = tpu.vector_load %arg10[%swap3A_468, %swap3A_469] {strides = array<i32>} : memref<128x128xf32, #tpu.memory_space<vmem>>, vector<1x16xf32>,
        %swap3A_471 = vector.shape_cast %swap3A_470 : vector<1x16xf32> to vector<16xf32>
        %swap3A_472 = vector.shape_cast %mul3A_467 : vector<16xf32> to vector<1x16xf32>
        tpu.vector_store %arg10[%swap3A_468, %swap3A_469], %swap3A_472 {strides = array<i32>} : memref<128x128xf32, #tpu.memory_space<vmem>>, vector<1x16xf32>,
        %get3A_473 = arith.index_cast %add3A_417 : i32 to index
        %get3A_474 = arith.constant 80 : index
        %get3A_475 = tpu.vector_load %arg10[%get3A_473, %get3A_474] {strides = array<i32>} : memref<128x128xf32, #tpu.memory_space<vmem>>, vector<1x16xf32>,
        %get3A_476 = vector.shape_cast %get3A_475 : vector<1x16xf32> to vector<16xf32>
        %mul3A_477 = vector.broadcast %squeeze3A_413 : f32 to vector<16xf32>
        %mul3A_478 = arith.mulf %get3A_476, %mul3A_477 : vector<16xf32>
        %swap3A_479 = arith.index_cast %add3A_417 : i32 to index
        %swap3A_480 = arith.constant 80 : index
        %swap3A_481 = tpu.vector_load %arg10[%swap3A_479, %swap3A_480] {strides = array<i32>} : memref<128x128xf32, #tpu.memory_space<vmem>>, vector<1x16xf32>,
        %swap3A_482 = vector.shape_cast %swap3A_481 : vector<1x16xf32> to vector<16xf32>
        %swap3A_483 = vector.shape_cast %mul3A_478 : vector<16xf32> to vector<1x16xf32>
        tpu.vector_store %arg10[%swap3A_479, %swap3A_480], %swap3A_483 {strides = array<i32>} : memref<128x128xf32, #tpu.memory_space<vmem>>, vector<1x16xf32>,
        %get3A_484 = arith.index_cast %add3A_417 : i32 to index
        %get3A_485 = arith.constant 96 : index
        %get3A_486 = tpu.vector_load %arg10[%get3A_484, %get3A_485] {strides = array<i32>} : memref<128x128xf32, #tpu.memory_space<vmem>>, vector<1x16xf32>,
        %get3A_487 = vector.shape_cast %get3A_486 : vector<1x16xf32> to vector<16xf32>
        %mul3A_488 = vector.broadcast %squeeze3A_413 : f32 to vector<16xf32>
        %mul3A_489 = arith.mulf %get3A_487, %mul3A_488 : vector<16xf32>
        %swap3A_490 = arith.index_cast %add3A_417 : i32 to index
        %swap3A_491 = arith.constant 96 : index
        %swap3A_492 = tpu.vector_load %arg10[%swap3A_490, %swap3A_491] {strides = array<i32>} : memref<128x128xf32, #tpu.memory_space<vmem>>, vector<1x16xf32>,
        %swap3A_493 = vector.shape_cast %swap3A_492 : vector<1x16xf32> to vector<16xf32>
        %swap3A_494 = vector.shape_cast %mul3A_489 : vector<16xf32> to vector<1x16xf32>
        tpu.vector_store %arg10[%swap3A_490, %swap3A_491], %swap3A_494 {strides = array<i32>} : memref<128x128xf32, #tpu.memory_space<vmem>>, vector<1x16xf32>,
        %get3A_495 = arith.index_cast %add3A_417 : i32 to index
        %get3A_496 = arith.constant 112 : index
        %get3A_497 = tpu.vector_load %arg10[%get3A_495, %get3A_496] {strides = array<i32>} : memref<128x128xf32, #tpu.memory_space<vmem>>, vector<1x16xf32>,
        %get3A_498 = vector.shape_cast %get3A_497 : vector<1x16xf32> to vector<16xf32>
        %mul3A_499 = vector.broadcast %squeeze3A_413 : f32 to vector<16xf32>
        %mul3A_500 = arith.mulf %get3A_498, %mul3A_499 : vector<16xf32>
        %swap3A_501 = arith.index_cast %add3A_417 : i32 to index
        %swap3A_502 = arith.constant 112 : index
        %swap3A_503 = tpu.vector_load %arg10[%swap3A_501, %swap3A_502] {strides = array<i32>} : memref<128x128xf32, #tpu.memory_space<vmem>>, vector<1x16xf32>,
        %swap3A_504 = vector.shape_cast %swap3A_503 : vector<1x16xf32> to vector<16xf32>
        %swap3A_505 = vector.shape_cast %mul3A_500 : vector<16xf32> to vector<1x16xf32>
        tpu.vector_store %arg10[%swap3A_501, %swap3A_502], %swap3A_505 {strides = array<i32>} : memref<128x128xf32, #tpu.memory_space<vmem>>, vector<1x16xf32>,
        %slice3A_506 = vector.extract_strided_slice %get3A_132 {offsets = [4], sizes = [1], strides = [1]} : vector<16xf32> to vector<1xf32>
        %squeeze3A_507 = vector.extract %slice3A_506[0] : f32 from vector<1xf32>
        %mul3A_508 = arith.constant 16 : i32
        %mul3A_509 = arith.muli %scan3A_124, %mul3A_508 : i32
        %add3A_510 = arith.constant 4 : i32
        %add3A_511 = arith.addi %mul3A_509, %add3A_510 : i32
        %get3A_512 = arith.index_cast %add3A_511 : i32 to index
        %get3A_513 = arith.constant 0 : index
        %get3A_514 = tpu.vector_load %arg10[%get3A_512, %get3A_513] {strides = array<i32>} : memref<128x128xf32, #tpu.memory_space<vmem>>, vector<1x16xf32>,
        %get3A_515 = vector.shape_cast %get3A_514 : vector<1x16xf32> to vector<16xf32>
        %mul3A_516 = vector.broadcast %squeeze3A_507 : f32 to vector<16xf32>
        %mul3A_517 = arith.mulf %get3A_515, %mul3A_516 : vector<16xf32>
        %swap3A_518 = arith.index_cast %add3A_511 : i32 to index
        %swap3A_519 = arith.constant 0 : index
        %swap3A_520 = tpu.vector_load %arg10[%swap3A_518, %swap3A_519] {strides = array<i32>} : memref<128x128xf32, #tpu.memory_space<vmem>>, vector<1x16xf32>,
        %swap3A_521 = vector.shape_cast %swap3A_520 : vector<1x16xf32> to vector<16xf32>
        %swap3A_522 = vector.shape_cast %mul3A_517 : vector<16xf32> to vector<1x16xf32>
        tpu.vector_store %arg10[%swap3A_518, %swap3A_519], %swap3A_522 {strides = array<i32>} : memref<128x128xf32, #tpu.memory_space<vmem>>, vector<1x16xf32>,
        %get3A_523 = arith.index_cast %add3A_511 : i32 to index
        %get3A_524 = arith.constant 16 : index
        %get3A_525 = tpu.vector_load %arg10[%get3A_523, %get3A_524] {strides = array<i32>} : memref<128x128xf32, #tpu.memory_space<vmem>>, vector<1x16xf32>,
        %get3A_526 = vector.shape_cast %get3A_525 : vector<1x16xf32> to vector<16xf32>
        %mul3A_527 = vector.broadcast %squeeze3A_507 : f32 to vector<16xf32>
        %mul3A_528 = arith.mulf %get3A_526, %mul3A_527 : vector<16xf32>
        %swap3A_529 = arith.index_cast %add3A_511 : i32 to index
        %swap3A_530 = arith.constant 16 : index
        %swap3A_531 = tpu.vector_load %arg10[%swap3A_529, %swap3A_530] {strides = array<i32>} : memref<128x128xf32, #tpu.memory_space<vmem>>, vector<1x16xf32>,
        %swap3A_532 = vector.shape_cast %swap3A_531 : vector<1x16xf32> to vector<16xf32>
        %swap3A_533 = vector.shape_cast %mul3A_528 : vector<16xf32> to vector<1x16xf32>
        tpu.vector_store %arg10[%swap3A_529, %swap3A_530], %swap3A_533 {strides = array<i32>} : memref<128x128xf32, #tpu.memory_space<vmem>>, vector<1x16xf32>,
        %get3A_534 = arith.index_cast %add3A_511 : i32 to index
        %get3A_535 = arith.constant 32 : index
        %get3A_536 = tpu.vector_load %arg10[%get3A_534, %get3A_535] {strides = array<i32>} : memref<128x128xf32, #tpu.memory_space<vmem>>, vector<1x16xf32>,
        %get3A_537 = vector.shape_cast %get3A_536 : vector<1x16xf32> to vector<16xf32>
        %mul3A_538 = vector.broadcast %squeeze3A_507 : f32 to vector<16xf32>
        %mul3A_539 = arith.mulf %get3A_537, %mul3A_538 : vector<16xf32>
        %swap3A_540 = arith.index_cast %add3A_511 : i32 to index
        %swap3A_541 = arith.constant 32 : index
        %swap3A_542 = tpu.vector_load %arg10[%swap3A_540, %swap3A_541] {strides = array<i32>} : memref<128x128xf32, #tpu.memory_space<vmem>>, vector<1x16xf32>,
        %swap3A_543 = vector.shape_cast %swap3A_542 : vector<1x16xf32> to vector<16xf32>
        %swap3A_544 = vector.shape_cast %mul3A_539 : vector<16xf32> to vector<1x16xf32>
        tpu.vector_store %arg10[%swap3A_540, %swap3A_541], %swap3A_544 {strides = array<i32>} : memref<128x128xf32, #tpu.memory_space<vmem>>, vector<1x16xf32>,
        %get3A_545 = arith.index_cast %add3A_511 : i32 to index
        %get3A_546 = arith.constant 48 : index
        %get3A_547 = tpu.vector_load %arg10[%get3A_545, %get3A_546] {strides = array<i32>} : memref<128x128xf32, #tpu.memory_space<vmem>>, vector<1x16xf32>,
        %get3A_548 = vector.shape_cast %get3A_547 : vector<1x16xf32> to vector<16xf32>
        %mul3A_549 = vector.broadcast %squeeze3A_507 : f32 to vector<16xf32>
        %mul3A_550 = arith.mulf %get3A_548, %mul3A_549 : vector<16xf32>
        %swap3A_551 = arith.index_cast %add3A_511 : i32 to index
        %swap3A_552 = arith.constant 48 : index
        %swap3A_553 = tpu.vector_load %arg10[%swap3A_551, %swap3A_552] {strides = array<i32>} : memref<128x128xf32, #tpu.memory_space<vmem>>, vector<1x16xf32>,
        %swap3A_554 = vector.shape_cast %swap3A_553 : vector<1x16xf32> to vector<16xf32>
        %swap3A_555 = vector.shape_cast %mul3A_550 : vector<16xf32> to vector<1x16xf32>
        tpu.vector_store %arg10[%swap3A_551, %swap3A_552], %swap3A_555 {strides = array<i32>} : memref<128x128xf32, #tpu.memory_space<vmem>>, vector<1x16xf32>,
        %get3A_556 = arith.index_cast %add3A_511 : i32 to index
        %get3A_557 = arith.constant 64 : index
        %get3A_558 = tpu.vector_load %arg10[%get3A_556, %get3A_557] {strides = array<i32>} : memref<128x128xf32, #tpu.memory_space<vmem>>, vector<1x16xf32>,
        %get3A_559 = vector.shape_cast %get3A_558 : vector<1x16xf32> to vector<16xf32>
        %mul3A_560 = vector.broadcast %squeeze3A_507 : f32 to vector<16xf32>
        %mul3A_561 = arith.mulf %get3A_559, %mul3A_560 : vector<16xf32>
        %swap3A_562 = arith.index_cast %add3A_511 : i32 to index
        %swap3A_563 = arith.constant 64 : index
        %swap3A_564 = tpu.vector_load %arg10[%swap3A_562, %swap3A_563] {strides = array<i32>} : memref<128x128xf32, #tpu.memory_space<vmem>>, vector<1x16xf32>,
        %swap3A_565 = vector.shape_cast %swap3A_564 : vector<1x16xf32> to vector<16xf32>
        %swap3A_566 = vector.shape_cast %mul3A_561 : vector<16xf32> to vector<1x16xf32>
        tpu.vector_store %arg10[%swap3A_562, %swap3A_563], %swap3A_566 {strides = array<i32>} : memref<128x128xf32, #tpu.memory_space<vmem>>, vector<1x16xf32>,
        %get3A_567 = arith.index_cast %add3A_511 : i32 to index
        %get3A_568 = arith.constant 80 : index
        %get3A_569 = tpu.vector_load %arg10[%get3A_567, %get3A_568] {strides = array<i32>} : memref<128x128xf32, #tpu.memory_space<vmem>>, vector<1x16xf32>,
        %get3A_570 = vector.shape_cast %get3A_569 : vector<1x16xf32> to vector<16xf32>
        %mul3A_571 = vector.broadcast %squeeze3A_507 : f32 to vector<16xf32>
        %mul3A_572 = arith.mulf %get3A_570, %mul3A_571 : vector<16xf32>
        %swap3A_573 = arith.index_cast %add3A_511 : i32 to index
        %swap3A_574 = arith.constant 80 : index
        %swap3A_575 = tpu.vector_load %arg10[%swap3A_573, %swap3A_574] {strides = array<i32>} : memref<128x128xf32, #tpu.memory_space<vmem>>, vector<1x16xf32>,
        %swap3A_576 = vector.shape_cast %swap3A_575 : vector<1x16xf32> to vector<16xf32>
        %swap3A_577 = vector.shape_cast %mul3A_572 : vector<16xf32> to vector<1x16xf32>
        tpu.vector_store %arg10[%swap3A_573, %swap3A_574], %swap3A_577 {strides = array<i32>} : memref<128x128xf32, #tpu.memory_space<vmem>>, vector<1x16xf32>,
        %get3A_578 = arith.index_cast %add3A_511 : i32 to index
        %get3A_579 = arith.constant 96 : index
        %get3A_580 = tpu.vector_load %arg10[%get3A_578, %get3A_579] {strides = array<i32>} : memref<128x128xf32, #tpu.memory_space<vmem>>, vector<1x16xf32>,
        %get3A_581 = vector.shape_cast %get3A_580 : vector<1x16xf32> to vector<16xf32>
        %mul3A_582 = vector.broadcast %squeeze3A_507 : f32 to vector<16xf32>
        %mul3A_583 = arith.mulf %get3A_581, %mul3A_582 : vector<16xf32>
        %swap3A_584 = arith.index_cast %add3A_511 : i32 to index
        %swap3A_585 = arith.constant 96 : index
        %swap3A_586 = tpu.vector_load %arg10[%swap3A_584, %swap3A_585] {strides = array<i32>} : memref<128x128xf32, #tpu.memory_space<vmem>>, vector<1x16xf32>,
        %swap3A_587 = vector.shape_cast %swap3A_586 : vector<1x16xf32> to vector<16xf32>
        %swap3A_588 = vector.shape_cast %mul3A_583 : vector<16xf32> to vector<1x16xf32>
        tpu.vector_store %arg10[%swap3A_584, %swap3A_585], %swap3A_588 {strides = array<i32>} : memref<128x128xf32, #tpu.memory_space<vmem>>, vector<1x16xf32>,
        %get3A_589 = arith.index_cast %add3A_511 : i32 to index
        %get3A_590 = arith.constant 112 : index
        %get3A_591 = tpu.vector_load %arg10[%get3A_589, %get3A_590] {strides = array<i32>} : memref<128x128xf32, #tpu.memory_space<vmem>>, vector<1x16xf32>,
        %get3A_592 = vector.shape_cast %get3A_591 : vector<1x16xf32> to vector<16xf32>
        %mul3A_593 = vector.broadcast %squeeze3A_507 : f32 to vector<16xf32>
        %mul3A_594 = arith.mulf %get3A_592, %mul3A_593 : vector<16xf32>
        %swap3A_595 = arith.index_cast %add3A_511 : i32 to index
        %swap3A_596 = arith.constant 112 : index
        %swap3A_597 = tpu.vector_load %arg10[%swap3A_595, %swap3A_596] {strides = array<i32>} : memref<128x128xf32, #tpu.memory_space<vmem>>, vector<1x16xf32>,
        %swap3A_598 = vector.shape_cast %swap3A_597 : vector<1x16xf32> to vector<16xf32>
        %swap3A_599 = vector.shape_cast %mul3A_594 : vector<16xf32> to vector<1x16xf32>
        tpu.vector_store %arg10[%swap3A_595, %swap3A_596], %swap3A_599 {strides = array<i32>} : memref<128x128xf32, #tpu.memory_space<vmem>>, vector<1x16xf32>,
        %slice3A_600 = vector.extract_strided_slice %get3A_132 {offsets = [5], sizes = [1], strides = [1]} : vector<16xf32> to vector<1xf32>
        %squeeze3A_601 = vector.extract %slice3A_600[0] : f32 from vector<1xf32>
        %mul3A_602 = arith.constant 16 : i32
        %mul3A_603 = arith.muli %scan3A_124, %mul3A_602 : i32
        %add3A_604 = arith.constant 5 : i32
        %add3A_605 = arith.addi %mul3A_603, %add3A_604 : i32
        %get3A_606 = arith.index_cast %add3A_605 : i32 to index
        %get3A_607 = arith.constant 0 : index
        %get3A_608 = tpu.vector_load %arg10[%get3A_606, %get3A_607] {strides = array<i32>} : memref<128x128xf32, #tpu.memory_space<vmem>>, vector<1x16xf32>,
        %get3A_609 = vector.shape_cast %get3A_608 : vector<1x16xf32> to vector<16xf32>
        %mul3A_610 = vector.broadcast %squeeze3A_601 : f32 to vector<16xf32>
        %mul3A_611 = arith.mulf %get3A_609, %mul3A_610 : vector<16xf32>
        %swap3A_612 = arith.index_cast %add3A_605 : i32 to index
        %swap3A_613 = arith.constant 0 : index
        %swap3A_614 = tpu.vector_load %arg10[%swap3A_612, %swap3A_613] {strides = array<i32>} : memref<128x128xf32, #tpu.memory_space<vmem>>, vector<1x16xf32>,
        %swap3A_615 = vector.shape_cast %swap3A_614 : vector<1x16xf32> to vector<16xf32>
        %swap3A_616 = vector.shape_cast %mul3A_611 : vector<16xf32> to vector<1x16xf32>
        tpu.vector_store %arg10[%swap3A_612, %swap3A_613], %swap3A_616 {strides = array<i32>} : memref<128x128xf32, #tpu.memory_space<vmem>>, vector<1x16xf32>,
        %get3A_617 = arith.index_cast %add3A_605 : i32 to index
        %get3A_618 = arith.constant 16 : index
        %get3A_619 = tpu.vector_load %arg10[%get3A_617, %get3A_618] {strides = array<i32>} : memref<128x128xf32, #tpu.memory_space<vmem>>, vector<1x16xf32>,
        %get3A_620 = vector.shape_cast %get3A_619 : vector<1x16xf32> to vector<16xf32>
        %mul3A_621 = vector.broadcast %squeeze3A_601 : f32 to vector<16xf32>
        %mul3A_622 = arith.mulf %get3A_620, %mul3A_621 : vector<16xf32>
        %swap3A_623 = arith.index_cast %add3A_605 : i32 to index
        %swap3A_624 = arith.constant 16 : index
        %swap3A_625 = tpu.vector_load %arg10[%swap3A_623, %swap3A_624] {strides = array<i32>} : memref<128x128xf32, #tpu.memory_space<vmem>>, vector<1x16xf32>,
        %swap3A_626 = vector.shape_cast %swap3A_625 : vector<1x16xf32> to vector<16xf32>
        %swap3A_627 = vector.shape_cast %mul3A_622 : vector<16xf32> to vector<1x16xf32>
        tpu.vector_store %arg10[%swap3A_623, %swap3A_624], %swap3A_627 {strides = array<i32>} : memref<128x128xf32, #tpu.memory_space<vmem>>, vector<1x16xf32>,
        %get3A_628 = arith.index_cast %add3A_605 : i32 to index
        %get3A_629 = arith.constant 32 : index
        %get3A_630 = tpu.vector_load %arg10[%get3A_628, %get3A_629] {strides = array<i32>} : memref<128x128xf32, #tpu.memory_space<vmem>>, vector<1x16xf32>,
        %get3A_631 = vector.shape_cast %get3A_630 : vector<1x16xf32> to vector<16xf32>
        %mul3A_632 = vector.broadcast %squeeze3A_601 : f32 to vector<16xf32>
        %mul3A_633 = arith.mulf %get3A_631, %mul3A_632 : vector<16xf32>
        %swap3A_634 = arith.index_cast %add3A_605 : i32 to index
        %swap3A_635 = arith.constant 32 : index
        %swap3A_636 = tpu.vector_load %arg10[%swap3A_634, %swap3A_635] {strides = array<i32>} : memref<128x128xf32, #tpu.memory_space<vmem>>, vector<1x16xf32>,
        %swap3A_637 = vector.shape_cast %swap3A_636 : vector<1x16xf32> to vector<16xf32>
        %swap3A_638 = vector.shape_cast %mul3A_633 : vector<16xf32> to vector<1x16xf32>
        tpu.vector_store %arg10[%swap3A_634, %swap3A_635], %swap3A_638 {strides = array<i32>} : memref<128x128xf32, #tpu.memory_space<vmem>>, vector<1x16xf32>,
        %get3A_639 = arith.index_cast %add3A_605 : i32 to index
        %get3A_640 = arith.constant 48 : index
        %get3A_641 = tpu.vector_load %arg10[%get3A_639, %get3A_640] {strides = array<i32>} : memref<128x128xf32, #tpu.memory_space<vmem>>, vector<1x16xf32>,
        %get3A_642 = vector.shape_cast %get3A_641 : vector<1x16xf32> to vector<16xf32>
        %mul3A_643 = vector.broadcast %squeeze3A_601 : f32 to vector<16xf32>
        %mul3A_644 = arith.mulf %get3A_642, %mul3A_643 : vector<16xf32>
        %swap3A_645 = arith.index_cast %add3A_605 : i32 to index
        %swap3A_646 = arith.constant 48 : index
        %swap3A_647 = tpu.vector_load %arg10[%swap3A_645, %swap3A_646] {strides = array<i32>} : memref<128x128xf32, #tpu.memory_space<vmem>>, vector<1x16xf32>,
        %swap3A_648 = vector.shape_cast %swap3A_647 : vector<1x16xf32> to vector<16xf32>
        %swap3A_649 = vector.shape_cast %mul3A_644 : vector<16xf32> to vector<1x16xf32>
        tpu.vector_store %arg10[%swap3A_645, %swap3A_646], %swap3A_649 {strides = array<i32>} : memref<128x128xf32, #tpu.memory_space<vmem>>, vector<1x16xf32>,
        %get3A_650 = arith.index_cast %add3A_605 : i32 to index
        %get3A_651 = arith.constant 64 : index
        %get3A_652 = tpu.vector_load %arg10[%get3A_650, %get3A_651] {strides = array<i32>} : memref<128x128xf32, #tpu.memory_space<vmem>>, vector<1x16xf32>,
        %get3A_653 = vector.shape_cast %get3A_652 : vector<1x16xf32> to vector<16xf32>
        %mul3A_654 = vector.broadcast %squeeze3A_601 : f32 to vector<16xf32>
        %mul3A_655 = arith.mulf %get3A_653, %mul3A_654 : vector<16xf32>
        %swap3A_656 = arith.index_cast %add3A_605 : i32 to index
        %swap3A_657 = arith.constant 64 : index
        %swap3A_658 = tpu.vector_load %arg10[%swap3A_656, %swap3A_657] {strides = array<i32>} : memref<128x128xf32, #tpu.memory_space<vmem>>, vector<1x16xf32>,
        %swap3A_659 = vector.shape_cast %swap3A_658 : vector<1x16xf32> to vector<16xf32>
        %swap3A_660 = vector.shape_cast %mul3A_655 : vector<16xf32> to vector<1x16xf32>
        tpu.vector_store %arg10[%swap3A_656, %swap3A_657], %swap3A_660 {strides = array<i32>} : memref<128x128xf32, #tpu.memory_space<vmem>>, vector<1x16xf32>,
        %get3A_661 = arith.index_cast %add3A_605 : i32 to index
        %get3A_662 = arith.constant 80 : index
        %get3A_663 = tpu.vector_load %arg10[%get3A_661, %get3A_662] {strides = array<i32>} : memref<128x128xf32, #tpu.memory_space<vmem>>, vector<1x16xf32>,
        %get3A_664 = vector.shape_cast %get3A_663 : vector<1x16xf32> to vector<16xf32>
        %mul3A_665 = vector.broadcast %squeeze3A_601 : f32 to vector<16xf32>
        %mul3A_666 = arith.mulf %get3A_664, %mul3A_665 : vector<16xf32>
        %swap3A_667 = arith.index_cast %add3A_605 : i32 to index
        %swap3A_668 = arith.constant 80 : index
        %swap3A_669 = tpu.vector_load %arg10[%swap3A_667, %swap3A_668] {strides = array<i32>} : memref<128x128xf32, #tpu.memory_space<vmem>>, vector<1x16xf32>,
        %swap3A_670 = vector.shape_cast %swap3A_669 : vector<1x16xf32> to vector<16xf32>
        %swap3A_671 = vector.shape_cast %mul3A_666 : vector<16xf32> to vector<1x16xf32>
        tpu.vector_store %arg10[%swap3A_667, %swap3A_668], %swap3A_671 {strides = array<i32>} : memref<128x128xf32, #tpu.memory_space<vmem>>, vector<1x16xf32>,
        %get3A_672 = arith.index_cast %add3A_605 : i32 to index
        %get3A_673 = arith.constant 96 : index
        %get3A_674 = tpu.vector_load %arg10[%get3A_672, %get3A_673] {strides = array<i32>} : memref<128x128xf32, #tpu.memory_space<vmem>>, vector<1x16xf32>,
        %get3A_675 = vector.shape_cast %get3A_674 : vector<1x16xf32> to vector<16xf32>
        %mul3A_676 = vector.broadcast %squeeze3A_601 : f32 to vector<16xf32>
        %mul3A_677 = arith.mulf %get3A_675, %mul3A_676 : vector<16xf32>
        %swap3A_678 = arith.index_cast %add3A_605 : i32 to index
        %swap3A_679 = arith.constant 96 : index
        %swap3A_680 = tpu.vector_load %arg10[%swap3A_678, %swap3A_679] {strides = array<i32>} : memref<128x128xf32, #tpu.memory_space<vmem>>, vector<1x16xf32>,
        %swap3A_681 = vector.shape_cast %swap3A_680 : vector<1x16xf32> to vector<16xf32>
        %swap3A_682 = vector.shape_cast %mul3A_677 : vector<16xf32> to vector<1x16xf32>
        tpu.vector_store %arg10[%swap3A_678, %swap3A_679], %swap3A_682 {strides = array<i32>} : memref<128x128xf32, #tpu.memory_space<vmem>>, vector<1x16xf32>,
        %get3A_683 = arith.index_cast %add3A_605 : i32 to index
        %get3A_684 = arith.constant 112 : index
        %get3A_685 = tpu.vector_load %arg10[%get3A_683, %get3A_684] {strides = array<i32>} : memref<128x128xf32, #tpu.memory_space<vmem>>, vector<1x16xf32>,
        %get3A_686 = vector.shape_cast %get3A_685 : vector<1x16xf32> to vector<16xf32>
        %mul3A_687 = vector.broadcast %squeeze3A_601 : f32 to vector<16xf32>
        %mul3A_688 = arith.mulf %get3A_686, %mul3A_687 : vector<16xf32>
        %swap3A_689 = arith.index_cast %add3A_605 : i32 to index
        %swap3A_690 = arith.constant 112 : index
        %swap3A_691 = tpu.vector_load %arg10[%swap3A_689, %swap3A_690] {strides = array<i32>} : memref<128x128xf32, #tpu.memory_space<vmem>>, vector<1x16xf32>,
        %swap3A_692 = vector.shape_cast %swap3A_691 : vector<1x16xf32> to vector<16xf32>
        %swap3A_693 = vector.shape_cast %mul3A_688 : vector<16xf32> to vector<1x16xf32>
        tpu.vector_store %arg10[%swap3A_689, %swap3A_690], %swap3A_693 {strides = array<i32>} : memref<128x128xf32, #tpu.memory_space<vmem>>, vector<1x16xf32>,
        %slice3A_694 = vector.extract_strided_slice %get3A_132 {offsets = [6], sizes = [1], strides = [1]} : vector<16xf32> to vector<1xf32>
        %squeeze3A_695 = vector.extract %slice3A_694[0] : f32 from vector<1xf32>
        %mul3A_696 = arith.constant 16 : i32
        %mul3A_697 = arith.muli %scan3A_124, %mul3A_696 : i32
        %add3A_698 = arith.constant 6 : i32
        %add3A_699 = arith.addi %mul3A_697, %add3A_698 : i32
        %get3A_700 = arith.index_cast %add3A_699 : i32 to index
        %get3A_701 = arith.constant 0 : index
        %get3A_702 = tpu.vector_load %arg10[%get3A_700, %get3A_701] {strides = array<i32>} : memref<128x128xf32, #tpu.memory_space<vmem>>, vector<1x16xf32>,
        %get3A_703 = vector.shape_cast %get3A_702 : vector<1x16xf32> to vector<16xf32>
        %mul3A_704 = vector.broadcast %squeeze3A_695 : f32 to vector<16xf32>
        %mul3A_705 = arith.mulf %get3A_703, %mul3A_704 : vector<16xf32>
        %swap3A_706 = arith.index_cast %add3A_699 : i32 to index
        %swap3A_707 = arith.constant 0 : index
        %swap3A_708 = tpu.vector_load %arg10[%swap3A_706, %swap3A_707] {strides = array<i32>} : memref<128x128xf32, #tpu.memory_space<vmem>>, vector<1x16xf32>,
        %swap3A_709 = vector.shape_cast %swap3A_708 : vector<1x16xf32> to vector<16xf32>
        %swap3A_710 = vector.shape_cast %mul3A_705 : vector<16xf32> to vector<1x16xf32>
        tpu.vector_store %arg10[%swap3A_706, %swap3A_707], %swap3A_710 {strides = array<i32>} : memref<128x128xf32, #tpu.memory_space<vmem>>, vector<1x16xf32>,
        %get3A_711 = arith.index_cast %add3A_699 : i32 to index
        %get3A_712 = arith.constant 16 : index
        %get3A_713 = tpu.vector_load %arg10[%get3A_711, %get3A_712] {strides = array<i32>} : memref<128x128xf32, #tpu.memory_space<vmem>>, vector<1x16xf32>,
        %get3A_714 = vector.shape_cast %get3A_713 : vector<1x16xf32> to vector<16xf32>
        %mul3A_715 = vector.broadcast %squeeze3A_695 : f32 to vector<16xf32>
        %mul3A_716 = arith.mulf %get3A_714, %mul3A_715 : vector<16xf32>
        %swap3A_717 = arith.index_cast %add3A_699 : i32 to index
        %swap3A_718 = arith.constant 16 : index
        %swap3A_719 = tpu.vector_load %arg10[%swap3A_717, %swap3A_718] {strides = array<i32>} : memref<128x128xf32, #tpu.memory_space<vmem>>, vector<1x16xf32>,
        %swap3A_720 = vector.shape_cast %swap3A_719 : vector<1x16xf32> to vector<16xf32>
        %swap3A_721 = vector.shape_cast %mul3A_716 : vector<16xf32> to vector<1x16xf32>
        tpu.vector_store %arg10[%swap3A_717, %swap3A_718], %swap3A_721 {strides = array<i32>} : memref<128x128xf32, #tpu.memory_space<vmem>>, vector<1x16xf32>,
        %get3A_722 = arith.index_cast %add3A_699 : i32 to index
        %get3A_723 = arith.constant 32 : index
        %get3A_724 = tpu.vector_load %arg10[%get3A_722, %get3A_723] {strides = array<i32>} : memref<128x128xf32, #tpu.memory_space<vmem>>, vector<1x16xf32>,
        %get3A_725 = vector.shape_cast %get3A_724 : vector<1x16xf32> to vector<16xf32>
        %mul3A_726 = vector.broadcast %squeeze3A_695 : f32 to vector<16xf32>
        %mul3A_727 = arith.mulf %get3A_725, %mul3A_726 : vector<16xf32>
        %swap3A_728 = arith.index_cast %add3A_699 : i32 to index
        %swap3A_729 = arith.constant 32 : index
        %swap3A_730 = tpu.vector_load %arg10[%swap3A_728, %swap3A_729] {strides = array<i32>} : memref<128x128xf32, #tpu.memory_space<vmem>>, vector<1x16xf32>,
        %swap3A_731 = vector.shape_cast %swap3A_730 : vector<1x16xf32> to vector<16xf32>
        %swap3A_732 = vector.shape_cast %mul3A_727 : vector<16xf32> to vector<1x16xf32>
        tpu.vector_store %arg10[%swap3A_728, %swap3A_729], %swap3A_732 {strides = array<i32>} : memref<128x128xf32, #tpu.memory_space<vmem>>, vector<1x16xf32>,
        %get3A_733 = arith.index_cast %add3A_699 : i32 to index
        %get3A_734 = arith.constant 48 : index
        %get3A_735 = tpu.vector_load %arg10[%get3A_733, %get3A_734] {strides = array<i32>} : memref<128x128xf32, #tpu.memory_space<vmem>>, vector<1x16xf32>,
        %get3A_736 = vector.shape_cast %get3A_735 : vector<1x16xf32> to vector<16xf32>
        %mul3A_737 = vector.broadcast %squeeze3A_695 : f32 to vector<16xf32>
        %mul3A_738 = arith.mulf %get3A_736, %mul3A_737 : vector<16xf32>
        %swap3A_739 = arith.index_cast %add3A_699 : i32 to index
        %swap3A_740 = arith.constant 48 : index
        %swap3A_741 = tpu.vector_load %arg10[%swap3A_739, %swap3A_740] {strides = array<i32>} : memref<128x128xf32, #tpu.memory_space<vmem>>, vector<1x16xf32>,
        %swap3A_742 = vector.shape_cast %swap3A_741 : vector<1x16xf32> to vector<16xf32>
        %swap3A_743 = vector.shape_cast %mul3A_738 : vector<16xf32> to vector<1x16xf32>
        tpu.vector_store %arg10[%swap3A_739, %swap3A_740], %swap3A_743 {strides = array<i32>} : memref<128x128xf32, #tpu.memory_space<vmem>>, vector<1x16xf32>,
        %get3A_744 = arith.index_cast %add3A_699 : i32 to index
        %get3A_745 = arith.constant 64 : index
        %get3A_746 = tpu.vector_load %arg10[%get3A_744, %get3A_745] {strides = array<i32>} : memref<128x128xf32, #tpu.memory_space<vmem>>, vector<1x16xf32>,
        %get3A_747 = vector.shape_cast %get3A_746 : vector<1x16xf32> to vector<16xf32>
        %mul3A_748 = vector.broadcast %squeeze3A_695 : f32 to vector<16xf32>
        %mul3A_749 = arith.mulf %get3A_747, %mul3A_748 : vector<16xf32>
        %swap3A_750 = arith.index_cast %add3A_699 : i32 to index
        %swap3A_751 = arith.constant 64 : index
        %swap3A_752 = tpu.vector_load %arg10[%swap3A_750, %swap3A_751] {strides = array<i32>} : memref<128x128xf32, #tpu.memory_space<vmem>>, vector<1x16xf32>,
        %swap3A_753 = vector.shape_cast %swap3A_752 : vector<1x16xf32> to vector<16xf32>
        %swap3A_754 = vector.shape_cast %mul3A_749 : vector<16xf32> to vector<1x16xf32>
        tpu.vector_store %arg10[%swap3A_750, %swap3A_751], %swap3A_754 {strides = array<i32>} : memref<128x128xf32, #tpu.memory_space<vmem>>, vector<1x16xf32>,
        %get3A_755 = arith.index_cast %add3A_699 : i32 to index
        %get3A_756 = arith.constant 80 : index
        %get3A_757 = tpu.vector_load %arg10[%get3A_755, %get3A_756] {strides = array<i32>} : memref<128x128xf32, #tpu.memory_space<vmem>>, vector<1x16xf32>,
        %get3A_758 = vector.shape_cast %get3A_757 : vector<1x16xf32> to vector<16xf32>
        %mul3A_759 = vector.broadcast %squeeze3A_695 : f32 to vector<16xf32>
        %mul3A_760 = arith.mulf %get3A_758, %mul3A_759 : vector<16xf32>
        %swap3A_761 = arith.index_cast %add3A_699 : i32 to index
        %swap3A_762 = arith.constant 80 : index
        %swap3A_763 = tpu.vector_load %arg10[%swap3A_761, %swap3A_762] {strides = array<i32>} : memref<128x128xf32, #tpu.memory_space<vmem>>, vector<1x16xf32>,
        %swap3A_764 = vector.shape_cast %swap3A_763 : vector<1x16xf32> to vector<16xf32>
        %swap3A_765 = vector.shape_cast %mul3A_760 : vector<16xf32> to vector<1x16xf32>
        tpu.vector_store %arg10[%swap3A_761, %swap3A_762], %swap3A_765 {strides = array<i32>} : memref<128x128xf32, #tpu.memory_space<vmem>>, vector<1x16xf32>,
        %get3A_766 = arith.index_cast %add3A_699 : i32 to index
        %get3A_767 = arith.constant 96 : index
        %get3A_768 = tpu.vector_load %arg10[%get3A_766, %get3A_767] {strides = array<i32>} : memref<128x128xf32, #tpu.memory_space<vmem>>, vector<1x16xf32>,
        %get3A_769 = vector.shape_cast %get3A_768 : vector<1x16xf32> to vector<16xf32>
        %mul3A_770 = vector.broadcast %squeeze3A_695 : f32 to vector<16xf32>
        %mul3A_771 = arith.mulf %get3A_769, %mul3A_770 : vector<16xf32>
        %swap3A_772 = arith.index_cast %add3A_699 : i32 to index
        %swap3A_773 = arith.constant 96 : index
        %swap3A_774 = tpu.vector_load %arg10[%swap3A_772, %swap3A_773] {strides = array<i32>} : memref<128x128xf32, #tpu.memory_space<vmem>>, vector<1x16xf32>,
        %swap3A_775 = vector.shape_cast %swap3A_774 : vector<1x16xf32> to vector<16xf32>
        %swap3A_776 = vector.shape_cast %mul3A_771 : vector<16xf32> to vector<1x16xf32>
        tpu.vector_store %arg10[%swap3A_772, %swap3A_773], %swap3A_776 {strides = array<i32>} : memref<128x128xf32, #tpu.memory_space<vmem>>, vector<1x16xf32>,
        %get3A_777 = arith.index_cast %add3A_699 : i32 to index
        %get3A_778 = arith.constant 112 : index
        %get3A_779 = tpu.vector_load %arg10[%get3A_777, %get3A_778] {strides = array<i32>} : memref<128x128xf32, #tpu.memory_space<vmem>>, vector<1x16xf32>,
        %get3A_780 = vector.shape_cast %get3A_779 : vector<1x16xf32> to vector<16xf32>
        %mul3A_781 = vector.broadcast %squeeze3A_695 : f32 to vector<16xf32>
        %mul3A_782 = arith.mulf %get3A_780, %mul3A_781 : vector<16xf32>
        %swap3A_783 = arith.index_cast %add3A_699 : i32 to index
        %swap3A_784 = arith.constant 112 : index
        %swap3A_785 = tpu.vector_load %arg10[%swap3A_783, %swap3A_784] {strides = array<i32>} : memref<128x128xf32, #tpu.memory_space<vmem>>, vector<1x16xf32>,
        %swap3A_786 = vector.shape_cast %swap3A_785 : vector<1x16xf32> to vector<16xf32>
        %swap3A_787 = vector.shape_cast %mul3A_782 : vector<16xf32> to vector<1x16xf32>
        tpu.vector_store %arg10[%swap3A_783, %swap3A_784], %swap3A_787 {strides = array<i32>} : memref<128x128xf32, #tpu.memory_space<vmem>>, vector<1x16xf32>,
        %slice3A_788 = vector.extract_strided_slice %get3A_132 {offsets = [7], sizes = [1], strides = [1]} : vector<16xf32> to vector<1xf32>
        %squeeze3A_789 = vector.extract %slice3A_788[0] : f32 from vector<1xf32>
        %mul3A_790 = arith.constant 16 : i32
        %mul3A_791 = arith.muli %scan3A_124, %mul3A_790 : i32
        %add3A_792 = arith.constant 7 : i32
        %add3A_793 = arith.addi %mul3A_791, %add3A_792 : i32
        %get3A_794 = arith.index_cast %add3A_793 : i32 to index
        %get3A_795 = arith.constant 0 : index
        %get3A_796 = tpu.vector_load %arg10[%get3A_794, %get3A_795] {strides = array<i32>} : memref<128x128xf32, #tpu.memory_space<vmem>>, vector<1x16xf32>,
        %get3A_797 = vector.shape_cast %get3A_796 : vector<1x16xf32> to vector<16xf32>
        %mul3A_798 = vector.broadcast %squeeze3A_789 : f32 to vector<16xf32>
        %mul3A_799 = arith.mulf %get3A_797, %mul3A_798 : vector<16xf32>
        %swap3A_800 = arith.index_cast %add3A_793 : i32 to index
        %swap3A_801 = arith.constant 0 : index
        %swap3A_802 = tpu.vector_load %arg10[%swap3A_800, %swap3A_801] {strides = array<i32>} : memref<128x128xf32, #tpu.memory_space<vmem>>, vector<1x16xf32>,
        %swap3A_803 = vector.shape_cast %swap3A_802 : vector<1x16xf32> to vector<16xf32>
        %swap3A_804 = vector.shape_cast %mul3A_799 : vector<16xf32> to vector<1x16xf32>
        tpu.vector_store %arg10[%swap3A_800, %swap3A_801], %swap3A_804 {strides = array<i32>} : memref<128x128xf32, #tpu.memory_space<vmem>>, vector<1x16xf32>,
        %get3A_805 = arith.index_cast %add3A_793 : i32 to index
        %get3A_806 = arith.constant 16 : index
        %get3A_807 = tpu.vector_load %arg10[%get3A_805, %get3A_806] {strides = array<i32>} : memref<128x128xf32, #tpu.memory_space<vmem>>, vector<1x16xf32>,
        %get3A_808 = vector.shape_cast %get3A_807 : vector<1x16xf32> to vector<16xf32>
        %mul3A_809 = vector.broadcast %squeeze3A_789 : f32 to vector<16xf32>
        %mul3A_810 = arith.mulf %get3A_808, %mul3A_809 : vector<16xf32>
        %swap3A_811 = arith.index_cast %add3A_793 : i32 to index
        %swap3A_812 = arith.constant 16 : index
        %swap3A_813 = tpu.vector_load %arg10[%swap3A_811, %swap3A_812] {strides = array<i32>} : memref<128x128xf32, #tpu.memory_space<vmem>>, vector<1x16xf32>,
        %swap3A_814 = vector.shape_cast %swap3A_813 : vector<1x16xf32> to vector<16xf32>
        %swap3A_815 = vector.shape_cast %mul3A_810 : vector<16xf32> to vector<1x16xf32>
        tpu.vector_store %arg10[%swap3A_811, %swap3A_812], %swap3A_815 {strides = array<i32>} : memref<128x128xf32, #tpu.memory_space<vmem>>, vector<1x16xf32>,
        %get3A_816 = arith.index_cast %add3A_793 : i32 to index
        %get3A_817 = arith.constant 32 : index
        %get3A_818 = tpu.vector_load %arg10[%get3A_816, %get3A_817] {strides = array<i32>} : memref<128x128xf32, #tpu.memory_space<vmem>>, vector<1x16xf32>,
        %get3A_819 = vector.shape_cast %get3A_818 : vector<1x16xf32> to vector<16xf32>
        %mul3A_820 = vector.broadcast %squeeze3A_789 : f32 to vector<16xf32>
        %mul3A_821 = arith.mulf %get3A_819, %mul3A_820 : vector<16xf32>
        %swap3A_822 = arith.index_cast %add3A_793 : i32 to index
        %swap3A_823 = arith.constant 32 : index
        %swap3A_824 = tpu.vector_load %arg10[%swap3A_822, %swap3A_823] {strides = array<i32>} : memref<128x128xf32, #tpu.memory_space<vmem>>, vector<1x16xf32>,
        %swap3A_825 = vector.shape_cast %swap3A_824 : vector<1x16xf32> to vector<16xf32>
        %swap3A_826 = vector.shape_cast %mul3A_821 : vector<16xf32> to vector<1x16xf32>
        tpu.vector_store %arg10[%swap3A_822, %swap3A_823], %swap3A_826 {strides = array<i32>} : memref<128x128xf32, #tpu.memory_space<vmem>>, vector<1x16xf32>,
        %get3A_827 = arith.index_cast %add3A_793 : i32 to index
        %get3A_828 = arith.constant 48 : index
        %get3A_829 = tpu.vector_load %arg10[%get3A_827, %get3A_828] {strides = array<i32>} : memref<128x128xf32, #tpu.memory_space<vmem>>, vector<1x16xf32>,
        %get3A_830 = vector.shape_cast %get3A_829 : vector<1x16xf32> to vector<16xf32>
        %mul3A_831 = vector.broadcast %squeeze3A_789 : f32 to vector<16xf32>
        %mul3A_832 = arith.mulf %get3A_830, %mul3A_831 : vector<16xf32>
        %swap3A_833 = arith.index_cast %add3A_793 : i32 to index
        %swap3A_834 = arith.constant 48 : index
        %swap3A_835 = tpu.vector_load %arg10[%swap3A_833, %swap3A_834] {strides = array<i32>} : memref<128x128xf32, #tpu.memory_space<vmem>>, vector<1x16xf32>,
        %swap3A_836 = vector.shape_cast %swap3A_835 : vector<1x16xf32> to vector<16xf32>
        %swap3A_837 = vector.shape_cast %mul3A_832 : vector<16xf32> to vector<1x16xf32>
        tpu.vector_store %arg10[%swap3A_833, %swap3A_834], %swap3A_837 {strides = array<i32>} : memref<128x128xf32, #tpu.memory_space<vmem>>, vector<1x16xf32>,
        %get3A_838 = arith.index_cast %add3A_793 : i32 to index
        %get3A_839 = arith.constant 64 : index
        %get3A_840 = tpu.vector_load %arg10[%get3A_838, %get3A_839] {strides = array<i32>} : memref<128x128xf32, #tpu.memory_space<vmem>>, vector<1x16xf32>,
        %get3A_841 = vector.shape_cast %get3A_840 : vector<1x16xf32> to vector<16xf32>
        %mul3A_842 = vector.broadcast %squeeze3A_789 : f32 to vector<16xf32>
        %mul3A_843 = arith.mulf %get3A_841, %mul3A_842 : vector<16xf32>
        %swap3A_844 = arith.index_cast %add3A_793 : i32 to index
        %swap3A_845 = arith.constant 64 : index
        %swap3A_846 = tpu.vector_load %arg10[%swap3A_844, %swap3A_845] {strides = array<i32>} : memref<128x128xf32, #tpu.memory_space<vmem>>, vector<1x16xf32>,
        %swap3A_847 = vector.shape_cast %swap3A_846 : vector<1x16xf32> to vector<16xf32>
        %swap3A_848 = vector.shape_cast %mul3A_843 : vector<16xf32> to vector<1x16xf32>
        tpu.vector_store %arg10[%swap3A_844, %swap3A_845], %swap3A_848 {strides = array<i32>} : memref<128x128xf32, #tpu.memory_space<vmem>>, vector<1x16xf32>,
        %get3A_849 = arith.index_cast %add3A_793 : i32 to index
        %get3A_850 = arith.constant 80 : index
        %get3A_851 = tpu.vector_load %arg10[%get3A_849, %get3A_850] {strides = array<i32>} : memref<128x128xf32, #tpu.memory_space<vmem>>, vector<1x16xf32>,
        %get3A_852 = vector.shape_cast %get3A_851 : vector<1x16xf32> to vector<16xf32>
        %mul3A_853 = vector.broadcast %squeeze3A_789 : f32 to vector<16xf32>
        %mul3A_854 = arith.mulf %get3A_852, %mul3A_853 : vector<16xf32>
        %swap3A_855 = arith.index_cast %add3A_793 : i32 to index
        %swap3A_856 = arith.constant 80 : index
        %swap3A_857 = tpu.vector_load %arg10[%swap3A_855, %swap3A_856] {strides = array<i32>} : memref<128x128xf32, #tpu.memory_space<vmem>>, vector<1x16xf32>,
        %swap3A_858 = vector.shape_cast %swap3A_857 : vector<1x16xf32> to vector<16xf32>
        %swap3A_859 = vector.shape_cast %mul3A_854 : vector<16xf32> to vector<1x16xf32>
        tpu.vector_store %arg10[%swap3A_855, %swap3A_856], %swap3A_859 {strides = array<i32>} : memref<128x128xf32, #tpu.memory_space<vmem>>, vector<1x16xf32>,
        %get3A_860 = arith.index_cast %add3A_793 : i32 to index
        %get3A_861 = arith.constant 96 : index
        %get3A_862 = tpu.vector_load %arg10[%get3A_860, %get3A_861] {strides = array<i32>} : memref<128x128xf32, #tpu.memory_space<vmem>>, vector<1x16xf32>,
        %get3A_863 = vector.shape_cast %get3A_862 : vector<1x16xf32> to vector<16xf32>
        %mul3A_864 = vector.broadcast %squeeze3A_789 : f32 to vector<16xf32>
        %mul3A_865 = arith.mulf %get3A_863, %mul3A_864 : vector<16xf32>
        %swap3A_866 = arith.index_cast %add3A_793 : i32 to index
        %swap3A_867 = arith.constant 96 : index
        %swap3A_868 = tpu.vector_load %arg10[%swap3A_866, %swap3A_867] {strides = array<i32>} : memref<128x128xf32, #tpu.memory_space<vmem>>, vector<1x16xf32>,
        %swap3A_869 = vector.shape_cast %swap3A_868 : vector<1x16xf32> to vector<16xf32>
        %swap3A_870 = vector.shape_cast %mul3A_865 : vector<16xf32> to vector<1x16xf32>
        tpu.vector_store %arg10[%swap3A_866, %swap3A_867], %swap3A_870 {strides = array<i32>} : memref<128x128xf32, #tpu.memory_space<vmem>>, vector<1x16xf32>,
        %get3A_871 = arith.index_cast %add3A_793 : i32 to index
        %get3A_872 = arith.constant 112 : index
        %get3A_873 = tpu.vector_load %arg10[%get3A_871, %get3A_872] {strides = array<i32>} : memref<128x128xf32, #tpu.memory_space<vmem>>, vector<1x16xf32>,
        %get3A_874 = vector.shape_cast %get3A_873 : vector<1x16xf32> to vector<16xf32>
        %mul3A_875 = vector.broadcast %squeeze3A_789 : f32 to vector<16xf32>
        %mul3A_876 = arith.mulf %get3A_874, %mul3A_875 : vector<16xf32>
        %swap3A_877 = arith.index_cast %add3A_793 : i32 to index
        %swap3A_878 = arith.constant 112 : index
        %swap3A_879 = tpu.vector_load %arg10[%swap3A_877, %swap3A_878] {strides = array<i32>} : memref<128x128xf32, #tpu.memory_space<vmem>>, vector<1x16xf32>,
        %swap3A_880 = vector.shape_cast %swap3A_879 : vector<1x16xf32> to vector<16xf32>
        %swap3A_881 = vector.shape_cast %mul3A_876 : vector<16xf32> to vector<1x16xf32>
        tpu.vector_store %arg10[%swap3A_877, %swap3A_878], %swap3A_881 {strides = array<i32>} : memref<128x128xf32, #tpu.memory_space<vmem>>, vector<1x16xf32>,
        %slice3A_882 = vector.extract_strided_slice %get3A_132 {offsets = [8], sizes = [1], strides = [1]} : vector<16xf32> to vector<1xf32>
        %squeeze3A_883 = vector.extract %slice3A_882[0] : f32 from vector<1xf32>
        %mul3A_884 = arith.constant 16 : i32
        %mul3A_885 = arith.muli %scan3A_124, %mul3A_884 : i32
        %add3A_886 = arith.constant 8 : i32
        %add3A_887 = arith.addi %mul3A_885, %add3A_886 : i32
        %get3A_888 = arith.index_cast %add3A_887 : i32 to index
        %get3A_889 = arith.constant 0 : index
        %get3A_890 = tpu.vector_load %arg10[%get3A_888, %get3A_889] {strides = array<i32>} : memref<128x128xf32, #tpu.memory_space<vmem>>, vector<1x16xf32>,
        %get3A_891 = vector.shape_cast %get3A_890 : vector<1x16xf32> to vector<16xf32>
        %mul3A_892 = vector.broadcast %squeeze3A_883 : f32 to vector<16xf32>
        %mul3A_893 = arith.mulf %get3A_891, %mul3A_892 : vector<16xf32>
        %swap3A_894 = arith.index_cast %add3A_887 : i32 to index
        %swap3A_895 = arith.constant 0 : index
        %swap3A_896 = tpu.vector_load %arg10[%swap3A_894, %swap3A_895] {strides = array<i32>} : memref<128x128xf32, #tpu.memory_space<vmem>>, vector<1x16xf32>,
        %swap3A_897 = vector.shape_cast %swap3A_896 : vector<1x16xf32> to vector<16xf32>
        %swap3A_898 = vector.shape_cast %mul3A_893 : vector<16xf32> to vector<1x16xf32>
        tpu.vector_store %arg10[%swap3A_894, %swap3A_895], %swap3A_898 {strides = array<i32>} : memref<128x128xf32, #tpu.memory_space<vmem>>, vector<1x16xf32>,
        %get3A_899 = arith.index_cast %add3A_887 : i32 to index
        %get3A_900 = arith.constant 16 : index
        %get3A_901 = tpu.vector_load %arg10[%get3A_899, %get3A_900] {strides = array<i32>} : memref<128x128xf32, #tpu.memory_space<vmem>>, vector<1x16xf32>,
        %get3A_902 = vector.shape_cast %get3A_901 : vector<1x16xf32> to vector<16xf32>
        %mul3A_903 = vector.broadcast %squeeze3A_883 : f32 to vector<16xf32>
        %mul3A_904 = arith.mulf %get3A_902, %mul3A_903 : vector<16xf32>
        %swap3A_905 = arith.index_cast %add3A_887 : i32 to index
        %swap3A_906 = arith.constant 16 : index
        %swap3A_907 = tpu.vector_load %arg10[%swap3A_905, %swap3A_906] {strides = array<i32>} : memref<128x128xf32, #tpu.memory_space<vmem>>, vector<1x16xf32>,
        %swap3A_908 = vector.shape_cast %swap3A_907 : vector<1x16xf32> to vector<16xf32>
        %swap3A_909 = vector.shape_cast %mul3A_904 : vector<16xf32> to vector<1x16xf32>
        tpu.vector_store %arg10[%swap3A_905, %swap3A_906], %swap3A_909 {strides = array<i32>} : memref<128x128xf32, #tpu.memory_space<vmem>>, vector<1x16xf32>,
        %get3A_910 = arith.index_cast %add3A_887 : i32 to index
        %get3A_911 = arith.constant 32 : index
        %get3A_912 = tpu.vector_load %arg10[%get3A_910, %get3A_911] {strides = array<i32>} : memref<128x128xf32, #tpu.memory_space<vmem>>, vector<1x16xf32>,
        %get3A_913 = vector.shape_cast %get3A_912 : vector<1x16xf32> to vector<16xf32>
        %mul3A_914 = vector.broadcast %squeeze3A_883 : f32 to vector<16xf32>
        %mul3A_915 = arith.mulf %get3A_913, %mul3A_914 : vector<16xf32>
        %swap3A_916 = arith.index_cast %add3A_887 : i32 to index
        %swap3A_917 = arith.constant 32 : index
        %swap3A_918 = tpu.vector_load %arg10[%swap3A_916, %swap3A_917] {strides = array<i32>} : memref<128x128xf32, #tpu.memory_space<vmem>>, vector<1x16xf32>,
        %swap3A_919 = vector.shape_cast %swap3A_918 : vector<1x16xf32> to vector<16xf32>
        %swap3A_920 = vector.shape_cast %mul3A_915 : vector<16xf32> to vector<1x16xf32>
        tpu.vector_store %arg10[%swap3A_916, %swap3A_917], %swap3A_920 {strides = array<i32>} : memref<128x128xf32, #tpu.memory_space<vmem>>, vector<1x16xf32>,
        %get3A_921 = arith.index_cast %add3A_887 : i32 to index
        %get3A_922 = arith.constant 48 : index
        %get3A_923 = tpu.vector_load %arg10[%get3A_921, %get3A_922] {strides = array<i32>} : memref<128x128xf32, #tpu.memory_space<vmem>>, vector<1x16xf32>,
        %get3A_924 = vector.shape_cast %get3A_923 : vector<1x16xf32> to vector<16xf32>
        %mul3A_925 = vector.broadcast %squeeze3A_883 : f32 to vector<16xf32>
        %mul3A_926 = arith.mulf %get3A_924, %mul3A_925 : vector<16xf32>
        %swap3A_927 = arith.index_cast %add3A_887 : i32 to index
        %swap3A_928 = arith.constant 48 : index
        %swap3A_929 = tpu.vector_load %arg10[%swap3A_927, %swap3A_928] {strides = array<i32>} : memref<128x128xf32, #tpu.memory_space<vmem>>, vector<1x16xf32>,
        %swap3A_930 = vector.shape_cast %swap3A_929 : vector<1x16xf32> to vector<16xf32>
        %swap3A_931 = vector.shape_cast %mul3A_926 : vector<16xf32> to vector<1x16xf32>
        tpu.vector_store %arg10[%swap3A_927, %swap3A_928], %swap3A_931 {strides = array<i32>} : memref<128x128xf32, #tpu.memory_space<vmem>>, vector<1x16xf32>,
        %get3A_932 = arith.index_cast %add3A_887 : i32 to index
        %get3A_933 = arith.constant 64 : index
        %get3A_934 = tpu.vector_load %arg10[%get3A_932, %get3A_933] {strides = array<i32>} : memref<128x128xf32, #tpu.memory_space<vmem>>, vector<1x16xf32>,
        %get3A_935 = vector.shape_cast %get3A_934 : vector<1x16xf32> to vector<16xf32>
        %mul3A_936 = vector.broadcast %squeeze3A_883 : f32 to vector<16xf32>
        %mul3A_937 = arith.mulf %get3A_935, %mul3A_936 : vector<16xf32>
        %swap3A_938 = arith.index_cast %add3A_887 : i32 to index
        %swap3A_939 = arith.constant 64 : index
        %swap3A_940 = tpu.vector_load %arg10[%swap3A_938, %swap3A_939] {strides = array<i32>} : memref<128x128xf32, #tpu.memory_space<vmem>>, vector<1x16xf32>,
        %swap3A_941 = vector.shape_cast %swap3A_940 : vector<1x16xf32> to vector<16xf32>
        %swap3A_942 = vector.shape_cast %mul3A_937 : vector<16xf32> to vector<1x16xf32>
        tpu.vector_store %arg10[%swap3A_938, %swap3A_939], %swap3A_942 {strides = array<i32>} : memref<128x128xf32, #tpu.memory_space<vmem>>, vector<1x16xf32>,
        %get3A_943 = arith.index_cast %add3A_887 : i32 to index
        %get3A_944 = arith.constant 80 : index
        %get3A_945 = tpu.vector_load %arg10[%get3A_943, %get3A_944] {strides = array<i32>} : memref<128x128xf32, #tpu.memory_space<vmem>>, vector<1x16xf32>,
        %get3A_946 = vector.shape_cast %get3A_945 : vector<1x16xf32> to vector<16xf32>
        %mul3A_947 = vector.broadcast %squeeze3A_883 : f32 to vector<16xf32>
        %mul3A_948 = arith.mulf %get3A_946, %mul3A_947 : vector<16xf32>
        %swap3A_949 = arith.index_cast %add3A_887 : i32 to index
        %swap3A_950 = arith.constant 80 : index
        %swap3A_951 = tpu.vector_load %arg10[%swap3A_949, %swap3A_950] {strides = array<i32>} : memref<128x128xf32, #tpu.memory_space<vmem>>, vector<1x16xf32>,
        %swap3A_952 = vector.shape_cast %swap3A_951 : vector<1x16xf32> to vector<16xf32>
        %swap3A_953 = vector.shape_cast %mul3A_948 : vector<16xf32> to vector<1x16xf32>
        tpu.vector_store %arg10[%swap3A_949, %swap3A_950], %swap3A_953 {strides = array<i32>} : memref<128x128xf32, #tpu.memory_space<vmem>>, vector<1x16xf32>,
        %get3A_954 = arith.index_cast %add3A_887 : i32 to index
        %get3A_955 = arith.constant 96 : index
        %get3A_956 = tpu.vector_load %arg10[%get3A_954, %get3A_955] {strides = array<i32>} : memref<128x128xf32, #tpu.memory_space<vmem>>, vector<1x16xf32>,
        %get3A_957 = vector.shape_cast %get3A_956 : vector<1x16xf32> to vector<16xf32>
        %mul3A_958 = vector.broadcast %squeeze3A_883 : f32 to vector<16xf32>
        %mul3A_959 = arith.mulf %get3A_957, %mul3A_958 : vector<16xf32>
        %swap3A_960 = arith.index_cast %add3A_887 : i32 to index
        %swap3A_961 = arith.constant 96 : index
        %swap3A_962 = tpu.vector_load %arg10[%swap3A_960, %swap3A_961] {strides = array<i32>} : memref<128x128xf32, #tpu.memory_space<vmem>>, vector<1x16xf32>,
        %swap3A_963 = vector.shape_cast %swap3A_962 : vector<1x16xf32> to vector<16xf32>
        %swap3A_964 = vector.shape_cast %mul3A_959 : vector<16xf32> to vector<1x16xf32>
        tpu.vector_store %arg10[%swap3A_960, %swap3A_961], %swap3A_964 {strides = array<i32>} : memref<128x128xf32, #tpu.memory_space<vmem>>, vector<1x16xf32>,
        %get3A_965 = arith.index_cast %add3A_887 : i32 to index
        %get3A_966 = arith.constant 112 : index
        %get3A_967 = tpu.vector_load %arg10[%get3A_965, %get3A_966] {strides = array<i32>} : memref<128x128xf32, #tpu.memory_space<vmem>>, vector<1x16xf32>,
        %get3A_968 = vector.shape_cast %get3A_967 : vector<1x16xf32> to vector<16xf32>
        %mul3A_969 = vector.broadcast %squeeze3A_883 : f32 to vector<16xf32>
        %mul3A_970 = arith.mulf %get3A_968, %mul3A_969 : vector<16xf32>
        %swap3A_971 = arith.index_cast %add3A_887 : i32 to index
        %swap3A_972 = arith.constant 112 : index
        %swap3A_973 = tpu.vector_load %arg10[%swap3A_971, %swap3A_972] {strides = array<i32>} : memref<128x128xf32, #tpu.memory_space<vmem>>, vector<1x16xf32>,
        %swap3A_974 = vector.shape_cast %swap3A_973 : vector<1x16xf32> to vector<16xf32>
        %swap3A_975 = vector.shape_cast %mul3A_970 : vector<16xf32> to vector<1x16xf32>
        tpu.vector_store %arg10[%swap3A_971, %swap3A_972], %swap3A_975 {strides = array<i32>} : memref<128x128xf32, #tpu.memory_space<vmem>>, vector<1x16xf32>,
        %slice3A_976 = vector.extract_strided_slice %get3A_132 {offsets = [9], sizes = [1], strides = [1]} : vector<16xf32> to vector<1xf32>
        %squeeze3A_977 = vector.extract %slice3A_976[0] : f32 from vector<1xf32>
        %mul3A_978 = arith.constant 16 : i32
        %mul3A_979 = arith.muli %scan3A_124, %mul3A_978 : i32
        %add3A_980 = arith.constant 9 : i32
        %add3A_981 = arith.addi %mul3A_979, %add3A_980 : i32
        %get3A_982 = arith.index_cast %add3A_981 : i32 to index
        %get3A_983 = arith.constant 0 : index
        %get3A_984 = tpu.vector_load %arg10[%get3A_982, %get3A_983] {strides = array<i32>} : memref<128x128xf32, #tpu.memory_space<vmem>>, vector<1x16xf32>,
        %get3A_985 = vector.shape_cast %get3A_984 : vector<1x16xf32> to vector<16xf32>
        %mul3A_986 = vector.broadcast %squeeze3A_977 : f32 to vector<16xf32>
        %mul3A_987 = arith.mulf %get3A_985, %mul3A_986 : vector<16xf32>
        %swap3A_988 = arith.index_cast %add3A_981 : i32 to index
        %swap3A_989 = arith.constant 0 : index
        %swap3A_990 = tpu.vector_load %arg10[%swap3A_988, %swap3A_989] {strides = array<i32>} : memref<128x128xf32, #tpu.memory_space<vmem>>, vector<1x16xf32>,
        %swap3A_991 = vector.shape_cast %swap3A_990 : vector<1x16xf32> to vector<16xf32>
        %swap3A_992 = vector.shape_cast %mul3A_987 : vector<16xf32> to vector<1x16xf32>
        tpu.vector_store %arg10[%swap3A_988, %swap3A_989], %swap3A_992 {strides = array<i32>} : memref<128x128xf32, #tpu.memory_space<vmem>>, vector<1x16xf32>,
        %get3A_993 = arith.index_cast %add3A_981 : i32 to index
        %get3A_994 = arith.constant 16 : index
        %get3A_995 = tpu.vector_load %arg10[%get3A_993, %get3A_994] {strides = array<i32>} : memref<128x128xf32, #tpu.memory_space<vmem>>, vector<1x16xf32>,
        %get3A_996 = vector.shape_cast %get3A_995 : vector<1x16xf32> to vector<16xf32>
        %mul3A_997 = vector.broadcast %squeeze3A_977 : f32 to vector<16xf32>
        %mul3A_998 = arith.mulf %get3A_996, %mul3A_997 : vector<16xf32>
        %swap3A_999 = arith.index_cast %add3A_981 : i32 to index
        %swap3A_1000 = arith.constant 16 : index
        %swap3A_1001 = tpu.vector_load %arg10[%swap3A_999, %swap3A_1000] {strides = array<i32>} : memref<128x128xf32, #tpu.memory_space<vmem>>, vector<1x16xf32>,
        %swap3A_1002 = vector.shape_cast %swap3A_1001 : vector<1x16xf32> to vector<16xf32>
        %swap3A_1003 = vector.shape_cast %mul3A_998 : vector<16xf32> to vector<1x16xf32>
        tpu.vector_store %arg10[%swap3A_999, %swap3A_1000], %swap3A_1003 {strides = array<i32>} : memref<128x128xf32, #tpu.memory_space<vmem>>, vector<1x16xf32>,
        %get3A_1004 = arith.index_cast %add3A_981 : i32 to index
        %get3A_1005 = arith.constant 32 : index
        %get3A_1006 = tpu.vector_load %arg10[%get3A_1004, %get3A_1005] {strides = array<i32>} : memref<128x128xf32, #tpu.memory_space<vmem>>, vector<1x16xf32>,
        %get3A_1007 = vector.shape_cast %get3A_1006 : vector<1x16xf32> to vector<16xf32>
        %mul3A_1008 = vector.broadcast %squeeze3A_977 : f32 to vector<16xf32>
        %mul3A_1009 = arith.mulf %get3A_1007, %mul3A_1008 : vector<16xf32>
        %swap3A_1010 = arith.index_cast %add3A_981 : i32 to index
        %swap3A_1011 = arith.constant 32 : index
        %swap3A_1012 = tpu.vector_load %arg10[%swap3A_1010, %swap3A_1011] {strides = array<i32>} : memref<128x128xf32, #tpu.memory_space<vmem>>, vector<1x16xf32>,
        %swap3A_1013 = vector.shape_cast %swap3A_1012 : vector<1x16xf32> to vector<16xf32>
        %swap3A_1014 = vector.shape_cast %mul3A_1009 : vector<16xf32> to vector<1x16xf32>
        tpu.vector_store %arg10[%swap3A_1010, %swap3A_1011], %swap3A_1014 {strides = array<i32>} : memref<128x128xf32, #tpu.memory_space<vmem>>, vector<1x16xf32>,
        %get3A_1015 = arith.index_cast %add3A_981 : i32 to index
        %get3A_1016 = arith.constant 48 : index
        %get3A_1017 = tpu.vector_load %arg10[%get3A_1015, %get3A_1016] {strides = array<i32>} : memref<128x128xf32, #tpu.memory_space<vmem>>, vector<1x16xf32>,
        %get3A_1018 = vector.shape_cast %get3A_1017 : vector<1x16xf32> to vector<16xf32>
        %mul3A_1019 = vector.broadcast %squeeze3A_977 : f32 to vector<16xf32>
        %mul3A_1020 = arith.mulf %get3A_1018, %mul3A_1019 : vector<16xf32>
        %swap3A_1021 = arith.index_cast %add3A_981 : i32 to index
        %swap3A_1022 = arith.constant 48 : index
        %swap3A_1023 = tpu.vector_load %arg10[%swap3A_1021, %swap3A_1022] {strides = array<i32>} : memref<128x128xf32, #tpu.memory_space<vmem>>, vector<1x16xf32>,
        %swap3A_1024 = vector.shape_cast %swap3A_1023 : vector<1x16xf32> to vector<16xf32>
        %swap3A_1025 = vector.shape_cast %mul3A_1020 : vector<16xf32> to vector<1x16xf32>
        tpu.vector_store %arg10[%swap3A_1021, %swap3A_1022], %swap3A_1025 {strides = array<i32>} : memref<128x128xf32, #tpu.memory_space<vmem>>, vector<1x16xf32>,
        %get3A_1026 = arith.index_cast %add3A_981 : i32 to index
        %get3A_1027 = arith.constant 64 : index
        %get3A_1028 = tpu.vector_load %arg10[%get3A_1026, %get3A_1027] {strides = array<i32>} : memref<128x128xf32, #tpu.memory_space<vmem>>, vector<1x16xf32>,
        %get3A_1029 = vector.shape_cast %get3A_1028 : vector<1x16xf32> to vector<16xf32>
        %mul3A_1030 = vector.broadcast %squeeze3A_977 : f32 to vector<16xf32>
        %mul3A_1031 = arith.mulf %get3A_1029, %mul3A_1030 : vector<16xf32>
        %swap3A_1032 = arith.index_cast %add3A_981 : i32 to index
        %swap3A_1033 = arith.constant 64 : index
        %swap3A_1034 = tpu.vector_load %arg10[%swap3A_1032, %swap3A_1033] {strides = array<i32>} : memref<128x128xf32, #tpu.memory_space<vmem>>, vector<1x16xf32>,
        %swap3A_1035 = vector.shape_cast %swap3A_1034 : vector<1x16xf32> to vector<16xf32>
        %swap3A_1036 = vector.shape_cast %mul3A_1031 : vector<16xf32> to vector<1x16xf32>
        tpu.vector_store %arg10[%swap3A_1032, %swap3A_1033], %swap3A_1036 {strides = array<i32>} : memref<128x128xf32, #tpu.memory_space<vmem>>, vector<1x16xf32>,
        %get3A_1037 = arith.index_cast %add3A_981 : i32 to index
        %get3A_1038 = arith.constant 80 : index
        %get3A_1039 = tpu.vector_load %arg10[%get3A_1037, %get3A_1038] {strides = array<i32>} : memref<128x128xf32, #tpu.memory_space<vmem>>, vector<1x16xf32>,
        %get3A_1040 = vector.shape_cast %get3A_1039 : vector<1x16xf32> to vector<16xf32>
        %mul3A_1041 = vector.broadcast %squeeze3A_977 : f32 to vector<16xf32>
        %mul3A_1042 = arith.mulf %get3A_1040, %mul3A_1041 : vector<16xf32>
        %swap3A_1043 = arith.index_cast %add3A_981 : i32 to index
        %swap3A_1044 = arith.constant 80 : index
        %swap3A_1045 = tpu.vector_load %arg10[%swap3A_1043, %swap3A_1044] {strides = array<i32>} : memref<128x128xf32, #tpu.memory_space<vmem>>, vector<1x16xf32>,
        %swap3A_1046 = vector.shape_cast %swap3A_1045 : vector<1x16xf32> to vector<16xf32>
        %swap3A_1047 = vector.shape_cast %mul3A_1042 : vector<16xf32> to vector<1x16xf32>
        tpu.vector_store %arg10[%swap3A_1043, %swap3A_1044], %swap3A_1047 {strides = array<i32>} : memref<128x128xf32, #tpu.memory_space<vmem>>, vector<1x16xf32>,
        %get3A_1048 = arith.index_cast %add3A_981 : i32 to index
        %get3A_1049 = arith.constant 96 : index
        %get3A_1050 = tpu.vector_load %arg10[%get3A_1048, %get3A_1049] {strides = array<i32>} : memref<128x128xf32, #tpu.memory_space<vmem>>, vector<1x16xf32>,
        %get3A_1051 = vector.shape_cast %get3A_1050 : vector<1x16xf32> to vector<16xf32>
        %mul3A_1052 = vector.broadcast %squeeze3A_977 : f32 to vector<16xf32>
        %mul3A_1053 = arith.mulf %get3A_1051, %mul3A_1052 : vector<16xf32>
        %swap3A_1054 = arith.index_cast %add3A_981 : i32 to index
        %swap3A_1055 = arith.constant 96 : index
        %swap3A_1056 = tpu.vector_load %arg10[%swap3A_1054, %swap3A_1055] {strides = array<i32>} : memref<128x128xf32, #tpu.memory_space<vmem>>, vector<1x16xf32>,
        %swap3A_1057 = vector.shape_cast %swap3A_1056 : vector<1x16xf32> to vector<16xf32>
        %swap3A_1058 = vector.shape_cast %mul3A_1053 : vector<16xf32> to vector<1x16xf32>
        tpu.vector_store %arg10[%swap3A_1054, %swap3A_1055], %swap3A_1058 {strides = array<i32>} : memref<128x128xf32, #tpu.memory_space<vmem>>, vector<1x16xf32>,
        %get3A_1059 = arith.index_cast %add3A_981 : i32 to index
        %get3A_1060 = arith.constant 112 : index
        %get3A_1061 = tpu.vector_load %arg10[%get3A_1059, %get3A_1060] {strides = array<i32>} : memref<128x128xf32, #tpu.memory_space<vmem>>, vector<1x16xf32>,
        %get3A_1062 = vector.shape_cast %get3A_1061 : vector<1x16xf32> to vector<16xf32>
        %mul3A_1063 = vector.broadcast %squeeze3A_977 : f32 to vector<16xf32>
        %mul3A_1064 = arith.mulf %get3A_1062, %mul3A_1063 : vector<16xf32>
        %swap3A_1065 = arith.index_cast %add3A_981 : i32 to index
        %swap3A_1066 = arith.constant 112 : index
        %swap3A_1067 = tpu.vector_load %arg10[%swap3A_1065, %swap3A_1066] {strides = array<i32>} : memref<128x128xf32, #tpu.memory_space<vmem>>, vector<1x16xf32>,
        %swap3A_1068 = vector.shape_cast %swap3A_1067 : vector<1x16xf32> to vector<16xf32>
        %swap3A_1069 = vector.shape_cast %mul3A_1064 : vector<16xf32> to vector<1x16xf32>
        tpu.vector_store %arg10[%swap3A_1065, %swap3A_1066], %swap3A_1069 {strides = array<i32>} : memref<128x128xf32, #tpu.memory_space<vmem>>, vector<1x16xf32>,
        %slice3A_1070 = vector.extract_strided_slice %get3A_132 {offsets = [10], sizes = [1], strides = [1]} : vector<16xf32> to vector<1xf32>
        %squeeze3A_1071 = vector.extract %slice3A_1070[0] : f32 from vector<1xf32>
        %mul3A_1072 = arith.constant 16 : i32
        %mul3A_1073 = arith.muli %scan3A_124, %mul3A_1072 : i32
        %add3A_1074 = arith.constant 10 : i32
        %add3A_1075 = arith.addi %mul3A_1073, %add3A_1074 : i32
        %get3A_1076 = arith.index_cast %add3A_1075 : i32 to index
        %get3A_1077 = arith.constant 0 : index
        %get3A_1078 = tpu.vector_load %arg10[%get3A_1076, %get3A_1077] {strides = array<i32>} : memref<128x128xf32, #tpu.memory_space<vmem>>, vector<1x16xf32>,
        %get3A_1079 = vector.shape_cast %get3A_1078 : vector<1x16xf32> to vector<16xf32>
        %mul3A_1080 = vector.broadcast %squeeze3A_1071 : f32 to vector<16xf32>
        %mul3A_1081 = arith.mulf %get3A_1079, %mul3A_1080 : vector<16xf32>
        %swap3A_1082 = arith.index_cast %add3A_1075 : i32 to index
        %swap3A_1083 = arith.constant 0 : index
        %swap3A_1084 = tpu.vector_load %arg10[%swap3A_1082, %swap3A_1083] {strides = array<i32>} : memref<128x128xf32, #tpu.memory_space<vmem>>, vector<1x16xf32>,
        %swap3A_1085 = vector.shape_cast %swap3A_1084 : vector<1x16xf32> to vector<16xf32>
        %swap3A_1086 = vector.shape_cast %mul3A_1081 : vector<16xf32> to vector<1x16xf32>
        tpu.vector_store %arg10[%swap3A_1082, %swap3A_1083], %swap3A_1086 {strides = array<i32>} : memref<128x128xf32, #tpu.memory_space<vmem>>, vector<1x16xf32>,
        %get3A_1087 = arith.index_cast %add3A_1075 : i32 to index
        %get3A_1088 = arith.constant 16 : index
        %get3A_1089 = tpu.vector_load %arg10[%get3A_1087, %get3A_1088] {strides = array<i32>} : memref<128x128xf32, #tpu.memory_space<vmem>>, vector<1x16xf32>,
        %get3A_1090 = vector.shape_cast %get3A_1089 : vector<1x16xf32> to vector<16xf32>
        %mul3A_1091 = vector.broadcast %squeeze3A_1071 : f32 to vector<16xf32>
        %mul3A_1092 = arith.mulf %get3A_1090, %mul3A_1091 : vector<16xf32>
        %swap3A_1093 = arith.index_cast %add3A_1075 : i32 to index
        %swap3A_1094 = arith.constant 16 : index
        %swap3A_1095 = tpu.vector_load %arg10[%swap3A_1093, %swap3A_1094] {strides = array<i32>} : memref<128x128xf32, #tpu.memory_space<vmem>>, vector<1x16xf32>,
        %swap3A_1096 = vector.shape_cast %swap3A_1095 : vector<1x16xf32> to vector<16xf32>
        %swap3A_1097 = vector.shape_cast %mul3A_1092 : vector<16xf32> to vector<1x16xf32>
        tpu.vector_store %arg10[%swap3A_1093, %swap3A_1094], %swap3A_1097 {strides = array<i32>} : memref<128x128xf32, #tpu.memory_space<vmem>>, vector<1x16xf32>,
        %get3A_1098 = arith.index_cast %add3A_1075 : i32 to index
        %get3A_1099 = arith.constant 32 : index
        %get3A_1100 = tpu.vector_load %arg10[%get3A_1098, %get3A_1099] {strides = array<i32>} : memref<128x128xf32, #tpu.memory_space<vmem>>, vector<1x16xf32>,
        %get3A_1101 = vector.shape_cast %get3A_1100 : vector<1x16xf32> to vector<16xf32>
        %mul3A_1102 = vector.broadcast %squeeze3A_1071 : f32 to vector<16xf32>
        %mul3A_1103 = arith.mulf %get3A_1101, %mul3A_1102 : vector<16xf32>
        %swap3A_1104 = arith.index_cast %add3A_1075 : i32 to index
        %swap3A_1105 = arith.constant 32 : index
        %swap3A_1106 = tpu.vector_load %arg10[%swap3A_1104, %swap3A_1105] {strides = array<i32>} : memref<128x128xf32, #tpu.memory_space<vmem>>, vector<1x16xf32>,
        %swap3A_1107 = vector.shape_cast %swap3A_1106 : vector<1x16xf32> to vector<16xf32>
        %swap3A_1108 = vector.shape_cast %mul3A_1103 : vector<16xf32> to vector<1x16xf32>
        tpu.vector_store %arg10[%swap3A_1104, %swap3A_1105], %swap3A_1108 {strides = array<i32>} : memref<128x128xf32, #tpu.memory_space<vmem>>, vector<1x16xf32>,
        %get3A_1109 = arith.index_cast %add3A_1075 : i32 to index
        %get3A_1110 = arith.constant 48 : index
        %get3A_1111 = tpu.vector_load %arg10[%get3A_1109, %get3A_1110] {strides = array<i32>} : memref<128x128xf32, #tpu.memory_space<vmem>>, vector<1x16xf32>,
        %get3A_1112 = vector.shape_cast %get3A_1111 : vector<1x16xf32> to vector<16xf32>
        %mul3A_1113 = vector.broadcast %squeeze3A_1071 : f32 to vector<16xf32>
        %mul3A_1114 = arith.mulf %get3A_1112, %mul3A_1113 : vector<16xf32>
        %swap3A_1115 = arith.index_cast %add3A_1075 : i32 to index
        %swap3A_1116 = arith.constant 48 : index
        %swap3A_1117 = tpu.vector_load %arg10[%swap3A_1115, %swap3A_1116] {strides = array<i32>} : memref<128x128xf32, #tpu.memory_space<vmem>>, vector<1x16xf32>,
        %swap3A_1118 = vector.shape_cast %swap3A_1117 : vector<1x16xf32> to vector<16xf32>
        %swap3A_1119 = vector.shape_cast %mul3A_1114 : vector<16xf32> to vector<1x16xf32>
        tpu.vector_store %arg10[%swap3A_1115, %swap3A_1116], %swap3A_1119 {strides = array<i32>} : memref<128x128xf32, #tpu.memory_space<vmem>>, vector<1x16xf32>,
        %get3A_1120 = arith.index_cast %add3A_1075 : i32 to index
        %get3A_1121 = arith.constant 64 : index
        %get3A_1122 = tpu.vector_load %arg10[%get3A_1120, %get3A_1121] {strides = array<i32>} : memref<128x128xf32, #tpu.memory_space<vmem>>, vector<1x16xf32>,
        %get3A_1123 = vector.shape_cast %get3A_1122 : vector<1x16xf32> to vector<16xf32>
        %mul3A_1124 = vector.broadcast %squeeze3A_1071 : f32 to vector<16xf32>
        %mul3A_1125 = arith.mulf %get3A_1123, %mul3A_1124 : vector<16xf32>
        %swap3A_1126 = arith.index_cast %add3A_1075 : i32 to index
        %swap3A_1127 = arith.constant 64 : index
        %swap3A_1128 = tpu.vector_load %arg10[%swap3A_1126, %swap3A_1127] {strides = array<i32>} : memref<128x128xf32, #tpu.memory_space<vmem>>, vector<1x16xf32>,
        %swap3A_1129 = vector.shape_cast %swap3A_1128 : vector<1x16xf32> to vector<16xf32>
        %swap3A_1130 = vector.shape_cast %mul3A_1125 : vector<16xf32> to vector<1x16xf32>
        tpu.vector_store %arg10[%swap3A_1126, %swap3A_1127], %swap3A_1130 {strides = array<i32>} : memref<128x128xf32, #tpu.memory_space<vmem>>, vector<1x16xf32>,
        %get3A_1131 = arith.index_cast %add3A_1075 : i32 to index
        %get3A_1132 = arith.constant 80 : index
        %get3A_1133 = tpu.vector_load %arg10[%get3A_1131, %get3A_1132] {strides = array<i32>} : memref<128x128xf32, #tpu.memory_space<vmem>>, vector<1x16xf32>,
        %get3A_1134 = vector.shape_cast %get3A_1133 : vector<1x16xf32> to vector<16xf32>
        %mul3A_1135 = vector.broadcast %squeeze3A_1071 : f32 to vector<16xf32>
        %mul3A_1136 = arith.mulf %get3A_1134, %mul3A_1135 : vector<16xf32>
        %swap3A_1137 = arith.index_cast %add3A_1075 : i32 to index
        %swap3A_1138 = arith.constant 80 : index
        %swap3A_1139 = tpu.vector_load %arg10[%swap3A_1137, %swap3A_1138] {strides = array<i32>} : memref<128x128xf32, #tpu.memory_space<vmem>>, vector<1x16xf32>,
        %swap3A_1140 = vector.shape_cast %swap3A_1139 : vector<1x16xf32> to vector<16xf32>
        %swap3A_1141 = vector.shape_cast %mul3A_1136 : vector<16xf32> to vector<1x16xf32>
        tpu.vector_store %arg10[%swap3A_1137, %swap3A_1138], %swap3A_1141 {strides = array<i32>} : memref<128x128xf32, #tpu.memory_space<vmem>>, vector<1x16xf32>,
        %get3A_1142 = arith.index_cast %add3A_1075 : i32 to index
        %get3A_1143 = arith.constant 96 : index
        %get3A_1144 = tpu.vector_load %arg10[%get3A_1142, %get3A_1143] {strides = array<i32>} : memref<128x128xf32, #tpu.memory_space<vmem>>, vector<1x16xf32>,
        %get3A_1145 = vector.shape_cast %get3A_1144 : vector<1x16xf32> to vector<16xf32>
        %mul3A_1146 = vector.broadcast %squeeze3A_1071 : f32 to vector<16xf32>
        %mul3A_1147 = arith.mulf %get3A_1145, %mul3A_1146 : vector<16xf32>
        %swap3A_1148 = arith.index_cast %add3A_1075 : i32 to index
        %swap3A_1149 = arith.constant 96 : index
        %swap3A_1150 = tpu.vector_load %arg10[%swap3A_1148, %swap3A_1149] {strides = array<i32>} : memref<128x128xf32, #tpu.memory_space<vmem>>, vector<1x16xf32>,
        %swap3A_1151 = vector.shape_cast %swap3A_1150 : vector<1x16xf32> to vector<16xf32>
        %swap3A_1152 = vector.shape_cast %mul3A_1147 : vector<16xf32> to vector<1x16xf32>
        tpu.vector_store %arg10[%swap3A_1148, %swap3A_1149], %swap3A_1152 {strides = array<i32>} : memref<128x128xf32, #tpu.memory_space<vmem>>, vector<1x16xf32>,
        %get3A_1153 = arith.index_cast %add3A_1075 : i32 to index
        %get3A_1154 = arith.constant 112 : index
        %get3A_1155 = tpu.vector_load %arg10[%get3A_1153, %get3A_1154] {strides = array<i32>} : memref<128x128xf32, #tpu.memory_space<vmem>>, vector<1x16xf32>,
        %get3A_1156 = vector.shape_cast %get3A_1155 : vector<1x16xf32> to vector<16xf32>
        %mul3A_1157 = vector.broadcast %squeeze3A_1071 : f32 to vector<16xf32>
        %mul3A_1158 = arith.mulf %get3A_1156, %mul3A_1157 : vector<16xf32>
        %swap3A_1159 = arith.index_cast %add3A_1075 : i32 to index
        %swap3A_1160 = arith.constant 112 : index
        %swap3A_1161 = tpu.vector_load %arg10[%swap3A_1159, %swap3A_1160] {strides = array<i32>} : memref<128x128xf32, #tpu.memory_space<vmem>>, vector<1x16xf32>,
        %swap3A_1162 = vector.shape_cast %swap3A_1161 : vector<1x16xf32> to vector<16xf32>
        %swap3A_1163 = vector.shape_cast %mul3A_1158 : vector<16xf32> to vector<1x16xf32>
        tpu.vector_store %arg10[%swap3A_1159, %swap3A_1160], %swap3A_1163 {strides = array<i32>} : memref<128x128xf32, #tpu.memory_space<vmem>>, vector<1x16xf32>,
        %slice3A_1164 = vector.extract_strided_slice %get3A_132 {offsets = [11], sizes = [1], strides = [1]} : vector<16xf32> to vector<1xf32>
        %squeeze3A_1165 = vector.extract %slice3A_1164[0] : f32 from vector<1xf32>
        %mul3A_1166 = arith.constant 16 : i32
        %mul3A_1167 = arith.muli %scan3A_124, %mul3A_1166 : i32
        %add3A_1168 = arith.constant 11 : i32
        %add3A_1169 = arith.addi %mul3A_1167, %add3A_1168 : i32
        %get3A_1170 = arith.index_cast %add3A_1169 : i32 to index
        %get3A_1171 = arith.constant 0 : index
        %get3A_1172 = tpu.vector_load %arg10[%get3A_1170, %get3A_1171] {strides = array<i32>} : memref<128x128xf32, #tpu.memory_space<vmem>>, vector<1x16xf32>,
        %get3A_1173 = vector.shape_cast %get3A_1172 : vector<1x16xf32> to vector<16xf32>
        %mul3A_1174 = vector.broadcast %squeeze3A_1165 : f32 to vector<16xf32>
        %mul3A_1175 = arith.mulf %get3A_1173, %mul3A_1174 : vector<16xf32>
        %swap3A_1176 = arith.index_cast %add3A_1169 : i32 to index
        %swap3A_1177 = arith.constant 0 : index
        %swap3A_1178 = tpu.vector_load %arg10[%swap3A_1176, %swap3A_1177] {strides = array<i32>} : memref<128x128xf32, #tpu.memory_space<vmem>>, vector<1x16xf32>,
        %swap3A_1179 = vector.shape_cast %swap3A_1178 : vector<1x16xf32> to vector<16xf32>
        %swap3A_1180 = vector.shape_cast %mul3A_1175 : vector<16xf32> to vector<1x16xf32>
        tpu.vector_store %arg10[%swap3A_1176, %swap3A_1177], %swap3A_1180 {strides = array<i32>} : memref<128x128xf32, #tpu.memory_space<vmem>>, vector<1x16xf32>,
        %get3A_1181 = arith.index_cast %add3A_1169 : i32 to index
        %get3A_1182 = arith.constant 16 : index
        %get3A_1183 = tpu.vector_load %arg10[%get3A_1181, %get3A_1182] {strides = array<i32>} : memref<128x128xf32, #tpu.memory_space<vmem>>, vector<1x16xf32>,
        %get3A_1184 = vector.shape_cast %get3A_1183 : vector<1x16xf32> to vector<16xf32>
        %mul3A_1185 = vector.broadcast %squeeze3A_1165 : f32 to vector<16xf32>
        %mul3A_1186 = arith.mulf %get3A_1184, %mul3A_1185 : vector<16xf32>
        %swap3A_1187 = arith.index_cast %add3A_1169 : i32 to index
        %swap3A_1188 = arith.constant 16 : index
        %swap3A_1189 = tpu.vector_load %arg10[%swap3A_1187, %swap3A_1188] {strides = array<i32>} : memref<128x128xf32, #tpu.memory_space<vmem>>, vector<1x16xf32>,
        %swap3A_1190 = vector.shape_cast %swap3A_1189 : vector<1x16xf32> to vector<16xf32>
        %swap3A_1191 = vector.shape_cast %mul3A_1186 : vector<16xf32> to vector<1x16xf32>
        tpu.vector_store %arg10[%swap3A_1187, %swap3A_1188], %swap3A_1191 {strides = array<i32>} : memref<128x128xf32, #tpu.memory_space<vmem>>, vector<1x16xf32>,
        %get3A_1192 = arith.index_cast %add3A_1169 : i32 to index
        %get3A_1193 = arith.constant 32 : index
        %get3A_1194 = tpu.vector_load %arg10[%get3A_1192, %get3A_1193] {strides = array<i32>} : memref<128x128xf32, #tpu.memory_space<vmem>>, vector<1x16xf32>,
        %get3A_1195 = vector.shape_cast %get3A_1194 : vector<1x16xf32> to vector<16xf32>
        %mul3A_1196 = vector.broadcast %squeeze3A_1165 : f32 to vector<16xf32>
        %mul3A_1197 = arith.mulf %get3A_1195, %mul3A_1196 : vector<16xf32>
        %swap3A_1198 = arith.index_cast %add3A_1169 : i32 to index
        %swap3A_1199 = arith.constant 32 : index
        %swap3A_1200 = tpu.vector_load %arg10[%swap3A_1198, %swap3A_1199] {strides = array<i32>} : memref<128x128xf32, #tpu.memory_space<vmem>>, vector<1x16xf32>,
        %swap3A_1201 = vector.shape_cast %swap3A_1200 : vector<1x16xf32> to vector<16xf32>
        %swap3A_1202 = vector.shape_cast %mul3A_1197 : vector<16xf32> to vector<1x16xf32>
        tpu.vector_store %arg10[%swap3A_1198, %swap3A_1199], %swap3A_1202 {strides = array<i32>} : memref<128x128xf32, #tpu.memory_space<vmem>>, vector<1x16xf32>,
        %get3A_1203 = arith.index_cast %add3A_1169 : i32 to index
        %get3A_1204 = arith.constant 48 : index
        %get3A_1205 = tpu.vector_load %arg10[%get3A_1203, %get3A_1204] {strides = array<i32>} : memref<128x128xf32, #tpu.memory_space<vmem>>, vector<1x16xf32>,
        %get3A_1206 = vector.shape_cast %get3A_1205 : vector<1x16xf32> to vector<16xf32>
        %mul3A_1207 = vector.broadcast %squeeze3A_1165 : f32 to vector<16xf32>
        %mul3A_1208 = arith.mulf %get3A_1206, %mul3A_1207 : vector<16xf32>
        %swap3A_1209 = arith.index_cast %add3A_1169 : i32 to index
        %swap3A_1210 = arith.constant 48 : index
        %swap3A_1211 = tpu.vector_load %arg10[%swap3A_1209, %swap3A_1210] {strides = array<i32>} : memref<128x128xf32, #tpu.memory_space<vmem>>, vector<1x16xf32>,
        %swap3A_1212 = vector.shape_cast %swap3A_1211 : vector<1x16xf32> to vector<16xf32>
        %swap3A_1213 = vector.shape_cast %mul3A_1208 : vector<16xf32> to vector<1x16xf32>
        tpu.vector_store %arg10[%swap3A_1209, %swap3A_1210], %swap3A_1213 {strides = array<i32>} : memref<128x128xf32, #tpu.memory_space<vmem>>, vector<1x16xf32>,
        %get3A_1214 = arith.index_cast %add3A_1169 : i32 to index
        %get3A_1215 = arith.constant 64 : index
        %get3A_1216 = tpu.vector_load %arg10[%get3A_1214, %get3A_1215] {strides = array<i32>} : memref<128x128xf32, #tpu.memory_space<vmem>>, vector<1x16xf32>,
        %get3A_1217 = vector.shape_cast %get3A_1216 : vector<1x16xf32> to vector<16xf32>
        %mul3A_1218 = vector.broadcast %squeeze3A_1165 : f32 to vector<16xf32>
        %mul3A_1219 = arith.mulf %get3A_1217, %mul3A_1218 : vector<16xf32>
        %swap3A_1220 = arith.index_cast %add3A_1169 : i32 to index
        %swap3A_1221 = arith.constant 64 : index
        %swap3A_1222 = tpu.vector_load %arg10[%swap3A_1220, %swap3A_1221] {strides = array<i32>} : memref<128x128xf32, #tpu.memory_space<vmem>>, vector<1x16xf32>,
        %swap3A_1223 = vector.shape_cast %swap3A_1222 : vector<1x16xf32> to vector<16xf32>
        %swap3A_1224 = vector.shape_cast %mul3A_1219 : vector<16xf32> to vector<1x16xf32>
        tpu.vector_store %arg10[%swap3A_1220, %swap3A_1221], %swap3A_1224 {strides = array<i32>} : memref<128x128xf32, #tpu.memory_space<vmem>>, vector<1x16xf32>,
        %get3A_1225 = arith.index_cast %add3A_1169 : i32 to index
        %get3A_1226 = arith.constant 80 : index
        %get3A_1227 = tpu.vector_load %arg10[%get3A_1225, %get3A_1226] {strides = array<i32>} : memref<128x128xf32, #tpu.memory_space<vmem>>, vector<1x16xf32>,
        %get3A_1228 = vector.shape_cast %get3A_1227 : vector<1x16xf32> to vector<16xf32>
        %mul3A_1229 = vector.broadcast %squeeze3A_1165 : f32 to vector<16xf32>
        %mul3A_1230 = arith.mulf %get3A_1228, %mul3A_1229 : vector<16xf32>
        %swap3A_1231 = arith.index_cast %add3A_1169 : i32 to index
        %swap3A_1232 = arith.constant 80 : index
        %swap3A_1233 = tpu.vector_load %arg10[%swap3A_1231, %swap3A_1232] {strides = array<i32>} : memref<128x128xf32, #tpu.memory_space<vmem>>, vector<1x16xf32>,
        %swap3A_1234 = vector.shape_cast %swap3A_1233 : vector<1x16xf32> to vector<16xf32>
        %swap3A_1235 = vector.shape_cast %mul3A_1230 : vector<16xf32> to vector<1x16xf32>
        tpu.vector_store %arg10[%swap3A_1231, %swap3A_1232], %swap3A_1235 {strides = array<i32>} : memref<128x128xf32, #tpu.memory_space<vmem>>, vector<1x16xf32>,
        %get3A_1236 = arith.index_cast %add3A_1169 : i32 to index
        %get3A_1237 = arith.constant 96 : index
        %get3A_1238 = tpu.vector_load %arg10[%get3A_1236, %get3A_1237] {strides = array<i32>} : memref<128x128xf32, #tpu.memory_space<vmem>>, vector<1x16xf32>,
        %get3A_1239 = vector.shape_cast %get3A_1238 : vector<1x16xf32> to vector<16xf32>
        %mul3A_1240 = vector.broadcast %squeeze3A_1165 : f32 to vector<16xf32>
        %mul3A_1241 = arith.mulf %get3A_1239, %mul3A_1240 : vector<16xf32>
        %swap3A_1242 = arith.index_cast %add3A_1169 : i32 to index
        %swap3A_1243 = arith.constant 96 : index
        %swap3A_1244 = tpu.vector_load %arg10[%swap3A_1242, %swap3A_1243] {strides = array<i32>} : memref<128x128xf32, #tpu.memory_space<vmem>>, vector<1x16xf32>,
        %swap3A_1245 = vector.shape_cast %swap3A_1244 : vector<1x16xf32> to vector<16xf32>
        %swap3A_1246 = vector.shape_cast %mul3A_1241 : vector<16xf32> to vector<1x16xf32>
        tpu.vector_store %arg10[%swap3A_1242, %swap3A_1243], %swap3A_1246 {strides = array<i32>} : memref<128x128xf32, #tpu.memory_space<vmem>>, vector<1x16xf32>,
        %get3A_1247 = arith.index_cast %add3A_1169 : i32 to index
        %get3A_1248 = arith.constant 112 : index
        %get3A_1249 = tpu.vector_load %arg10[%get3A_1247, %get3A_1248] {strides = array<i32>} : memref<128x128xf32, #tpu.memory_space<vmem>>, vector<1x16xf32>,
        %get3A_1250 = vector.shape_cast %get3A_1249 : vector<1x16xf32> to vector<16xf32>
        %mul3A_1251 = vector.broadcast %squeeze3A_1165 : f32 to vector<16xf32>
        %mul3A_1252 = arith.mulf %get3A_1250, %mul3A_1251 : vector<16xf32>
        %swap3A_1253 = arith.index_cast %add3A_1169 : i32 to index
        %swap3A_1254 = arith.constant 112 : index
        %swap3A_1255 = tpu.vector_load %arg10[%swap3A_1253, %swap3A_1254] {strides = array<i32>} : memref<128x128xf32, #tpu.memory_space<vmem>>, vector<1x16xf32>,
        %swap3A_1256 = vector.shape_cast %swap3A_1255 : vector<1x16xf32> to vector<16xf32>
        %swap3A_1257 = vector.shape_cast %mul3A_1252 : vector<16xf32> to vector<1x16xf32>
        tpu.vector_store %arg10[%swap3A_1253, %swap3A_1254], %swap3A_1257 {strides = array<i32>} : memref<128x128xf32, #tpu.memory_space<vmem>>, vector<1x16xf32>,
        %slice3A_1258 = vector.extract_strided_slice %get3A_132 {offsets = [12], sizes = [1], strides = [1]} : vector<16xf32> to vector<1xf32>
        %squeeze3A_1259 = vector.extract %slice3A_1258[0] : f32 from vector<1xf32>
        %mul3A_1260 = arith.constant 16 : i32
        %mul3A_1261 = arith.muli %scan3A_124, %mul3A_1260 : i32
        %add3A_1262 = arith.constant 12 : i32
        %add3A_1263 = arith.addi %mul3A_1261, %add3A_1262 : i32
        %get3A_1264 = arith.index_cast %add3A_1263 : i32 to index
        %get3A_1265 = arith.constant 0 : index
        %get3A_1266 = tpu.vector_load %arg10[%get3A_1264, %get3A_1265] {strides = array<i32>} : memref<128x128xf32, #tpu.memory_space<vmem>>, vector<1x16xf32>,
        %get3A_1267 = vector.shape_cast %get3A_1266 : vector<1x16xf32> to vector<16xf32>
        %mul3A_1268 = vector.broadcast %squeeze3A_1259 : f32 to vector<16xf32>
        %mul3A_1269 = arith.mulf %get3A_1267, %mul3A_1268 : vector<16xf32>
        %swap3A_1270 = arith.index_cast %add3A_1263 : i32 to index
        %swap3A_1271 = arith.constant 0 : index
        %swap3A_1272 = tpu.vector_load %arg10[%swap3A_1270, %swap3A_1271] {strides = array<i32>} : memref<128x128xf32, #tpu.memory_space<vmem>>, vector<1x16xf32>,
        %swap3A_1273 = vector.shape_cast %swap3A_1272 : vector<1x16xf32> to vector<16xf32>
        %swap3A_1274 = vector.shape_cast %mul3A_1269 : vector<16xf32> to vector<1x16xf32>
        tpu.vector_store %arg10[%swap3A_1270, %swap3A_1271], %swap3A_1274 {strides = array<i32>} : memref<128x128xf32, #tpu.memory_space<vmem>>, vector<1x16xf32>,
        %get3A_1275 = arith.index_cast %add3A_1263 : i32 to index
        %get3A_1276 = arith.constant 16 : index
        %get3A_1277 = tpu.vector_load %arg10[%get3A_1275, %get3A_1276] {strides = array<i32>} : memref<128x128xf32, #tpu.memory_space<vmem>>, vector<1x16xf32>,
        %get3A_1278 = vector.shape_cast %get3A_1277 : vector<1x16xf32> to vector<16xf32>
        %mul3A_1279 = vector.broadcast %squeeze3A_1259 : f32 to vector<16xf32>
        %mul3A_1280 = arith.mulf %get3A_1278, %mul3A_1279 : vector<16xf32>
        %swap3A_1281 = arith.index_cast %add3A_1263 : i32 to index
        %swap3A_1282 = arith.constant 16 : index
        %swap3A_1283 = tpu.vector_load %arg10[%swap3A_1281, %swap3A_1282] {strides = array<i32>} : memref<128x128xf32, #tpu.memory_space<vmem>>, vector<1x16xf32>,
        %swap3A_1284 = vector.shape_cast %swap3A_1283 : vector<1x16xf32> to vector<16xf32>
        %swap3A_1285 = vector.shape_cast %mul3A_1280 : vector<16xf32> to vector<1x16xf32>
        tpu.vector_store %arg10[%swap3A_1281, %swap3A_1282], %swap3A_1285 {strides = array<i32>} : memref<128x128xf32, #tpu.memory_space<vmem>>, vector<1x16xf32>,
        %get3A_1286 = arith.index_cast %add3A_1263 : i32 to index
        %get3A_1287 = arith.constant 32 : index
        %get3A_1288 = tpu.vector_load %arg10[%get3A_1286, %get3A_1287] {strides = array<i32>} : memref<128x128xf32, #tpu.memory_space<vmem>>, vector<1x16xf32>,
        %get3A_1289 = vector.shape_cast %get3A_1288 : vector<1x16xf32> to vector<16xf32>
        %mul3A_1290 = vector.broadcast %squeeze3A_1259 : f32 to vector<16xf32>
        %mul3A_1291 = arith.mulf %get3A_1289, %mul3A_1290 : vector<16xf32>
        %swap3A_1292 = arith.index_cast %add3A_1263 : i32 to index
        %swap3A_1293 = arith.constant 32 : index
        %swap3A_1294 = tpu.vector_load %arg10[%swap3A_1292, %swap3A_1293] {strides = array<i32>} : memref<128x128xf32, #tpu.memory_space<vmem>>, vector<1x16xf32>,
        %swap3A_1295 = vector.shape_cast %swap3A_1294 : vector<1x16xf32> to vector<16xf32>
        %swap3A_1296 = vector.shape_cast %mul3A_1291 : vector<16xf32> to vector<1x16xf32>
        tpu.vector_store %arg10[%swap3A_1292, %swap3A_1293], %swap3A_1296 {strides = array<i32>} : memref<128x128xf32, #tpu.memory_space<vmem>>, vector<1x16xf32>,
        %get3A_1297 = arith.index_cast %add3A_1263 : i32 to index
        %get3A_1298 = arith.constant 48 : index
        %get3A_1299 = tpu.vector_load %arg10[%get3A_1297, %get3A_1298] {strides = array<i32>} : memref<128x128xf32, #tpu.memory_space<vmem>>, vector<1x16xf32>,
        %get3A_1300 = vector.shape_cast %get3A_1299 : vector<1x16xf32> to vector<16xf32>
        %mul3A_1301 = vector.broadcast %squeeze3A_1259 : f32 to vector<16xf32>
        %mul3A_1302 = arith.mulf %get3A_1300, %mul3A_1301 : vector<16xf32>
        %swap3A_1303 = arith.index_cast %add3A_1263 : i32 to index
        %swap3A_1304 = arith.constant 48 : index
        %swap3A_1305 = tpu.vector_load %arg10[%swap3A_1303, %swap3A_1304] {strides = array<i32>} : memref<128x128xf32, #tpu.memory_space<vmem>>, vector<1x16xf32>,
        %swap3A_1306 = vector.shape_cast %swap3A_1305 : vector<1x16xf32> to vector<16xf32>
        %swap3A_1307 = vector.shape_cast %mul3A_1302 : vector<16xf32> to vector<1x16xf32>
        tpu.vector_store %arg10[%swap3A_1303, %swap3A_1304], %swap3A_1307 {strides = array<i32>} : memref<128x128xf32, #tpu.memory_space<vmem>>, vector<1x16xf32>,
        %get3A_1308 = arith.index_cast %add3A_1263 : i32 to index
        %get3A_1309 = arith.constant 64 : index
        %get3A_1310 = tpu.vector_load %arg10[%get3A_1308, %get3A_1309] {strides = array<i32>} : memref<128x128xf32, #tpu.memory_space<vmem>>, vector<1x16xf32>,
        %get3A_1311 = vector.shape_cast %get3A_1310 : vector<1x16xf32> to vector<16xf32>
        %mul3A_1312 = vector.broadcast %squeeze3A_1259 : f32 to vector<16xf32>
        %mul3A_1313 = arith.mulf %get3A_1311, %mul3A_1312 : vector<16xf32>
        %swap3A_1314 = arith.index_cast %add3A_1263 : i32 to index
        %swap3A_1315 = arith.constant 64 : index
        %swap3A_1316 = tpu.vector_load %arg10[%swap3A_1314, %swap3A_1315] {strides = array<i32>} : memref<128x128xf32, #tpu.memory_space<vmem>>, vector<1x16xf32>,
        %swap3A_1317 = vector.shape_cast %swap3A_1316 : vector<1x16xf32> to vector<16xf32>
        %swap3A_1318 = vector.shape_cast %mul3A_1313 : vector<16xf32> to vector<1x16xf32>
        tpu.vector_store %arg10[%swap3A_1314, %swap3A_1315], %swap3A_1318 {strides = array<i32>} : memref<128x128xf32, #tpu.memory_space<vmem>>, vector<1x16xf32>,
        %get3A_1319 = arith.index_cast %add3A_1263 : i32 to index
        %get3A_1320 = arith.constant 80 : index
        %get3A_1321 = tpu.vector_load %arg10[%get3A_1319, %get3A_1320] {strides = array<i32>} : memref<128x128xf32, #tpu.memory_space<vmem>>, vector<1x16xf32>,
        %get3A_1322 = vector.shape_cast %get3A_1321 : vector<1x16xf32> to vector<16xf32>
        %mul3A_1323 = vector.broadcast %squeeze3A_1259 : f32 to vector<16xf32>
        %mul3A_1324 = arith.mulf %get3A_1322, %mul3A_1323 : vector<16xf32>
        %swap3A_1325 = arith.index_cast %add3A_1263 : i32 to index
        %swap3A_1326 = arith.constant 80 : index
        %swap3A_1327 = tpu.vector_load %arg10[%swap3A_1325, %swap3A_1326] {strides = array<i32>} : memref<128x128xf32, #tpu.memory_space<vmem>>, vector<1x16xf32>,
        %swap3A_1328 = vector.shape_cast %swap3A_1327 : vector<1x16xf32> to vector<16xf32>
        %swap3A_1329 = vector.shape_cast %mul3A_1324 : vector<16xf32> to vector<1x16xf32>
        tpu.vector_store %arg10[%swap3A_1325, %swap3A_1326], %swap3A_1329 {strides = array<i32>} : memref<128x128xf32, #tpu.memory_space<vmem>>, vector<1x16xf32>,
        %get3A_1330 = arith.index_cast %add3A_1263 : i32 to index
        %get3A_1331 = arith.constant 96 : index
        %get3A_1332 = tpu.vector_load %arg10[%get3A_1330, %get3A_1331] {strides = array<i32>} : memref<128x128xf32, #tpu.memory_space<vmem>>, vector<1x16xf32>,
        %get3A_1333 = vector.shape_cast %get3A_1332 : vector<1x16xf32> to vector<16xf32>
        %mul3A_1334 = vector.broadcast %squeeze3A_1259 : f32 to vector<16xf32>
        %mul3A_1335 = arith.mulf %get3A_1333, %mul3A_1334 : vector<16xf32>
        %swap3A_1336 = arith.index_cast %add3A_1263 : i32 to index
        %swap3A_1337 = arith.constant 96 : index
        %swap3A_1338 = tpu.vector_load %arg10[%swap3A_1336, %swap3A_1337] {strides = array<i32>} : memref<128x128xf32, #tpu.memory_space<vmem>>, vector<1x16xf32>,
        %swap3A_1339 = vector.shape_cast %swap3A_1338 : vector<1x16xf32> to vector<16xf32>
        %swap3A_1340 = vector.shape_cast %mul3A_1335 : vector<16xf32> to vector<1x16xf32>
        tpu.vector_store %arg10[%swap3A_1336, %swap3A_1337], %swap3A_1340 {strides = array<i32>} : memref<128x128xf32, #tpu.memory_space<vmem>>, vector<1x16xf32>,
        %get3A_1341 = arith.index_cast %add3A_1263 : i32 to index
        %get3A_1342 = arith.constant 112 : index
        %get3A_1343 = tpu.vector_load %arg10[%get3A_1341, %get3A_1342] {strides = array<i32>} : memref<128x128xf32, #tpu.memory_space<vmem>>, vector<1x16xf32>,
        %get3A_1344 = vector.shape_cast %get3A_1343 : vector<1x16xf32> to vector<16xf32>
        %mul3A_1345 = vector.broadcast %squeeze3A_1259 : f32 to vector<16xf32>
        %mul3A_1346 = arith.mulf %get3A_1344, %mul3A_1345 : vector<16xf32>
        %swap3A_1347 = arith.index_cast %add3A_1263 : i32 to index
        %swap3A_1348 = arith.constant 112 : index
        %swap3A_1349 = tpu.vector_load %arg10[%swap3A_1347, %swap3A_1348] {strides = array<i32>} : memref<128x128xf32, #tpu.memory_space<vmem>>, vector<1x16xf32>,
        %swap3A_1350 = vector.shape_cast %swap3A_1349 : vector<1x16xf32> to vector<16xf32>
        %swap3A_1351 = vector.shape_cast %mul3A_1346 : vector<16xf32> to vector<1x16xf32>
        tpu.vector_store %arg10[%swap3A_1347, %swap3A_1348], %swap3A_1351 {strides = array<i32>} : memref<128x128xf32, #tpu.memory_space<vmem>>, vector<1x16xf32>,
        %slice3A_1352 = vector.extract_strided_slice %get3A_132 {offsets = [13], sizes = [1], strides = [1]} : vector<16xf32> to vector<1xf32>
        %squeeze3A_1353 = vector.extract %slice3A_1352[0] : f32 from vector<1xf32>
        %mul3A_1354 = arith.constant 16 : i32
        %mul3A_1355 = arith.muli %scan3A_124, %mul3A_1354 : i32
        %add3A_1356 = arith.constant 13 : i32
        %add3A_1357 = arith.addi %mul3A_1355, %add3A_1356 : i32
        %get3A_1358 = arith.index_cast %add3A_1357 : i32 to index
        %get3A_1359 = arith.constant 0 : index
        %get3A_1360 = tpu.vector_load %arg10[%get3A_1358, %get3A_1359] {strides = array<i32>} : memref<128x128xf32, #tpu.memory_space<vmem>>, vector<1x16xf32>,
        %get3A_1361 = vector.shape_cast %get3A_1360 : vector<1x16xf32> to vector<16xf32>
        %mul3A_1362 = vector.broadcast %squeeze3A_1353 : f32 to vector<16xf32>
        %mul3A_1363 = arith.mulf %get3A_1361, %mul3A_1362 : vector<16xf32>
        %swap3A_1364 = arith.index_cast %add3A_1357 : i32 to index
        %swap3A_1365 = arith.constant 0 : index
        %swap3A_1366 = tpu.vector_load %arg10[%swap3A_1364, %swap3A_1365] {strides = array<i32>} : memref<128x128xf32, #tpu.memory_space<vmem>>, vector<1x16xf32>,
        %swap3A_1367 = vector.shape_cast %swap3A_1366 : vector<1x16xf32> to vector<16xf32>
        %swap3A_1368 = vector.shape_cast %mul3A_1363 : vector<16xf32> to vector<1x16xf32>
        tpu.vector_store %arg10[%swap3A_1364, %swap3A_1365], %swap3A_1368 {strides = array<i32>} : memref<128x128xf32, #tpu.memory_space<vmem>>, vector<1x16xf32>,
        %get3A_1369 = arith.index_cast %add3A_1357 : i32 to index
        %get3A_1370 = arith.constant 16 : index
        %get3A_1371 = tpu.vector_load %arg10[%get3A_1369, %get3A_1370] {strides = array<i32>} : memref<128x128xf32, #tpu.memory_space<vmem>>, vector<1x16xf32>,
        %get3A_1372 = vector.shape_cast %get3A_1371 : vector<1x16xf32> to vector<16xf32>
        %mul3A_1373 = vector.broadcast %squeeze3A_1353 : f32 to vector<16xf32>
        %mul3A_1374 = arith.mulf %get3A_1372, %mul3A_1373 : vector<16xf32>
        %swap3A_1375 = arith.index_cast %add3A_1357 : i32 to index
        %swap3A_1376 = arith.constant 16 : index
        %swap3A_1377 = tpu.vector_load %arg10[%swap3A_1375, %swap3A_1376] {strides = array<i32>} : memref<128x128xf32, #tpu.memory_space<vmem>>, vector<1x16xf32>,
        %swap3A_1378 = vector.shape_cast %swap3A_1377 : vector<1x16xf32> to vector<16xf32>
        %swap3A_1379 = vector.shape_cast %mul3A_1374 : vector<16xf32> to vector<1x16xf32>
        tpu.vector_store %arg10[%swap3A_1375, %swap3A_1376], %swap3A_1379 {strides = array<i32>} : memref<128x128xf32, #tpu.memory_space<vmem>>, vector<1x16xf32>,
        %get3A_1380 = arith.index_cast %add3A_1357 : i32 to index
        %get3A_1381 = arith.constant 32 : index
        %get3A_1382 = tpu.vector_load %arg10[%get3A_1380, %get3A_1381] {strides = array<i32>} : memref<128x128xf32, #tpu.memory_space<vmem>>, vector<1x16xf32>,
        %get3A_1383 = vector.shape_cast %get3A_1382 : vector<1x16xf32> to vector<16xf32>
        %mul3A_1384 = vector.broadcast %squeeze3A_1353 : f32 to vector<16xf32>
        %mul3A_1385 = arith.mulf %get3A_1383, %mul3A_1384 : vector<16xf32>
        %swap3A_1386 = arith.index_cast %add3A_1357 : i32 to index
        %swap3A_1387 = arith.constant 32 : index
        %swap3A_1388 = tpu.vector_load %arg10[%swap3A_1386, %swap3A_1387] {strides = array<i32>} : memref<128x128xf32, #tpu.memory_space<vmem>>, vector<1x16xf32>,
        %swap3A_1389 = vector.shape_cast %swap3A_1388 : vector<1x16xf32> to vector<16xf32>
        %swap3A_1390 = vector.shape_cast %mul3A_1385 : vector<16xf32> to vector<1x16xf32>
        tpu.vector_store %arg10[%swap3A_1386, %swap3A_1387], %swap3A_1390 {strides = array<i32>} : memref<128x128xf32, #tpu.memory_space<vmem>>, vector<1x16xf32>,
        %get3A_1391 = arith.index_cast %add3A_1357 : i32 to index
        %get3A_1392 = arith.constant 48 : index
        %get3A_1393 = tpu.vector_load %arg10[%get3A_1391, %get3A_1392] {strides = array<i32>} : memref<128x128xf32, #tpu.memory_space<vmem>>, vector<1x16xf32>,
        %get3A_1394 = vector.shape_cast %get3A_1393 : vector<1x16xf32> to vector<16xf32>
        %mul3A_1395 = vector.broadcast %squeeze3A_1353 : f32 to vector<16xf32>
        %mul3A_1396 = arith.mulf %get3A_1394, %mul3A_1395 : vector<16xf32>
        %swap3A_1397 = arith.index_cast %add3A_1357 : i32 to index
        %swap3A_1398 = arith.constant 48 : index
        %swap3A_1399 = tpu.vector_load %arg10[%swap3A_1397, %swap3A_1398] {strides = array<i32>} : memref<128x128xf32, #tpu.memory_space<vmem>>, vector<1x16xf32>,
        %swap3A_1400 = vector.shape_cast %swap3A_1399 : vector<1x16xf32> to vector<16xf32>
        %swap3A_1401 = vector.shape_cast %mul3A_1396 : vector<16xf32> to vector<1x16xf32>
        tpu.vector_store %arg10[%swap3A_1397, %swap3A_1398], %swap3A_1401 {strides = array<i32>} : memref<128x128xf32, #tpu.memory_space<vmem>>, vector<1x16xf32>,
        %get3A_1402 = arith.index_cast %add3A_1357 : i32 to index
        %get3A_1403 = arith.constant 64 : index
        %get3A_1404 = tpu.vector_load %arg10[%get3A_1402, %get3A_1403] {strides = array<i32>} : memref<128x128xf32, #tpu.memory_space<vmem>>, vector<1x16xf32>,
        %get3A_1405 = vector.shape_cast %get3A_1404 : vector<1x16xf32> to vector<16xf32>
        %mul3A_1406 = vector.broadcast %squeeze3A_1353 : f32 to vector<16xf32>
        %mul3A_1407 = arith.mulf %get3A_1405, %mul3A_1406 : vector<16xf32>
        %swap3A_1408 = arith.index_cast %add3A_1357 : i32 to index
        %swap3A_1409 = arith.constant 64 : index
        %swap3A_1410 = tpu.vector_load %arg10[%swap3A_1408, %swap3A_1409] {strides = array<i32>} : memref<128x128xf32, #tpu.memory_space<vmem>>, vector<1x16xf32>,
        %swap3A_1411 = vector.shape_cast %swap3A_1410 : vector<1x16xf32> to vector<16xf32>
        %swap3A_1412 = vector.shape_cast %mul3A_1407 : vector<16xf32> to vector<1x16xf32>
        tpu.vector_store %arg10[%swap3A_1408, %swap3A_1409], %swap3A_1412 {strides = array<i32>} : memref<128x128xf32, #tpu.memory_space<vmem>>, vector<1x16xf32>,
        %get3A_1413 = arith.index_cast %add3A_1357 : i32 to index
        %get3A_1414 = arith.constant 80 : index
        %get3A_1415 = tpu.vector_load %arg10[%get3A_1413, %get3A_1414] {strides = array<i32>} : memref<128x128xf32, #tpu.memory_space<vmem>>, vector<1x16xf32>,
        %get3A_1416 = vector.shape_cast %get3A_1415 : vector<1x16xf32> to vector<16xf32>
        %mul3A_1417 = vector.broadcast %squeeze3A_1353 : f32 to vector<16xf32>
        %mul3A_1418 = arith.mulf %get3A_1416, %mul3A_1417 : vector<16xf32>
        %swap3A_1419 = arith.index_cast %add3A_1357 : i32 to index
        %swap3A_1420 = arith.constant 80 : index
        %swap3A_1421 = tpu.vector_load %arg10[%swap3A_1419, %swap3A_1420] {strides = array<i32>} : memref<128x128xf32, #tpu.memory_space<vmem>>, vector<1x16xf32>,
        %swap3A_1422 = vector.shape_cast %swap3A_1421 : vector<1x16xf32> to vector<16xf32>
        %swap3A_1423 = vector.shape_cast %mul3A_1418 : vector<16xf32> to vector<1x16xf32>
        tpu.vector_store %arg10[%swap3A_1419, %swap3A_1420], %swap3A_1423 {strides = array<i32>} : memref<128x128xf32, #tpu.memory_space<vmem>>, vector<1x16xf32>,
        %get3A_1424 = arith.index_cast %add3A_1357 : i32 to index
        %get3A_1425 = arith.constant 96 : index
        %get3A_1426 = tpu.vector_load %arg10[%get3A_1424, %get3A_1425] {strides = array<i32>} : memref<128x128xf32, #tpu.memory_space<vmem>>, vector<1x16xf32>,
        %get3A_1427 = vector.shape_cast %get3A_1426 : vector<1x16xf32> to vector<16xf32>
        %mul3A_1428 = vector.broadcast %squeeze3A_1353 : f32 to vector<16xf32>
        %mul3A_1429 = arith.mulf %get3A_1427, %mul3A_1428 : vector<16xf32>
        %swap3A_1430 = arith.index_cast %add3A_1357 : i32 to index
        %swap3A_1431 = arith.constant 96 : index
        %swap3A_1432 = tpu.vector_load %arg10[%swap3A_1430, %swap3A_1431] {strides = array<i32>} : memref<128x128xf32, #tpu.memory_space<vmem>>, vector<1x16xf32>,
        %swap3A_1433 = vector.shape_cast %swap3A_1432 : vector<1x16xf32> to vector<16xf32>
        %swap3A_1434 = vector.shape_cast %mul3A_1429 : vector<16xf32> to vector<1x16xf32>
        tpu.vector_store %arg10[%swap3A_1430, %swap3A_1431], %swap3A_1434 {strides = array<i32>} : memref<128x128xf32, #tpu.memory_space<vmem>>, vector<1x16xf32>,
        %get3A_1435 = arith.index_cast %add3A_1357 : i32 to index
        %get3A_1436 = arith.constant 112 : index
        %get3A_1437 = tpu.vector_load %arg10[%get3A_1435, %get3A_1436] {strides = array<i32>} : memref<128x128xf32, #tpu.memory_space<vmem>>, vector<1x16xf32>,
        %get3A_1438 = vector.shape_cast %get3A_1437 : vector<1x16xf32> to vector<16xf32>
        %mul3A_1439 = vector.broadcast %squeeze3A_1353 : f32 to vector<16xf32>
        %mul3A_1440 = arith.mulf %get3A_1438, %mul3A_1439 : vector<16xf32>
        %swap3A_1441 = arith.index_cast %add3A_1357 : i32 to index
        %swap3A_1442 = arith.constant 112 : index
        %swap3A_1443 = tpu.vector_load %arg10[%swap3A_1441, %swap3A_1442] {strides = array<i32>} : memref<128x128xf32, #tpu.memory_space<vmem>>, vector<1x16xf32>,
        %swap3A_1444 = vector.shape_cast %swap3A_1443 : vector<1x16xf32> to vector<16xf32>
        %swap3A_1445 = vector.shape_cast %mul3A_1440 : vector<16xf32> to vector<1x16xf32>
        tpu.vector_store %arg10[%swap3A_1441, %swap3A_1442], %swap3A_1445 {strides = array<i32>} : memref<128x128xf32, #tpu.memory_space<vmem>>, vector<1x16xf32>,
        %slice3A_1446 = vector.extract_strided_slice %get3A_132 {offsets = [14], sizes = [1], strides = [1]} : vector<16xf32> to vector<1xf32>
        %squeeze3A_1447 = vector.extract %slice3A_1446[0] : f32 from vector<1xf32>
        %mul3A_1448 = arith.constant 16 : i32
        %mul3A_1449 = arith.muli %scan3A_124, %mul3A_1448 : i32
        %add3A_1450 = arith.constant 14 : i32
        %add3A_1451 = arith.addi %mul3A_1449, %add3A_1450 : i32
        %get3A_1452 = arith.index_cast %add3A_1451 : i32 to index
        %get3A_1453 = arith.constant 0 : index
        %get3A_1454 = tpu.vector_load %arg10[%get3A_1452, %get3A_1453] {strides = array<i32>} : memref<128x128xf32, #tpu.memory_space<vmem>>, vector<1x16xf32>,
        %get3A_1455 = vector.shape_cast %get3A_1454 : vector<1x16xf32> to vector<16xf32>
        %mul3A_1456 = vector.broadcast %squeeze3A_1447 : f32 to vector<16xf32>
        %mul3A_1457 = arith.mulf %get3A_1455, %mul3A_1456 : vector<16xf32>
        %swap3A_1458 = arith.index_cast %add3A_1451 : i32 to index
        %swap3A_1459 = arith.constant 0 : index
        %swap3A_1460 = tpu.vector_load %arg10[%swap3A_1458, %swap3A_1459] {strides = array<i32>} : memref<128x128xf32, #tpu.memory_space<vmem>>, vector<1x16xf32>,
        %swap3A_1461 = vector.shape_cast %swap3A_1460 : vector<1x16xf32> to vector<16xf32>
        %swap3A_1462 = vector.shape_cast %mul3A_1457 : vector<16xf32> to vector<1x16xf32>
        tpu.vector_store %arg10[%swap3A_1458, %swap3A_1459], %swap3A_1462 {strides = array<i32>} : memref<128x128xf32, #tpu.memory_space<vmem>>, vector<1x16xf32>,
        %get3A_1463 = arith.index_cast %add3A_1451 : i32 to index
        %get3A_1464 = arith.constant 16 : index
        %get3A_1465 = tpu.vector_load %arg10[%get3A_1463, %get3A_1464] {strides = array<i32>} : memref<128x128xf32, #tpu.memory_space<vmem>>, vector<1x16xf32>,
        %get3A_1466 = vector.shape_cast %get3A_1465 : vector<1x16xf32> to vector<16xf32>
        %mul3A_1467 = vector.broadcast %squeeze3A_1447 : f32 to vector<16xf32>
        %mul3A_1468 = arith.mulf %get3A_1466, %mul3A_1467 : vector<16xf32>
        %swap3A_1469 = arith.index_cast %add3A_1451 : i32 to index
        %swap3A_1470 = arith.constant 16 : index
        %swap3A_1471 = tpu.vector_load %arg10[%swap3A_1469, %swap3A_1470] {strides = array<i32>} : memref<128x128xf32, #tpu.memory_space<vmem>>, vector<1x16xf32>,
        %swap3A_1472 = vector.shape_cast %swap3A_1471 : vector<1x16xf32> to vector<16xf32>
        %swap3A_1473 = vector.shape_cast %mul3A_1468 : vector<16xf32> to vector<1x16xf32>
        tpu.vector_store %arg10[%swap3A_1469, %swap3A_1470], %swap3A_1473 {strides = array<i32>} : memref<128x128xf32, #tpu.memory_space<vmem>>, vector<1x16xf32>,
        %get3A_1474 = arith.index_cast %add3A_1451 : i32 to index
        %get3A_1475 = arith.constant 32 : index
        %get3A_1476 = tpu.vector_load %arg10[%get3A_1474, %get3A_1475] {strides = array<i32>} : memref<128x128xf32, #tpu.memory_space<vmem>>, vector<1x16xf32>,
        %get3A_1477 = vector.shape_cast %get3A_1476 : vector<1x16xf32> to vector<16xf32>
        %mul3A_1478 = vector.broadcast %squeeze3A_1447 : f32 to vector<16xf32>
        %mul3A_1479 = arith.mulf %get3A_1477, %mul3A_1478 : vector<16xf32>
        %swap3A_1480 = arith.index_cast %add3A_1451 : i32 to index
        %swap3A_1481 = arith.constant 32 : index
        %swap3A_1482 = tpu.vector_load %arg10[%swap3A_1480, %swap3A_1481] {strides = array<i32>} : memref<128x128xf32, #tpu.memory_space<vmem>>, vector<1x16xf32>,
        %swap3A_1483 = vector.shape_cast %swap3A_1482 : vector<1x16xf32> to vector<16xf32>
        %swap3A_1484 = vector.shape_cast %mul3A_1479 : vector<16xf32> to vector<1x16xf32>
        tpu.vector_store %arg10[%swap3A_1480, %swap3A_1481], %swap3A_1484 {strides = array<i32>} : memref<128x128xf32, #tpu.memory_space<vmem>>, vector<1x16xf32>,
        %get3A_1485 = arith.index_cast %add3A_1451 : i32 to index
        %get3A_1486 = arith.constant 48 : index
        %get3A_1487 = tpu.vector_load %arg10[%get3A_1485, %get3A_1486] {strides = array<i32>} : memref<128x128xf32, #tpu.memory_space<vmem>>, vector<1x16xf32>,
        %get3A_1488 = vector.shape_cast %get3A_1487 : vector<1x16xf32> to vector<16xf32>
        %mul3A_1489 = vector.broadcast %squeeze3A_1447 : f32 to vector<16xf32>
        %mul3A_1490 = arith.mulf %get3A_1488, %mul3A_1489 : vector<16xf32>
        %swap3A_1491 = arith.index_cast %add3A_1451 : i32 to index
        %swap3A_1492 = arith.constant 48 : index
        %swap3A_1493 = tpu.vector_load %arg10[%swap3A_1491, %swap3A_1492] {strides = array<i32>} : memref<128x128xf32, #tpu.memory_space<vmem>>, vector<1x16xf32>,
        %swap3A_1494 = vector.shape_cast %swap3A_1493 : vector<1x16xf32> to vector<16xf32>
        %swap3A_1495 = vector.shape_cast %mul3A_1490 : vector<16xf32> to vector<1x16xf32>
        tpu.vector_store %arg10[%swap3A_1491, %swap3A_1492], %swap3A_1495 {strides = array<i32>} : memref<128x128xf32, #tpu.memory_space<vmem>>, vector<1x16xf32>,
        %get3A_1496 = arith.index_cast %add3A_1451 : i32 to index
        %get3A_1497 = arith.constant 64 : index
        %get3A_1498 = tpu.vector_load %arg10[%get3A_1496, %get3A_1497] {strides = array<i32>} : memref<128x128xf32, #tpu.memory_space<vmem>>, vector<1x16xf32>,
        %get3A_1499 = vector.shape_cast %get3A_1498 : vector<1x16xf32> to vector<16xf32>
        %mul3A_1500 = vector.broadcast %squeeze3A_1447 : f32 to vector<16xf32>
        %mul3A_1501 = arith.mulf %get3A_1499, %mul3A_1500 : vector<16xf32>
        %swap3A_1502 = arith.index_cast %add3A_1451 : i32 to index
        %swap3A_1503 = arith.constant 64 : index
        %swap3A_1504 = tpu.vector_load %arg10[%swap3A_1502, %swap3A_1503] {strides = array<i32>} : memref<128x128xf32, #tpu.memory_space<vmem>>, vector<1x16xf32>,
        %swap3A_1505 = vector.shape_cast %swap3A_1504 : vector<1x16xf32> to vector<16xf32>
        %swap3A_1506 = vector.shape_cast %mul3A_1501 : vector<16xf32> to vector<1x16xf32>
        tpu.vector_store %arg10[%swap3A_1502, %swap3A_1503], %swap3A_1506 {strides = array<i32>} : memref<128x128xf32, #tpu.memory_space<vmem>>, vector<1x16xf32>,
        %get3A_1507 = arith.index_cast %add3A_1451 : i32 to index
        %get3A_1508 = arith.constant 80 : index
        %get3A_1509 = tpu.vector_load %arg10[%get3A_1507, %get3A_1508] {strides = array<i32>} : memref<128x128xf32, #tpu.memory_space<vmem>>, vector<1x16xf32>,
        %get3A_1510 = vector.shape_cast %get3A_1509 : vector<1x16xf32> to vector<16xf32>
        %mul3A_1511 = vector.broadcast %squeeze3A_1447 : f32 to vector<16xf32>
        %mul3A_1512 = arith.mulf %get3A_1510, %mul3A_1511 : vector<16xf32>
        %swap3A_1513 = arith.index_cast %add3A_1451 : i32 to index
        %swap3A_1514 = arith.constant 80 : index
        %swap3A_1515 = tpu.vector_load %arg10[%swap3A_1513, %swap3A_1514] {strides = array<i32>} : memref<128x128xf32, #tpu.memory_space<vmem>>, vector<1x16xf32>,
        %swap3A_1516 = vector.shape_cast %swap3A_1515 : vector<1x16xf32> to vector<16xf32>
        %swap3A_1517 = vector.shape_cast %mul3A_1512 : vector<16xf32> to vector<1x16xf32>
        tpu.vector_store %arg10[%swap3A_1513, %swap3A_1514], %swap3A_1517 {strides = array<i32>} : memref<128x128xf32, #tpu.memory_space<vmem>>, vector<1x16xf32>,
        %get3A_1518 = arith.index_cast %add3A_1451 : i32 to index
        %get3A_1519 = arith.constant 96 : index
        %get3A_1520 = tpu.vector_load %arg10[%get3A_1518, %get3A_1519] {strides = array<i32>} : memref<128x128xf32, #tpu.memory_space<vmem>>, vector<1x16xf32>,
        %get3A_1521 = vector.shape_cast %get3A_1520 : vector<1x16xf32> to vector<16xf32>
        %mul3A_1522 = vector.broadcast %squeeze3A_1447 : f32 to vector<16xf32>
        %mul3A_1523 = arith.mulf %get3A_1521, %mul3A_1522 : vector<16xf32>
        %swap3A_1524 = arith.index_cast %add3A_1451 : i32 to index
        %swap3A_1525 = arith.constant 96 : index
        %swap3A_1526 = tpu.vector_load %arg10[%swap3A_1524, %swap3A_1525] {strides = array<i32>} : memref<128x128xf32, #tpu.memory_space<vmem>>, vector<1x16xf32>,
        %swap3A_1527 = vector.shape_cast %swap3A_1526 : vector<1x16xf32> to vector<16xf32>
        %swap3A_1528 = vector.shape_cast %mul3A_1523 : vector<16xf32> to vector<1x16xf32>
        tpu.vector_store %arg10[%swap3A_1524, %swap3A_1525], %swap3A_1528 {strides = array<i32>} : memref<128x128xf32, #tpu.memory_space<vmem>>, vector<1x16xf32>,
        %get3A_1529 = arith.index_cast %add3A_1451 : i32 to index
        %get3A_1530 = arith.constant 112 : index
        %get3A_1531 = tpu.vector_load %arg10[%get3A_1529, %get3A_1530] {strides = array<i32>} : memref<128x128xf32, #tpu.memory_space<vmem>>, vector<1x16xf32>,
        %get3A_1532 = vector.shape_cast %get3A_1531 : vector<1x16xf32> to vector<16xf32>
        %mul3A_1533 = vector.broadcast %squeeze3A_1447 : f32 to vector<16xf32>
        %mul3A_1534 = arith.mulf %get3A_1532, %mul3A_1533 : vector<16xf32>
        %swap3A_1535 = arith.index_cast %add3A_1451 : i32 to index
        %swap3A_1536 = arith.constant 112 : index
        %swap3A_1537 = tpu.vector_load %arg10[%swap3A_1535, %swap3A_1536] {strides = array<i32>} : memref<128x128xf32, #tpu.memory_space<vmem>>, vector<1x16xf32>,
        %swap3A_1538 = vector.shape_cast %swap3A_1537 : vector<1x16xf32> to vector<16xf32>
        %swap3A_1539 = vector.shape_cast %mul3A_1534 : vector<16xf32> to vector<1x16xf32>
        tpu.vector_store %arg10[%swap3A_1535, %swap3A_1536], %swap3A_1539 {strides = array<i32>} : memref<128x128xf32, #tpu.memory_space<vmem>>, vector<1x16xf32>,
        %slice3A_1540 = vector.extract_strided_slice %get3A_132 {offsets = [15], sizes = [1], strides = [1]} : vector<16xf32> to vector<1xf32>
        %squeeze3A_1541 = vector.extract %slice3A_1540[0] : f32 from vector<1xf32>
        %mul3A_1542 = arith.constant 16 : i32
        %mul3A_1543 = arith.muli %scan3A_124, %mul3A_1542 : i32
        %add3A_1544 = arith.constant 15 : i32
        %add3A_1545 = arith.addi %mul3A_1543, %add3A_1544 : i32
        %get3A_1546 = arith.index_cast %add3A_1545 : i32 to index
        %get3A_1547 = arith.constant 0 : index
        %get3A_1548 = tpu.vector_load %arg10[%get3A_1546, %get3A_1547] {strides = array<i32>} : memref<128x128xf32, #tpu.memory_space<vmem>>, vector<1x16xf32>,
        %get3A_1549 = vector.shape_cast %get3A_1548 : vector<1x16xf32> to vector<16xf32>
        %mul3A_1550 = vector.broadcast %squeeze3A_1541 : f32 to vector<16xf32>
        %mul3A_1551 = arith.mulf %get3A_1549, %mul3A_1550 : vector<16xf32>
        %swap3A_1552 = arith.index_cast %add3A_1545 : i32 to index
        %swap3A_1553 = arith.constant 0 : index
        %swap3A_1554 = tpu.vector_load %arg10[%swap3A_1552, %swap3A_1553] {strides = array<i32>} : memref<128x128xf32, #tpu.memory_space<vmem>>, vector<1x16xf32>,
        %swap3A_1555 = vector.shape_cast %swap3A_1554 : vector<1x16xf32> to vector<16xf32>
        %swap3A_1556 = vector.shape_cast %mul3A_1551 : vector<16xf32> to vector<1x16xf32>
        tpu.vector_store %arg10[%swap3A_1552, %swap3A_1553], %swap3A_1556 {strides = array<i32>} : memref<128x128xf32, #tpu.memory_space<vmem>>, vector<1x16xf32>,
        %get3A_1557 = arith.index_cast %add3A_1545 : i32 to index
        %get3A_1558 = arith.constant 16 : index
        %get3A_1559 = tpu.vector_load %arg10[%get3A_1557, %get3A_1558] {strides = array<i32>} : memref<128x128xf32, #tpu.memory_space<vmem>>, vector<1x16xf32>,
        %get3A_1560 = vector.shape_cast %get3A_1559 : vector<1x16xf32> to vector<16xf32>
        %mul3A_1561 = vector.broadcast %squeeze3A_1541 : f32 to vector<16xf32>
        %mul3A_1562 = arith.mulf %get3A_1560, %mul3A_1561 : vector<16xf32>
        %swap3A_1563 = arith.index_cast %add3A_1545 : i32 to index
        %swap3A_1564 = arith.constant 16 : index
        %swap3A_1565 = tpu.vector_load %arg10[%swap3A_1563, %swap3A_1564] {strides = array<i32>} : memref<128x128xf32, #tpu.memory_space<vmem>>, vector<1x16xf32>,
        %swap3A_1566 = vector.shape_cast %swap3A_1565 : vector<1x16xf32> to vector<16xf32>
        %swap3A_1567 = vector.shape_cast %mul3A_1562 : vector<16xf32> to vector<1x16xf32>
        tpu.vector_store %arg10[%swap3A_1563, %swap3A_1564], %swap3A_1567 {strides = array<i32>} : memref<128x128xf32, #tpu.memory_space<vmem>>, vector<1x16xf32>,
        %get3A_1568 = arith.index_cast %add3A_1545 : i32 to index
        %get3A_1569 = arith.constant 32 : index
        %get3A_1570 = tpu.vector_load %arg10[%get3A_1568, %get3A_1569] {strides = array<i32>} : memref<128x128xf32, #tpu.memory_space<vmem>>, vector<1x16xf32>,
        %get3A_1571 = vector.shape_cast %get3A_1570 : vector<1x16xf32> to vector<16xf32>
        %mul3A_1572 = vector.broadcast %squeeze3A_1541 : f32 to vector<16xf32>
        %mul3A_1573 = arith.mulf %get3A_1571, %mul3A_1572 : vector<16xf32>
        %swap3A_1574 = arith.index_cast %add3A_1545 : i32 to index
        %swap3A_1575 = arith.constant 32 : index
        %swap3A_1576 = tpu.vector_load %arg10[%swap3A_1574, %swap3A_1575] {strides = array<i32>} : memref<128x128xf32, #tpu.memory_space<vmem>>, vector<1x16xf32>,
        %swap3A_1577 = vector.shape_cast %swap3A_1576 : vector<1x16xf32> to vector<16xf32>
        %swap3A_1578 = vector.shape_cast %mul3A_1573 : vector<16xf32> to vector<1x16xf32>
        tpu.vector_store %arg10[%swap3A_1574, %swap3A_1575], %swap3A_1578 {strides = array<i32>} : memref<128x128xf32, #tpu.memory_space<vmem>>, vector<1x16xf32>,
        %get3A_1579 = arith.index_cast %add3A_1545 : i32 to index
        %get3A_1580 = arith.constant 48 : index
        %get3A_1581 = tpu.vector_load %arg10[%get3A_1579, %get3A_1580] {strides = array<i32>} : memref<128x128xf32, #tpu.memory_space<vmem>>, vector<1x16xf32>,
        %get3A_1582 = vector.shape_cast %get3A_1581 : vector<1x16xf32> to vector<16xf32>
        %mul3A_1583 = vector.broadcast %squeeze3A_1541 : f32 to vector<16xf32>
        %mul3A_1584 = arith.mulf %get3A_1582, %mul3A_1583 : vector<16xf32>
        %swap3A_1585 = arith.index_cast %add3A_1545 : i32 to index
        %swap3A_1586 = arith.constant 48 : index
        %swap3A_1587 = tpu.vector_load %arg10[%swap3A_1585, %swap3A_1586] {strides = array<i32>} : memref<128x128xf32, #tpu.memory_space<vmem>>, vector<1x16xf32>,
        %swap3A_1588 = vector.shape_cast %swap3A_1587 : vector<1x16xf32> to vector<16xf32>
        %swap3A_1589 = vector.shape_cast %mul3A_1584 : vector<16xf32> to vector<1x16xf32>
        tpu.vector_store %arg10[%swap3A_1585, %swap3A_1586], %swap3A_1589 {strides = array<i32>} : memref<128x128xf32, #tpu.memory_space<vmem>>, vector<1x16xf32>,
        %get3A_1590 = arith.index_cast %add3A_1545 : i32 to index
        %get3A_1591 = arith.constant 64 : index
        %get3A_1592 = tpu.vector_load %arg10[%get3A_1590, %get3A_1591] {strides = array<i32>} : memref<128x128xf32, #tpu.memory_space<vmem>>, vector<1x16xf32>,
        %get3A_1593 = vector.shape_cast %get3A_1592 : vector<1x16xf32> to vector<16xf32>
        %mul3A_1594 = vector.broadcast %squeeze3A_1541 : f32 to vector<16xf32>
        %mul3A_1595 = arith.mulf %get3A_1593, %mul3A_1594 : vector<16xf32>
        %swap3A_1596 = arith.index_cast %add3A_1545 : i32 to index
        %swap3A_1597 = arith.constant 64 : index
        %swap3A_1598 = tpu.vector_load %arg10[%swap3A_1596, %swap3A_1597] {strides = array<i32>} : memref<128x128xf32, #tpu.memory_space<vmem>>, vector<1x16xf32>,
        %swap3A_1599 = vector.shape_cast %swap3A_1598 : vector<1x16xf32> to vector<16xf32>
        %swap3A_1600 = vector.shape_cast %mul3A_1595 : vector<16xf32> to vector<1x16xf32>
        tpu.vector_store %arg10[%swap3A_1596, %swap3A_1597], %swap3A_1600 {strides = array<i32>} : memref<128x128xf32, #tpu.memory_space<vmem>>, vector<1x16xf32>,
        %get3A_1601 = arith.index_cast %add3A_1545 : i32 to index
        %get3A_1602 = arith.constant 80 : index
        %get3A_1603 = tpu.vector_load %arg10[%get3A_1601, %get3A_1602] {strides = array<i32>} : memref<128x128xf32, #tpu.memory_space<vmem>>, vector<1x16xf32>,
        %get3A_1604 = vector.shape_cast %get3A_1603 : vector<1x16xf32> to vector<16xf32>
        %mul3A_1605 = vector.broadcast %squeeze3A_1541 : f32 to vector<16xf32>
        %mul3A_1606 = arith.mulf %get3A_1604, %mul3A_1605 : vector<16xf32>
        %swap3A_1607 = arith.index_cast %add3A_1545 : i32 to index
        %swap3A_1608 = arith.constant 80 : index
        %swap3A_1609 = tpu.vector_load %arg10[%swap3A_1607, %swap3A_1608] {strides = array<i32>} : memref<128x128xf32, #tpu.memory_space<vmem>>, vector<1x16xf32>,
        %swap3A_1610 = vector.shape_cast %swap3A_1609 : vector<1x16xf32> to vector<16xf32>
        %swap3A_1611 = vector.shape_cast %mul3A_1606 : vector<16xf32> to vector<1x16xf32>
        tpu.vector_store %arg10[%swap3A_1607, %swap3A_1608], %swap3A_1611 {strides = array<i32>} : memref<128x128xf32, #tpu.memory_space<vmem>>, vector<1x16xf32>,
        %get3A_1612 = arith.index_cast %add3A_1545 : i32 to index
        %get3A_1613 = arith.constant 96 : index
        %get3A_1614 = tpu.vector_load %arg10[%get3A_1612, %get3A_1613] {strides = array<i32>} : memref<128x128xf32, #tpu.memory_space<vmem>>, vector<1x16xf32>,
        %get3A_1615 = vector.shape_cast %get3A_1614 : vector<1x16xf32> to vector<16xf32>
        %mul3A_1616 = vector.broadcast %squeeze3A_1541 : f32 to vector<16xf32>
        %mul3A_1617 = arith.mulf %get3A_1615, %mul3A_1616 : vector<16xf32>
        %swap3A_1618 = arith.index_cast %add3A_1545 : i32 to index
        %swap3A_1619 = arith.constant 96 : index
        %swap3A_1620 = tpu.vector_load %arg10[%swap3A_1618, %swap3A_1619] {strides = array<i32>} : memref<128x128xf32, #tpu.memory_space<vmem>>, vector<1x16xf32>,
        %swap3A_1621 = vector.shape_cast %swap3A_1620 : vector<1x16xf32> to vector<16xf32>
        %swap3A_1622 = vector.shape_cast %mul3A_1617 : vector<16xf32> to vector<1x16xf32>
        tpu.vector_store %arg10[%swap3A_1618, %swap3A_1619], %swap3A_1622 {strides = array<i32>} : memref<128x128xf32, #tpu.memory_space<vmem>>, vector<1x16xf32>,
        %get3A_1623 = arith.index_cast %add3A_1545 : i32 to index
        %get3A_1624 = arith.constant 112 : index
        %get3A_1625 = tpu.vector_load %arg10[%get3A_1623, %get3A_1624] {strides = array<i32>} : memref<128x128xf32, #tpu.memory_space<vmem>>, vector<1x16xf32>,
        %get3A_1626 = vector.shape_cast %get3A_1625 : vector<1x16xf32> to vector<16xf32>
        %mul3A_1627 = vector.broadcast %squeeze3A_1541 : f32 to vector<16xf32>
        %mul3A_1628 = arith.mulf %get3A_1626, %mul3A_1627 : vector<16xf32>
        %swap3A_1629 = arith.index_cast %add3A_1545 : i32 to index
        %swap3A_1630 = arith.constant 112 : index
        %swap3A_1631 = tpu.vector_load %arg10[%swap3A_1629, %swap3A_1630] {strides = array<i32>} : memref<128x128xf32, #tpu.memory_space<vmem>>, vector<1x16xf32>,
        %swap3A_1632 = vector.shape_cast %swap3A_1631 : vector<1x16xf32> to vector<16xf32>
        %swap3A_1633 = vector.shape_cast %mul3A_1628 : vector<16xf32> to vector<1x16xf32>
        tpu.vector_store %arg10[%swap3A_1629, %swap3A_1630], %swap3A_1633 {strides = array<i32>} : memref<128x128xf32, #tpu.memory_space<vmem>>, vector<1x16xf32>,
        %scan3A_1634 = arith.constant 0 : i32
        scf.yield %scan3A_1634 : i32
      }
      %scan3A_122 = arith.constant 8 : i32
      "tpu.region"() ({
        %run_scoped3A = tpu.sem_alloc : memref<!tpu.dma_semaphore, #tpu.memory_space<semaphore_mem>>
        %dma_start3A_124 = arith.constant 0 : i32
        %dma_start3A_125 = tpu.memref_slice %arg8[%scan3A_104, %dma_start3A_124] : memref<79x128xi32, #tpu.memory_space<vmem>> -> memref<1x128xi32, #tpu.memory_space<vmem>>
        %dma_start3A_126 = tpu.memref_squeeze %dma_start3A_125 : memref<1x128xi32, #tpu.memory_space<vmem>> -> memref<128xi32, #tpu.memory_space<vmem>>
        %dma_start3A_127 = arith.constant 0 : i32
        %dma_start3A_128 = arith.constant 0 : i32
        %dma_start3A_129 = tpu.memref_slice %arg11[%dma_start3A_127, %dma_start3A_128] : memref<10240x128xf32, #tpu.memory_space<vmem_shared>> -> memref<10240x128xf32, #tpu.memory_space<vmem_shared>>
        tpu.enqueue_indirect_dma source(%arg10 : memref<128x128xf32, #tpu.memory_space<vmem>>) target(%dma_start3A_129 : memref<10240x128xf32, #tpu.memory_space<vmem_shared>>) offsets(%dma_start3A_126 : memref<128xi32, #tpu.memory_space<vmem>>) semaphore(%run_scoped3A : memref<!tpu.dma_semaphore, #tpu.memory_space<semaphore_mem>>) {add = true}
        %dma_wait3A_130 = arith.constant 0 : i32
        %dma_wait3A_131 = tpu.memref_slice %arg8[%scan3A_104, %dma_wait3A_130] : memref<79x128xi32, #tpu.memory_space<vmem>> -> memref<1x128xi32, #tpu.memory_space<vmem>>
        %dma_wait3A_132 = tpu.memref_squeeze %dma_wait3A_131 : memref<1x128xi32, #tpu.memory_space<vmem>> -> memref<128xi32, #tpu.memory_space<vmem>>
        %dma_wait3A_133 = arith.constant 0 : i32
        %dma_wait3A_134 = arith.constant 0 : i32
        %dma_wait3A_135 = tpu.memref_slice %arg11[%dma_wait3A_133, %dma_wait3A_134] : memref<10240x128xf32, #tpu.memory_space<vmem_shared>> -> memref<10240x128xf32, #tpu.memory_space<vmem_shared>>
        tpu.wait_indirect_dma semaphore(%run_scoped3A : memref<!tpu.dma_semaphore, #tpu.memory_space<semaphore_mem>>) src(%arg10 : memref<128x128xf32, #tpu.memory_space<vmem>>) dst(%dma_wait3A_135 : memref<10240x128xf32, #tpu.memory_space<vmem_shared>>)
        tpu.yield
      }) : () -> ()
      %scan3A_123 = arith.constant 0 : i32
      scf.yield %scan3A_123 : i32
    }
    %scan3A_92 = arith.constant 79 : i32
    %barrier3A_93 = arith.constant 0 : index
    tpu.barrier barrier_id(%barrier3A_93)
    %lt3A_94 = arith.constant 15 : i32
    %lt3A_95 = arith.cmpi slt, %arg1, %lt3A_94 : i32
    %convert_element_type3A_96 = arith.extui %lt3A_95 : i1 to i32
    %cond3A_97 = arith.constant 0 : i32
    %cond3A_98 = arith.cmpi ne, %convert_element_type3A_96, %cond3A_97 : i32
    scf.if %cond3A_98 {
      %mul3A_104 = arith.constant 640 : i32
      %mul3A_105 = arith.muli %arg1, %mul3A_104 : i32
      %mul3A_106 = arith.constant 640 : i32
      %mul3A_107 = arith.muli %arg1, %mul3A_106 : i32
      "tpu.region"() ({
        %run_scoped3A = tpu.sem_alloc : memref<!tpu.dma_semaphore, #tpu.memory_space<semaphore_mem>>
        %dma_start3A = arith.constant 0 : i32
        %dma_start3A_108 = tpu.memref_slice %arg6[%add3A_50, %mul3A_107, %dma_start3A] : memref<4x10000x128xf32, #tpu.memory_space<hbm>> -> memref<1x640x128xf32, #tpu.memory_space<hbm>>
        %dma_start3A_109 = tpu.memref_squeeze %dma_start3A_108 : memref<1x640x128xf32, #tpu.memory_space<hbm>> -> memref<640x128xf32, #tpu.memory_space<hbm>>
        %dma_start3A_110 = arith.constant 0 : i32
        %dma_start3A_111 = tpu.memref_slice %arg11[%mul3A_105, %dma_start3A_110] : memref<10240x128xf32, #tpu.memory_space<vmem_shared>> -> memref<640x128xf32, #tpu.memory_space<vmem_shared>>
        tpu.enqueue_dma source(%dma_start3A_111 : memref<640x128xf32, #tpu.memory_space<vmem_shared>>) target(%dma_start3A_109 : memref<640x128xf32, #tpu.memory_space<hbm>>) target_semaphore(%run_scoped3A : memref<!tpu.dma_semaphore, #tpu.memory_space<semaphore_mem>>)
        %dma_wait3A = arith.constant 0 : i32
        %dma_wait3A_112 = tpu.memref_slice %arg6[%add3A_50, %mul3A_107, %dma_wait3A] : memref<4x10000x128xf32, #tpu.memory_space<hbm>> -> memref<1x640x128xf32, #tpu.memory_space<hbm>>
        %dma_wait3A_113 = tpu.memref_squeeze %dma_wait3A_112 : memref<1x640x128xf32, #tpu.memory_space<hbm>> -> memref<640x128xf32, #tpu.memory_space<hbm>>
        %dma_wait3A_114 = arith.constant 0 : i32
        %dma_wait3A_115 = tpu.memref_slice %arg11[%mul3A_105, %dma_wait3A_114] : memref<10240x128xf32, #tpu.memory_space<vmem_shared>> -> memref<640x128xf32, #tpu.memory_space<vmem_shared>>
        tpu.wait_dma2 semaphore(%run_scoped3A : memref<!tpu.dma_semaphore, #tpu.memory_space<semaphore_mem>>) src(%dma_wait3A_115 : memref<640x128xf32, #tpu.memory_space<vmem_shared>>) dst(%dma_wait3A_113 : memref<640x128xf32, #tpu.memory_space<hbm>>)
        tpu.yield
      }) : () -> ()
    } else {
    }
    %eq3A_99 = arith.constant 15 : i32
    %eq3A_100 = arith.cmpi eq, %arg1, %eq3A_99 : i32
    %convert_element_type3A_101 = arith.extui %eq3A_100 : i1 to i32
    %cond3A_102 = arith.constant 0 : i32
    %cond3A_103 = arith.cmpi ne, %convert_element_type3A_101, %cond3A_102 : i32
    scf.if %cond3A_103 {
      "tpu.region"() ({
        %run_scoped3A = tpu.sem_alloc : memref<!tpu.dma_semaphore, #tpu.memory_space<semaphore_mem>>
        %dma_start3A = arith.constant 9600 : i32
        %dma_start3A_104 = arith.constant 0 : i32
        %dma_start3A_105 = tpu.memref_slice %arg6[%add3A_50, %dma_start3A, %dma_start3A_104] : memref<4x10000x128xf32, #tpu.memory_space<hbm>> -> memref<1x400x128xf32, #tpu.memory_space<hbm>>
        %dma_start3A_106 = tpu.memref_squeeze %dma_start3A_105 : memref<1x400x128xf32, #tpu.memory_space<hbm>> -> memref<400x128xf32, #tpu.memory_space<hbm>>
        %dma_start3A_107 = arith.constant 9600 : i32
        %dma_start3A_108 = arith.constant 0 : i32
        %dma_start3A_109 = tpu.memref_slice %arg11[%dma_start3A_107, %dma_start3A_108] : memref<10240x128xf32, #tpu.memory_space<vmem_shared>> -> memref<400x128xf32, #tpu.memory_space<vmem_shared>>
        tpu.enqueue_dma source(%dma_start3A_109 : memref<400x128xf32, #tpu.memory_space<vmem_shared>>) target(%dma_start3A_106 : memref<400x128xf32, #tpu.memory_space<hbm>>) target_semaphore(%run_scoped3A : memref<!tpu.dma_semaphore, #tpu.memory_space<semaphore_mem>>)
        %dma_wait3A = arith.constant 9600 : i32
        %dma_wait3A_110 = arith.constant 0 : i32
        %dma_wait3A_111 = tpu.memref_slice %arg6[%add3A_50, %dma_wait3A, %dma_wait3A_110] : memref<4x10000x128xf32, #tpu.memory_space<hbm>> -> memref<1x400x128xf32, #tpu.memory_space<hbm>>
        %dma_wait3A_112 = tpu.memref_squeeze %dma_wait3A_111 : memref<1x400x128xf32, #tpu.memory_space<hbm>> -> memref<400x128xf32, #tpu.memory_space<hbm>>
        %dma_wait3A_113 = arith.constant 9600 : i32
        %dma_wait3A_114 = arith.constant 0 : i32
        %dma_wait3A_115 = tpu.memref_slice %arg11[%dma_wait3A_113, %dma_wait3A_114] : memref<10240x128xf32, #tpu.memory_space<vmem_shared>> -> memref<400x128xf32, #tpu.memory_space<vmem_shared>>
        tpu.wait_dma2 semaphore(%run_scoped3A : memref<!tpu.dma_semaphore, #tpu.memory_space<semaphore_mem>>) src(%dma_wait3A_115 : memref<400x128xf32, #tpu.memory_space<vmem_shared>>) dst(%dma_wait3A_112 : memref<400x128xf32, #tpu.memory_space<hbm>>)
        tpu.yield
      }) : () -> ()
    } else {
    }
    return
  }
}

</mosaic_0001>

<sc_bundles>
// kernel: _spmm_sc.3.cloned.1.call-start
scs
__scs_entry_jumppad:
0x0: {  	(pc) =	sbr.rel $0x88, $3  }
0x1: {  	(tag) =	ssettag $0x0;
	lr =	simm.s32 $0x1  }
0x2: {  	[smem:$0x3F9D] =	sst lr;
	_ =	strace $0xD0000000  }
0x3: {  	_ = 	snop  }
0x4: {  	_ = 	snop  }
0x5: {  	_ = 	snop  }
0x6: {  	_ = 	snop  }
0x7: {  	_ = 	snop  }
__scs_overlays_trampoline_lowered:
0x8: {  	[smem:$0x3FAC] =	sst s0  }
0x9: {  	[smem:$0x3FAD] =	sst s1  }
0xa: {  	[smem:$0x3FAE] =	sst s2  }
0xb: {  	[smem:$0x3FAF] =	sst s3  }
0xc: {  	[smem:$0x3FB0] =	sst s4  }
0xd: {  	[smem:$0x3FB1] =	sst s5  }
0xe: {  	[smem:$0x3FB2] =	sst s6  }
0xf: {  	[smem:$0x3FB3] =	sst s7  }
0x10: {  	[smem:$0x3FB4] =	sst s8  }
0x11: {  	[smem:$0x3FB5] =	sst s9;
	s0 =	simm.s32 @!p0 $0x0  }
0x12: {  	s1 =	sld [smem:$0x3F9B];
	s0 =	simm.s32 @p0 $0x1  }
0x13: {  	[smem:$0x3FB6] =	sst s0;
	s0 =	simm.s32 @!p1 $0x0  }
0x14: {  	s2 =	sld [smem:$0x3F9A];
	s0 =	simm.s32 @p1 $0x1  }
0x15: {  	[smem:$0x3FB7] =	sst s0;
	s0 =	simm.s32 @!p2 $0x0  }
0x16: {  	s3 =	sld [smem:$0x3FDB];
	s0 =	simm.s32 @p2 $0x1  }
0x17: {  	s4 =	simm.s32 $0x1BF5;
	[smem:$0x3FB9] =	sst s0  }
0x18: {  	s0 =	sld [smem:$0x3F9C];
	_ =	swait.ge [sflag:s4], $0x0  }
0x19: {  	s7 =	sld [smem:$0x3F9D]  }
0x1a: {  	s8 =	sadd.s32 $0xFFFFE003, lr  }
0x1b: {  	s9 =	sadd.s32 $0xFFFFFEF7, lr;
	s5 =	simm.s32 $0xFFFFFFFF;
	p2 =	slt.u32 s8, $0xFFFFF086  }
0x1c: {  	p1 =	slt.u32 s9, $0xF7A;
	s5 =	simm.s32 @!p2 $0x0  }
0x1d: {  	s5 =	simm.s32 @p1 $0x1;
	p0 =	seq.s32 s7, s2  }
0x1e: {  	s7 =	smul.u32 @!p0 $0xF7A, s2;
	p2 =	seq.s32 @!p0 s5, $0x0  }
0x1f: {  	s9 =	smul.u32 $0xF7A, s1;
	s8 =	simm.s32 @!p0 $0x1BF5;
	p2 =	por !p2, p0  }
0x20: {  	[sflag:s8] =	ssyncset.s32 @!p0 $0xFFFFF086;
	s6 =	sadd.s32 @!p0 s3, s7;
	s7 =	simm.s32 @!p0 $0x108  }
0x21: {  	s3 =	sadd.s32 s3, s9;
	s6 =	sadd.s32 @!p0 $0x88, s6;
	s7 =	simm.s32 @p2 $0x1082  }
0x22: {  	[simem:s7], [sflag:s8] =	dma.local @!p0 [hbm:s6], $0xF7A  }
0x23: {  	s9 =	sor.u32 $0xD0000000, s2;
	s6 =	simm.s32 $0x108;
	_ =	swait.ge @!p0 [sflag:s8], $0x0  }
0x24: {  	s3 =	sadd.s32 $0x88, s3;
	s6 =	simm.s32 @!p1 $0x1082;
	[sflag:s4] =	ssyncset.s32 $0xFFFFF086  }
0x25: {  	[simem:s6], [sflag:s4] =	dma.local [hbm:s3], $0xF7A  }
0x26: {  	[smem:$0x3F9D] =	sst s1;
	(tag) =	ssettag s2;
	_ =	strace s9  }
0x27: {  	s1 =	sld [smem:$0x3FAD]  }
0x28: {  	s2 =	sld [smem:$0x3FAE]  }
0x29: {  	s4 =	sld [smem:$0x3FB0]  }
0x2a: {  	p0 =	seq.s32 s5, $0x0;
	s5 =	sld [smem:$0x3FB1]  }
0x2b: {  	s6 =	sld [smem:$0x3FB2]  }
0x2c: {  	s7 =	sld [smem:$0x3FB3]  }
0x2d: {  	s3 =	simm.s32 $0x108;
	s8 =	sld [smem:$0x3FB4]  }
0x2e: {  	s3 =	simm.s32 @!p0 $0x1082;
	s9 =	sld [smem:$0x3FB5]  }
0x2f: {  	lr =	sadd.s32 s0, s3;
	s0 =	sld [smem:$0x3FAC]  }
0x30: {  	s3 =	sld [smem:$0x3FAF]  }
0x31: {  	[smem:$0x3FB8] =	sst s10  }
0x32: {  	s10 =	sld [smem:$0x3FB6];
	_ =	sdelay $0x3  }
0x33: {  	p0 =	seq.s32 s10, $0x1;
	s10 =	sld [smem:$0x3FB8];
	_ =	sdelay $0x3  }
0x34: {  	[smem:$0x3FB8] =	sst s10  }
0x35: {  	s10 =	sld [smem:$0x3FB7];
	_ =	sdelay $0x3  }
0x36: {  	p1 =	seq.s32 s10, $0x1;
	s10 =	sld [smem:$0x3FB8];
	_ =	sdelay $0x3  }
0x37: {  	[smem:$0x3FB8] =	sst s10  }
0x38: {  	s10 =	sld [smem:$0x3FB9]  }
0x39: {  	_ = 	snop;
	(pc) =	sbr.ind lr, $3  }
0x3a: {  	_ = 	snop  }
0x3b: {  	_ = 	snop  }
0x3c: {  	p2 =	seq.s32 s10, $0x1;
	s10 =	sld [smem:$0x3FB8]  }
0x3d: {  	_ =	shalt  }
0x3e: {  	_ =	shalt  }
0x3f: {  	_ =	shalt  }
0x40: {  	_ =	shalt  }
0x41: {  	_ =	shalt  }
0x42: {  	_ =	shalt  }
0x43: {  	_ =	shalt  }
0x44: {  	_ =	shalt  }
0x45: {  	_ =	shalt  }
0x46: {  	_ =	shalt  }
0x47: {  	_ =	shalt  }
0x48: {  	_ =	shalt  }
0x49: {  	_ =	shalt  }
0x4a: {  	_ =	shalt  }
0x4b: {  	_ =	shalt  }
0x4c: {  	_ =	shalt  }
0x4d: {  	_ =	shalt  }
0x4e: {  	_ =	shalt  }
0x4f: {  	_ =	shalt  }
0x50: {  	_ =	shalt  }
0x51: {  	_ =	shalt  }
0x52: {  	_ =	shalt  }
0x53: {  	_ =	shalt  }
0x54: {  	_ =	shalt  }
0x55: {  	_ =	shalt  }
0x56: {  	_ =	shalt  }
0x57: {  	_ =	shalt  }
0x58: {  	_ =	shalt  }
0x59: {  	_ =	shalt  }
0x5a: {  	_ =	shalt  }
0x5b: {  	_ =	shalt  }
0x5c: {  	_ =	shalt  }
0x5d: {  	_ =	shalt  }
0x5e: {  	_ =	shalt  }
0x5f: {  	_ =	shalt  }
0x60: {  	_ =	shalt  }
0x61: {  	_ =	shalt  }
0x62: {  	_ =	shalt  }
0x63: {  	_ =	shalt  }
0x64: {  	_ =	shalt  }
0x65: {  	_ =	shalt  }
0x66: {  	_ =	shalt  }
0x67: {  	_ =	shalt  }
0x68: {  	_ =	shalt  }
0x69: {  	_ =	shalt  }
0x6a: {  	_ =	shalt  }
0x6b: {  	_ =	shalt  }
0x6c: {  	_ =	shalt  }
0x6d: {  	_ =	shalt  }
0x6e: {  	_ =	shalt  }
0x6f: {  	_ =	shalt  }
0x70: {  	_ =	shalt  }
0x71: {  	_ =	shalt  }
0x72: {  	_ =	shalt  }
0x73: {  	_ =	shalt  }
0x74: {  	_ =	shalt  }
0x75: {  	_ =	shalt  }
0x76: {  	_ =	shalt  }
0x77: {  	_ =	shalt  }
0x78: {  	_ =	shalt  }
0x79: {  	_ =	shalt  }
0x7a: {  	_ =	shalt  }
0x7b: {  	_ =	shalt  }
0x7c: {  	_ =	shalt  }
0x7d: {  	_ =	shalt  }
0x7e: {  	_ =	shalt  }
0x7f: {  	_ =	shalt  }
0x80: {  	_ =	shalt  }
0x81: {  	_ =	shalt  }
0x82: {  	_ =	shalt  }
0x83: {  	_ =	shalt  }
0x84: {  	_ =	shalt  }
0x85: {  	_ =	shalt  }
0x86: {  	_ =	shalt  }
0x87: {  	_ =	shalt  }
.Lfunc_end0:
.L_simem_size_0:
called_computation_lowered:
.L_overlay_start_0:
0x88: {  	s2 =	sld [smem:$0x3FD9]  }
0x89: {  	s3 =	sld [smem:$0x3FFE];
	_ =	sdelay $0x1  }
0x8a: {  	s1 =	srdreg.scid  }
0x8b: {  	s0 =	sand.u32 $0x1, s1  }
0x8c: {  	s17 =	sshll.u32 s0, $0xA;
	s2 =	sadd.s32 s3, s2  }
0x8d: {  	s2 =	sadd.s32 s2, s17  }
0x8e: {  	[smem:$0x3FC4] =	sst s2  }
0x8f: {  	_ = 	snop  }
0x90: {  	s2 =	sld [smem:$0x3FC9]  }
0x91: {  	s18 =	sld [smem:$0x3FC6]  }
0x92: {  	s4 =	sld [smem:$0x3FD0];
	(tm) =	ssettm $0x1  }
0x93: {  	s5 =	sld [smem:$0x3FFB];
	_ =	sdelay $0x3  }
0x94: {  	_ =	strace s5  }
0x95: {  	s5 =	sld [smem:$0x3FFC];
	_ =	sdelay $0x3  }
0x96: {  	_ =	strace s5  }
0x97: {  	s5 =	sld [smem:$0x3FFD];
	_ =	sdelay $0x3  }
0x98: {  	_ =	strace s5  }
0x99: {  	_ =	strace $0x8FFFFFFF  }
0x9a: {  	s19 =	sld [smem:$0x3FDB];
	_ =	sdelay $0x1  }
0x9b: {  	s6 =	simm.s32 $_scs_section_size  }
0x9c: {  	s7 =	simm.s32 $_size__tile_overlayer_lowered;
	s8 =	simm.s32 $_tile_overlayer_lowered  }
0x9d: {  	s22 =	simm.s32 $0x1BFF;
	s21 =	sshll.u32 s8, $0x1;
	s5 =	sadd.s32 s6, s19  }
0x9e: {  	s9 =	simm.s32 $0x0;
	s20 =	sshll.u32 s7, $0x1;
	s7 =	sadd.s32 s21, s5  }
0x9f: {  	[timem:s9], [sflag:s22] =	dma.local [hbm:s7], s20  }
0xa0: {  	_ =	swait.ge [sflag:s22], s20  }
0xa1: {  	s6 =	ssub.s32 $0x0, s20;
	[sflag:s22] =	ssyncset.done $0x0  }
0xa2: {  	[sflag:s22] =	ssyncadd.s32 s6;
	_ =	sdelay $0x1  }
0xa3: {  	s23 =	simm.s32 $0x1B8B  }
0xa4: {  	_ =	swait.ge [sflag:s23], $0x1  }
0xa5: {  	[sflag:s23] =	ssyncset.done $0x0  }
0xa6: {  	s25 =	simm.s32 $0x1B8E;
	s24 =	sld [smem:$0x3FFE];
	[sflag:s23] =	ssyncadd.s32 $0xFFFFFFFF  }
0xa7: {  	s26 =	simm.s32 $execute0_lowered;
	[smem:$0x3FD2] =	sst s25  }
0xa8: {  	s7 =	sshll.u32 s26, $0x1;
	_ =	strace $0x80000046;
	[dreg:$0x1] =	wrdreg $0xFFFFFFFF  }
0xa9: {  	s28 =	simm.s32 $_size_execute0_lowered;
	s5 =	sadd.s32 s5, s7;
	[dreg:$0x0] =	wrdreg $0x0  }
0xaa: {  	s7 =	sshll.u32 s28, $0x1;
	[dreg:$0x2] =	wrdreg s5  }
0xab: {  	[dreg:$0x3] =	wrdreg s7  }
0xac: {  	[dreg:$0x4] =	wrdreg $0xC0  }
0xad: {  	_ =	task [dreg:s9], $0x5FFFF  }
0xae: {  	[dreg:$0x1] =	wrdreg $0xFFFFFFFF  }
0xaf: {  	[dreg:$0x0] =	wrdreg $0x60  }
0xb0: {  	[dreg:$0x2] =	wrdreg s2  }
0xb1: {  	[dreg:$0x3] =	wrdreg s24  }
0xb2: {  	[dreg:$0x4] =	wrdreg s18  }
0xb3: {  	[dreg:$0x5] =	wrdreg s4  }
0xb4: {  	[dreg:$0x6] =	wrdreg $0xB7800  }
0xb5: {  	[dreg:$0x7] =	wrdreg $0x9  }
0xb6: {  	_ =	task.clear_ibuf [dreg:s9], $0x8FFFF;
	_ =	strace $0x90000046  }
0xb7: {  	s29 =	simm.s32 $0x9;
	_ =	strace $0x80000048  }
0xb8: {  	_ =	swait.ge [sflag:s29], $0x1  }
0xb9: {  	[sflag:s29] =	ssyncadd.s32 $0xFFFFFFFF  }
0xba: {  	_ =	strace $0x90000048  }
0xbb: {  	_ =	sfence  }
0xbc: {  	s30 =	sld [smem:$0x0];
	_ =	sdelay $0x2  }
0xbd: {  	s31 =	sshll.u32 s1, $0xD;
	s1 =	sshrl.u32 s1, $0x2  }
0xbe: {  	s3 =	sand.u32 $0x4000, s31;
	s1 =	sadd.s32 s1, s30  }
0xbf: {  	s0 =	sor.u32 s3, s0;
	s1 =	sshll.u32 s1, $0x11  }
0xc0: {  	s0 =	sor.u32 s1, s0  }
0xc1: {  	s0 =	sadd.s32 $0x8F2B, s0  }
0xc2: {  	[sflag:s0] =	ssyncadd.remote.s32 $0x1  }
0xc3: {  	_ =	sfence.sel $0xFFFF  }
0xc4: {  	[dreg:$0x0] =	wrdreg $0xFFFFFFFF;
	(pc) =	sbr.abs _section_cstart, $3  }
0xc5: {  	[dreg:$0x1] =	wrdreg $0xFFFFFFFF  }
0xc6: {  	_ =	task.clear_ibuf [dreg:s9], $0x2FFFF;
	_ =	strace $0x9FFFFFFF  }
0xc7: {  	(tm) =	ssettm $0x7FFFFFFF  }
tec
execute0_lowered:
.L_overlay_start_1:
0x0: {  	(tag) =	ssettag $0x1  }
0x1: {  	s1 =	rddreg [dreg:$0x0]  }
0x2: {  	s0 =	rddreg [dreg:$0x1]  }
0x3: {  	s7 =	rddreg [dreg:$0x2]  }
0x4: {  	s13 =	rddreg [dreg:$0x3]  }
0x5: {  	s3 =	rddreg [dreg:$0x4];
	s4 =	simm.s32 $0x0  }
0x6: {  	s2 =	stileid.u32;
	s6 =	srdreg.scid;
	s19 =	simm.s32 $0x2  }
0x7: {  	s21 =	simm.s32 $0x80;
	[smem:$0x7FF] =	sst s4;
	s5 =	smul.u32 $0x500, s2  }
0x8: {  	s9 =	sand.u32 $0x1, s6;
	s25 =	sshrl.u32 s2, $0x3;
	s11 =	smul.u32 $0x50000, s2  }
0x9: {  	s26 =	sshll.u32 s2, $0x7;
	s31 =	smul.u32 $0x14000, s2;
	s15 =	sadd.s32 $0x12C000, s3  }
0xa: {  	p0 =	seq.s32 s2, $0xF;
	_ =	strace $0x80000047;
	s10 =	smul.u32 $0x13C00, s25  }
0xb: {  	s24 =	ssub.s32 $0x2, s9;
	s28 =	sand.u32 $0x380, s26;
	s12 =	smul.u32 $0x138800, s9  }
0xc: {  	s20 =	smul.u32 $0x2710, s9;
	s25 =	simm.s32 $0x1;
	s26 =	simm.s32 $0x0  }
0xd: {  	s0 =	sadd.s32 s5, s0;
	s8 =	sshrl.u32 s24, $0x1;
	s30 =	sshrl.u32 s11, $0x2  }
0xe: {  	s18 =	ssub.s32 s24, s8;
	s5 =	sadd.s32 $0x400, s0;
	s6 =	sadd.s32 $0x5400, s0  }
0xf: {  	s29 =	sor.u32 s28, s10;
	s8 =	sadd.s32 s30, s3;
	s14 =	sshrl.u32 s12, $0x3  }
0x10: {  	s24 =	simm.s32 $0x7780;
	s0 =	sshrl.u32 s29, $0x3;
	s9 =	sadd.s32 $0x4000, s8  }
0x11: {  	s10 =	sadd.s32 $0x8000, s8;
	s7 =	sadd.s32 s7, s0;
	s0 =	sadd.s32 s31, s12  }
0x12: {  	s11 =	sadd.s32 $0xC000, s8;
	s17 =	sadd.s32 s13, s14;
	s0 =	sshrl.u32 s0, $0x3  }
0x13: {  	s18 =	smax.u32 s18, $0x1;
	s12 =	sadd.s32 $0x10000, s8;
	s13 =	sadd.s32 s13, s0  }
0x14: {  	v1 =	vimm.f32 $0.0e+00;
	v0 =	vmov s20;
	s14 =	sadd.s32 $0x25800, s17;
	s17 =	sadd.s32 $0x73A00, s17;
	s16 =	sadd.s32 $0x4E200, s13  }
.LBB2_1:
0x15: {  	[tilespmem:s4], [sflag:$0x2] =	stream.linear.gather [hbm4b:s5+s4], $0x2780, $0x38;
	[tilespmem:$0x1F780] =	vst v63  }
0x16: {  	_ =	swait.ge [sflag:s19], $0x2780  }
0x17: {  	[sflag:s19] =	ssyncset.done $0x0  }
0x18: {  	s0 =	simm.s32 $0x2800;
	[sflag:s19] =	ssyncadd.s32 $0xFFFFD880  }
0x19: {  	[tilespmem:s0], [sflag:$0x2] =	stream.linear.gather [hbm4b:s6+s4], $0x2780, $0x38;
	[tilespmem:$0x1F780] =	vst v63  }
0x1a: {  	_ =	swait.ge [sflag:s19], $0x2780  }
0x1b: {  	[sflag:s19] =	ssyncset.done $0x0  }
0x1c: {  	s31 =	simm.s32 $0x400;
	s20 =	simm.s32 $0x5000;
	[sflag:s19] =	ssyncadd.s32 $0xFFFFD880  }
0x1d: {  	[tilespmem:s20], [sflag:$0x2] =	stream.strided.gather [hbm4b:s7+s21], $0x2780, s31, s21, $0x38;
	[tilespmem:$0x1F780] =	vst v63  }
0x1e: {  	_ =	swait.ge [sflag:s19], $0x2780  }
0x1f: {  	[sflag:s19] =	ssyncset.done $0x0  }
0x20: {  	s0 =	simm.s32 $0x0;
	[sflag:s19] =	ssyncadd.s32 $0xFFFFD880  }
0x21: {  	v4 =	vld [tilespmem:s0+$0x0]  }
0x22: {  	v6 =	vld [tilespmem:s0+$0x10]  }
0x23: {  	v5 =	vld [tilespmem:s0+$0x20]  }
0x24: {  	v3 =	vld [tilespmem:s0+$0x30]  }
0x25: {  	v2 =	vld [tilespmem:s0+$0x40]  }
0x26: {  	v7 =	vadd.s32 v0, v4;
	v4 =	vld [tilespmem:s0+$0x50]  }
0x27: {  	s20 =	simm.s32 $0x200;
	[tilespmem:s0+$0x0] =	vst v7;
	v7 =	vadd.s32 v0, v6;
	v6 =	vld [tilespmem:s0+$0x60]  }
.LBB2_2:
0x28: {  	s22 =	sshra.s32 s20, $0x2;
	p1 =	sne.s32 s20, $0x9C00;
	[tilespmem:s0+$0x10] =	vst v7;
	v5 =	vadd.s32 v0, v5;
	v7 =	vld [tilespmem:s0+$0x70]  }
0x29: {  	v8 =	vld [tilespmem:s22+$0x0];
	[tilespmem:s0+$0x20] =	vst v5;
	v3 =	vadd.s32 v0, v3  }
0x2a: {  	v9 =	vld [tilespmem:s22+$0x10];
	[tilespmem:s0+$0x30] =	vst v3;
	v2 =	vadd.s32 v0, v2  }
.Ltmp0:
0x2b: {  	v5 =	vld [tilespmem:s22+$0x20];
	[tilespmem:s0+$0x40] =	vst v2;
	v2 =	vadd.s32 v0, v4;
	(pc) =	sbr.rel @p1 .LBB2_2-.Ltmp0, $4  }
0x2c: {  	v3 =	vld [tilespmem:s22+$0x30];
	[tilespmem:s0+$0x50] =	vst v2;
	v4 =	vadd.s32 v0, v6  }
0x2d: {  	v2 =	vld [tilespmem:s22+$0x40];
	[tilespmem:s0+$0x60] =	vst v4;
	v6 =	vadd.s32 v0, v7  }
0x2e: {  	v7 =	vadd.s32 v0, v8;
	v4 =	vld [tilespmem:s22+$0x50];
	[tilespmem:s0+$0x70] =	vst v6;
	s0 =	smov.u32 s22  }
0x2f: {  	s20 =	sadd.s32 $0x200, s20;
	[tilespmem:s0+$0x0] =	vst v7;
	v7 =	vadd.s32 v0, v9;
	v6 =	vld [tilespmem:s0+$0x60]  }
0x30: {  	[tilespmem:s0+$0x10] =	vst v7;
	v5 =	vadd.s32 v0, v5;
	v63 =	vld [tilespmem:s0+$0x70]  }
0x31: {  	[tilespmem:s0+$0x20] =	vst v5;
	v3 =	vadd.s32 v0, v3  }
0x32: {  	[tilespmem:s0+$0x30] =	vst v3;
	v2 =	vadd.s32 v0, v2  }
0x33: {  	[tilespmem:s0+$0x40] =	vst v2;
	v2 =	vadd.s32 v0, v4  }
0x34: {  	[tilespmem:s0+$0x50] =	vst v2;
	v2 =	vadd.s32 v0, v6  }
0x35: {  	[tilespmem:s0+$0x60] =	vst v2;
	v2 =	vadd.s32 v0, v63  }
0x36: {  	s20 =	simm.s32 $0x200;
	[tilespmem:s0+$0x70] =	vst v2;
	s0 =	simm.s32 $0x0  }
.LBB2_4:
0x37: {  	p1 =	sne.s32 s20, $0xFE00;
	[tilespmem:s0+$0x77F0] =	vst v1  }
0x38: {  	[tilespmem:s0+$0x7780] =	vst v1  }
0x39: {  	[tilespmem:s0+$0x7790] =	vst v1  }
.Ltmp1:
0x3a: {  	[tilespmem:s0+$0x77A0] =	vst v1;
	(pc) =	sbr.rel @p1 .LBB2_4-.Ltmp1, $4  }
0x3b: {  	[tilespmem:s0+$0x77B0] =	vst v1  }
0x3c: {  	[tilespmem:s0+$0x77C0] =	vst v1  }
0x3d: {  	[tilespmem:s0+$0x77D0] =	vst v1  }
0x3e: {  	[tilespmem:s0+$0x77E0] =	vst v1;
	s0 =	sshra.s32 s20, $0x2;
	s20 =	sadd.s32 $0x200, s20  }
0x3f: {  	[tilespmem:s0+$0x77F0] =	vst v1  }
0x40: {  	[tilespmem:s0+$0x7780] =	vst v1  }
0x41: {  	[tilespmem:s0+$0x7790] =	vst v1  }
0x42: {  	[tilespmem:s0+$0x77A0] =	vst v1  }
0x43: {  	[tilespmem:s0+$0x77B0] =	vst v1  }
0x44: {  	[tilespmem:s0+$0x77C0] =	vst v1  }
0x45: {  	[tilespmem:s0+$0x77D0] =	vst v1  }
0x46: {  	[tilespmem:s0+$0x77E0] =	vst v1  }
0x47: {  	[spmem:s8] =	stream.linear.scatter [tilespmem:s24], [sflag:$0x2], $0x4000, $0x38;
	[tilespmem:$0x1F780] =	vst v63  }
0x48: {  	_ =	swait.ge [sflag:s19], $0x4000  }
0x49: {  	[sflag:s19] =	ssyncset.done $0x0  }
0x4a: {  	[sflag:s19] =	ssyncadd.s32 $0xFFFFC000  }
0x4b: {  	[spmem:s9] =	stream.linear.scatter [tilespmem:s24], [sflag:$0x2], $0x4000, $0x38;
	[tilespmem:$0x1F780] =	vst v63  }
0x4c: {  	_ =	swait.ge [sflag:s19], $0x4000  }
0x4d: {  	[sflag:s19] =	ssyncset.done $0x0  }
0x4e: {  	[sflag:s19] =	ssyncadd.s32 $0xFFFFC000  }
0x4f: {  	[spmem:s10] =	stream.linear.scatter [tilespmem:s24], [sflag:$0x2], $0x4000, $0x38;
	[tilespmem:$0x1F780] =	vst v63  }
0x50: {  	_ =	swait.ge [sflag:s19], $0x4000  }
0x51: {  	[sflag:s19] =	ssyncset.done $0x0  }
0x52: {  	[sflag:s19] =	ssyncadd.s32 $0xFFFFC000  }
0x53: {  	[spmem:s11] =	stream.linear.scatter [tilespmem:s24], [sflag:$0x2], $0x4000, $0x38;
	[tilespmem:$0x1F780] =	vst v63  }
0x54: {  	_ =	swait.ge [sflag:s19], $0x4000  }
0x55: {  	[sflag:s19] =	ssyncset.done $0x0  }
0x56: {  	[sflag:s19] =	ssyncadd.s32 $0xFFFFC000  }
0x57: {  	[spmem:s12] =	stream.linear.scatter [tilespmem:s24], [sflag:$0x2], $0x4000, $0x38;
	[tilespmem:$0x1F780] =	vst v63  }
0x58: {  	_ =	swait.ge [sflag:s19], $0x4000  }
0x59: {  	[sflag:s19] =	ssyncset.done $0x0  }
0x5a: {  	[sflag:s19] =	ssyncadd.s32 $0xFFFFC000  }
0x5b: {  	s28 =	simm.s32 $0x0;
	[bflag:$0x0] =	sbarrier.arrive $0xFFFF  }
.LBB2_6:
0x5c: {  	s29 =	sshll.u32 s28, $0x7  }
0x5d: {  	s0 =	sadd.s32 $0x5000, s29  }
0x5e: {  	v2 =	vmov s0  }
0x5f: {  	[tilespmem:s24], [sflag:$0x1] =	stream.indirect.gather [hbm4b:s1+s21], $0x80, s29, s21, $0xb8;
	[tilespmem:$0x1F780] =	vst v63  }
0x60: {  	_ =	swait.ge [sflag:s25], $0x4000  }
0x61: {  	s31 =	simm.s32 $0x0;
	[sflag:s25] =	ssyncset.done $0x0  }
0x62: {  	s20 =	simm.s32 $0x0;
	s0 =	sand.u32 $0x3FFFFFF0, s31;
	[sflag:s25] =	ssyncadd.s32 $0xFFFFC000  }
0x63: {  	v3 =	vld.idx.msk [tilespmem:v2+s0+$0x0 ss:$0x1], $0xffff;
	s0 =	sand.u32 $0x3FFFF800, s20  }
0x64: {  	v9 =	vld [tilespmem:s0+$0x7840]  }
0x65: {  	v10 =	vld [tilespmem:s0+$0x7850]  }
0x66: {  	v11 =	vld [tilespmem:s0+$0x7830]  }
0x67: {  	v5 =	vld [tilespmem:s0+$0x77A0]  }
0x68: {  	v6 =	vld [tilespmem:s0+$0x77B0]  }
0x69: {  	v12 =	vld [tilespmem:s0+$0x77E0]  }
0x6a: {  	v13 =	vld [tilespmem:s0+$0x77F0];
	v4 =	vbroadcast v3, $0x0  }
0x6b: {  	v14 =	vld [tilespmem:s0+$0x7800]  }
0x6c: {  	v15 =	vld [tilespmem:s0+$0x7810];
	v5 =	vmul.f32 v5, v4  }
0x6d: {  	v16 =	vld [tilespmem:s0+$0x7820];
	v6 =	vmul.f32 v6, v4  }
0x6e: {  	v8 =	vld [tilespmem:s0+$0x7CF0];
	v27 =	vbroadcast v3, $0x1;
	v26 =	vmul.f32 v12, v4;
	[tilespmem:s0+$0x77A0] =	vst v5  }
0x6f: {  	v28 =	vld [tilespmem:s0+$0x7860];
	v13 =	vmul.f32 v13, v4;
	[tilespmem:s0+$0x77B0] =	vst v6  }
0x70: {  	v29 =	vld [tilespmem:s0+$0x7870];
	v14 =	vmul.f32 v14, v27;
	[tilespmem:s0+$0x77E0] =	vst v26  }
0x71: {  	v30 =	vld [tilespmem:s0+$0x7880];
	v15 =	vmul.f32 v15, v27;
	[tilespmem:s0+$0x77F0] =	vst v13  }
0x72: {  	v31 =	vld [tilespmem:s0+$0x7890];
	v16 =	vmul.f32 v16, v27;
	[tilespmem:s0+$0x7800] =	vst v14  }
0x73: {  	v32 =	vld [tilespmem:s0+$0x78A0];
	v11 =	vmul.f32 v11, v27;
	[tilespmem:s0+$0x7810] =	vst v15  }
0x74: {  	v33 =	vld [tilespmem:s0+$0x78B0];
	v9 =	vmul.f32 v9, v27;
	[tilespmem:s0+$0x7820] =	vst v16  }
0x75: {  	v34 =	vld [tilespmem:s0+$0x78C0];
	v17 =	vbroadcast v3, $0x2;
	v10 =	vmul.f32 v10, v27;
	[tilespmem:s0+$0x7830] =	vst v11  }
0x76: {  	v35 =	vld [tilespmem:s0+$0x78D0];
	v12 =	vmul.f32 v29, v27;
	[tilespmem:s0+$0x7840] =	vst v9  }
0x77: {  	v37 =	vld [tilespmem:s0+$0x78E0];
	v7 =	vbroadcast v3, $0xA;
	v36 =	vmul.f32 v30, v17;
	[tilespmem:s0+$0x7850] =	vst v10  }
0x78: {  	v39 =	vld [tilespmem:s0+$0x78F0];
	v38 =	vmul.f32 v31, v17;
	[tilespmem:s0+$0x7870] =	vst v12  }
0x79: {  	v40 =	vld [tilespmem:s0+$0x7900];
	v5 =	vmul.f32 v8, v7;
	[tilespmem:s0+$0x7880] =	vst v36  }
0x7a: {  	v41 =	vld [tilespmem:s0+$0x7910];
	v13 =	vmul.f32 v28, v27;
	[tilespmem:s0+$0x7890] =	vst v38  }
0x7b: {  	v42 =	vld [tilespmem:s0+$0x7920];
	v11 =	vmul.f32 v32, v17;
	[tilespmem:s0+$0x7CF0] =	vst v5  }
0x7c: {  	v43 =	vld [tilespmem:s0+$0x7930];
	v9 =	vmul.f32 v33, v17;
	[tilespmem:s0+$0x7860] =	vst v13  }
0x7d: {  	v44 =	vld [tilespmem:s0+$0x7940];
	v10 =	vmul.f32 v34, v17;
	[tilespmem:s0+$0x78A0] =	vst v11  }
0x7e: {  	v46 =	vld [tilespmem:s0+$0x7950];
	v45 =	vbroadcast v3, $0x3;
	v12 =	vmul.f32 v37, v17;
	[tilespmem:s0+$0x78B0] =	vst v9  }
0x7f: {  	v47 =	vld [tilespmem:s0+$0x7960];
	v14 =	vmul.f32 v39, v17;
	[tilespmem:s0+$0x78C0] =	vst v10  }
0x80: {  	v48 =	vld [tilespmem:s0+$0x7970];
	v15 =	vmul.f32 v40, v45;
	[tilespmem:s0+$0x78E0] =	vst v12  }
0x81: {  	v49 =	vld [tilespmem:s0+$0x7980];
	v13 =	vmul.f32 v35, v17;
	[tilespmem:s0+$0x78F0] =	vst v14  }
0x82: {  	v50 =	vld [tilespmem:s0+$0x7990];
	v11 =	vmul.f32 v41, v45;
	[tilespmem:s0+$0x7900] =	vst v15  }
0x83: {  	v51 =	vld [tilespmem:s0+$0x79A0];
	v9 =	vmul.f32 v42, v45;
	[tilespmem:s0+$0x78D0] =	vst v13  }
0x84: {  	v52 =	vld [tilespmem:s0+$0x79B0];
	v10 =	vmul.f32 v43, v45;
	[tilespmem:s0+$0x7910] =	vst v11  }
0x85: {  	v53 =	vld [tilespmem:s0+$0x79C0];
	v12 =	vmul.f32 v46, v45;
	[tilespmem:s0+$0x7920] =	vst v9  }
0x86: {  	v55 =	vld [tilespmem:s0+$0x79D0];
	v14 =	vmul.f32 v47, v45;
	[tilespmem:s0+$0x7930] =	vst v10  }
0x87: {  	v56 =	vld [tilespmem:s0+$0x79E0];
	v54 =	vbroadcast v3, $0x4;
	v15 =	vmul.f32 v48, v45;
	[tilespmem:s0+$0x7950] =	vst v12  }
0x88: {  	v57 =	vld [tilespmem:s0+$0x79F0];
	v13 =	vmul.f32 v44, v45;
	[tilespmem:s0+$0x7960] =	vst v14  }
0x89: {  	v58 =	vld [tilespmem:s0+$0x7A00];
	v11 =	vmul.f32 v49, v54;
	[tilespmem:s0+$0x7970] =	vst v15  }
0x8a: {  	v59 =	vld [tilespmem:s0+$0x7A10];
	v9 =	vmul.f32 v50, v54;
	[tilespmem:s0+$0x7940] =	vst v13  }
0x8b: {  	v60 =	vld [tilespmem:s0+$0x7A20];
	v10 =	vmul.f32 v51, v54;
	[tilespmem:s0+$0x7980] =	vst v11  }
0x8c: {  	v61 =	vld [tilespmem:s0+$0x7A30];
	v12 =	vmul.f32 v53, v54;
	[tilespmem:s0+$0x7990] =	vst v9  }
0x8d: {  	v62 =	vld [tilespmem:s0+$0x7A40];
	v14 =	vmul.f32 v55, v54;
	[tilespmem:s0+$0x79A0] =	vst v10  }
0x8e: {  	v20 =	vld [tilespmem:s0+$0x7A50];
	v15 =	vmul.f32 v56, v54;
	[tilespmem:s0+$0x79C0] =	vst v12  }
0x8f: {  	v21 =	vld [tilespmem:s0+$0x7A60];
	v63 =	vbroadcast v3, $0x5;
	v13 =	vmul.f32 v52, v54;
	[tilespmem:s0+$0x79D0] =	vst v14  }
0x90: {  	v22 =	vld [tilespmem:s0+$0x7A70];
	v11 =	vmul.f32 v57, v54;
	[tilespmem:s0+$0x79E0] =	vst v15  }
0x91: {  	v23 =	vld [tilespmem:s0+$0x7A80];
	v9 =	vmul.f32 v58, v63;
	[tilespmem:s0+$0x79B0] =	vst v13  }
0x92: {  	v24 =	vld [tilespmem:s0+$0x7A90];
	v10 =	vmul.f32 v59, v63;
	[tilespmem:s0+$0x79F0] =	vst v11  }
0x93: {  	v25 =	vld [tilespmem:s0+$0x7AA0];
	v12 =	vmul.f32 v61, v63;
	[tilespmem:s0+$0x7A00] =	vst v9  }
0x94: {  	v29 =	vld [tilespmem:s0+$0x7AD0];
	v14 =	vmul.f32 v62, v63;
	[tilespmem:s0+$0x7A10] =	vst v10  }
0x95: {  	v30 =	vld [tilespmem:s0+$0x7AE0];
	v15 =	vmul.f32 v20, v63;
	[tilespmem:s0+$0x7A30] =	vst v12  }
0x96: {  	v26 =	vld [tilespmem:s0+$0x7AB0];
	v13 =	vmul.f32 v60, v63;
	[tilespmem:s0+$0x7A40] =	vst v14  }
0x97: {  	v27 =	vld [tilespmem:s0+$0x7AC0];
	v28 =	vbroadcast v3, $0x6;
	v11 =	vmul.f32 v21, v63;
	[tilespmem:s0+$0x7A50] =	vst v15  }
0x98: {  	v31 =	vld [tilespmem:s0+$0x7AF0];
	v9 =	vmul.f32 v22, v63;
	[tilespmem:s0+$0x7A20] =	vst v13  }
0x99: {  	v6 =	vld [tilespmem:s0+$0x7D00];
	v10 =	vmul.f32 v23, v28;
	[tilespmem:s0+$0x7A60] =	vst v11  }
0x9a: {  	v8 =	vld [tilespmem:s0+$0x7D10];
	v12 =	vmul.f32 v25, v28;
	[tilespmem:s0+$0x7A70] =	vst v9  }
0x9b: {  	v32 =	vld [tilespmem:s0+$0x7B00];
	v14 =	vmul.f32 v26, v28;
	[tilespmem:s0+$0x7A80] =	vst v10  }
0x9c: {  	v33 =	vld [tilespmem:s0+$0x7B10];
	v15 =	vmul.f32 v27, v28;
	[tilespmem:s0+$0x7AA0] =	vst v12  }
0x9d: {  	v34 =	vld [tilespmem:s0+$0x7B20];
	v13 =	vmul.f32 v24, v28;
	[tilespmem:s0+$0x7AB0] =	vst v14  }
0x9e: {  	v35 =	vld [tilespmem:s0+$0x7B30];
	v11 =	vmul.f32 v29, v28;
	[tilespmem:s0+$0x7AC0] =	vst v15  }
0x9f: {  	v37 =	vbroadcast v3, $0x7;
	v59 =	vld [tilespmem:s0+$0x7C80];
	v9 =	vmul.f32 v30, v28;
	[tilespmem:s0+$0x7A90] =	vst v13  }
0xa0: {  	v20 =	vld [tilespmem:s0+$0x7CD0];
	v10 =	vmul.f32 v31, v28;
	[tilespmem:s0+$0x7AD0] =	vst v11  }
0xa1: {  	v36 =	vld [tilespmem:s0+$0x7B40];
	v12 =	vmul.f32 v33, v37;
	[tilespmem:s0+$0x7AE0] =	vst v9  }
0xa2: {  	v38 =	vld [tilespmem:s0+$0x7B50];
	v14 =	vmul.f32 v34, v37;
	[tilespmem:s0+$0x7AF0] =	vst v10  }
0xa3: {  	v39 =	vld [tilespmem:s0+$0x7B60];
	v15 =	vmul.f32 v35, v37;
	[tilespmem:s0+$0x7B10] =	vst v12  }
0xa4: {  	v40 =	vld [tilespmem:s0+$0x7B70];
	v21 =	vmul.f32 v59, v7;
	[tilespmem:s0+$0x7B20] =	vst v14  }
0xa5: {  	v41 =	vld [tilespmem:s0+$0x7B80];
	v28 =	vmul.f32 v20, v7;
	[tilespmem:s0+$0x7B30] =	vst v15  }
0xa6: {  	v42 =	vld [tilespmem:s0+$0x7B90];
	v13 =	vmul.f32 v32, v37;
	[tilespmem:s0+$0x7C80] =	vst v21  }
0xa7: {  	v43 =	vld [tilespmem:s0+$0x7BA0];
	v11 =	vmul.f32 v36, v37;
	[tilespmem:s0+$0x7CD0] =	vst v28  }
0xa8: {  	v5 =	vld [tilespmem:s0+$0x7F50];
	v46 =	vbroadcast v3, $0x8;
	v9 =	vmul.f32 v38, v37;
	[tilespmem:s0+$0x7B00] =	vst v13  }
0xa9: {  	v47 =	vld [tilespmem:s0+$0x7BD0];
	v10 =	vmul.f32 v39, v37;
	[tilespmem:s0+$0x7B40] =	vst v11  }
0xaa: {  	v63 =	vld [tilespmem:s0+$0x7CC0];
	v12 =	vmul.f32 v41, v46;
	[tilespmem:s0+$0x7B50] =	vst v9  }
0xab: {  	v23 =	vld [tilespmem:s0+$0x7780];
	v31 =	vbroadcast v3, $0xB;
	v14 =	vmul.f32 v42, v46;
	[tilespmem:s0+$0x7B60] =	vst v10  }
0xac: {  	v48 =	vld [tilespmem:s0+$0x7BE0];
	v15 =	vmul.f32 v43, v46;
	[tilespmem:s0+$0x7B80] =	vst v12  }
0xad: {  	v44 =	vld [tilespmem:s0+$0x7BB0];
	v6 =	vmul.f32 v6, v31;
	[tilespmem:s0+$0x7B90] =	vst v14  }
0xae: {  	v45 =	vld [tilespmem:s0+$0x7BC0];
	v8 =	vmul.f32 v8, v31;
	[tilespmem:s0+$0x7BA0] =	vst v15  }
0xaf: {  	v49 =	vld [tilespmem:s0+$0x7BF0];
	v26 =	vmul.f32 v63, v7;
	[tilespmem:s0+$0x7D00] =	vst v6  }
0xb0: {  	v50 =	vld [tilespmem:s0+$0x7C00];
	v32 =	vmul.f32 v4, v23;
	[tilespmem:s0+$0x7D10] =	vst v8  }
0xb1: {  	v51 =	vld [tilespmem:s0+$0x7C10];
	v13 =	vmul.f32 v40, v37;
	[tilespmem:s0+$0x7CC0] =	vst v26  }
0xb2: {  	v53 =	vld [tilespmem:s0+$0x7C30];
	v11 =	vmul.f32 v44, v46;
	[tilespmem:s0+$0x7780] =	vst v32  }
0xb3: {  	v33 =	vld [tilespmem:s0+$0x7D50];
	v9 =	vmul.f32 v45, v46;
	[tilespmem:s0+$0x7B70] =	vst v13  }
0xb4: {  	v55 =	vbroadcast v3, $0x9;
	v34 =	vld [tilespmem:s0+$0x7D60];
	v10 =	vmul.f32 v47, v46;
	[tilespmem:s0+$0x7BB0] =	vst v11  }
0xb5: {  	v35 =	vld [tilespmem:s0+$0x7D70];
	v12 =	vmul.f32 v49, v46;
	[tilespmem:s0+$0x7BC0] =	vst v9  }
0xb6: {  	v52 =	vld [tilespmem:s0+$0x7C20];
	v14 =	vmul.f32 v50, v55;
	[tilespmem:s0+$0x7BD0] =	vst v10  }
0xb7: {  	v54 =	vld [tilespmem:s0+$0x7C40];
	v15 =	vmul.f32 v51, v55;
	[tilespmem:s0+$0x7BF0] =	vst v12  }
0xb8: {  	v57 =	vld [tilespmem:s0+$0x7C60];
	v38 =	vmul.f32 v33, v31;
	[tilespmem:s0+$0x7C00] =	vst v14  }
0xb9: {  	v58 =	vld [tilespmem:s0+$0x7C70];
	v45 =	vmul.f32 v34, v31;
	[tilespmem:s0+$0x7C10] =	vst v15  }
0xba: {  	v61 =	vld [tilespmem:s0+$0x7CA0];
	v8 =	vmul.f32 v35, v31;
	[tilespmem:s0+$0x7D50] =	vst v38  }
0xbb: {  	v62 =	vld [tilespmem:s0+$0x7CB0];
	v13 =	vmul.f32 v48, v46;
	[tilespmem:s0+$0x7D60] =	vst v45  }
0xbc: {  	v36 =	vld [tilespmem:s0+$0x7D80];
	v11 =	vmul.f32 v52, v55;
	[tilespmem:s0+$0x7D70] =	vst v8  }
0xbd: {  	v60 =	vld [tilespmem:s0+$0x7C90];
	v9 =	vmul.f32 v53, v55;
	[tilespmem:s0+$0x7BE0] =	vst v13  }
0xbe: {  	v22 =	vld [tilespmem:s0+$0x7CE0];
	v41 =	vbroadcast v3, $0xC;
	v10 =	vmul.f32 v54, v55;
	[tilespmem:s0+$0x7C20] =	vst v11  }
0xbf: {  	v56 =	vld [tilespmem:s0+$0x7C50];
	v6 =	vbroadcast v3, $0xF;
	v12 =	vmul.f32 v57, v55;
	[tilespmem:s0+$0x7C30] =	vst v9  }
0xc0: {  	v14 =	vmul.f32 v58, v55;
	[tilespmem:s0+$0x7C40] =	vst v10  }
0xc1: {  	v5 =	vmul.f32 v5, v6;
	v17 =	vmul.f32 v36, v41;
	[tilespmem:s0+$0x7C60] =	vst v12  }
0xc2: {  	[tilespmem:s0+$0x7C70] =	vst v14;
	v11 =	vmul.f32 v60, v7;
	v9 =	vmul.f32 v61, v7  }
0xc3: {  	v24 =	vld [tilespmem:s0+$0x7790];
	v10 =	vmul.f32 v62, v7;
	v7 =	vmul.f32 v22, v7;
	[tilespmem:s0+$0x7F50] =	vst v5  }
0xc4: {  	v25 =	vld [tilespmem:s0+$0x77C0];
	v13 =	vmul.f32 v56, v55;
	[tilespmem:s0+$0x7D80] =	vst v17  }
0xc5: {  	[tilespmem:s0+$0x7CE0] =	vst v7;
	v7 =	vld [tilespmem:s0+$0x7D40]  }
0xc6: {  	v27 =	vld [tilespmem:s0+$0x77D0];
	[tilespmem:s0+$0x7C50] =	vst v13  }
0xc7: {  	v43 =	vld [tilespmem:s0+$0x7DF0];
	[tilespmem:s0+$0x7C90] =	vst v11  }
0xc8: {  	v50 =	vld [tilespmem:s0+$0x7E60];
	v14 =	vmul.f32 v24, v4;
	[tilespmem:s0+$0x7CA0] =	vst v9  }
0xc9: {  	v29 =	vld [tilespmem:s0+$0x7D20];
	v5 =	vmul.f32 v25, v4;
	[tilespmem:s0+$0x7CB0] =	vst v10  }
0xca: {  	v30 =	vld [tilespmem:s0+$0x7D30];
	[tilespmem:s0+$0x7790] =	vst v14;
	v7 =	vmul.f32 v7, v31  }
0xcb: {  	v37 =	vld [tilespmem:s0+$0x7D90];
	v49 =	vbroadcast v3, $0xD;
	v4 =	vmul.f32 v27, v4;
	[tilespmem:s0+$0x77C0] =	vst v5  }
0xcc: {  	v17 =	vmul.f32 v43, v41;
	[tilespmem:s0+$0x7D40] =	vst v7;
	v7 =	vld [tilespmem:s0+$0x7DE0]  }
0xcd: {  	v40 =	vld [tilespmem:s0+$0x7DC0];
	v55 =	vmul.f32 v50, v49;
	[tilespmem:s0+$0x77D0] =	vst v4  }
0xce: {  	v46 =	vld [tilespmem:s0+$0x7E20];
	v9 =	vmul.f32 v29, v31;
	[tilespmem:s0+$0x7DF0] =	vst v17  }
0xcf: {  	v10 =	vmul.f32 v30, v31;
	v4 =	vld [tilespmem:s0+$0x7E10];
	[tilespmem:s0+$0x7E60] =	vst v55  }
0xd0: {  	v53 =	vld [tilespmem:s0+$0x7EA0];
	v11 =	vmul.f32 v37, v41;
	[tilespmem:s0+$0x7D20] =	vst v9  }
0xd1: {  	v54 =	vld [tilespmem:s0+$0x7EB0];
	[tilespmem:s0+$0x7D30] =	vst v10;
	v7 =	vmul.f32 v7, v41  }
0xd2: {  	v42 =	vld [tilespmem:s0+$0x7DD0];
	v14 =	vmul.f32 v40, v41;
	[tilespmem:s0+$0x7D90] =	vst v11  }
0xd3: {  	v3 =	vbroadcast v3, $0xE;
	v13 =	vmul.f32 v46, v49;
	[tilespmem:s0+$0x7DE0] =	vst v7;
	v7 =	vld [tilespmem:s0+$0x7E50]  }
0xd4: {  	v44 =	vld [tilespmem:s0+$0x7E00];
	[tilespmem:s0+$0x7DC0] =	vst v14;
	v4 =	vmul.f32 v4, v49  }
0xd5: {  	v47 =	vld [tilespmem:s0+$0x7E30];
	v12 =	vmul.f32 v53, v3;
	[tilespmem:s0+$0x7E20] =	vst v13  }
0xd6: {  	v8 =	vmul.f32 v54, v3;
	[tilespmem:s0+$0x7E10] =	vst v4;
	v4 =	vld [tilespmem:s0+$0x7E80]  }
0xd7: {  	v52 =	vld [tilespmem:s0+$0x7E90];
	v10 =	vmul.f32 v42, v41;
	[tilespmem:s0+$0x7EA0] =	vst v12  }
0xd8: {  	v60 =	vld [tilespmem:s0+$0x7F20];
	[tilespmem:s0+$0x7EB0] =	vst v8;
	v7 =	vmul.f32 v7, v49  }
0xd9: {  	v51 =	vld [tilespmem:s0+$0x7E70];
	v11 =	vmul.f32 v44, v49;
	[tilespmem:s0+$0x7DD0] =	vst v10  }
0xda: {  	v14 =	vmul.f32 v47, v49;
	[tilespmem:s0+$0x7E50] =	vst v7;
	v7 =	vld [tilespmem:s0+$0x7EC0]  }
0xdb: {  	v48 =	vld [tilespmem:s0+$0x7E40];
	[tilespmem:s0+$0x7E00] =	vst v11;
	v4 =	vmul.f32 v4, v3  }
0xdc: {  	v58 =	vld [tilespmem:s0+$0x7F00];
	v13 =	vmul.f32 v52, v3;
	[tilespmem:s0+$0x7E30] =	vst v14  }
0xdd: {  	v8 =	vmul.f32 v60, v6;
	[tilespmem:s0+$0x7E80] =	vst v4;
	v4 =	vld [tilespmem:s0+$0x7EF0]  }
0xde: {  	v57 =	vld [tilespmem:s0+$0x7EE0];
	v11 =	vmul.f32 v51, v49;
	[tilespmem:s0+$0x7E90] =	vst v13  }
0xdf: {  	v59 =	vld [tilespmem:s0+$0x7F10];
	[tilespmem:s0+$0x7F20] =	vst v8;
	v7 =	vmul.f32 v7, v3  }
0xe0: {  	v56 =	vld [tilespmem:s0+$0x7ED0];
	v10 =	vmul.f32 v48, v49;
	[tilespmem:s0+$0x7E70] =	vst v11  }
0xe1: {  	v13 =	vmul.f32 v58, v6;
	[tilespmem:s0+$0x7EC0] =	vst v7;
	v7 =	vld [tilespmem:s0+$0x7F30]  }
0xe2: {  	v39 =	vld [tilespmem:s0+$0x7DB0];
	[tilespmem:s0+$0x7E40] =	vst v10;
	v4 =	vmul.f32 v4, v3  }
0xe3: {  	v61 =	vld [tilespmem:s0+$0x7F40];
	v11 =	vmul.f32 v57, v3;
	[tilespmem:s0+$0x7F00] =	vst v13  }
0xe4: {  	v63 =	vld [tilespmem:s0+$0x7F70];
	[tilespmem:s0+$0x7EF0] =	vst v4;
	v4 =	vmul.f32 v59, v6  }
0xe5: {  	v62 =	vld [tilespmem:s0+$0x7F60];
	[tilespmem:s0+$0x7EE0] =	vst v11;
	v3 =	vmul.f32 v56, v3  }
0xe6: {  	[tilespmem:s0+$0x7F10] =	vst v4;
	v4 =	vmul.f32 v7, v6  }
0xe7: {  	v5 =	vld [tilespmem:s0+$0x7DA0];
	[tilespmem:s0+$0x7ED0] =	vst v3;
	v7 =	vmul.f32 v39, v41  }
0xe8: {  	[tilespmem:s0+$0x7F30] =	vst v4;
	v4 =	vmul.f32 v61, v6  }
0xe9: {  	[tilespmem:s0+$0x7DB0] =	vst v7;
	v7 =	vmul.f32 v63, v6  }
0xea: {  	v6 =	vmul.f32 v62, v6;
	[tilespmem:s0+$0x7F40] =	vst v4  }
0xeb: {  	[tilespmem:s0+$0x7F70] =	vst v7  }
0xec: {  	s20 =	simm.s32 $0x1;
	v4 =	vmul.f32 v5, v41;
	[tilespmem:s0+$0x7F60] =	vst v6  }
.LBB2_7:
0xed: {  	s22 =	sshll.u32 s20, $0x4  }
0xee: {  	p1 =	sne.s32 s20, $0x7;
	[tilespmem:s0+$0x7DA0] =	vst v4;
	s0 =	smov.u32 s20;
	s20 =	sadd.s32 $0x1, s20  }
0xef: {  	s22 =	sand.u32 $0x3FFFFFF0, s22  }
0xf0: {  	v3 =	vld.idx.msk [tilespmem:v2+s22+$0x0 ss:$0x1], $0xffff  }
0xf1: {  	s0 =	sshll.u32 s0, $0xB  }
0xf2: {  	s0 =	sand.u32 $0x3FFFF800, s0  }
0xf3: {  	v10 =	vld [tilespmem:s0+$0x7840]  }
0xf4: {  	v11 =	vld [tilespmem:s0+$0x7850]  }
0xf5: {  	v12 =	vld [tilespmem:s0+$0x7830]  }
0xf6: {  	v4 =	vbroadcast v3, $0x0;
	v9 =	vbroadcast v3, $0x4;
	v5 =	vld [tilespmem:s0+$0x77A0]  }
0xf7: {  	v7 =	vld [tilespmem:s0+$0x77B0]  }
0xf8: {  	v8 =	vld [tilespmem:s0+$0x7CF0]  }
0xf9: {  	v13 =	vld [tilespmem:s0+$0x77E0]  }
0xfa: {  	v14 =	vld [tilespmem:s0+$0x77F0]  }
0xfb: {  	v6 =	vbroadcast v3, $0xA;
	v5 =	vmul.f32 v5, v4;
	v15 =	vld [tilespmem:s0+$0x7800]  }
0xfc: {  	v7 =	vmul.f32 v7, v4;
	v16 =	vld [tilespmem:s0+$0x7810]  }
0xfd: {  	[tilespmem:s0+$0x77A0] =	vst v5;
	v17 =	vld [tilespmem:s0+$0x7820];
	v5 =	vmul.f32 v8, v6  }
0xfe: {  	[tilespmem:s0+$0x77B0] =	vst v7;
	v8 =	vmul.f32 v13, v4;
	v13 =	vbroadcast v3, $0x1;
	v7 =	vld [tilespmem:s0+$0x7D00]  }
0xff: {  	v14 =	vmul.f32 v14, v4;
	[tilespmem:s0+$0x7CF0] =	vst v5;
	v5 =	vld [tilespmem:s0+$0x7F50]  }
0x100: {  	[tilespmem:s0+$0x77E0] =	vst v8;
	v15 =	vmul.f32 v15, v13;
	v8 =	vld [tilespmem:s0+$0x7D10]  }
0x101: {  	[tilespmem:s0+$0x77F0] =	vst v14;
	v14 =	vmul.f32 v16, v13;
	v16 =	vld [tilespmem:s0+$0x7860]  }
0x102: {  	[tilespmem:s0+$0x7800] =	vst v15;
	v15 =	vmul.f32 v17, v13;
	v17 =	vld [tilespmem:s0+$0x7870]  }
0x103: {  	v12 =	vmul.f32 v12, v13;
	[tilespmem:s0+$0x7810] =	vst v14;
	v14 =	vld [tilespmem:s0+$0x7880]  }
0x104: {  	v10 =	vmul.f32 v10, v13;
	[tilespmem:s0+$0x7820] =	vst v15;
	v15 =	vld [tilespmem:s0+$0x7890]  }
0x105: {  	v11 =	vmul.f32 v11, v13;
	[tilespmem:s0+$0x7830] =	vst v12;
	v12 =	vld [tilespmem:s0+$0x78A0]  }
0x106: {  	[tilespmem:s0+$0x7840] =	vst v10;
	v10 =	vmul.f32 v16, v13;
	v16 =	vbroadcast v3, $0x2;
	v18 =	vld [tilespmem:s0+$0x78B0]  }
0x107: {  	[tilespmem:s0+$0x7850] =	vst v11;
	v11 =	vmul.f32 v17, v13;
	v13 =	vld [tilespmem:s0+$0x78C0]  }
0x108: {  	[tilespmem:s0+$0x7860] =	vst v10;
	v10 =	vmul.f32 v14, v16;
	v14 =	vld [tilespmem:s0+$0x78D0]  }
0x109: {  	[tilespmem:s0+$0x7870] =	vst v11;
	v11 =	vmul.f32 v15, v16;
	v15 =	vld [tilespmem:s0+$0x78E0]  }
0x10a: {  	[tilespmem:s0+$0x7880] =	vst v10;
	v10 =	vmul.f32 v12, v16;
	v12 =	vld [tilespmem:s0+$0x78F0]  }
0x10b: {  	[tilespmem:s0+$0x7890] =	vst v11;
	v11 =	vmul.f32 v18, v16;
	v17 =	vld [tilespmem:s0+$0x7900]  }
0x10c: {  	[tilespmem:s0+$0x78A0] =	vst v10;
	v10 =	vmul.f32 v13, v16;
	v13 =	vld [tilespmem:s0+$0x7910]  }
0x10d: {  	[tilespmem:s0+$0x78B0] =	vst v11;
	v11 =	vmul.f32 v14, v16;
	v14 =	vld [tilespmem:s0+$0x7920]  }
0x10e: {  	[tilespmem:s0+$0x78C0] =	vst v10;
	v10 =	vmul.f32 v15, v16;
	v15 =	vbroadcast v3, $0x3;
	v18 =	vld [tilespmem:s0+$0x7930]  }
0x10f: {  	[tilespmem:s0+$0x78D0] =	vst v11;
	v11 =	vmul.f32 v12, v16;
	v12 =	vld [tilespmem:s0+$0x7940]  }
0x110: {  	[tilespmem:s0+$0x78E0] =	vst v10;
	v10 =	vmul.f32 v17, v15;
	v16 =	vld [tilespmem:s0+$0x7950]  }
0x111: {  	[tilespmem:s0+$0x78F0] =	vst v11;
	v11 =	vmul.f32 v13, v15;
	v13 =	vld [tilespmem:s0+$0x7960]  }
0x112: {  	[tilespmem:s0+$0x7900] =	vst v10;
	v10 =	vmul.f32 v14, v15;
	v14 =	vld [tilespmem:s0+$0x7970]  }
0x113: {  	[tilespmem:s0+$0x7910] =	vst v11;
	v11 =	vmul.f32 v18, v15;
	v17 =	vld [tilespmem:s0+$0x7980]  }
0x114: {  	[tilespmem:s0+$0x7920] =	vst v10;
	v10 =	vmul.f32 v12, v15;
	v12 =	vld [tilespmem:s0+$0x7990]  }
0x115: {  	[tilespmem:s0+$0x7930] =	vst v11;
	v11 =	vmul.f32 v16, v15;
	v16 =	vld [tilespmem:s0+$0x79A0]  }
0x116: {  	[tilespmem:s0+$0x7940] =	vst v10;
	v10 =	vmul.f32 v13, v15;
	v13 =	vld [tilespmem:s0+$0x79B0]  }
0x117: {  	[tilespmem:s0+$0x7950] =	vst v11;
	v11 =	vmul.f32 v14, v15;
	v14 =	vld [tilespmem:s0+$0x79C0]  }
0x118: {  	[tilespmem:s0+$0x7960] =	vst v10;
	v10 =	vmul.f32 v17, v9;
	v15 =	vld [tilespmem:s0+$0x79D0]  }
0x119: {  	[tilespmem:s0+$0x7970] =	vst v11;
	v11 =	vmul.f32 v12, v9;
	v12 =	vld [tilespmem:s0+$0x79E0]  }
0x11a: {  	[tilespmem:s0+$0x7980] =	vst v10;
	v10 =	vmul.f32 v16, v9;
	v16 =	vld [tilespmem:s0+$0x79F0]  }
0x11b: {  	[tilespmem:s0+$0x7990] =	vst v11;
	v11 =	vmul.f32 v13, v9;
	v13 =	vld [tilespmem:s0+$0x7A00]  }
0x11c: {  	[tilespmem:s0+$0x79A0] =	vst v10;
	v10 =	vmul.f32 v14, v9;
	v14 =	vld [tilespmem:s0+$0x7A10]  }
0x11d: {  	[tilespmem:s0+$0x79B0] =	vst v11;
	v11 =	vmul.f32 v15, v9;
	v15 =	vld [tilespmem:s0+$0x7A20]  }
0x11e: {  	[tilespmem:s0+$0x79C0] =	vst v10;
	v10 =	vmul.f32 v12, v9;
	v12 =	vbroadcast v3, $0x5;
	v17 =	vld [tilespmem:s0+$0x7A30]  }
0x11f: {  	[tilespmem:s0+$0x79D0] =	vst v11;
	v9 =	vmul.f32 v16, v9;
	v11 =	vld [tilespmem:s0+$0x7A40]  }
0x120: {  	[tilespmem:s0+$0x79E0] =	vst v10;
	v10 =	vmul.f32 v13, v12;
	v13 =	vld [tilespmem:s0+$0x7A50]  }
0x121: {  	[tilespmem:s0+$0x79F0] =	vst v9;
	v9 =	vmul.f32 v14, v12;
	v14 =	vld [tilespmem:s0+$0x7A60]  }
0x122: {  	[tilespmem:s0+$0x7A00] =	vst v10;
	v10 =	vmul.f32 v15, v12;
	v15 =	vld [tilespmem:s0+$0x7A70]  }
0x123: {  	[tilespmem:s0+$0x7A10] =	vst v9;
	v9 =	vmul.f32 v17, v12;
	v16 =	vld [tilespmem:s0+$0x7A80]  }
0x124: {  	[tilespmem:s0+$0x7A20] =	vst v10;
	v10 =	vmul.f32 v11, v12;
	v11 =	vld [tilespmem:s0+$0x7A90]  }
0x125: {  	[tilespmem:s0+$0x7A30] =	vst v9;
	v9 =	vmul.f32 v13, v12;
	v13 =	vld [tilespmem:s0+$0x7AA0]  }
0x126: {  	[tilespmem:s0+$0x7A40] =	vst v10;
	v10 =	vmul.f32 v14, v12;
	v14 =	vbroadcast v3, $0x6;
	v17 =	vld [tilespmem:s0+$0x7AB0]  }
0x127: {  	[tilespmem:s0+$0x7A50] =	vst v9;
	v9 =	vmul.f32 v15, v12;
	v12 =	vld [tilespmem:s0+$0x7AC0]  }
0x128: {  	[tilespmem:s0+$0x7A60] =	vst v10;
	v10 =	vmul.f32 v16, v14;
	v15 =	vld [tilespmem:s0+$0x7AD0]  }
0x129: {  	[tilespmem:s0+$0x7A70] =	vst v9;
	v9 =	vmul.f32 v11, v14;
	v11 =	vld [tilespmem:s0+$0x7AE0]  }
0x12a: {  	[tilespmem:s0+$0x7A80] =	vst v10;
	v10 =	vmul.f32 v13, v14;
	v13 =	vld [tilespmem:s0+$0x7AF0]  }
0x12b: {  	[tilespmem:s0+$0x7A90] =	vst v9;
	v9 =	vmul.f32 v17, v14;
	v16 =	vld [tilespmem:s0+$0x7B00]  }
0x12c: {  	[tilespmem:s0+$0x7AA0] =	vst v10;
	v10 =	vmul.f32 v12, v14;
	v12 =	vld [tilespmem:s0+$0x7B10]  }
0x12d: {  	[tilespmem:s0+$0x7AB0] =	vst v9;
	v9 =	vmul.f32 v15, v14;
	v15 =	vld [tilespmem:s0+$0x7B20]  }
0x12e: {  	[tilespmem:s0+$0x7AC0] =	vst v10;
	v10 =	vmul.f32 v11, v14;
	v11 =	vbroadcast v3, $0x7;
	v17 =	vld [tilespmem:s0+$0x7B30]  }
0x12f: {  	[tilespmem:s0+$0x7AD0] =	vst v9;
	v9 =	vmul.f32 v13, v14;
	v13 =	vld [tilespmem:s0+$0x7B40]  }
0x130: {  	[tilespmem:s0+$0x7AE0] =	vst v10;
	v10 =	vmul.f32 v16, v11;
	v14 =	vld [tilespmem:s0+$0x7B50]  }
0x131: {  	[tilespmem:s0+$0x7AF0] =	vst v9;
	v9 =	vmul.f32 v12, v11;
	v12 =	vld [tilespmem:s0+$0x7B60]  }
0x132: {  	[tilespmem:s0+$0x7B00] =	vst v10;
	v10 =	vmul.f32 v15, v11;
	v15 =	vld [tilespmem:s0+$0x7B70]  }
0x133: {  	[tilespmem:s0+$0x7B10] =	vst v9;
	v9 =	vmul.f32 v17, v11;
	v16 =	vld [tilespmem:s0+$0x7B80]  }
0x134: {  	[tilespmem:s0+$0x7B20] =	vst v10;
	v10 =	vmul.f32 v13, v11;
	v13 =	vld [tilespmem:s0+$0x7B90]  }
0x135: {  	[tilespmem:s0+$0x7B30] =	vst v9;
	v9 =	vmul.f32 v14, v11;
	v14 =	vld [tilespmem:s0+$0x7BA0]  }
0x136: {  	[tilespmem:s0+$0x7B40] =	vst v10;
	v10 =	vmul.f32 v12, v11;
	v12 =	vbroadcast v3, $0x8;
	v17 =	vld [tilespmem:s0+$0x7BB0]  }
0x137: {  	[tilespmem:s0+$0x7B50] =	vst v9;
	v9 =	vmul.f32 v15, v11;
	v11 =	vld [tilespmem:s0+$0x7BC0]  }
0x138: {  	[tilespmem:s0+$0x7B60] =	vst v10;
	v10 =	vmul.f32 v16, v12;
	v15 =	vld [tilespmem:s0+$0x7BD0]  }
0x139: {  	[tilespmem:s0+$0x7B70] =	vst v9;
	v9 =	vmul.f32 v13, v12;
	v13 =	vld [tilespmem:s0+$0x7BE0]  }
0x13a: {  	[tilespmem:s0+$0x7B80] =	vst v10;
	v10 =	vmul.f32 v14, v12;
	v14 =	vld [tilespmem:s0+$0x7BF0]  }
0x13b: {  	[tilespmem:s0+$0x7B90] =	vst v9;
	v9 =	vmul.f32 v17, v12;
	v16 =	vld [tilespmem:s0+$0x7C00]  }
0x13c: {  	[tilespmem:s0+$0x7BA0] =	vst v10;
	v10 =	vmul.f32 v11, v12;
	v11 =	vld [tilespmem:s0+$0x7C10]  }
0x13d: {  	[tilespmem:s0+$0x7BB0] =	vst v9;
	v9 =	vmul.f32 v15, v12;
	v15 =	vld [tilespmem:s0+$0x7C20]  }
0x13e: {  	[tilespmem:s0+$0x7BC0] =	vst v10;
	v10 =	vmul.f32 v13, v12;
	v13 =	vbroadcast v3, $0x9;
	v17 =	vld [tilespmem:s0+$0x7C30]  }
0x13f: {  	[tilespmem:s0+$0x7BD0] =	vst v9;
	v9 =	vmul.f32 v14, v12;
	v12 =	vld [tilespmem:s0+$0x7C40]  }
0x140: {  	[tilespmem:s0+$0x7BE0] =	vst v10;
	v10 =	vmul.f32 v16, v13;
	v14 =	vld [tilespmem:s0+$0x7C50]  }
0x141: {  	[tilespmem:s0+$0x7BF0] =	vst v9;
	v9 =	vmul.f32 v11, v13;
	v11 =	vld [tilespmem:s0+$0x7C60]  }
0x142: {  	[tilespmem:s0+$0x7C00] =	vst v10;
	v10 =	vmul.f32 v15, v13;
	v15 =	vld [tilespmem:s0+$0x7C70]  }
0x143: {  	[tilespmem:s0+$0x7C10] =	vst v9;
	v9 =	vmul.f32 v17, v13;
	v16 =	vld [tilespmem:s0+$0x7C80]  }
0x144: {  	[tilespmem:s0+$0x7C20] =	vst v10;
	v10 =	vmul.f32 v12, v13;
	v12 =	vld [tilespmem:s0+$0x7C90]  }
0x145: {  	[tilespmem:s0+$0x7C30] =	vst v9;
	v9 =	vmul.f32 v14, v13;
	v14 =	vld [tilespmem:s0+$0x7CA0]  }
0x146: {  	[tilespmem:s0+$0x7C40] =	vst v10;
	v10 =	vmul.f32 v11, v13;
	v11 =	vld [tilespmem:s0+$0x7CB0]  }
0x147: {  	[tilespmem:s0+$0x7C50] =	vst v9;
	v9 =	vmul.f32 v15, v13;
	v13 =	vld [tilespmem:s0+$0x7CC0]  }
0x148: {  	[tilespmem:s0+$0x7C60] =	vst v10;
	v10 =	vmul.f32 v16, v6;
	v15 =	vld [tilespmem:s0+$0x7CD0]  }
0x149: {  	[tilespmem:s0+$0x7C70] =	vst v9;
	v9 =	vmul.f32 v12, v6;
	v12 =	vld [tilespmem:s0+$0x7CE0]  }
0x14a: {  	v16 =	vld [tilespmem:s0+$0x7780];
	[tilespmem:s0+$0x7C80] =	vst v10;
	v10 =	vmul.f32 v14, v6  }
0x14b: {  	v14 =	vld [tilespmem:s0+$0x7790];
	[tilespmem:s0+$0x7C90] =	vst v9;
	v9 =	vmul.f32 v11, v6  }
0x14c: {  	v11 =	vld [tilespmem:s0+$0x77C0];
	[tilespmem:s0+$0x7CA0] =	vst v10;
	v10 =	vmul.f32 v13, v6  }
0x14d: {  	v13 =	vld [tilespmem:s0+$0x77D0];
	[tilespmem:s0+$0x7CB0] =	vst v9;
	v9 =	vmul.f32 v15, v6  }
0x14e: {  	[tilespmem:s0+$0x7CC0] =	vst v10;
	v10 =	vmul.f32 v12, v6;
	v12 =	vbroadcast v3, $0xB;
	v15 =	vld [tilespmem:s0+$0x7D20]  }
0x14f: {  	v6 =	vbroadcast v3, $0xF;
	v16 =	vmul.f32 v4, v16;
	[tilespmem:s0+$0x7CD0] =	vst v9;
	v9 =	vld [tilespmem:s0+$0x7D30]  }
0x150: {  	v14 =	vmul.f32 v14, v4;
	[tilespmem:s0+$0x7CE0] =	vst v10;
	v7 =	vmul.f32 v7, v12;
	v10 =	vld [tilespmem:s0+$0x7D40]  }
0x151: {  	v8 =	vmul.f32 v8, v12;
	[tilespmem:s0+$0x7780] =	vst v16;
	v11 =	vmul.f32 v11, v4;
	v16 =	vld [tilespmem:s0+$0x7D50]  }
0x152: {  	v5 =	vmul.f32 v5, v6;
	v13 =	vmul.f32 v13, v4;
	[tilespmem:s0+$0x7D00] =	vst v7;
	v4 =	vld [tilespmem:s0+$0x7D60]  }
0x153: {  	[tilespmem:s0+$0x7D10] =	vst v8;
	v7 =	vmul.f32 v15, v12;
	v8 =	vld [tilespmem:s0+$0x7D70]  }
0x154: {  	v9 =	vmul.f32 v9, v12;
	v15 =	vld [tilespmem:s0+$0x7D80];
	[tilespmem:s0+$0x7F50] =	vst v5  }
0x155: {  	[tilespmem:s0+$0x7790] =	vst v14;
	v5 =	vmul.f32 v10, v12;
	v10 =	vld [tilespmem:s0+$0x7D90]  }
0x156: {  	[tilespmem:s0+$0x77C0] =	vst v11;
	v11 =	vmul.f32 v16, v12;
	v14 =	vld [tilespmem:s0+$0x7DA0]  }
0x157: {  	v16 =	vbroadcast v3, $0xC;
	[tilespmem:s0+$0x7D20] =	vst v7;
	v7 =	vmul.f32 v4, v12;
	v17 =	vld [tilespmem:s0+$0x7DB0]  }
0x158: {  	[tilespmem:s0+$0x7D50] =	vst v11;
	v8 =	vmul.f32 v8, v12;
	v11 =	vld [tilespmem:s0+$0x7DC0]  }
0x159: {  	[tilespmem:s0+$0x7D30] =	vst v9;
	v4 =	vmul.f32 v15, v16;
	v9 =	vld [tilespmem:s0+$0x7DD0]  }
0x15a: {  	[tilespmem:s0+$0x7D40] =	vst v5;
	v5 =	vmul.f32 v10, v16;
	v10 =	vld [tilespmem:s0+$0x7DE0]  }
0x15b: {  	[tilespmem:s0+$0x7D80] =	vst v4;
	v4 =	vmul.f32 v14, v16;
	v12 =	vld [tilespmem:s0+$0x7DF0]  }
0x15c: {  	[tilespmem:s0+$0x7D90] =	vst v5;
	v5 =	vld [tilespmem:s0+$0x7E00]  }
0x15d: {  	[tilespmem:s0+$0x77D0] =	vst v13;
	v11 =	vmul.f32 v11, v16;
	v13 =	vld [tilespmem:s0+$0x7E10]  }
0x15e: {  	[tilespmem:s0+$0x7D60] =	vst v7;
	v7 =	vmul.f32 v9, v16;
	v9 =	vld [tilespmem:s0+$0x7E20]  }
0x15f: {  	[tilespmem:s0+$0x7DC0] =	vst v11;
	v10 =	vmul.f32 v10, v16;
	v11 =	vbroadcast v3, $0xD;
	v14 =	vld [tilespmem:s0+$0x7E30]  }
0x160: {  	[tilespmem:s0+$0x7DD0] =	vst v7;
	v7 =	vmul.f32 v12, v16;
	v12 =	vld [tilespmem:s0+$0x7E40]  }
0x161: {  	[tilespmem:s0+$0x7DE0] =	vst v10;
	v5 =	vmul.f32 v5, v11;
	v10 =	vld [tilespmem:s0+$0x7E50]  }
0x162: {  	[tilespmem:s0+$0x7DF0] =	vst v7;
	v7 =	vmul.f32 v13, v11;
	v13 =	vld [tilespmem:s0+$0x7E60]  }
0x163: {  	[tilespmem:s0+$0x7E00] =	vst v5;
	v5 =	vmul.f32 v9, v11;
	v9 =	vld [tilespmem:s0+$0x7E70]  }
0x164: {  	[tilespmem:s0+$0x7E10] =	vst v7;
	v7 =	vmul.f32 v14, v11;
	v14 =	vld [tilespmem:s0+$0x7E80]  }
0x165: {  	[tilespmem:s0+$0x7E20] =	vst v5;
	v5 =	vmul.f32 v12, v11;
	v12 =	vld [tilespmem:s0+$0x7E90]  }
0x166: {  	[tilespmem:s0+$0x7E30] =	vst v7;
	v7 =	vmul.f32 v10, v11;
	v10 =	vld [tilespmem:s0+$0x7EA0]  }
0x167: {  	v3 =	vbroadcast v3, $0xE;
	[tilespmem:s0+$0x7D70] =	vst v8;
	v8 =	vmul.f32 v13, v11;
	v13 =	vld [tilespmem:s0+$0x7EB0]  }
0x168: {  	[tilespmem:s0+$0x7E50] =	vst v7;
	v7 =	vmul.f32 v9, v11;
	v9 =	vld [tilespmem:s0+$0x7EC0]  }
0x169: {  	[tilespmem:s0+$0x7E60] =	vst v8;
	v8 =	vmul.f32 v14, v3;
	v11 =	vld [tilespmem:s0+$0x7ED0]  }
0x16a: {  	[tilespmem:s0+$0x7E70] =	vst v7;
	v7 =	vmul.f32 v12, v3;
	v12 =	vld [tilespmem:s0+$0x7EE0]  }
0x16b: {  	[tilespmem:s0+$0x7E80] =	vst v8;
	v8 =	vmul.f32 v10, v3;
	v10 =	vld [tilespmem:s0+$0x7EF0]  }
0x16c: {  	[tilespmem:s0+$0x7E90] =	vst v7;
	v7 =	vmul.f32 v13, v3;
	v13 =	vld [tilespmem:s0+$0x7F00]  }
0x16d: {  	[tilespmem:s0+$0x7EA0] =	vst v8;
	v8 =	vmul.f32 v9, v3;
	v9 =	vld [tilespmem:s0+$0x7F10]  }
0x16e: {  	[tilespmem:s0+$0x7EB0] =	vst v7;
	v7 =	vmul.f32 v11, v3;
	v11 =	vld [tilespmem:s0+$0x7F20]  }
0x16f: {  	[tilespmem:s0+$0x7EC0] =	vst v8;
	v8 =	vmul.f32 v12, v3;
	v12 =	vld [tilespmem:s0+$0x7F30]  }
0x170: {  	[tilespmem:s0+$0x7E40] =	vst v5;
	v3 =	vmul.f32 v10, v3;
	v5 =	vld [tilespmem:s0+$0x7F40]  }
0x171: {  	[tilespmem:s0+$0x7EE0] =	vst v8;
	v8 =	vmul.f32 v13, v6;
	v10 =	vld [tilespmem:s0+$0x7F60]  }
0x172: {  	[tilespmem:s0+$0x7EF0] =	vst v3;
	v3 =	vmul.f32 v9, v6;
	v9 =	vld [tilespmem:s0+$0x7F70]  }
0x173: {  	[tilespmem:s0+$0x7F00] =	vst v8;
	v8 =	vmul.f32 v11, v6  }
0x174: {  	[tilespmem:s0+$0x7F10] =	vst v3;
	v3 =	vmul.f32 v12, v6  }
0x175: {  	v11 =	vmul.f32 v17, v16;
	[tilespmem:s0+$0x7F20] =	vst v8  }
0x176: {  	[tilespmem:s0+$0x7F30] =	vst v3;
	v3 =	vmul.f32 v5, v6  }
.Ltmp2:
0x177: {  	[tilespmem:s0+$0x7DB0] =	vst v11;
	v5 =	vmul.f32 v9, v6;
	(pc) =	sbr.rel @p1 .LBB2_7-.Ltmp2, $4  }
0x178: {  	[tilespmem:s0+$0x7F40] =	vst v3  }
0x179: {  	v3 =	vmul.f32 v10, v6;
	[tilespmem:s0+$0x7F70] =	vst v5  }
0x17a: {  	[tilespmem:s0+$0x7ED0] =	vst v7  }
0x17b: {  	[tilespmem:s0+$0x7F60] =	vst v3  }
0x17c: {  	s28 =	sadd.s32 $0x1, s28  }
0x17d: {  	p1 =	sne.s32 s28, $0x4F  }
.Ltmp3:
0x17e: {  	[tilespmem:s0+$0x7DA0] =	vst v4;
	s31 =	sadd.s32 $0x2800, s29;
	(pc) =	sbr.rel @p1 .LBB2_6-.Ltmp3, $4  }
0x17f: {  	[spmem:s3] =	stream.indirect.scatter.add.f32 [tilespmem:s24], [sflag:$0x2], $0x80, s31, s21, $0xb8;
	[tilespmem:$0x1F780] =	vst v63  }
0x180: {  	_ =	swait.ge [sflag:s19], $0x4000  }
0x181: {  	[sflag:s19] =	ssyncset.done $0x0  }
0x182: {  	[sflag:s19] =	ssyncadd.s32 $0xFFFFC000  }
0x183: {  	[bflag:$0x0] =	sbarrier.arrive $0xFFFF;
	s28 =	sshrl.u32 @p0 s15, $0x3;
	s0 =	simm.s32 @p0 $0x1FC2  }
0x184: {  	[hbm:s14], [sflag:s0] =	dma.local @p0 [spmem:s28], $0x1900  }
0x185: {  	s0 =	simm.s32 @p0 $0x2  }
0x186: {  	_ =	swait.ge @p0 [sflag:s0], $0x1900  }
0x187: {  	s20 =	sshll.u32 @!p0 s2, $0x6;
	s30 =	sshrl.u32 @!p0 s8, $0x3;
	[sflag:s0] =	ssyncset.done @p0 $0x0  }
0x188: {  	s29 =	sor.u32 @!p0 $0x1C02, s20;
	[sflag:s0] =	ssyncadd.s32 @p0 $0xFFFFE700;
	s0 =	simm.s32 @!p0 $0x2  }
0x189: {  	[hbm:s13], [sflag:s29] =	dma.local @!p0 [spmem:s30], $0x2800  }
0x18a: {  	_ =	swait.ge @!p0 [sflag:s0], $0x2800  }
0x18b: {  	[sflag:s0] =	ssyncset.done @!p0 $0x0  }
0x18c: {  	[sflag:s0] =	ssyncadd.s32 @!p0 $0xFFFFD800;
	s0 =	simm.s32 $0x0  }
0x18d: {  	v4 =	vld [tilespmem:s0+$0x0]  }
0x18e: {  	v6 =	vld [tilespmem:s0+$0x10]  }
0x18f: {  	v5 =	vld [tilespmem:s0+$0x20]  }
0x190: {  	v3 =	vld [tilespmem:s0+$0x30]  }
0x191: {  	v2 =	vld [tilespmem:s0+$0x40]  }
0x192: {  	v7 =	vadd.s32 $0x4E20, v4;
	v4 =	vld [tilespmem:s0+$0x50]  }
0x193: {  	s22 =	simm.s32 $0x200;
	s20 =	simm.s32 $0x0;
	[tilespmem:s0+$0x0] =	vst v7;
	v7 =	vadd.s32 $0x4E20, v6;
	v6 =	vld [tilespmem:s0+$0x60]  }
.LBB2_10:
0x194: {  	s31 =	sshra.s32 s22, $0x2;
	p1 =	sne.s32 s22, $0x9C00;
	[tilespmem:s20+$0x10] =	vst v7;
	v5 =	vadd.s32 $0x4E20, v5;
	v7 =	vld [tilespmem:s20+$0x70]  }
0x195: {  	v8 =	vld [tilespmem:s31+$0x0];
	[tilespmem:s20+$0x20] =	vst v5;
	v3 =	vadd.s32 $0x4E20, v3  }
0x196: {  	v9 =	vld [tilespmem:s31+$0x10];
	[tilespmem:s20+$0x30] =	vst v3;
	v2 =	vadd.s32 $0x4E20, v2  }
.Ltmp4:
0x197: {  	v5 =	vld [tilespmem:s31+$0x20];
	[tilespmem:s20+$0x40] =	vst v2;
	v2 =	vadd.s32 $0x4E20, v4;
	(pc) =	sbr.rel @p1 .LBB2_10-.Ltmp4, $4  }
0x198: {  	v3 =	vld [tilespmem:s31+$0x30];
	[tilespmem:s20+$0x50] =	vst v2;
	v4 =	vadd.s32 $0x4E20, v6  }
0x199: {  	v2 =	vld [tilespmem:s31+$0x40];
	[tilespmem:s20+$0x60] =	vst v4;
	v6 =	vadd.s32 $0x4E20, v7  }
0x19a: {  	v7 =	vadd.s32 $0x4E20, v8;
	v4 =	vld [tilespmem:s31+$0x50];
	[tilespmem:s20+$0x70] =	vst v6;
	s20 =	smov.u32 s31  }
0x19b: {  	s22 =	sadd.s32 $0x200, s22;
	[tilespmem:s20+$0x0] =	vst v7;
	v7 =	vadd.s32 $0x4E20, v9;
	v6 =	vld [tilespmem:s20+$0x60]  }
0x19c: {  	[tilespmem:s20+$0x10] =	vst v7;
	v5 =	vadd.s32 $0x4E20, v5;
	v63 =	vld [tilespmem:s20+$0x70]  }
0x19d: {  	[tilespmem:s20+$0x20] =	vst v5;
	v3 =	vadd.s32 $0x4E20, v3  }
0x19e: {  	[tilespmem:s20+$0x30] =	vst v3;
	v2 =	vadd.s32 $0x4E20, v2  }
0x19f: {  	[tilespmem:s20+$0x40] =	vst v2;
	v2 =	vadd.s32 $0x4E20, v4  }
0x1a0: {  	[tilespmem:s20+$0x50] =	vst v2;
	v2 =	vadd.s32 $0x4E20, v6  }
0x1a1: {  	[tilespmem:s20+$0x60] =	vst v2;
	v2 =	vadd.s32 $0x4E20, v63  }
0x1a2: {  	[tilespmem:s20+$0x70] =	vst v2;
	s20 =	simm.s32 $0x200  }
.LBB2_12:
0x1a3: {  	p1 =	sne.s32 s20, $0xFE00;
	[tilespmem:s0+$0x77F0] =	vst v1  }
0x1a4: {  	[tilespmem:s0+$0x7780] =	vst v1  }
0x1a5: {  	[tilespmem:s0+$0x7790] =	vst v1  }
.Ltmp5:
0x1a6: {  	[tilespmem:s0+$0x77A0] =	vst v1;
	(pc) =	sbr.rel @p1 .LBB2_12-.Ltmp5, $4  }
0x1a7: {  	[tilespmem:s0+$0x77B0] =	vst v1  }
0x1a8: {  	[tilespmem:s0+$0x77C0] =	vst v1  }
0x1a9: {  	[tilespmem:s0+$0x77D0] =	vst v1  }
0x1aa: {  	[tilespmem:s0+$0x77E0] =	vst v1;
	s0 =	sshra.s32 s20, $0x2;
	s20 =	sadd.s32 $0x200, s20  }
0x1ab: {  	[tilespmem:s0+$0x77F0] =	vst v1  }
0x1ac: {  	[tilespmem:s0+$0x7780] =	vst v1  }
0x1ad: {  	[tilespmem:s0+$0x7790] =	vst v1  }
0x1ae: {  	[tilespmem:s0+$0x77A0] =	vst v1  }
0x1af: {  	[tilespmem:s0+$0x77B0] =	vst v1  }
0x1b0: {  	[tilespmem:s0+$0x77C0] =	vst v1  }
0x1b1: {  	[tilespmem:s0+$0x77D0] =	vst v1  }
0x1b2: {  	[tilespmem:s0+$0x77E0] =	vst v1  }
0x1b3: {  	[spmem:s8] =	stream.linear.scatter [tilespmem:s24], [sflag:$0x2], $0x4000, $0x38;
	[tilespmem:$0x1F780] =	vst v63  }
0x1b4: {  	_ =	swait.ge [sflag:s19], $0x4000  }
0x1b5: {  	[sflag:s19] =	ssyncset.done $0x0  }
0x1b6: {  	[sflag:s19] =	ssyncadd.s32 $0xFFFFC000  }
0x1b7: {  	[spmem:s9] =	stream.linear.scatter [tilespmem:s24], [sflag:$0x2], $0x4000, $0x38;
	[tilespmem:$0x1F780] =	vst v63  }
0x1b8: {  	_ =	swait.ge [sflag:s19], $0x4000  }
0x1b9: {  	[sflag:s19] =	ssyncset.done $0x0  }
0x1ba: {  	[sflag:s19] =	ssyncadd.s32 $0xFFFFC000  }
0x1bb: {  	[spmem:s10] =	stream.linear.scatter [tilespmem:s24], [sflag:$0x2], $0x4000, $0x38;
	[tilespmem:$0x1F780] =	vst v63  }
0x1bc: {  	_ =	swait.ge [sflag:s19], $0x4000  }
0x1bd: {  	[sflag:s19] =	ssyncset.done $0x0  }
0x1be: {  	[sflag:s19] =	ssyncadd.s32 $0xFFFFC000  }
0x1bf: {  	[spmem:s11] =	stream.linear.scatter [tilespmem:s24], [sflag:$0x2], $0x4000, $0x38;
	[tilespmem:$0x1F780] =	vst v63  }
0x1c0: {  	_ =	swait.ge [sflag:s19], $0x4000  }
0x1c1: {  	[sflag:s19] =	ssyncset.done $0x0  }
0x1c2: {  	[sflag:s19] =	ssyncadd.s32 $0xFFFFC000  }
0x1c3: {  	[spmem:s12] =	stream.linear.scatter [tilespmem:s24], [sflag:$0x2], $0x4000, $0x38;
	[tilespmem:$0x1F780] =	vst v63  }
0x1c4: {  	_ =	swait.ge [sflag:s19], $0x4000  }
0x1c5: {  	[sflag:s19] =	ssyncset.done $0x0  }
0x1c6: {  	[sflag:s19] =	ssyncadd.s32 $0xFFFFC000  }
0x1c7: {  	s31 =	simm.s32 $0x0;
	[bflag:$0x0] =	sbarrier.arrive $0xFFFF  }
.LBB2_14:
0x1c8: {  	s0 =	sshll.u32 s31, $0x7  }
0x1c9: {  	s20 =	sadd.s32 $0x5000, s0  }
0x1ca: {  	v2 =	vmov s20  }
0x1cb: {  	[tilespmem:s24], [sflag:$0x1] =	stream.indirect.gather [hbm4b:s1+s21], $0x80, s0, s21, $0xb8;
	[tilespmem:$0x1F780] =	vst v63  }
0x1cc: {  	_ =	swait.ge [sflag:s25], $0x4000  }
0x1cd: {  	s23 =	simm.s32 $0x0;
	[sflag:s25] =	ssyncset.done $0x0  }
0x1ce: {  	s22 =	simm.s32 $0x0;
	s20 =	sand.u32 $0x3FFFFFF0, s23;
	[sflag:s25] =	ssyncadd.s32 $0xFFFFC000  }
0x1cf: {  	v3 =	vld.idx.msk [tilespmem:v2+s20+$0x0 ss:$0x1], $0xffff;
	s20 =	sand.u32 $0x3FFFF800, s22  }
0x1d0: {  	v9 =	vld [tilespmem:s20+$0x7840]  }
0x1d1: {  	v10 =	vld [tilespmem:s20+$0x7850]  }
0x1d2: {  	v11 =	vld [tilespmem:s20+$0x7830]  }
0x1d3: {  	v5 =	vld [tilespmem:s20+$0x77A0]  }
0x1d4: {  	v6 =	vld [tilespmem:s20+$0x77B0]  }
0x1d5: {  	v12 =	vld [tilespmem:s20+$0x77E0]  }
0x1d6: {  	v13 =	vld [tilespmem:s20+$0x77F0];
	v4 =	vbroadcast v3, $0x0  }
0x1d7: {  	v14 =	vld [tilespmem:s20+$0x7800]  }
0x1d8: {  	v15 =	vld [tilespmem:s20+$0x7810];
	v5 =	vmul.f32 v5, v4  }
0x1d9: {  	v16 =	vld [tilespmem:s20+$0x7820];
	v6 =	vmul.f32 v6, v4  }
0x1da: {  	v8 =	vld [tilespmem:s20+$0x7CF0];
	v27 =	vbroadcast v3, $0x1;
	v26 =	vmul.f32 v12, v4;
	[tilespmem:s20+$0x77A0] =	vst v5  }
0x1db: {  	v28 =	vld [tilespmem:s20+$0x7860];
	v13 =	vmul.f32 v13, v4;
	[tilespmem:s20+$0x77B0] =	vst v6  }
0x1dc: {  	v29 =	vld [tilespmem:s20+$0x7870];
	v14 =	vmul.f32 v14, v27;
	[tilespmem:s20+$0x77E0] =	vst v26  }
0x1dd: {  	v30 =	vld [tilespmem:s20+$0x7880];
	v15 =	vmul.f32 v15, v27;
	[tilespmem:s20+$0x77F0] =	vst v13  }
0x1de: {  	v31 =	vld [tilespmem:s20+$0x7890];
	v16 =	vmul.f32 v16, v27;
	[tilespmem:s20+$0x7800] =	vst v14  }
0x1df: {  	v32 =	vld [tilespmem:s20+$0x78A0];
	v11 =	vmul.f32 v11, v27;
	[tilespmem:s20+$0x7810] =	vst v15  }
0x1e0: {  	v33 =	vld [tilespmem:s20+$0x78B0];
	v9 =	vmul.f32 v9, v27;
	[tilespmem:s20+$0x7820] =	vst v16  }
0x1e1: {  	v34 =	vld [tilespmem:s20+$0x78C0];
	v17 =	vbroadcast v3, $0x2;
	v10 =	vmul.f32 v10, v27;
	[tilespmem:s20+$0x7830] =	vst v11  }
0x1e2: {  	v35 =	vld [tilespmem:s20+$0x78D0];
	v12 =	vmul.f32 v29, v27;
	[tilespmem:s20+$0x7840] =	vst v9  }
0x1e3: {  	v37 =	vld [tilespmem:s20+$0x78E0];
	v7 =	vbroadcast v3, $0xA;
	v36 =	vmul.f32 v30, v17;
	[tilespmem:s20+$0x7850] =	vst v10  }
0x1e4: {  	v39 =	vld [tilespmem:s20+$0x78F0];
	v38 =	vmul.f32 v31, v17;
	[tilespmem:s20+$0x7870] =	vst v12  }
0x1e5: {  	v40 =	vld [tilespmem:s20+$0x7900];
	v5 =	vmul.f32 v8, v7;
	[tilespmem:s20+$0x7880] =	vst v36  }
0x1e6: {  	v41 =	vld [tilespmem:s20+$0x7910];
	v13 =	vmul.f32 v28, v27;
	[tilespmem:s20+$0x7890] =	vst v38  }
0x1e7: {  	v42 =	vld [tilespmem:s20+$0x7920];
	v11 =	vmul.f32 v32, v17;
	[tilespmem:s20+$0x7CF0] =	vst v5  }
0x1e8: {  	v43 =	vld [tilespmem:s20+$0x7930];
	v9 =	vmul.f32 v33, v17;
	[tilespmem:s20+$0x7860] =	vst v13  }
0x1e9: {  	v44 =	vld [tilespmem:s20+$0x7940];
	v10 =	vmul.f32 v34, v17;
	[tilespmem:s20+$0x78A0] =	vst v11  }
0x1ea: {  	v46 =	vld [tilespmem:s20+$0x7950];
	v45 =	vbroadcast v3, $0x3;
	v12 =	vmul.f32 v37, v17;
	[tilespmem:s20+$0x78B0] =	vst v9  }
0x1eb: {  	v47 =	vld [tilespmem:s20+$0x7960];
	v14 =	vmul.f32 v39, v17;
	[tilespmem:s20+$0x78C0] =	vst v10  }
0x1ec: {  	v48 =	vld [tilespmem:s20+$0x7970];
	v15 =	vmul.f32 v40, v45;
	[tilespmem:s20+$0x78E0] =	vst v12  }
0x1ed: {  	v49 =	vld [tilespmem:s20+$0x7980];
	v13 =	vmul.f32 v35, v17;
	[tilespmem:s20+$0x78F0] =	vst v14  }
0x1ee: {  	v50 =	vld [tilespmem:s20+$0x7990];
	v11 =	vmul.f32 v41, v45;
	[tilespmem:s20+$0x7900] =	vst v15  }
0x1ef: {  	v51 =	vld [tilespmem:s20+$0x79A0];
	v9 =	vmul.f32 v42, v45;
	[tilespmem:s20+$0x78D0] =	vst v13  }
0x1f0: {  	v52 =	vld [tilespmem:s20+$0x79B0];
	v10 =	vmul.f32 v43, v45;
	[tilespmem:s20+$0x7910] =	vst v11  }
0x1f1: {  	v53 =	vld [tilespmem:s20+$0x79C0];
	v12 =	vmul.f32 v46, v45;
	[tilespmem:s20+$0x7920] =	vst v9  }
0x1f2: {  	v55 =	vld [tilespmem:s20+$0x79D0];
	v14 =	vmul.f32 v47, v45;
	[tilespmem:s20+$0x7930] =	vst v10  }
0x1f3: {  	v56 =	vld [tilespmem:s20+$0x79E0];
	v54 =	vbroadcast v3, $0x4;
	v15 =	vmul.f32 v48, v45;
	[tilespmem:s20+$0x7950] =	vst v12  }
0x1f4: {  	v57 =	vld [tilespmem:s20+$0x79F0];
	v13 =	vmul.f32 v44, v45;
	[tilespmem:s20+$0x7960] =	vst v14  }
0x1f5: {  	v58 =	vld [tilespmem:s20+$0x7A00];
	v11 =	vmul.f32 v49, v54;
	[tilespmem:s20+$0x7970] =	vst v15  }
0x1f6: {  	v59 =	vld [tilespmem:s20+$0x7A10];
	v9 =	vmul.f32 v50, v54;
	[tilespmem:s20+$0x7940] =	vst v13  }
0x1f7: {  	v60 =	vld [tilespmem:s20+$0x7A20];
	v10 =	vmul.f32 v51, v54;
	[tilespmem:s20+$0x7980] =	vst v11  }
0x1f8: {  	v61 =	vld [tilespmem:s20+$0x7A30];
	v12 =	vmul.f32 v53, v54;
	[tilespmem:s20+$0x7990] =	vst v9  }
0x1f9: {  	v62 =	vld [tilespmem:s20+$0x7A40];
	v14 =	vmul.f32 v55, v54;
	[tilespmem:s20+$0x79A0] =	vst v10  }
0x1fa: {  	v20 =	vld [tilespmem:s20+$0x7A50];
	v15 =	vmul.f32 v56, v54;
	[tilespmem:s20+$0x79C0] =	vst v12  }
0x1fb: {  	v21 =	vld [tilespmem:s20+$0x7A60];
	v63 =	vbroadcast v3, $0x5;
	v13 =	vmul.f32 v52, v54;
	[tilespmem:s20+$0x79D0] =	vst v14  }
0x1fc: {  	v22 =	vld [tilespmem:s20+$0x7A70];
	v11 =	vmul.f32 v57, v54;
	[tilespmem:s20+$0x79E0] =	vst v15  }
0x1fd: {  	v23 =	vld [tilespmem:s20+$0x7A80];
	v9 =	vmul.f32 v58, v63;
	[tilespmem:s20+$0x79B0] =	vst v13  }
0x1fe: {  	v24 =	vld [tilespmem:s20+$0x7A90];
	v10 =	vmul.f32 v59, v63;
	[tilespmem:s20+$0x79F0] =	vst v11  }
0x1ff: {  	v25 =	vld [tilespmem:s20+$0x7AA0];
	v12 =	vmul.f32 v61, v63;
	[tilespmem:s20+$0x7A00] =	vst v9  }
0x200: {  	v29 =	vld [tilespmem:s20+$0x7AD0];
	v14 =	vmul.f32 v62, v63;
	[tilespmem:s20+$0x7A10] =	vst v10  }
0x201: {  	v30 =	vld [tilespmem:s20+$0x7AE0];
	v15 =	vmul.f32 v20, v63;
	[tilespmem:s20+$0x7A30] =	vst v12  }
0x202: {  	v26 =	vld [tilespmem:s20+$0x7AB0];
	v13 =	vmul.f32 v60, v63;
	[tilespmem:s20+$0x7A40] =	vst v14  }
0x203: {  	v27 =	vld [tilespmem:s20+$0x7AC0];
	v28 =	vbroadcast v3, $0x6;
	v11 =	vmul.f32 v21, v63;
	[tilespmem:s20+$0x7A50] =	vst v15  }
0x204: {  	v31 =	vld [tilespmem:s20+$0x7AF0];
	v9 =	vmul.f32 v22, v63;
	[tilespmem:s20+$0x7A20] =	vst v13  }
0x205: {  	v6 =	vld [tilespmem:s20+$0x7D00];
	v10 =	vmul.f32 v23, v28;
	[tilespmem:s20+$0x7A60] =	vst v11  }
0x206: {  	v8 =	vld [tilespmem:s20+$0x7D10];
	v12 =	vmul.f32 v25, v28;
	[tilespmem:s20+$0x7A70] =	vst v9  }
0x207: {  	v32 =	vld [tilespmem:s20+$0x7B00];
	v14 =	vmul.f32 v26, v28;
	[tilespmem:s20+$0x7A80] =	vst v10  }
0x208: {  	v33 =	vld [tilespmem:s20+$0x7B10];
	v15 =	vmul.f32 v27, v28;
	[tilespmem:s20+$0x7AA0] =	vst v12  }
0x209: {  	v34 =	vld [tilespmem:s20+$0x7B20];
	v13 =	vmul.f32 v24, v28;
	[tilespmem:s20+$0x7AB0] =	vst v14  }
0x20a: {  	v35 =	vld [tilespmem:s20+$0x7B30];
	v11 =	vmul.f32 v29, v28;
	[tilespmem:s20+$0x7AC0] =	vst v15  }
0x20b: {  	v37 =	vbroadcast v3, $0x7;
	v59 =	vld [tilespmem:s20+$0x7C80];
	v9 =	vmul.f32 v30, v28;
	[tilespmem:s20+$0x7A90] =	vst v13  }
0x20c: {  	v20 =	vld [tilespmem:s20+$0x7CD0];
	v10 =	vmul.f32 v31, v28;
	[tilespmem:s20+$0x7AD0] =	vst v11  }
0x20d: {  	v36 =	vld [tilespmem:s20+$0x7B40];
	v12 =	vmul.f32 v33, v37;
	[tilespmem:s20+$0x7AE0] =	vst v9  }
0x20e: {  	v38 =	vld [tilespmem:s20+$0x7B50];
	v14 =	vmul.f32 v34, v37;
	[tilespmem:s20+$0x7AF0] =	vst v10  }
0x20f: {  	v39 =	vld [tilespmem:s20+$0x7B60];
	v15 =	vmul.f32 v35, v37;
	[tilespmem:s20+$0x7B10] =	vst v12  }
0x210: {  	v40 =	vld [tilespmem:s20+$0x7B70];
	v21 =	vmul.f32 v59, v7;
	[tilespmem:s20+$0x7B20] =	vst v14  }
0x211: {  	v41 =	vld [tilespmem:s20+$0x7B80];
	v28 =	vmul.f32 v20, v7;
	[tilespmem:s20+$0x7B30] =	vst v15  }
0x212: {  	v42 =	vld [tilespmem:s20+$0x7B90];
	v13 =	vmul.f32 v32, v37;
	[tilespmem:s20+$0x7C80] =	vst v21  }
0x213: {  	v43 =	vld [tilespmem:s20+$0x7BA0];
	v11 =	vmul.f32 v36, v37;
	[tilespmem:s20+$0x7CD0] =	vst v28  }
0x214: {  	v5 =	vld [tilespmem:s20+$0x7F50];
	v46 =	vbroadcast v3, $0x8;
	v9 =	vmul.f32 v38, v37;
	[tilespmem:s20+$0x7B00] =	vst v13  }
0x215: {  	v47 =	vld [tilespmem:s20+$0x7BD0];
	v10 =	vmul.f32 v39, v37;
	[tilespmem:s20+$0x7B40] =	vst v11  }
0x216: {  	v63 =	vld [tilespmem:s20+$0x7CC0];
	v12 =	vmul.f32 v41, v46;
	[tilespmem:s20+$0x7B50] =	vst v9  }
0x217: {  	v23 =	vld [tilespmem:s20+$0x7780];
	v31 =	vbroadcast v3, $0xB;
	v14 =	vmul.f32 v42, v46;
	[tilespmem:s20+$0x7B60] =	vst v10  }
0x218: {  	v48 =	vld [tilespmem:s20+$0x7BE0];
	v15 =	vmul.f32 v43, v46;
	[tilespmem:s20+$0x7B80] =	vst v12  }
0x219: {  	v44 =	vld [tilespmem:s20+$0x7BB0];
	v6 =	vmul.f32 v6, v31;
	[tilespmem:s20+$0x7B90] =	vst v14  }
0x21a: {  	v45 =	vld [tilespmem:s20+$0x7BC0];
	v8 =	vmul.f32 v8, v31;
	[tilespmem:s20+$0x7BA0] =	vst v15  }
0x21b: {  	v49 =	vld [tilespmem:s20+$0x7BF0];
	v26 =	vmul.f32 v63, v7;
	[tilespmem:s20+$0x7D00] =	vst v6  }
0x21c: {  	v50 =	vld [tilespmem:s20+$0x7C00];
	v32 =	vmul.f32 v4, v23;
	[tilespmem:s20+$0x7D10] =	vst v8  }
0x21d: {  	v51 =	vld [tilespmem:s20+$0x7C10];
	v13 =	vmul.f32 v40, v37;
	[tilespmem:s20+$0x7CC0] =	vst v26  }
0x21e: {  	v53 =	vld [tilespmem:s20+$0x7C30];
	v11 =	vmul.f32 v44, v46;
	[tilespmem:s20+$0x7780] =	vst v32  }
0x21f: {  	v33 =	vld [tilespmem:s20+$0x7D50];
	v9 =	vmul.f32 v45, v46;
	[tilespmem:s20+$0x7B70] =	vst v13  }
0x220: {  	v55 =	vbroadcast v3, $0x9;
	v34 =	vld [tilespmem:s20+$0x7D60];
	v10 =	vmul.f32 v47, v46;
	[tilespmem:s20+$0x7BB0] =	vst v11  }
0x221: {  	v35 =	vld [tilespmem:s20+$0x7D70];
	v12 =	vmul.f32 v49, v46;
	[tilespmem:s20+$0x7BC0] =	vst v9  }
0x222: {  	v52 =	vld [tilespmem:s20+$0x7C20];
	v14 =	vmul.f32 v50, v55;
	[tilespmem:s20+$0x7BD0] =	vst v10  }
0x223: {  	v54 =	vld [tilespmem:s20+$0x7C40];
	v15 =	vmul.f32 v51, v55;
	[tilespmem:s20+$0x7BF0] =	vst v12  }
0x224: {  	v57 =	vld [tilespmem:s20+$0x7C60];
	v38 =	vmul.f32 v33, v31;
	[tilespmem:s20+$0x7C00] =	vst v14  }
0x225: {  	v58 =	vld [tilespmem:s20+$0x7C70];
	v45 =	vmul.f32 v34, v31;
	[tilespmem:s20+$0x7C10] =	vst v15  }
0x226: {  	v61 =	vld [tilespmem:s20+$0x7CA0];
	v8 =	vmul.f32 v35, v31;
	[tilespmem:s20+$0x7D50] =	vst v38  }
0x227: {  	v62 =	vld [tilespmem:s20+$0x7CB0];
	v13 =	vmul.f32 v48, v46;
	[tilespmem:s20+$0x7D60] =	vst v45  }
0x228: {  	v36 =	vld [tilespmem:s20+$0x7D80];
	v11 =	vmul.f32 v52, v55;
	[tilespmem:s20+$0x7D70] =	vst v8  }
0x229: {  	v60 =	vld [tilespmem:s20+$0x7C90];
	v9 =	vmul.f32 v53, v55;
	[tilespmem:s20+$0x7BE0] =	vst v13  }
0x22a: {  	v22 =	vld [tilespmem:s20+$0x7CE0];
	v41 =	vbroadcast v3, $0xC;
	v10 =	vmul.f32 v54, v55;
	[tilespmem:s20+$0x7C20] =	vst v11  }
0x22b: {  	v56 =	vld [tilespmem:s20+$0x7C50];
	v6 =	vbroadcast v3, $0xF;
	v12 =	vmul.f32 v57, v55;
	[tilespmem:s20+$0x7C30] =	vst v9  }
0x22c: {  	v14 =	vmul.f32 v58, v55;
	[tilespmem:s20+$0x7C40] =	vst v10  }
0x22d: {  	v5 =	vmul.f32 v5, v6;
	v17 =	vmul.f32 v36, v41;
	[tilespmem:s20+$0x7C60] =	vst v12  }
0x22e: {  	[tilespmem:s20+$0x7C70] =	vst v14;
	v11 =	vmul.f32 v60, v7;
	v9 =	vmul.f32 v61, v7  }
0x22f: {  	v24 =	vld [tilespmem:s20+$0x7790];
	v10 =	vmul.f32 v62, v7;
	v7 =	vmul.f32 v22, v7;
	[tilespmem:s20+$0x7F50] =	vst v5  }
0x230: {  	v25 =	vld [tilespmem:s20+$0x77C0];
	v13 =	vmul.f32 v56, v55;
	[tilespmem:s20+$0x7D80] =	vst v17  }
0x231: {  	[tilespmem:s20+$0x7CE0] =	vst v7;
	v7 =	vld [tilespmem:s20+$0x7D40]  }
0x232: {  	v27 =	vld [tilespmem:s20+$0x77D0];
	[tilespmem:s20+$0x7C50] =	vst v13  }
0x233: {  	v43 =	vld [tilespmem:s20+$0x7DF0];
	[tilespmem:s20+$0x7C90] =	vst v11  }
0x234: {  	v50 =	vld [tilespmem:s20+$0x7E60];
	v14 =	vmul.f32 v24, v4;
	[tilespmem:s20+$0x7CA0] =	vst v9  }
0x235: {  	v29 =	vld [tilespmem:s20+$0x7D20];
	v5 =	vmul.f32 v25, v4;
	[tilespmem:s20+$0x7CB0] =	vst v10  }
0x236: {  	v30 =	vld [tilespmem:s20+$0x7D30];
	[tilespmem:s20+$0x7790] =	vst v14;
	v7 =	vmul.f32 v7, v31  }
0x237: {  	v37 =	vld [tilespmem:s20+$0x7D90];
	v49 =	vbroadcast v3, $0xD;
	v4 =	vmul.f32 v27, v4;
	[tilespmem:s20+$0x77C0] =	vst v5  }
0x238: {  	v17 =	vmul.f32 v43, v41;
	[tilespmem:s20+$0x7D40] =	vst v7;
	v7 =	vld [tilespmem:s20+$0x7DE0]  }
0x239: {  	v40 =	vld [tilespmem:s20+$0x7DC0];
	v55 =	vmul.f32 v50, v49;
	[tilespmem:s20+$0x77D0] =	vst v4  }
0x23a: {  	v46 =	vld [tilespmem:s20+$0x7E20];
	v9 =	vmul.f32 v29, v31;
	[tilespmem:s20+$0x7DF0] =	vst v17  }
0x23b: {  	v10 =	vmul.f32 v30, v31;
	v4 =	vld [tilespmem:s20+$0x7E10];
	[tilespmem:s20+$0x7E60] =	vst v55  }
0x23c: {  	v53 =	vld [tilespmem:s20+$0x7EA0];
	v11 =	vmul.f32 v37, v41;
	[tilespmem:s20+$0x7D20] =	vst v9  }
0x23d: {  	v54 =	vld [tilespmem:s20+$0x7EB0];
	[tilespmem:s20+$0x7D30] =	vst v10;
	v7 =	vmul.f32 v7, v41  }
0x23e: {  	v42 =	vld [tilespmem:s20+$0x7DD0];
	v14 =	vmul.f32 v40, v41;
	[tilespmem:s20+$0x7D90] =	vst v11  }
0x23f: {  	v3 =	vbroadcast v3, $0xE;
	v13 =	vmul.f32 v46, v49;
	[tilespmem:s20+$0x7DE0] =	vst v7;
	v7 =	vld [tilespmem:s20+$0x7E50]  }
0x240: {  	v44 =	vld [tilespmem:s20+$0x7E00];
	[tilespmem:s20+$0x7DC0] =	vst v14;
	v4 =	vmul.f32 v4, v49  }
0x241: {  	v47 =	vld [tilespmem:s20+$0x7E30];
	v12 =	vmul.f32 v53, v3;
	[tilespmem:s20+$0x7E20] =	vst v13  }
0x242: {  	v8 =	vmul.f32 v54, v3;
	[tilespmem:s20+$0x7E10] =	vst v4;
	v4 =	vld [tilespmem:s20+$0x7E80]  }
0x243: {  	v52 =	vld [tilespmem:s20+$0x7E90];
	v10 =	vmul.f32 v42, v41;
	[tilespmem:s20+$0x7EA0] =	vst v12  }
0x244: {  	v60 =	vld [tilespmem:s20+$0x7F20];
	[tilespmem:s20+$0x7EB0] =	vst v8;
	v7 =	vmul.f32 v7, v49  }
0x245: {  	v51 =	vld [tilespmem:s20+$0x7E70];
	v11 =	vmul.f32 v44, v49;
	[tilespmem:s20+$0x7DD0] =	vst v10  }
0x246: {  	v14 =	vmul.f32 v47, v49;
	[tilespmem:s20+$0x7E50] =	vst v7;
	v7 =	vld [tilespmem:s20+$0x7EC0]  }
0x247: {  	v48 =	vld [tilespmem:s20+$0x7E40];
	[tilespmem:s20+$0x7E00] =	vst v11;
	v4 =	vmul.f32 v4, v3  }
0x248: {  	v58 =	vld [tilespmem:s20+$0x7F00];
	v13 =	vmul.f32 v52, v3;
	[tilespmem:s20+$0x7E30] =	vst v14  }
0x249: {  	v8 =	vmul.f32 v60, v6;
	[tilespmem:s20+$0x7E80] =	vst v4;
	v4 =	vld [tilespmem:s20+$0x7EF0]  }
0x24a: {  	v57 =	vld [tilespmem:s20+$0x7EE0];
	v11 =	vmul.f32 v51, v49;
	[tilespmem:s20+$0x7E90] =	vst v13  }
0x24b: {  	v59 =	vld [tilespmem:s20+$0x7F10];
	[tilespmem:s20+$0x7F20] =	vst v8;
	v7 =	vmul.f32 v7, v3  }
0x24c: {  	v56 =	vld [tilespmem:s20+$0x7ED0];
	v10 =	vmul.f32 v48, v49;
	[tilespmem:s20+$0x7E70] =	vst v11  }
0x24d: {  	v13 =	vmul.f32 v58, v6;
	[tilespmem:s20+$0x7EC0] =	vst v7;
	v7 =	vld [tilespmem:s20+$0x7F30]  }
0x24e: {  	v39 =	vld [tilespmem:s20+$0x7DB0];
	[tilespmem:s20+$0x7E40] =	vst v10;
	v4 =	vmul.f32 v4, v3  }
0x24f: {  	v61 =	vld [tilespmem:s20+$0x7F40];
	v11 =	vmul.f32 v57, v3;
	[tilespmem:s20+$0x7F00] =	vst v13  }
0x250: {  	v63 =	vld [tilespmem:s20+$0x7F70];
	[tilespmem:s20+$0x7EF0] =	vst v4;
	v4 =	vmul.f32 v59, v6  }
0x251: {  	v62 =	vld [tilespmem:s20+$0x7F60];
	[tilespmem:s20+$0x7EE0] =	vst v11;
	v3 =	vmul.f32 v56, v3  }
0x252: {  	[tilespmem:s20+$0x7F10] =	vst v4;
	v4 =	vmul.f32 v7, v6  }
0x253: {  	v5 =	vld [tilespmem:s20+$0x7DA0];
	[tilespmem:s20+$0x7ED0] =	vst v3;
	v7 =	vmul.f32 v39, v41  }
0x254: {  	[tilespmem:s20+$0x7F30] =	vst v4;
	v4 =	vmul.f32 v61, v6  }
0x255: {  	[tilespmem:s20+$0x7DB0] =	vst v7;
	v7 =	vmul.f32 v63, v6  }
0x256: {  	v6 =	vmul.f32 v62, v6;
	[tilespmem:s20+$0x7F40] =	vst v4  }
0x257: {  	[tilespmem:s20+$0x7F70] =	vst v7  }
0x258: {  	s22 =	simm.s32 $0x1;
	v4 =	vmul.f32 v5, v41;
	[tilespmem:s20+$0x7F60] =	vst v6  }
.LBB2_15:
0x259: {  	s23 =	sshll.u32 s22, $0x4  }
0x25a: {  	p1 =	sne.s32 s22, $0x7;
	[tilespmem:s20+$0x7DA0] =	vst v4;
	s20 =	smov.u32 s22;
	s22 =	sadd.s32 $0x1, s22  }
0x25b: {  	s23 =	sand.u32 $0x3FFFFFF0, s23  }
0x25c: {  	v3 =	vld.idx.msk [tilespmem:v2+s23+$0x0 ss:$0x1], $0xffff  }
0x25d: {  	s20 =	sshll.u32 s20, $0xB  }
0x25e: {  	s20 =	sand.u32 $0x3FFFF800, s20  }
0x25f: {  	v10 =	vld [tilespmem:s20+$0x7840]  }
0x260: {  	v11 =	vld [tilespmem:s20+$0x7850]  }
0x261: {  	v12 =	vld [tilespmem:s20+$0x7830]  }
0x262: {  	v4 =	vbroadcast v3, $0x0;
	v9 =	vbroadcast v3, $0x4;
	v5 =	vld [tilespmem:s20+$0x77A0]  }
0x263: {  	v7 =	vld [tilespmem:s20+$0x77B0]  }
0x264: {  	v8 =	vld [tilespmem:s20+$0x7CF0]  }
0x265: {  	v13 =	vld [tilespmem:s20+$0x77E0]  }
0x266: {  	v14 =	vld [tilespmem:s20+$0x77F0]  }
0x267: {  	v6 =	vbroadcast v3, $0xA;
	v5 =	vmul.f32 v5, v4;
	v15 =	vld [tilespmem:s20+$0x7800]  }
0x268: {  	v7 =	vmul.f32 v7, v4;
	v16 =	vld [tilespmem:s20+$0x7810]  }
0x269: {  	[tilespmem:s20+$0x77A0] =	vst v5;
	v17 =	vld [tilespmem:s20+$0x7820];
	v5 =	vmul.f32 v8, v6  }
0x26a: {  	[tilespmem:s20+$0x77B0] =	vst v7;
	v8 =	vmul.f32 v13, v4;
	v13 =	vbroadcast v3, $0x1;
	v7 =	vld [tilespmem:s20+$0x7D00]  }
0x26b: {  	v14 =	vmul.f32 v14, v4;
	[tilespmem:s20+$0x7CF0] =	vst v5;
	v5 =	vld [tilespmem:s20+$0x7F50]  }
0x26c: {  	[tilespmem:s20+$0x77E0] =	vst v8;
	v15 =	vmul.f32 v15, v13;
	v8 =	vld [tilespmem:s20+$0x7D10]  }
0x26d: {  	[tilespmem:s20+$0x77F0] =	vst v14;
	v14 =	vmul.f32 v16, v13;
	v16 =	vld [tilespmem:s20+$0x7860]  }
0x26e: {  	[tilespmem:s20+$0x7800] =	vst v15;
	v15 =	vmul.f32 v17, v13;
	v17 =	vld [tilespmem:s20+$0x7870]  }
0x26f: {  	v12 =	vmul.f32 v12, v13;
	[tilespmem:s20+$0x7810] =	vst v14;
	v14 =	vld [tilespmem:s20+$0x7880]  }
0x270: {  	v10 =	vmul.f32 v10, v13;
	[tilespmem:s20+$0x7820] =	vst v15;
	v15 =	vld [tilespmem:s20+$0x7890]  }
0x271: {  	v11 =	vmul.f32 v11, v13;
	[tilespmem:s20+$0x7830] =	vst v12;
	v12 =	vld [tilespmem:s20+$0x78A0]  }
0x272: {  	[tilespmem:s20+$0x7840] =	vst v10;
	v10 =	vmul.f32 v16, v13;
	v16 =	vbroadcast v3, $0x2;
	v18 =	vld [tilespmem:s20+$0x78B0]  }
0x273: {  	[tilespmem:s20+$0x7850] =	vst v11;
	v11 =	vmul.f32 v17, v13;
	v13 =	vld [tilespmem:s20+$0x78C0]  }
0x274: {  	[tilespmem:s20+$0x7860] =	vst v10;
	v10 =	vmul.f32 v14, v16;
	v14 =	vld [tilespmem:s20+$0x78D0]  }
0x275: {  	[tilespmem:s20+$0x7870] =	vst v11;
	v11 =	vmul.f32 v15, v16;
	v15 =	vld [tilespmem:s20+$0x78E0]  }
0x276: {  	[tilespmem:s20+$0x7880] =	vst v10;
	v10 =	vmul.f32 v12, v16;
	v12 =	vld [tilespmem:s20+$0x78F0]  }
0x277: {  	[tilespmem:s20+$0x7890] =	vst v11;
	v11 =	vmul.f32 v18, v16;
	v17 =	vld [tilespmem:s20+$0x7900]  }
0x278: {  	[tilespmem:s20+$0x78A0] =	vst v10;
	v10 =	vmul.f32 v13, v16;
	v13 =	vld [tilespmem:s20+$0x7910]  }
0x279: {  	[tilespmem:s20+$0x78B0] =	vst v11;
	v11 =	vmul.f32 v14, v16;
	v14 =	vld [tilespmem:s20+$0x7920]  }
0x27a: {  	[tilespmem:s20+$0x78C0] =	vst v10;
	v10 =	vmul.f32 v15, v16;
	v15 =	vbroadcast v3, $0x3;
	v18 =	vld [tilespmem:s20+$0x7930]  }
0x27b: {  	[tilespmem:s20+$0x78D0] =	vst v11;
	v11 =	vmul.f32 v12, v16;
	v12 =	vld [tilespmem:s20+$0x7940]  }
0x27c: {  	[tilespmem:s20+$0x78E0] =	vst v10;
	v10 =	vmul.f32 v17, v15;
	v16 =	vld [tilespmem:s20+$0x7950]  }
0x27d: {  	[tilespmem:s20+$0x78F0] =	vst v11;
	v11 =	vmul.f32 v13, v15;
	v13 =	vld [tilespmem:s20+$0x7960]  }
0x27e: {  	[tilespmem:s20+$0x7900] =	vst v10;
	v10 =	vmul.f32 v14, v15;
	v14 =	vld [tilespmem:s20+$0x7970]  }
0x27f: {  	[tilespmem:s20+$0x7910] =	vst v11;
	v11 =	vmul.f32 v18, v15;
	v17 =	vld [tilespmem:s20+$0x7980]  }
0x280: {  	[tilespmem:s20+$0x7920] =	vst v10;
	v10 =	vmul.f32 v12, v15;
	v12 =	vld [tilespmem:s20+$0x7990]  }
0x281: {  	[tilespmem:s20+$0x7930] =	vst v11;
	v11 =	vmul.f32 v16, v15;
	v16 =	vld [tilespmem:s20+$0x79A0]  }
0x282: {  	[tilespmem:s20+$0x7940] =	vst v10;
	v10 =	vmul.f32 v13, v15;
	v13 =	vld [tilespmem:s20+$0x79B0]  }
0x283: {  	[tilespmem:s20+$0x7950] =	vst v11;
	v11 =	vmul.f32 v14, v15;
	v14 =	vld [tilespmem:s20+$0x79C0]  }
0x284: {  	[tilespmem:s20+$0x7960] =	vst v10;
	v10 =	vmul.f32 v17, v9;
	v15 =	vld [tilespmem:s20+$0x79D0]  }
0x285: {  	[tilespmem:s20+$0x7970] =	vst v11;
	v11 =	vmul.f32 v12, v9;
	v12 =	vld [tilespmem:s20+$0x79E0]  }
0x286: {  	[tilespmem:s20+$0x7980] =	vst v10;
	v10 =	vmul.f32 v16, v9;
	v16 =	vld [tilespmem:s20+$0x79F0]  }
0x287: {  	[tilespmem:s20+$0x7990] =	vst v11;
	v11 =	vmul.f32 v13, v9;
	v13 =	vld [tilespmem:s20+$0x7A00]  }
0x288: {  	[tilespmem:s20+$0x79A0] =	vst v10;
	v10 =	vmul.f32 v14, v9;
	v14 =	vld [tilespmem:s20+$0x7A10]  }
0x289: {  	[tilespmem:s20+$0x79B0] =	vst v11;
	v11 =	vmul.f32 v15, v9;
	v15 =	vld [tilespmem:s20+$0x7A20]  }
0x28a: {  	[tilespmem:s20+$0x79C0] =	vst v10;
	v10 =	vmul.f32 v12, v9;
	v12 =	vbroadcast v3, $0x5;
	v17 =	vld [tilespmem:s20+$0x7A30]  }
0x28b: {  	[tilespmem:s20+$0x79D0] =	vst v11;
	v9 =	vmul.f32 v16, v9;
	v11 =	vld [tilespmem:s20+$0x7A40]  }
0x28c: {  	[tilespmem:s20+$0x79E0] =	vst v10;
	v10 =	vmul.f32 v13, v12;
	v13 =	vld [tilespmem:s20+$0x7A50]  }
0x28d: {  	[tilespmem:s20+$0x79F0] =	vst v9;
	v9 =	vmul.f32 v14, v12;
	v14 =	vld [tilespmem:s20+$0x7A60]  }
0x28e: {  	[tilespmem:s20+$0x7A00] =	vst v10;
	v10 =	vmul.f32 v15, v12;
	v15 =	vld [tilespmem:s20+$0x7A70]  }
0x28f: {  	[tilespmem:s20+$0x7A10] =	vst v9;
	v9 =	vmul.f32 v17, v12;
	v16 =	vld [tilespmem:s20+$0x7A80]  }
0x290: {  	[tilespmem:s20+$0x7A20] =	vst v10;
	v10 =	vmul.f32 v11, v12;
	v11 =	vld [tilespmem:s20+$0x7A90]  }
0x291: {  	[tilespmem:s20+$0x7A30] =	vst v9;
	v9 =	vmul.f32 v13, v12;
	v13 =	vld [tilespmem:s20+$0x7AA0]  }
0x292: {  	[tilespmem:s20+$0x7A40] =	vst v10;
	v10 =	vmul.f32 v14, v12;
	v14 =	vbroadcast v3, $0x6;
	v17 =	vld [tilespmem:s20+$0x7AB0]  }
0x293: {  	[tilespmem:s20+$0x7A50] =	vst v9;
	v9 =	vmul.f32 v15, v12;
	v12 =	vld [tilespmem:s20+$0x7AC0]  }
0x294: {  	[tilespmem:s20+$0x7A60] =	vst v10;
	v10 =	vmul.f32 v16, v14;
	v15 =	vld [tilespmem:s20+$0x7AD0]  }
0x295: {  	[tilespmem:s20+$0x7A70] =	vst v9;
	v9 =	vmul.f32 v11, v14;
	v11 =	vld [tilespmem:s20+$0x7AE0]  }
0x296: {  	[tilespmem:s20+$0x7A80] =	vst v10;
	v10 =	vmul.f32 v13, v14;
	v13 =	vld [tilespmem:s20+$0x7AF0]  }
0x297: {  	[tilespmem:s20+$0x7A90] =	vst v9;
	v9 =	vmul.f32 v17, v14;
	v16 =	vld [tilespmem:s20+$0x7B00]  }
0x298: {  	[tilespmem:s20+$0x7AA0] =	vst v10;
	v10 =	vmul.f32 v12, v14;
	v12 =	vld [tilespmem:s20+$0x7B10]  }
0x299: {  	[tilespmem:s20+$0x7AB0] =	vst v9;
	v9 =	vmul.f32 v15, v14;
	v15 =	vld [tilespmem:s20+$0x7B20]  }
0x29a: {  	[tilespmem:s20+$0x7AC0] =	vst v10;
	v10 =	vmul.f32 v11, v14;
	v11 =	vbroadcast v3, $0x7;
	v17 =	vld [tilespmem:s20+$0x7B30]  }
0x29b: {  	[tilespmem:s20+$0x7AD0] =	vst v9;
	v9 =	vmul.f32 v13, v14;
	v13 =	vld [tilespmem:s20+$0x7B40]  }
0x29c: {  	[tilespmem:s20+$0x7AE0] =	vst v10;
	v10 =	vmul.f32 v16, v11;
	v14 =	vld [tilespmem:s20+$0x7B50]  }
0x29d: {  	[tilespmem:s20+$0x7AF0] =	vst v9;
	v9 =	vmul.f32 v12, v11;
	v12 =	vld [tilespmem:s20+$0x7B60]  }
0x29e: {  	[tilespmem:s20+$0x7B00] =	vst v10;
	v10 =	vmul.f32 v15, v11;
	v15 =	vld [tilespmem:s20+$0x7B70]  }
0x29f: {  	[tilespmem:s20+$0x7B10] =	vst v9;
	v9 =	vmul.f32 v17, v11;
	v16 =	vld [tilespmem:s20+$0x7B80]  }
0x2a0: {  	[tilespmem:s20+$0x7B20] =	vst v10;
	v10 =	vmul.f32 v13, v11;
	v13 =	vld [tilespmem:s20+$0x7B90]  }
0x2a1: {  	[tilespmem:s20+$0x7B30] =	vst v9;
	v9 =	vmul.f32 v14, v11;
	v14 =	vld [tilespmem:s20+$0x7BA0]  }
0x2a2: {  	[tilespmem:s20+$0x7B40] =	vst v10;
	v10 =	vmul.f32 v12, v11;
	v12 =	vbroadcast v3, $0x8;
	v17 =	vld [tilespmem:s20+$0x7BB0]  }
0x2a3: {  	[tilespmem:s20+$0x7B50] =	vst v9;
	v9 =	vmul.f32 v15, v11;
	v11 =	vld [tilespmem:s20+$0x7BC0]  }
0x2a4: {  	[tilespmem:s20+$0x7B60] =	vst v10;
	v10 =	vmul.f32 v16, v12;
	v15 =	vld [tilespmem:s20+$0x7BD0]  }
0x2a5: {  	[tilespmem:s20+$0x7B70] =	vst v9;
	v9 =	vmul.f32 v13, v12;
	v13 =	vld [tilespmem:s20+$0x7BE0]  }
0x2a6: {  	[tilespmem:s20+$0x7B80] =	vst v10;
	v10 =	vmul.f32 v14, v12;
	v14 =	vld [tilespmem:s20+$0x7BF0]  }
0x2a7: {  	[tilespmem:s20+$0x7B90] =	vst v9;
	v9 =	vmul.f32 v17, v12;
	v16 =	vld [tilespmem:s20+$0x7C00]  }
0x2a8: {  	[tilespmem:s20+$0x7BA0] =	vst v10;
	v10 =	vmul.f32 v11, v12;
	v11 =	vld [tilespmem:s20+$0x7C10]  }
0x2a9: {  	[tilespmem:s20+$0x7BB0] =	vst v9;
	v9 =	vmul.f32 v15, v12;
	v15 =	vld [tilespmem:s20+$0x7C20]  }
0x2aa: {  	[tilespmem:s20+$0x7BC0] =	vst v10;
	v10 =	vmul.f32 v13, v12;
	v13 =	vbroadcast v3, $0x9;
	v17 =	vld [tilespmem:s20+$0x7C30]  }
0x2ab: {  	[tilespmem:s20+$0x7BD0] =	vst v9;
	v9 =	vmul.f32 v14, v12;
	v12 =	vld [tilespmem:s20+$0x7C40]  }
0x2ac: {  	[tilespmem:s20+$0x7BE0] =	vst v10;
	v10 =	vmul.f32 v16, v13;
	v14 =	vld [tilespmem:s20+$0x7C50]  }
0x2ad: {  	[tilespmem:s20+$0x7BF0] =	vst v9;
	v9 =	vmul.f32 v11, v13;
	v11 =	vld [tilespmem:s20+$0x7C60]  }
0x2ae: {  	[tilespmem:s20+$0x7C00] =	vst v10;
	v10 =	vmul.f32 v15, v13;
	v15 =	vld [tilespmem:s20+$0x7C70]  }
0x2af: {  	[tilespmem:s20+$0x7C10] =	vst v9;
	v9 =	vmul.f32 v17, v13;
	v16 =	vld [tilespmem:s20+$0x7C80]  }
0x2b0: {  	[tilespmem:s20+$0x7C20] =	vst v10;
	v10 =	vmul.f32 v12, v13;
	v12 =	vld [tilespmem:s20+$0x7C90]  }
0x2b1: {  	[tilespmem:s20+$0x7C30] =	vst v9;
	v9 =	vmul.f32 v14, v13;
	v14 =	vld [tilespmem:s20+$0x7CA0]  }
0x2b2: {  	[tilespmem:s20+$0x7C40] =	vst v10;
	v10 =	vmul.f32 v11, v13;
	v11 =	vld [tilespmem:s20+$0x7CB0]  }
0x2b3: {  	[tilespmem:s20+$0x7C50] =	vst v9;
	v9 =	vmul.f32 v15, v13;
	v13 =	vld [tilespmem:s20+$0x7CC0]  }
0x2b4: {  	[tilespmem:s20+$0x7C60] =	vst v10;
	v10 =	vmul.f32 v16, v6;
	v15 =	vld [tilespmem:s20+$0x7CD0]  }
0x2b5: {  	[tilespmem:s20+$0x7C70] =	vst v9;
	v9 =	vmul.f32 v12, v6;
	v12 =	vld [tilespmem:s20+$0x7CE0]  }
0x2b6: {  	v16 =	vld [tilespmem:s20+$0x7780];
	[tilespmem:s20+$0x7C80] =	vst v10;
	v10 =	vmul.f32 v14, v6  }
0x2b7: {  	v14 =	vld [tilespmem:s20+$0x7790];
	[tilespmem:s20+$0x7C90] =	vst v9;
	v9 =	vmul.f32 v11, v6  }
0x2b8: {  	v11 =	vld [tilespmem:s20+$0x77C0];
	[tilespmem:s20+$0x7CA0] =	vst v10;
	v10 =	vmul.f32 v13, v6  }
0x2b9: {  	v13 =	vld [tilespmem:s20+$0x77D0];
	[tilespmem:s20+$0x7CB0] =	vst v9;
	v9 =	vmul.f32 v15, v6  }
0x2ba: {  	[tilespmem:s20+$0x7CC0] =	vst v10;
	v10 =	vmul.f32 v12, v6;
	v12 =	vbroadcast v3, $0xB;
	v15 =	vld [tilespmem:s20+$0x7D20]  }
0x2bb: {  	v6 =	vbroadcast v3, $0xF;
	v16 =	vmul.f32 v4, v16;
	[tilespmem:s20+$0x7CD0] =	vst v9;
	v9 =	vld [tilespmem:s20+$0x7D30]  }
0x2bc: {  	v14 =	vmul.f32 v14, v4;
	[tilespmem:s20+$0x7CE0] =	vst v10;
	v7 =	vmul.f32 v7, v12;
	v10 =	vld [tilespmem:s20+$0x7D40]  }
0x2bd: {  	v8 =	vmul.f32 v8, v12;
	[tilespmem:s20+$0x7780] =	vst v16;
	v11 =	vmul.f32 v11, v4;
	v16 =	vld [tilespmem:s20+$0x7D50]  }
0x2be: {  	v5 =	vmul.f32 v5, v6;
	v13 =	vmul.f32 v13, v4;
	[tilespmem:s20+$0x7D00] =	vst v7;
	v4 =	vld [tilespmem:s20+$0x7D60]  }
0x2bf: {  	[tilespmem:s20+$0x7D10] =	vst v8;
	v7 =	vmul.f32 v15, v12;
	v8 =	vld [tilespmem:s20+$0x7D70]  }
0x2c0: {  	v9 =	vmul.f32 v9, v12;
	v15 =	vld [tilespmem:s20+$0x7D80];
	[tilespmem:s20+$0x7F50] =	vst v5  }
0x2c1: {  	[tilespmem:s20+$0x7790] =	vst v14;
	v5 =	vmul.f32 v10, v12;
	v10 =	vld [tilespmem:s20+$0x7D90]  }
0x2c2: {  	[tilespmem:s20+$0x77C0] =	vst v11;
	v11 =	vmul.f32 v16, v12;
	v14 =	vld [tilespmem:s20+$0x7DA0]  }
0x2c3: {  	v16 =	vbroadcast v3, $0xC;
	[tilespmem:s20+$0x7D20] =	vst v7;
	v7 =	vmul.f32 v4, v12;
	v17 =	vld [tilespmem:s20+$0x7DB0]  }
0x2c4: {  	[tilespmem:s20+$0x7D50] =	vst v11;
	v8 =	vmul.f32 v8, v12;
	v11 =	vld [tilespmem:s20+$0x7DC0]  }
0x2c5: {  	[tilespmem:s20+$0x7D30] =	vst v9;
	v4 =	vmul.f32 v15, v16;
	v9 =	vld [tilespmem:s20+$0x7DD0]  }
0x2c6: {  	[tilespmem:s20+$0x7D40] =	vst v5;
	v5 =	vmul.f32 v10, v16;
	v10 =	vld [tilespmem:s20+$0x7DE0]  }
0x2c7: {  	[tilespmem:s20+$0x7D80] =	vst v4;
	v4 =	vmul.f32 v14, v16;
	v12 =	vld [tilespmem:s20+$0x7DF0]  }
0x2c8: {  	[tilespmem:s20+$0x7D90] =	vst v5;
	v5 =	vld [tilespmem:s20+$0x7E00]  }
0x2c9: {  	[tilespmem:s20+$0x77D0] =	vst v13;
	v11 =	vmul.f32 v11, v16;
	v13 =	vld [tilespmem:s20+$0x7E10]  }
0x2ca: {  	[tilespmem:s20+$0x7D60] =	vst v7;
	v7 =	vmul.f32 v9, v16;
	v9 =	vld [tilespmem:s20+$0x7E20]  }
0x2cb: {  	[tilespmem:s20+$0x7DC0] =	vst v11;
	v10 =	vmul.f32 v10, v16;
	v11 =	vbroadcast v3, $0xD;
	v14 =	vld [tilespmem:s20+$0x7E30]  }
0x2cc: {  	[tilespmem:s20+$0x7DD0] =	vst v7;
	v7 =	vmul.f32 v12, v16;
	v12 =	vld [tilespmem:s20+$0x7E40]  }
0x2cd: {  	[tilespmem:s20+$0x7DE0] =	vst v10;
	v5 =	vmul.f32 v5, v11;
	v10 =	vld [tilespmem:s20+$0x7E50]  }
0x2ce: {  	[tilespmem:s20+$0x7DF0] =	vst v7;
	v7 =	vmul.f32 v13, v11;
	v13 =	vld [tilespmem:s20+$0x7E60]  }
0x2cf: {  	[tilespmem:s20+$0x7E00] =	vst v5;
	v5 =	vmul.f32 v9, v11;
	v9 =	vld [tilespmem:s20+$0x7E70]  }
0x2d0: {  	[tilespmem:s20+$0x7E10] =	vst v7;
	v7 =	vmul.f32 v14, v11;
	v14 =	vld [tilespmem:s20+$0x7E80]  }
0x2d1: {  	[tilespmem:s20+$0x7E20] =	vst v5;
	v5 =	vmul.f32 v12, v11;
	v12 =	vld [tilespmem:s20+$0x7E90]  }
0x2d2: {  	[tilespmem:s20+$0x7E30] =	vst v7;
	v7 =	vmul.f32 v10, v11;
	v10 =	vld [tilespmem:s20+$0x7EA0]  }
0x2d3: {  	v3 =	vbroadcast v3, $0xE;
	[tilespmem:s20+$0x7D70] =	vst v8;
	v8 =	vmul.f32 v13, v11;
	v13 =	vld [tilespmem:s20+$0x7EB0]  }
0x2d4: {  	[tilespmem:s20+$0x7E50] =	vst v7;
	v7 =	vmul.f32 v9, v11;
	v9 =	vld [tilespmem:s20+$0x7EC0]  }
0x2d5: {  	[tilespmem:s20+$0x7E60] =	vst v8;
	v8 =	vmul.f32 v14, v3;
	v11 =	vld [tilespmem:s20+$0x7ED0]  }
0x2d6: {  	[tilespmem:s20+$0x7E70] =	vst v7;
	v7 =	vmul.f32 v12, v3;
	v12 =	vld [tilespmem:s20+$0x7EE0]  }
0x2d7: {  	[tilespmem:s20+$0x7E80] =	vst v8;
	v8 =	vmul.f32 v10, v3;
	v10 =	vld [tilespmem:s20+$0x7EF0]  }
0x2d8: {  	[tilespmem:s20+$0x7E90] =	vst v7;
	v7 =	vmul.f32 v13, v3;
	v13 =	vld [tilespmem:s20+$0x7F00]  }
0x2d9: {  	[tilespmem:s20+$0x7EA0] =	vst v8;
	v8 =	vmul.f32 v9, v3;
	v9 =	vld [tilespmem:s20+$0x7F10]  }
0x2da: {  	[tilespmem:s20+$0x7EB0] =	vst v7;
	v7 =	vmul.f32 v11, v3;
	v11 =	vld [tilespmem:s20+$0x7F20]  }
0x2db: {  	[tilespmem:s20+$0x7EC0] =	vst v8;
	v8 =	vmul.f32 v12, v3;
	v12 =	vld [tilespmem:s20+$0x7F30]  }
0x2dc: {  	[tilespmem:s20+$0x7E40] =	vst v5;
	v3 =	vmul.f32 v10, v3;
	v5 =	vld [tilespmem:s20+$0x7F40]  }
0x2dd: {  	[tilespmem:s20+$0x7EE0] =	vst v8;
	v8 =	vmul.f32 v13, v6;
	v10 =	vld [tilespmem:s20+$0x7F60]  }
0x2de: {  	[tilespmem:s20+$0x7EF0] =	vst v3;
	v3 =	vmul.f32 v9, v6;
	v9 =	vld [tilespmem:s20+$0x7F70]  }
0x2df: {  	[tilespmem:s20+$0x7F00] =	vst v8;
	v8 =	vmul.f32 v11, v6  }
0x2e0: {  	[tilespmem:s20+$0x7F10] =	vst v3;
	v3 =	vmul.f32 v12, v6  }
0x2e1: {  	v11 =	vmul.f32 v17, v16;
	[tilespmem:s20+$0x7F20] =	vst v8  }
0x2e2: {  	[tilespmem:s20+$0x7F30] =	vst v3;
	v3 =	vmul.f32 v5, v6  }
.Ltmp6:
0x2e3: {  	[tilespmem:s20+$0x7DB0] =	vst v11;
	v5 =	vmul.f32 v9, v6;
	(pc) =	sbr.rel @p1 .LBB2_15-.Ltmp6, $4  }
0x2e4: {  	[tilespmem:s20+$0x7F40] =	vst v3  }
0x2e5: {  	v3 =	vmul.f32 v10, v6;
	[tilespmem:s20+$0x7F70] =	vst v5  }
0x2e6: {  	[tilespmem:s20+$0x7ED0] =	vst v7  }
0x2e7: {  	[tilespmem:s20+$0x7F60] =	vst v3  }
0x2e8: {  	s31 =	sadd.s32 $0x1, s31  }
0x2e9: {  	p1 =	sne.s32 s31, $0x4F  }
.Ltmp7:
0x2ea: {  	[tilespmem:s20+$0x7DA0] =	vst v4;
	s0 =	sadd.s32 $0x2800, s0;
	(pc) =	sbr.rel @p1 .LBB2_14-.Ltmp7, $4  }
0x2eb: {  	[spmem:s3] =	stream.indirect.scatter.add.f32 [tilespmem:s24], [sflag:$0x2], $0x80, s0, s21, $0xb8;
	[tilespmem:$0x1F780] =	vst v63  }
0x2ec: {  	_ =	swait.ge [sflag:s19], $0x4000  }
0x2ed: {  	[sflag:s19] =	ssyncset.done $0x0  }
0x2ee: {  	[sflag:s19] =	ssyncadd.s32 $0xFFFFC000  }
0x2ef: {  	[bflag:$0x0] =	sbarrier.arrive $0xFFFF;
	s0 =	simm.s32 @p0 $0x1FC2  }
0x2f0: {  	[hbm:s17], [sflag:s0] =	dma.local @p0 [spmem:s28], $0x1900  }
0x2f1: {  	s0 =	simm.s32 @p0 $0x2  }
0x2f2: {  	s26 =	sadd.s32 $0x1, s26;
	_ =	swait.ge @p0 [sflag:s0], $0x1900  }
0x2f3: {  	p1 =	sne.s32 s26, s18;
	[sflag:s0] =	ssyncset.done @p0 $0x0  }
.Ltmp8:
0x2f4: {  	[sflag:s0] =	ssyncadd.s32 @p0 $0xFFFFE700;
	s0 =	simm.s32 @!p0 $0x2;
	(pc) =	sbr.rel @p1 .LBB2_1-.Ltmp8, $4  }
0x2f5: {  	[hbm:s16], [sflag:s29] =	dma.local @!p0 [spmem:s30], $0x2800  }
0x2f6: {  	_ =	swait.ge @!p0 [sflag:s0], $0x2800  }
0x2f7: {  	[sflag:s0] =	ssyncset.done @!p0 $0x0  }
0x2f8: {  	[sflag:s0] =	ssyncadd.s32 @!p0 $0xFFFFD800  }
0x2f9: {  	_ =	sfence.sel $0x180000  }
0x2fa: {  	[bflag:$0x0] =	sbarrier.arrive $0xFFFF  }
0x2fb: {  	_ =	strace $0x90000047  }
0x2fc: {  	[bflag:$0x2] =	sbarrier.arrive $0xFFFF  }
0x2fd: {  	p0 =	sne.s32 s2, $0x0;
	s0 =	rddreg [dreg:$0x5]  }
0x2fe: {  	s0 =	sadd.s32 @!p0 $0x100000, s0  }
0x2ff: {  	[sflag:s0] =	ssyncadd.tile.s32 @!p0 $0x1;
	_ =	shalt  }
.Lfunc_end2:
_tile_overlayer_lowered:
.L_overlay_start_2:
0x300: {  	(tag) =	ssettag $0x2  }
0x301: {  	s0 =	rddreg [dreg:$0x0];
	s2 =	stileid.u32  }
0x302: {  	s1 =	rddreg [dreg:$0x1];
	p0 =	sne.s32 s2, $0x0  }
0x303: {  	s3 =	rddreg [dreg:$0x2];
	[bflag:$0x3] =	sbarrier.arrive $0xFFFF;
	s2 =	simm.s32 @!p0 $0x1C02  }
0x304: {  	[timem:s3], [sflag:s2] =	dma.local @!p0 [hbm:s0], s1  }
0x305: {  	s0 =	simm.s32 @!p0 $0x2  }
0x306: {  	_ =	swait.ge @!p0 [sflag:s0], s1  }
0x307: {  	s1 =	ssub.s32 @!p0 $0x0, s1;
	[sflag:s0] =	ssyncset.done @!p0 $0x0  }
0x308: {  	[sflag:s0] =	ssyncadd.s32 @!p0 s1  }
0x309: {  	[bflag:$0x3] =	sbarrier.arrive $0xFFFF  }
0x30a: {  	_ =	shalt  }

</sc_bundles>
